<compile_context>
chip_gen: v7x
topology: tpu7x:2x2x1
jax: 0.10.2.dev20260603
libtpu: 0.0.44.dev20260713+nightly
codegen_flags: <defaults>
</compile_context>

<pallas_src>
import functools

import jax
import jax.numpy as jnp
from jax import lax
from jax.experimental import pallas as pl
from jax.experimental.pallas import tpu as pltpu
from jax.experimental.pallas import tpu_sc as plsc

N_NODES = 10000
D = 128
E = 320000

NC = 2
NS = 16
NW = NC * NS
BATCH = 128
NBATCH = 80
CH = 8
E_PAD = NW * NBATCH * BATCH
NPAD = 10112
ROWS_PER_TILE = NPAD // NS
_CHUNKS = [(0, 128), (128, 128), (256, 128), (384, 128), (512, 120)]


def _sc_feat_body(table, src_i, dst_i, zrows,
                  acc_out,
                  idx_s, idx_d, rows0, rows1, sem0, sem1, acc):
    cid = lax.axis_index("c")
    sid = lax.axis_index("s")
    wid = cid * NS + sid
    base = sid * ROWS_PER_TILE
    bufs = (rows0, rows1)
    sems = (sem0, sem1)
    pltpu.sync_copy(zrows, rows0)
    for k, sz in _CHUNKS:
        pltpu.sync_copy(rows0.at[pl.ds(0, sz)], acc.at[pl.ds(base + k, sz)])
    plsc.subcore_barrier()

    def chunk(c, carry):
        pltpu.sync_copy(src_i.at[wid, pl.ds(c * CH, CH)], idx_s)
        pltpu.sync_copy(dst_i.at[wid, pl.ds(c * CH, CH)], idx_d)
        descs = [None, None]
        descs[0] = pltpu.async_copy(table.at[idx_s.at[0]], bufs[0], sems[0])
        for j in range(CH):
            if j + 1 < CH:
                b = (j + 1) % 2
                descs[b] = pltpu.async_copy(table.at[idx_s.at[j + 1]],
                                            bufs[b], sems[b])
            descs[j % 2].wait()
            pltpu.sync_copy(bufs[j % 2], acc.at[idx_d.at[j]], add=True)
        return carry

    lax.fori_loop(0, NBATCH // CH, chunk, 0)
    plsc.subcore_barrier()
    for k, sz in _CHUNKS:
        pltpu.sync_copy(acc.at[pl.ds(base + k, sz)], rows0.at[pl.ds(0, sz)])
        pltpu.sync_copy(rows0.at[pl.ds(0, sz)],
                        acc_out.at[cid, pl.ds(base + k, sz)])


def _sc_deg_body(dst_i, ones_h,
                 deg_out,
                 idx_d, rows, acc, sem):
    del sem
    cid = lax.axis_index("c")
    sid = lax.axis_index("s")
    wid = cid * NS + sid
    base = sid * ROWS_PER_TILE
    pltpu.sync_copy(ones_h.at[1], rows)
    for k, sz in _CHUNKS:
        pltpu.sync_copy(rows.at[pl.ds(0, sz)], acc.at[pl.ds(base + k, sz)])
    pltpu.sync_copy(ones_h.at[0], rows)
    plsc.subcore_barrier()

    def chunk(c, carry):
        pltpu.sync_copy(dst_i.at[wid, pl.ds(c * CH, CH)], idx_d)

        def step(j, carry2):
            pltpu.sync_copy(rows, acc.at[idx_d.at[j]], add=True)
            return carry2

        return lax.fori_loop(0, CH, step, carry)

    lax.fori_loop(0, NBATCH // CH, chunk, 0)
    plsc.subcore_barrier()
    for k, sz in _CHUNKS:
        pltpu.sync_copy(acc.at[pl.ds(base + k, sz)], rows.at[pl.ds(0, sz)])
        pltpu.sync_copy(rows.at[pl.ds(0, sz)],
                        deg_out.at[cid, pl.ds(base + k, sz)])


_MESH = dict(core_axis_name="c", subcore_axis_name="s",
             num_cores=NC, num_subcores=NS)


def _make_feat_pass():
    return pl.kernel(
        _sc_feat_body,
        mesh=plsc.VectorSubcoreMesh(**_MESH),
        out_type=jax.ShapeDtypeStruct((NC, NPAD, D), jnp.float32),
        scratch_types=[
            pltpu.VMEM((CH, BATCH), jnp.int32),
            pltpu.VMEM((CH, BATCH), jnp.int32),
            pltpu.VMEM((BATCH, D), jnp.float32),
            pltpu.VMEM((BATCH, D), jnp.float32),
            pltpu.SemaphoreType.DMA,
            pltpu.SemaphoreType.DMA,
            pltpu.VMEM_SHARED((NPAD, D), jnp.float32),
        ],
    )


def _make_deg_pass():
    return pl.kernel(
        _sc_deg_body,
        mesh=plsc.VectorSubcoreMesh(**_MESH),
        out_type=jax.ShapeDtypeStruct((NC, NPAD, D), jnp.float32),
        scratch_types=[
            pltpu.VMEM((CH, BATCH), jnp.int32),
            pltpu.VMEM((BATCH, D), jnp.float32),
            pltpu.VMEM_SHARED((NPAD, D), jnp.float32),
            pltpu.SemaphoreType.DMA,
        ],
    )


def _tc_a_body(x, a0, a1, d0, d1, Wf, bf, Wg1, Wg2, xws_o, self_o):
    agg = a0[...] + a1[...]
    h1 = jnp.dot(agg, Wf[...], preferred_element_type=jnp.float32) + bf[...]
    xw = (jnp.dot(x[...], Wg1[...], preferred_element_type=jnp.float32)
          + jnp.dot(h1, Wg2[...], preferred_element_type=jnp.float32))
    deg = d0[:, :1] + d1[:, :1] + 1.0
    dinv = lax.rsqrt(deg)
    xws_o[...] = xw * dinv
    self_o[...] = xw * (1.0 / deg)


def _tc_b_body(s0, s1, d0, d1, selfc, bg, Wd1, bd1, Wd2, bd2, z_o):
    deg = d0[:, :1] + d1[:, :1] + 1.0
    dinv = lax.rsqrt(deg)
    out = (s0[...] + s1[...]) * dinv + selfc[...] + bg[...]
    h = jnp.maximum(jnp.dot(out, Wd1[...], preferred_element_type=jnp.float32)
                    + bd1[...], 0.0)
    z_o[...] = jnp.dot(h, Wd2[...], preferred_element_type=jnp.float32) + bd2[...]


_ROW_BLK = 1000
_GRID = N_NODES // _ROW_BLK


def _row_spec(w):
    return pl.BlockSpec((_ROW_BLK, w), lambda i: (i, 0))


def _deg_spec():
    return pl.BlockSpec((_ROW_BLK, D), lambda i: (i, 0))


def _full_spec(h, w):
    return pl.BlockSpec((h, w), lambda i: (0, 0))


def kernel(x, edge_index, Wf, bf, Wg, bg, Wd1, bd1, Wd2, bd2):
    src = edge_index[0].astype(jnp.int32)
    dst = edge_index[1].astype(jnp.int32)
    pad = E_PAD - E
    src_p = jnp.concatenate([src, jnp.zeros((pad,), jnp.int32)])
    dst_p = jnp.concatenate([dst, jnp.full((pad,), N_NODES, jnp.int32)])
    src_t = src_p.reshape(NW, NBATCH, BATCH)
    dst_t = dst_p.reshape(NW, NBATCH, BATCH)

    zrows = jnp.zeros((BATCH, D), jnp.float32)
    ones_h = jnp.stack([jnp.ones((BATCH, D), jnp.float32), zrows])

    feat_pass = _make_feat_pass()
    deg_pass = _make_deg_pass()

    agg_p = feat_pass(x, src_t, dst_t, zrows)
    deg_p = deg_pass(dst_t, ones_h)

    a0 = agg_p[0, :N_NODES]
    a1 = agg_p[1, :N_NODES]
    d0 = deg_p[0, :N_NODES]
    d1 = deg_p[1, :N_NODES]

    Wg1 = Wg[:D]
    Wg2 = Wg[D:]
    bf2 = bf.reshape(1, D)
    xws, selfc = pl.pallas_call(
        _tc_a_body,
        grid=(_GRID,),
        in_specs=[
            _row_spec(D), _row_spec(D), _row_spec(D),
            _deg_spec(), _deg_spec(),
            _full_spec(D, D), _full_spec(1, D),
            _full_spec(D, D), _full_spec(D, D),
        ],
        out_specs=[_row_spec(D), _row_spec(D)],
        out_shape=[
            jax.ShapeDtypeStruct((N_NODES, D), jnp.float32),
            jax.ShapeDtypeStruct((N_NODES, D), jnp.float32),
        ],
    )(x, a0, a1, d0, d1, Wf, bf2, Wg1, Wg2)

    s_p = feat_pass(xws, src_t, dst_t, zrows)

    HID2 = Wd1.shape[1]
    Wd2p = jnp.zeros((HID2, D), jnp.float32).at[:, :2].set(Wd2)
    bd2p = jnp.zeros((1, D), jnp.float32).at[:, :2].set(bd2)
    zpad = pl.pallas_call(
        _tc_b_body,
        grid=(_GRID,),
        in_specs=[
            _row_spec(D), _row_spec(D),
            _deg_spec(), _deg_spec(),
            _row_spec(D), _full_spec(1, D),
            _full_spec(D, HID2), _full_spec(1, HID2),
            _full_spec(HID2, D), _full_spec(1, D),
        ],
        out_specs=_row_spec(D),
        out_shape=jax.ShapeDtypeStruct((N_NODES, D), jnp.float32),
    )(s_p[0, :N_NODES], s_p[1, :N_NODES], d0, d1, selfc,
      bg.reshape(1, D), Wd1, bd1.reshape(1, HID2), Wd2p, bd2p)

    return zpad[:, :2]

# --- scband reference (transcript-rebuilt; emitter-appended) ---
"""Pipeline reference for scband-ica-gin-62758062129644 (READ-ONLY COPY).

The authoritative reference and input builder live on the scoring server;
editing this copy changes nothing except your own understanding.
"""

import jax, jax.numpy as jnp
import numpy as np

N_NODES = 10000
IN_DIM = 128
HID = 128
OUT_DIM = 128


def setup_inputs(seed: int = 0) -> dict:
    key = jax.random.key(seed)
    ks = jax.random.split(key, 10)
    x = jax.random.normal(ks[0], (N_NODES, IN_DIM), dtype=jnp.float32)
    edge_index = jax.random.randint(ks[1], (2, 320000), 0, N_NODES, dtype=jnp.int64)
    # GIN nn: MLP with n_layers=1 -> single Linear(in_dim, hid_dims)
    Wf = jax.random.normal(ks[2], (IN_DIM, HID), dtype=jnp.float32) / np.sqrt(IN_DIM)
    bf = jnp.zeros((HID,), dtype=jnp.float32)
    # GCNConv(hid + in, out)
    Wg = jax.random.normal(ks[3], (HID + IN_DIM, OUT_DIM), dtype=jnp.float32) / np.sqrt(HID + IN_DIM)
    bg = jnp.zeros((OUT_DIM,), dtype=jnp.float32)
    # decode: MLP(out_dim, out_dim//2, 2, n_layers=2) -> Linear, relu, Linear
    Wd1 = jax.random.normal(ks[4], (OUT_DIM, OUT_DIM // 2), dtype=jnp.float32) / np.sqrt(OUT_DIM)
    bd1 = jnp.zeros((OUT_DIM // 2,), dtype=jnp.float32)
    Wd2 = jax.random.normal(ks[5], (OUT_DIM // 2, 2), dtype=jnp.float32) / np.sqrt(OUT_DIM // 2)
    bd2 = jnp.zeros((2,), dtype=jnp.float32)
    return {"x": x, "edge_index": edge_index, "Wf": Wf, "bf": bf,
            "Wg": Wg, "bg": bg, "Wd1": Wd1, "bd1": bd1, "Wd2": Wd2, "bd2": bd2}


def _gin_conv(x, edge_index, Wf, bf, eps=-1.0):
    # GINConv: nn((1+eps)*x + sum_{j in N(i)} x_j), aggregation by scatter-add at dst
    src = edge_index[0]
    dst = edge_index[1]
    agg = jnp.zeros_like(x).at[dst].add(x[src])
    h = (1.0 + eps) * x + agg
    return h @ Wf + bf


def _gcn_conv(x, edge_index, Wg, bg):
    # GCNConv with self-loops and symmetric normalization
    n = x.shape[0]
    loop = jnp.arange(n, dtype=edge_index.dtype)
    src = jnp.concatenate([edge_index[0], loop])
    dst = jnp.concatenate([edge_index[1], loop])
    deg = jnp.zeros((n,), dtype=x.dtype).at[dst].add(1.0)
    dinv = jnp.where(deg > 0, 1.0 / jnp.sqrt(deg), 0.0)
    norm = dinv[src] * dinv[dst]
    xw = x @ Wg
    out = jnp.zeros((n, Wg.shape[1]), dtype=x.dtype).at[dst].add(xw[src] * norm[:, None])
    return out + bg


def reference(x, edge_index, Wf, bf, Wg, bg, Wd1, bd1, Wd2, bd2):
    h1 = _gin_conv(x, edge_index, Wf, bf, eps=-1.0)
    # regularize branch in original forward (result is overwritten; kept for faithfulness)
    z1_dead = (h1 - h1.mean(0)) / jnp.std(h1, axis=0, ddof=1)
    xh = jnp.concatenate((x, h1), axis=1)
    x2 = _gcn_conv(xh, edge_index, Wg, bg)
    h = jax.nn.relu(x2 @ Wd1 + bd1)
    z1 = h @ Wd2 + bd2
    return z1

if __name__ == "__main__":
    import jax
    _d = setup_inputs()
    print(jax.jit(kernel)(*tuple(_d.values())))

</pallas_src>

<mosaic_0001>
#map = affine_map<(d0, d1) -> (0, 0)>
#map1 = affine_map<(d0, d1) -> (0, 0, 0)>
module attributes {stable_mosaic.version = 14 : i64} {
  func.func @_sc_feat_body(%arg0: i32, %arg1: i32, %arg2: memref<10000x128xf32, #tpu.memory_space<hbm>>, %arg3: memref<32x80x128xi32, #tpu.memory_space<hbm>>, %arg4: memref<32x80x128xi32, #tpu.memory_space<hbm>>, %arg5: memref<128x128xf32, #tpu.memory_space<hbm>>, %arg6: memref<2x10112x128xf32, #tpu.memory_space<hbm>>, %arg7: memref<8x128xi32, #tpu.memory_space<vmem>>, %arg8: memref<8x128xi32, #tpu.memory_space<vmem>>, %arg9: memref<128x128xf32, #tpu.memory_space<vmem>>, %arg10: memref<128x128xf32, #tpu.memory_space<vmem>>, %arg11: memref<!tpu.dma_semaphore, #tpu.memory_space<semaphore_mem>>, %arg12: memref<!tpu.dma_semaphore, #tpu.memory_space<semaphore_mem>>, %arg13: memref<10112x128xf32, #tpu.memory_space<vmem_shared>>) attributes {dimension_semantics = [#tpu.dimension_semantics<core_parallel>, #tpu.dimension_semantics<subcore_parallel>], iteration_bounds = array<i64: 2, 16>, scalar_prefetch = 0 : i64, scratch_operands = 7 : i64, tpu.core_type = #tpu.core_type<sc_vector_subcore>, window_params = [{transform_indices = #map}, {transform_indices = #map1}, {transform_indices = #map1}, {transform_indices = #map}, {transform_indices = #map1}]} {
    %mul3A = arith.constant 16 : i32
    %mul3A_0 = arith.muli %arg0, %mul3A : i32
    %add3A = arith.addi %mul3A_0, %arg1 : i32
    %mul3A_1 = arith.constant 632 : i32
    %mul3A_2 = arith.muli %arg1, %mul3A_1 : i32
    "tpu.region"() ({
      %run_scoped3A = tpu.sem_alloc : memref<!tpu.dma_semaphore, #tpu.memory_space<semaphore_mem>>
      tpu.enqueue_dma source(%arg5 : memref<128x128xf32, #tpu.memory_space<hbm>>) target(%arg9 : memref<128x128xf32, #tpu.memory_space<vmem>>) target_semaphore(%run_scoped3A : memref<!tpu.dma_semaphore, #tpu.memory_space<semaphore_mem>>)
      tpu.wait_dma2 semaphore(%run_scoped3A : memref<!tpu.dma_semaphore, #tpu.memory_space<semaphore_mem>>) src(%arg5 : memref<128x128xf32, #tpu.memory_space<hbm>>) dst(%arg9 : memref<128x128xf32, #tpu.memory_space<vmem>>)
      tpu.yield
    }) : () -> ()
    %add3A_3 = arith.constant 0 : i32
    %add3A_4 = arith.addi %mul3A_2, %add3A_3 : i32
    "tpu.region"() ({
      %run_scoped3A = tpu.sem_alloc : memref<!tpu.dma_semaphore, #tpu.memory_space<semaphore_mem>>
      %dma_start3A = arith.constant 0 : i32
      %dma_start3A_39 = arith.constant 0 : i32
      %dma_start3A_40 = tpu.memref_slice %arg9[%dma_start3A, %dma_start3A_39] : memref<128x128xf32, #tpu.memory_space<vmem>> -> memref<128x128xf32, #tpu.memory_space<vmem>>
      %dma_start3A_41 = arith.constant 0 : i32
      %dma_start3A_42 = tpu.memref_slice %arg13[%add3A_4, %dma_start3A_41] : memref<10112x128xf32, #tpu.memory_space<vmem_shared>> -> memref<128x128xf32, #tpu.memory_space<vmem_shared>>
      %dma_start3A_43 = arith.constant 0 : i32
      %dma_start3A_44 = tpu.memref_slice %arg13[%add3A_4, %dma_start3A_43] : memref<10112x128xf32, #tpu.memory_space<vmem_shared>> -> memref<128x128xf32, #tpu.memory_space<vmem_shared>>
      %dma_start3A_45 = arith.constant 0 : i32
      %dma_start3A_46 = arith.constant 0 : i32
      %dma_start3A_47 = tpu.memref_slice %arg9[%dma_start3A_45, %dma_start3A_46] : memref<128x128xf32, #tpu.memory_space<vmem>> -> memref<128x128xf32, #tpu.memory_space<vmem>>
      tpu.enqueue_dma source(%dma_start3A_47 : memref<128x128xf32, #tpu.memory_space<vmem>>) target(%dma_start3A_44 : memref<128x128xf32, #tpu.memory_space<vmem_shared>>) target_semaphore(%run_scoped3A : memref<!tpu.dma_semaphore, #tpu.memory_space<semaphore_mem>>)
      %dma_wait3A = arith.constant 0 : i32
      %dma_wait3A_48 = arith.constant 0 : i32
      %dma_wait3A_49 = tpu.memref_slice %arg9[%dma_wait3A, %dma_wait3A_48] : memref<128x128xf32, #tpu.memory_space<vmem>> -> memref<128x128xf32, #tpu.memory_space<vmem>>
      %dma_wait3A_50 = arith.constant 0 : i32
      %dma_wait3A_51 = tpu.memref_slice %arg13[%add3A_4, %dma_wait3A_50] : memref<10112x128xf32, #tpu.memory_space<vmem_shared>> -> memref<128x128xf32, #tpu.memory_space<vmem_shared>>
      %dma_wait3A_52 = arith.constant 0 : i32
      %dma_wait3A_53 = tpu.memref_slice %arg13[%add3A_4, %dma_wait3A_52] : memref<10112x128xf32, #tpu.memory_space<vmem_shared>> -> memref<128x128xf32, #tpu.memory_space<vmem_shared>>
      %dma_wait3A_54 = arith.constant 0 : i32
      %dma_wait3A_55 = arith.constant 0 : i32
      %dma_wait3A_56 = tpu.memref_slice %arg9[%dma_wait3A_54, %dma_wait3A_55] : memref<128x128xf32, #tpu.memory_space<vmem>> -> memref<128x128xf32, #tpu.memory_space<vmem>>
      tpu.wait_dma2 semaphore(%run_scoped3A : memref<!tpu.dma_semaphore, #tpu.memory_space<semaphore_mem>>) src(%dma_wait3A_56 : memref<128x128xf32, #tpu.memory_space<vmem>>) dst(%dma_wait3A_53 : memref<128x128xf32, #tpu.memory_space<vmem_shared>>)
      tpu.yield
    }) : () -> ()
    %add3A_5 = arith.constant 128 : i32
    %add3A_6 = arith.addi %mul3A_2, %add3A_5 : i32
    "tpu.region"() ({
      %run_scoped3A = tpu.sem_alloc : memref<!tpu.dma_semaphore, #tpu.memory_space<semaphore_mem>>
      %dma_start3A = arith.constant 0 : i32
      %dma_start3A_39 = arith.constant 0 : i32
      %dma_start3A_40 = tpu.memref_slice %arg9[%dma_start3A, %dma_start3A_39] : memref<128x128xf32, #tpu.memory_space<vmem>> -> memref<128x128xf32, #tpu.memory_space<vmem>>
      %dma_start3A_41 = arith.constant 0 : i32
      %dma_start3A_42 = tpu.memref_slice %arg13[%add3A_6, %dma_start3A_41] : memref<10112x128xf32, #tpu.memory_space<vmem_shared>> -> memref<128x128xf32, #tpu.memory_space<vmem_shared>>
      %dma_start3A_43 = arith.constant 0 : i32
      %dma_start3A_44 = tpu.memref_slice %arg13[%add3A_6, %dma_start3A_43] : memref<10112x128xf32, #tpu.memory_space<vmem_shared>> -> memref<128x128xf32, #tpu.memory_space<vmem_shared>>
      %dma_start3A_45 = arith.constant 0 : i32
      %dma_start3A_46 = arith.constant 0 : i32
      %dma_start3A_47 = tpu.memref_slice %arg9[%dma_start3A_45, %dma_start3A_46] : memref<128x128xf32, #tpu.memory_space<vmem>> -> memref<128x128xf32, #tpu.memory_space<vmem>>
      tpu.enqueue_dma source(%dma_start3A_47 : memref<128x128xf32, #tpu.memory_space<vmem>>) target(%dma_start3A_44 : memref<128x128xf32, #tpu.memory_space<vmem_shared>>) target_semaphore(%run_scoped3A : memref<!tpu.dma_semaphore, #tpu.memory_space<semaphore_mem>>)
      %dma_wait3A = arith.constant 0 : i32
      %dma_wait3A_48 = arith.constant 0 : i32
      %dma_wait3A_49 = tpu.memref_slice %arg9[%dma_wait3A, %dma_wait3A_48] : memref<128x128xf32, #tpu.memory_space<vmem>> -> memref<128x128xf32, #tpu.memory_space<vmem>>
      %dma_wait3A_50 = arith.constant 0 : i32
      %dma_wait3A_51 = tpu.memref_slice %arg13[%add3A_6, %dma_wait3A_50] : memref<10112x128xf32, #tpu.memory_space<vmem_shared>> -> memref<128x128xf32, #tpu.memory_space<vmem_shared>>
      %dma_wait3A_52 = arith.constant 0 : i32
      %dma_wait3A_53 = tpu.memref_slice %arg13[%add3A_6, %dma_wait3A_52] : memref<10112x128xf32, #tpu.memory_space<vmem_shared>> -> memref<128x128xf32, #tpu.memory_space<vmem_shared>>
      %dma_wait3A_54 = arith.constant 0 : i32
      %dma_wait3A_55 = arith.constant 0 : i32
      %dma_wait3A_56 = tpu.memref_slice %arg9[%dma_wait3A_54, %dma_wait3A_55] : memref<128x128xf32, #tpu.memory_space<vmem>> -> memref<128x128xf32, #tpu.memory_space<vmem>>
      tpu.wait_dma2 semaphore(%run_scoped3A : memref<!tpu.dma_semaphore, #tpu.memory_space<semaphore_mem>>) src(%dma_wait3A_56 : memref<128x128xf32, #tpu.memory_space<vmem>>) dst(%dma_wait3A_53 : memref<128x128xf32, #tpu.memory_space<vmem_shared>>)
      tpu.yield
    }) : () -> ()
    %add3A_7 = arith.constant 256 : i32
    %add3A_8 = arith.addi %mul3A_2, %add3A_7 : i32
    "tpu.region"() ({
      %run_scoped3A = tpu.sem_alloc : memref<!tpu.dma_semaphore, #tpu.memory_space<semaphore_mem>>
      %dma_start3A = arith.constant 0 : i32
      %dma_start3A_39 = arith.constant 0 : i32
      %dma_start3A_40 = tpu.memref_slice %arg9[%dma_start3A, %dma_start3A_39] : memref<128x128xf32, #tpu.memory_space<vmem>> -> memref<128x128xf32, #tpu.memory_space<vmem>>
      %dma_start3A_41 = arith.constant 0 : i32
      %dma_start3A_42 = tpu.memref_slice %arg13[%add3A_8, %dma_start3A_41] : memref<10112x128xf32, #tpu.memory_space<vmem_shared>> -> memref<128x128xf32, #tpu.memory_space<vmem_shared>>
      %dma_start3A_43 = arith.constant 0 : i32
      %dma_start3A_44 = tpu.memref_slice %arg13[%add3A_8, %dma_start3A_43] : memref<10112x128xf32, #tpu.memory_space<vmem_shared>> -> memref<128x128xf32, #tpu.memory_space<vmem_shared>>
      %dma_start3A_45 = arith.constant 0 : i32
      %dma_start3A_46 = arith.constant 0 : i32
      %dma_start3A_47 = tpu.memref_slice %arg9[%dma_start3A_45, %dma_start3A_46] : memref<128x128xf32, #tpu.memory_space<vmem>> -> memref<128x128xf32, #tpu.memory_space<vmem>>
      tpu.enqueue_dma source(%dma_start3A_47 : memref<128x128xf32, #tpu.memory_space<vmem>>) target(%dma_start3A_44 : memref<128x128xf32, #tpu.memory_space<vmem_shared>>) target_semaphore(%run_scoped3A : memref<!tpu.dma_semaphore, #tpu.memory_space<semaphore_mem>>)
      %dma_wait3A = arith.constant 0 : i32
      %dma_wait3A_48 = arith.constant 0 : i32
      %dma_wait3A_49 = tpu.memref_slice %arg9[%dma_wait3A, %dma_wait3A_48] : memref<128x128xf32, #tpu.memory_space<vmem>> -> memref<128x128xf32, #tpu.memory_space<vmem>>
      %dma_wait3A_50 = arith.constant 0 : i32
      %dma_wait3A_51 = tpu.memref_slice %arg13[%add3A_8, %dma_wait3A_50] : memref<10112x128xf32, #tpu.memory_space<vmem_shared>> -> memref<128x128xf32, #tpu.memory_space<vmem_shared>>
      %dma_wait3A_52 = arith.constant 0 : i32
      %dma_wait3A_53 = tpu.memref_slice %arg13[%add3A_8, %dma_wait3A_52] : memref<10112x128xf32, #tpu.memory_space<vmem_shared>> -> memref<128x128xf32, #tpu.memory_space<vmem_shared>>
      %dma_wait3A_54 = arith.constant 0 : i32
      %dma_wait3A_55 = arith.constant 0 : i32
      %dma_wait3A_56 = tpu.memref_slice %arg9[%dma_wait3A_54, %dma_wait3A_55] : memref<128x128xf32, #tpu.memory_space<vmem>> -> memref<128x128xf32, #tpu.memory_space<vmem>>
      tpu.wait_dma2 semaphore(%run_scoped3A : memref<!tpu.dma_semaphore, #tpu.memory_space<semaphore_mem>>) src(%dma_wait3A_56 : memref<128x128xf32, #tpu.memory_space<vmem>>) dst(%dma_wait3A_53 : memref<128x128xf32, #tpu.memory_space<vmem_shared>>)
      tpu.yield
    }) : () -> ()
    %add3A_9 = arith.constant 384 : i32
    %add3A_10 = arith.addi %mul3A_2, %add3A_9 : i32
    "tpu.region"() ({
      %run_scoped3A = tpu.sem_alloc : memref<!tpu.dma_semaphore, #tpu.memory_space<semaphore_mem>>
      %dma_start3A = arith.constant 0 : i32
      %dma_start3A_39 = arith.constant 0 : i32
      %dma_start3A_40 = tpu.memref_slice %arg9[%dma_start3A, %dma_start3A_39] : memref<128x128xf32, #tpu.memory_space<vmem>> -> memref<128x128xf32, #tpu.memory_space<vmem>>
      %dma_start3A_41 = arith.constant 0 : i32
      %dma_start3A_42 = tpu.memref_slice %arg13[%add3A_10, %dma_start3A_41] : memref<10112x128xf32, #tpu.memory_space<vmem_shared>> -> memref<128x128xf32, #tpu.memory_space<vmem_shared>>
      %dma_start3A_43 = arith.constant 0 : i32
      %dma_start3A_44 = tpu.memref_slice %arg13[%add3A_10, %dma_start3A_43] : memref<10112x128xf32, #tpu.memory_space<vmem_shared>> -> memref<128x128xf32, #tpu.memory_space<vmem_shared>>
      %dma_start3A_45 = arith.constant 0 : i32
      %dma_start3A_46 = arith.constant 0 : i32
      %dma_start3A_47 = tpu.memref_slice %arg9[%dma_start3A_45, %dma_start3A_46] : memref<128x128xf32, #tpu.memory_space<vmem>> -> memref<128x128xf32, #tpu.memory_space<vmem>>
      tpu.enqueue_dma source(%dma_start3A_47 : memref<128x128xf32, #tpu.memory_space<vmem>>) target(%dma_start3A_44 : memref<128x128xf32, #tpu.memory_space<vmem_shared>>) target_semaphore(%run_scoped3A : memref<!tpu.dma_semaphore, #tpu.memory_space<semaphore_mem>>)
      %dma_wait3A = arith.constant 0 : i32
      %dma_wait3A_48 = arith.constant 0 : i32
      %dma_wait3A_49 = tpu.memref_slice %arg9[%dma_wait3A, %dma_wait3A_48] : memref<128x128xf32, #tpu.memory_space<vmem>> -> memref<128x128xf32, #tpu.memory_space<vmem>>
      %dma_wait3A_50 = arith.constant 0 : i32
      %dma_wait3A_51 = tpu.memref_slice %arg13[%add3A_10, %dma_wait3A_50] : memref<10112x128xf32, #tpu.memory_space<vmem_shared>> -> memref<128x128xf32, #tpu.memory_space<vmem_shared>>
      %dma_wait3A_52 = arith.constant 0 : i32
      %dma_wait3A_53 = tpu.memref_slice %arg13[%add3A_10, %dma_wait3A_52] : memref<10112x128xf32, #tpu.memory_space<vmem_shared>> -> memref<128x128xf32, #tpu.memory_space<vmem_shared>>
      %dma_wait3A_54 = arith.constant 0 : i32
      %dma_wait3A_55 = arith.constant 0 : i32
      %dma_wait3A_56 = tpu.memref_slice %arg9[%dma_wait3A_54, %dma_wait3A_55] : memref<128x128xf32, #tpu.memory_space<vmem>> -> memref<128x128xf32, #tpu.memory_space<vmem>>
      tpu.wait_dma2 semaphore(%run_scoped3A : memref<!tpu.dma_semaphore, #tpu.memory_space<semaphore_mem>>) src(%dma_wait3A_56 : memref<128x128xf32, #tpu.memory_space<vmem>>) dst(%dma_wait3A_53 : memref<128x128xf32, #tpu.memory_space<vmem_shared>>)
      tpu.yield
    }) : () -> ()
    %add3A_11 = arith.constant 512 : i32
    %add3A_12 = arith.addi %mul3A_2, %add3A_11 : i32
    "tpu.region"() ({
      %run_scoped3A = tpu.sem_alloc : memref<!tpu.dma_semaphore, #tpu.memory_space<semaphore_mem>>
      %dma_start3A = arith.constant 0 : i32
      %dma_start3A_39 = arith.constant 0 : i32
      %dma_start3A_40 = tpu.memref_slice %arg9[%dma_start3A, %dma_start3A_39] : memref<128x128xf32, #tpu.memory_space<vmem>> -> memref<120x128xf32, #tpu.memory_space<vmem>>
      %dma_start3A_41 = arith.constant 0 : i32
      %dma_start3A_42 = tpu.memref_slice %arg13[%add3A_12, %dma_start3A_41] : memref<10112x128xf32, #tpu.memory_space<vmem_shared>> -> memref<120x128xf32, #tpu.memory_space<vmem_shared>>
      %dma_start3A_43 = arith.constant 0 : i32
      %dma_start3A_44 = tpu.memref_slice %arg13[%add3A_12, %dma_start3A_43] : memref<10112x128xf32, #tpu.memory_space<vmem_shared>> -> memref<120x128xf32, #tpu.memory_space<vmem_shared>>
      %dma_start3A_45 = arith.constant 0 : i32
      %dma_start3A_46 = arith.constant 0 : i32
      %dma_start3A_47 = tpu.memref_slice %arg9[%dma_start3A_45, %dma_start3A_46] : memref<128x128xf32, #tpu.memory_space<vmem>> -> memref<120x128xf32, #tpu.memory_space<vmem>>
      tpu.enqueue_dma source(%dma_start3A_47 : memref<120x128xf32, #tpu.memory_space<vmem>>) target(%dma_start3A_44 : memref<120x128xf32, #tpu.memory_space<vmem_shared>>) target_semaphore(%run_scoped3A : memref<!tpu.dma_semaphore, #tpu.memory_space<semaphore_mem>>)
      %dma_wait3A = arith.constant 0 : i32
      %dma_wait3A_48 = arith.constant 0 : i32
      %dma_wait3A_49 = tpu.memref_slice %arg9[%dma_wait3A, %dma_wait3A_48] : memref<128x128xf32, #tpu.memory_space<vmem>> -> memref<120x128xf32, #tpu.memory_space<vmem>>
      %dma_wait3A_50 = arith.constant 0 : i32
      %dma_wait3A_51 = tpu.memref_slice %arg13[%add3A_12, %dma_wait3A_50] : memref<10112x128xf32, #tpu.memory_space<vmem_shared>> -> memref<120x128xf32, #tpu.memory_space<vmem_shared>>
      %dma_wait3A_52 = arith.constant 0 : i32
      %dma_wait3A_53 = tpu.memref_slice %arg13[%add3A_12, %dma_wait3A_52] : memref<10112x128xf32, #tpu.memory_space<vmem_shared>> -> memref<120x128xf32, #tpu.memory_space<vmem_shared>>
      %dma_wait3A_54 = arith.constant 0 : i32
      %dma_wait3A_55 = arith.constant 0 : i32
      %dma_wait3A_56 = tpu.memref_slice %arg9[%dma_wait3A_54, %dma_wait3A_55] : memref<128x128xf32, #tpu.memory_space<vmem>> -> memref<120x128xf32, #tpu.memory_space<vmem>>
      tpu.wait_dma2 semaphore(%run_scoped3A : memref<!tpu.dma_semaphore, #tpu.memory_space<semaphore_mem>>) src(%dma_wait3A_56 : memref<120x128xf32, #tpu.memory_space<vmem>>) dst(%dma_wait3A_53 : memref<120x128xf32, #tpu.memory_space<vmem_shared>>)
      tpu.yield
    }) : () -> ()
    %barrier3A = arith.constant 0 : index
    tpu.barrier barrier_id(%barrier3A)
    %scan3A = arith.constant 0 : i32
    %scan3A_13 = arith.constant 0 : i32
    %scan3A_14 = arith.constant 10 : i32
    %scan3A_15 = arith.addi %scan3A_13, %scan3A_14 : i32
    %scan3A_16 = arith.constant 1 : i32
    scf.for %scan3A_39 = %scan3A_13 to %scan3A_15 step %scan3A_16  : i32 {
      %mul3A_40 = arith.constant 8 : i32
      %mul3A_41 = arith.muli %scan3A_39, %mul3A_40 : i32
      "tpu.region"() ({
        %run_scoped3A_161 = tpu.sem_alloc : memref<!tpu.dma_semaphore, #tpu.memory_space<semaphore_mem>>
        %dma_start3A_162 = arith.constant 0 : i32
        %dma_start3A_163 = tpu.memref_slice %arg3[%add3A, %mul3A_41, %dma_start3A_162] : memref<32x80x128xi32, #tpu.memory_space<hbm>> -> memref<1x8x128xi32, #tpu.memory_space<hbm>>
        %dma_start3A_164 = tpu.memref_squeeze %dma_start3A_163 : memref<1x8x128xi32, #tpu.memory_space<hbm>> -> memref<8x128xi32, #tpu.memory_space<hbm>>
        %dma_start3A_165 = arith.constant 0 : i32
        %dma_start3A_166 = tpu.memref_slice %arg3[%add3A, %mul3A_41, %dma_start3A_165] : memref<32x80x128xi32, #tpu.memory_space<hbm>> -> memref<1x8x128xi32, #tpu.memory_space<hbm>>
        %dma_start3A_167 = tpu.memref_squeeze %dma_start3A_166 : memref<1x8x128xi32, #tpu.memory_space<hbm>> -> memref<8x128xi32, #tpu.memory_space<hbm>>
        tpu.enqueue_dma source(%dma_start3A_167 : memref<8x128xi32, #tpu.memory_space<hbm>>) target(%arg7 : memref<8x128xi32, #tpu.memory_space<vmem>>) target_semaphore(%run_scoped3A_161 : memref<!tpu.dma_semaphore, #tpu.memory_space<semaphore_mem>>)
        %dma_wait3A_168 = arith.constant 0 : i32
        %dma_wait3A_169 = tpu.memref_slice %arg3[%add3A, %mul3A_41, %dma_wait3A_168] : memref<32x80x128xi32, #tpu.memory_space<hbm>> -> memref<1x8x128xi32, #tpu.memory_space<hbm>>
        %dma_wait3A_170 = tpu.memref_squeeze %dma_wait3A_169 : memref<1x8x128xi32, #tpu.memory_space<hbm>> -> memref<8x128xi32, #tpu.memory_space<hbm>>
        %dma_wait3A_171 = arith.constant 0 : i32
        %dma_wait3A_172 = tpu.memref_slice %arg3[%add3A, %mul3A_41, %dma_wait3A_171] : memref<32x80x128xi32, #tpu.memory_space<hbm>> -> memref<1x8x128xi32, #tpu.memory_space<hbm>>
        %dma_wait3A_173 = tpu.memref_squeeze %dma_wait3A_172 : memref<1x8x128xi32, #tpu.memory_space<hbm>> -> memref<8x128xi32, #tpu.memory_space<hbm>>
        tpu.wait_dma2 semaphore(%run_scoped3A_161 : memref<!tpu.dma_semaphore, #tpu.memory_space<semaphore_mem>>) src(%dma_wait3A_173 : memref<8x128xi32, #tpu.memory_space<hbm>>) dst(%arg7 : memref<8x128xi32, #tpu.memory_space<vmem>>)
        tpu.yield
      }) : () -> ()
      %mul3A_42 = arith.constant 8 : i32
      %mul3A_43 = arith.muli %scan3A_39, %mul3A_42 : i32
      "tpu.region"() ({
        %run_scoped3A_161 = tpu.sem_alloc : memref<!tpu.dma_semaphore, #tpu.memory_space<semaphore_mem>>
        %dma_start3A_162 = arith.constant 0 : i32
        %dma_start3A_163 = tpu.memref_slice %arg4[%add3A, %mul3A_43, %dma_start3A_162] : memref<32x80x128xi32, #tpu.memory_space<hbm>> -> memref<1x8x128xi32, #tpu.memory_space<hbm>>
        %dma_start3A_164 = tpu.memref_squeeze %dma_start3A_163 : memref<1x8x128xi32, #tpu.memory_space<hbm>> -> memref<8x128xi32, #tpu.memory_space<hbm>>
        %dma_start3A_165 = arith.constant 0 : i32
        %dma_start3A_166 = tpu.memref_slice %arg4[%add3A, %mul3A_43, %dma_start3A_165] : memref<32x80x128xi32, #tpu.memory_space<hbm>> -> memref<1x8x128xi32, #tpu.memory_space<hbm>>
        %dma_start3A_167 = tpu.memref_squeeze %dma_start3A_166 : memref<1x8x128xi32, #tpu.memory_space<hbm>> -> memref<8x128xi32, #tpu.memory_space<hbm>>
        tpu.enqueue_dma source(%dma_start3A_167 : memref<8x128xi32, #tpu.memory_space<hbm>>) target(%arg8 : memref<8x128xi32, #tpu.memory_space<vmem>>) target_semaphore(%run_scoped3A_161 : memref<!tpu.dma_semaphore, #tpu.memory_space<semaphore_mem>>)
        %dma_wait3A_168 = arith.constant 0 : i32
        %dma_wait3A_169 = tpu.memref_slice %arg4[%add3A, %mul3A_43, %dma_wait3A_168] : memref<32x80x128xi32, #tpu.memory_space<hbm>> -> memref<1x8x128xi32, #tpu.memory_space<hbm>>
        %dma_wait3A_170 = tpu.memref_squeeze %dma_wait3A_169 : memref<1x8x128xi32, #tpu.memory_space<hbm>> -> memref<8x128xi32, #tpu.memory_space<hbm>>
        %dma_wait3A_171 = arith.constant 0 : i32
        %dma_wait3A_172 = tpu.memref_slice %arg4[%add3A, %mul3A_43, %dma_wait3A_171] : memref<32x80x128xi32, #tpu.memory_space<hbm>> -> memref<1x8x128xi32, #tpu.memory_space<hbm>>
        %dma_wait3A_173 = tpu.memref_squeeze %dma_wait3A_172 : memref<1x8x128xi32, #tpu.memory_space<hbm>> -> memref<8x128xi32, #tpu.memory_space<hbm>>
        tpu.wait_dma2 semaphore(%run_scoped3A_161 : memref<!tpu.dma_semaphore, #tpu.memory_space<semaphore_mem>>) src(%dma_wait3A_173 : memref<8x128xi32, #tpu.memory_space<hbm>>) dst(%arg8 : memref<8x128xi32, #tpu.memory_space<vmem>>)
        tpu.yield
      }) : () -> ()
      %dma_start3A = arith.constant 0 : i32
      %dma_start3A_44 = arith.constant 0 : i32
      %dma_start3A_45 = tpu.memref_slice %arg7[%dma_start3A, %dma_start3A_44] : memref<8x128xi32, #tpu.memory_space<vmem>> -> memref<1x128xi32, #tpu.memory_space<vmem>>
      %dma_start3A_46 = tpu.memref_squeeze %dma_start3A_45 : memref<1x128xi32, #tpu.memory_space<vmem>> -> memref<128xi32, #tpu.memory_space<vmem>>
      %dma_start3A_47 = arith.constant 0 : i32
      %dma_start3A_48 = arith.constant 0 : i32
      %dma_start3A_49 = tpu.memref_slice %arg2[%dma_start3A_47, %dma_start3A_48] : memref<10000x128xf32, #tpu.memory_space<hbm>> -> memref<10000x128xf32, #tpu.memory_space<hbm>>
      tpu.enqueue_indirect_dma source(%dma_start3A_49 : memref<10000x128xf32, #tpu.memory_space<hbm>>) target(%arg9 : memref<128x128xf32, #tpu.memory_space<vmem>>) offsets(%dma_start3A_46 : memref<128xi32, #tpu.memory_space<vmem>>) semaphore(%arg11 : memref<!tpu.dma_semaphore, #tpu.memory_space<semaphore_mem>>)
      %dma_start3A_50 = arith.constant 1 : i32
      %dma_start3A_51 = arith.constant 0 : i32
      %dma_start3A_52 = tpu.memref_slice %arg7[%dma_start3A_50, %dma_start3A_51] : memref<8x128xi32, #tpu.memory_space<vmem>> -> memref<1x128xi32, #tpu.memory_space<vmem>>
      %dma_start3A_53 = tpu.memref_squeeze %dma_start3A_52 : memref<1x128xi32, #tpu.memory_space<vmem>> -> memref<128xi32, #tpu.memory_space<vmem>>
      %dma_start3A_54 = arith.constant 0 : i32
      %dma_start3A_55 = arith.constant 0 : i32
      %dma_start3A_56 = tpu.memref_slice %arg2[%dma_start3A_54, %dma_start3A_55] : memref<10000x128xf32, #tpu.memory_space<hbm>> -> memref<10000x128xf32, #tpu.memory_space<hbm>>
      tpu.enqueue_indirect_dma source(%dma_start3A_56 : memref<10000x128xf32, #tpu.memory_space<hbm>>) target(%arg10 : memref<128x128xf32, #tpu.memory_space<vmem>>) offsets(%dma_start3A_53 : memref<128xi32, #tpu.memory_space<vmem>>) semaphore(%arg12 : memref<!tpu.dma_semaphore, #tpu.memory_space<semaphore_mem>>)
      %dma_wait3A = arith.constant 0 : i32
      %dma_wait3A_57 = arith.constant 0 : i32
      %dma_wait3A_58 = tpu.memref_slice %arg7[%dma_wait3A, %dma_wait3A_57] : memref<8x128xi32, #tpu.memory_space<vmem>> -> memref<1x128xi32, #tpu.memory_space<vmem>>
      %dma_wait3A_59 = tpu.memref_squeeze %dma_wait3A_58 : memref<1x128xi32, #tpu.memory_space<vmem>> -> memref<128xi32, #tpu.memory_space<vmem>>
      %dma_wait3A_60 = arith.constant 0 : i32
      %dma_wait3A_61 = arith.constant 0 : i32
      %dma_wait3A_62 = tpu.memref_slice %arg2[%dma_wait3A_60, %dma_wait3A_61] : memref<10000x128xf32, #tpu.memory_space<hbm>> -> memref<10000x128xf32, #tpu.memory_space<hbm>>
      tpu.wait_indirect_dma semaphore(%arg11 : memref<!tpu.dma_semaphore, #tpu.memory_space<semaphore_mem>>) src(%dma_wait3A_62 : memref<10000x128xf32, #tpu.memory_space<hbm>>) dst(%arg9 : memref<128x128xf32, #tpu.memory_space<vmem>>)
      %run_scoped3A = arith.constant 0 : i32
      "tpu.region"() ({
        %run_scoped3A_161 = tpu.sem_alloc : memref<!tpu.dma_semaphore, #tpu.memory_space<semaphore_mem>>
        %dma_start3A_162 = arith.constant 0 : i32
        %dma_start3A_163 = tpu.memref_slice %arg8[%run_scoped3A, %dma_start3A_162] : memref<8x128xi32, #tpu.memory_space<vmem>> -> memref<1x128xi32, #tpu.memory_space<vmem>>
        %dma_start3A_164 = tpu.memref_squeeze %dma_start3A_163 : memref<1x128xi32, #tpu.memory_space<vmem>> -> memref<128xi32, #tpu.memory_space<vmem>>
        %dma_start3A_165 = arith.constant 0 : i32
        %dma_start3A_166 = arith.constant 0 : i32
        %dma_start3A_167 = tpu.memref_slice %arg13[%dma_start3A_165, %dma_start3A_166] : memref<10112x128xf32, #tpu.memory_space<vmem_shared>> -> memref<10112x128xf32, #tpu.memory_space<vmem_shared>>
        tpu.enqueue_indirect_dma source(%arg9 : memref<128x128xf32, #tpu.memory_space<vmem>>) target(%dma_start3A_167 : memref<10112x128xf32, #tpu.memory_space<vmem_shared>>) offsets(%dma_start3A_164 : memref<128xi32, #tpu.memory_space<vmem>>) semaphore(%run_scoped3A_161 : memref<!tpu.dma_semaphore, #tpu.memory_space<semaphore_mem>>) {add = true}
        %dma_wait3A_168 = arith.constant 0 : i32
        %dma_wait3A_169 = tpu.memref_slice %arg8[%run_scoped3A, %dma_wait3A_168] : memref<8x128xi32, #tpu.memory_space<vmem>> -> memref<1x128xi32, #tpu.memory_space<vmem>>
        %dma_wait3A_170 = tpu.memref_squeeze %dma_wait3A_169 : memref<1x128xi32, #tpu.memory_space<vmem>> -> memref<128xi32, #tpu.memory_space<vmem>>
        %dma_wait3A_171 = arith.constant 0 : i32
        %dma_wait3A_172 = arith.constant 0 : i32
        %dma_wait3A_173 = tpu.memref_slice %arg13[%dma_wait3A_171, %dma_wait3A_172] : memref<10112x128xf32, #tpu.memory_space<vmem_shared>> -> memref<10112x128xf32, #tpu.memory_space<vmem_shared>>
        tpu.wait_indirect_dma semaphore(%run_scoped3A_161 : memref<!tpu.dma_semaphore, #tpu.memory_space<semaphore_mem>>) src(%arg9 : memref<128x128xf32, #tpu.memory_space<vmem>>) dst(%dma_wait3A_173 : memref<10112x128xf32, #tpu.memory_space<vmem_shared>>)
        tpu.yield
      }) : () -> ()
      %dma_start3A_63 = arith.constant 2 : i32
      %dma_start3A_64 = arith.constant 0 : i32
      %dma_start3A_65 = tpu.memref_slice %arg7[%dma_start3A_63, %dma_start3A_64] : memref<8x128xi32, #tpu.memory_space<vmem>> -> memref<1x128xi32, #tpu.memory_space<vmem>>
      %dma_start3A_66 = tpu.memref_squeeze %dma_start3A_65 : memref<1x128xi32, #tpu.memory_space<vmem>> -> memref<128xi32, #tpu.memory_space<vmem>>
      %dma_start3A_67 = arith.constant 0 : i32
      %dma_start3A_68 = arith.constant 0 : i32
      %dma_start3A_69 = tpu.memref_slice %arg2[%dma_start3A_67, %dma_start3A_68] : memref<10000x128xf32, #tpu.memory_space<hbm>> -> memref<10000x128xf32, #tpu.memory_space<hbm>>
      tpu.enqueue_indirect_dma source(%dma_start3A_69 : memref<10000x128xf32, #tpu.memory_space<hbm>>) target(%arg9 : memref<128x128xf32, #tpu.memory_space<vmem>>) offsets(%dma_start3A_66 : memref<128xi32, #tpu.memory_space<vmem>>) semaphore(%arg11 : memref<!tpu.dma_semaphore, #tpu.memory_space<semaphore_mem>>)
      %dma_wait3A_70 = arith.constant 1 : i32
      %dma_wait3A_71 = arith.constant 0 : i32
      %dma_wait3A_72 = tpu.memref_slice %arg7[%dma_wait3A_70, %dma_wait3A_71] : memref<8x128xi32, #tpu.memory_space<vmem>> -> memref<1x128xi32, #tpu.memory_space<vmem>>
      %dma_wait3A_73 = tpu.memref_squeeze %dma_wait3A_72 : memref<1x128xi32, #tpu.memory_space<vmem>> -> memref<128xi32, #tpu.memory_space<vmem>>
      %dma_wait3A_74 = arith.constant 0 : i32
      %dma_wait3A_75 = arith.constant 0 : i32
      %dma_wait3A_76 = tpu.memref_slice %arg2[%dma_wait3A_74, %dma_wait3A_75] : memref<10000x128xf32, #tpu.memory_space<hbm>> -> memref<10000x128xf32, #tpu.memory_space<hbm>>
      tpu.wait_indirect_dma semaphore(%arg12 : memref<!tpu.dma_semaphore, #tpu.memory_space<semaphore_mem>>) src(%dma_wait3A_76 : memref<10000x128xf32, #tpu.memory_space<hbm>>) dst(%arg10 : memref<128x128xf32, #tpu.memory_space<vmem>>)
      %run_scoped3A_77 = arith.constant 1 : i32
      "tpu.region"() ({
        %run_scoped3A_161 = tpu.sem_alloc : memref<!tpu.dma_semaphore, #tpu.memory_space<semaphore_mem>>
        %dma_start3A_162 = arith.constant 0 : i32
        %dma_start3A_163 = tpu.memref_slice %arg8[%run_scoped3A_77, %dma_start3A_162] : memref<8x128xi32, #tpu.memory_space<vmem>> -> memref<1x128xi32, #tpu.memory_space<vmem>>
        %dma_start3A_164 = tpu.memref_squeeze %dma_start3A_163 : memref<1x128xi32, #tpu.memory_space<vmem>> -> memref<128xi32, #tpu.memory_space<vmem>>
        %dma_start3A_165 = arith.constant 0 : i32
        %dma_start3A_166 = arith.constant 0 : i32
        %dma_start3A_167 = tpu.memref_slice %arg13[%dma_start3A_165, %dma_start3A_166] : memref<10112x128xf32, #tpu.memory_space<vmem_shared>> -> memref<10112x128xf32, #tpu.memory_space<vmem_shared>>
        tpu.enqueue_indirect_dma source(%arg10 : memref<128x128xf32, #tpu.memory_space<vmem>>) target(%dma_start3A_167 : memref<10112x128xf32, #tpu.memory_space<vmem_shared>>) offsets(%dma_start3A_164 : memref<128xi32, #tpu.memory_space<vmem>>) semaphore(%run_scoped3A_161 : memref<!tpu.dma_semaphore, #tpu.memory_space<semaphore_mem>>) {add = true}
        %dma_wait3A_168 = arith.constant 0 : i32
        %dma_wait3A_169 = tpu.memref_slice %arg8[%run_scoped3A_77, %dma_wait3A_168] : memref<8x128xi32, #tpu.memory_space<vmem>> -> memref<1x128xi32, #tpu.memory_space<vmem>>
        %dma_wait3A_170 = tpu.memref_squeeze %dma_wait3A_169 : memref<1x128xi32, #tpu.memory_space<vmem>> -> memref<128xi32, #tpu.memory_space<vmem>>
        %dma_wait3A_171 = arith.constant 0 : i32
        %dma_wait3A_172 = arith.constant 0 : i32
        %dma_wait3A_173 = tpu.memref_slice %arg13[%dma_wait3A_171, %dma_wait3A_172] : memref<10112x128xf32, #tpu.memory_space<vmem_shared>> -> memref<10112x128xf32, #tpu.memory_space<vmem_shared>>
        tpu.wait_indirect_dma semaphore(%run_scoped3A_161 : memref<!tpu.dma_semaphore, #tpu.memory_space<semaphore_mem>>) src(%arg10 : memref<128x128xf32, #tpu.memory_space<vmem>>) dst(%dma_wait3A_173 : memref<10112x128xf32, #tpu.memory_space<vmem_shared>>)
        tpu.yield
      }) : () -> ()
      %dma_start3A_78 = arith.constant 3 : i32
      %dma_start3A_79 = arith.constant 0 : i32
      %dma_start3A_80 = tpu.memref_slice %arg7[%dma_start3A_78, %dma_start3A_79] : memref<8x128xi32, #tpu.memory_space<vmem>> -> memref<1x128xi32, #tpu.memory_space<vmem>>
      %dma_start3A_81 = tpu.memref_squeeze %dma_start3A_80 : memref<1x128xi32, #tpu.memory_space<vmem>> -> memref<128xi32, #tpu.memory_space<vmem>>
      %dma_start3A_82 = arith.constant 0 : i32
      %dma_start3A_83 = arith.constant 0 : i32
      %dma_start3A_84 = tpu.memref_slice %arg2[%dma_start3A_82, %dma_start3A_83] : memref<10000x128xf32, #tpu.memory_space<hbm>> -> memref<10000x128xf32, #tpu.memory_space<hbm>>
      tpu.enqueue_indirect_dma source(%dma_start3A_84 : memref<10000x128xf32, #tpu.memory_space<hbm>>) target(%arg10 : memref<128x128xf32, #tpu.memory_space<vmem>>) offsets(%dma_start3A_81 : memref<128xi32, #tpu.memory_space<vmem>>) semaphore(%arg12 : memref<!tpu.dma_semaphore, #tpu.memory_space<semaphore_mem>>)
      %dma_wait3A_85 = arith.constant 2 : i32
      %dma_wait3A_86 = arith.constant 0 : i32
      %dma_wait3A_87 = tpu.memref_slice %arg7[%dma_wait3A_85, %dma_wait3A_86] : memref<8x128xi32, #tpu.memory_space<vmem>> -> memref<1x128xi32, #tpu.memory_space<vmem>>
      %dma_wait3A_88 = tpu.memref_squeeze %dma_wait3A_87 : memref<1x128xi32, #tpu.memory_space<vmem>> -> memref<128xi32, #tpu.memory_space<vmem>>
      %dma_wait3A_89 = arith.constant 0 : i32
      %dma_wait3A_90 = arith.constant 0 : i32
      %dma_wait3A_91 = tpu.memref_slice %arg2[%dma_wait3A_89, %dma_wait3A_90] : memref<10000x128xf32, #tpu.memory_space<hbm>> -> memref<10000x128xf32, #tpu.memory_space<hbm>>
      tpu.wait_indirect_dma semaphore(%arg11 : memref<!tpu.dma_semaphore, #tpu.memory_space<semaphore_mem>>) src(%dma_wait3A_91 : memref<10000x128xf32, #tpu.memory_space<hbm>>) dst(%arg9 : memref<128x128xf32, #tpu.memory_space<vmem>>)
      %run_scoped3A_92 = arith.constant 2 : i32
      "tpu.region"() ({
        %run_scoped3A_161 = tpu.sem_alloc : memref<!tpu.dma_semaphore, #tpu.memory_space<semaphore_mem>>
        %dma_start3A_162 = arith.constant 0 : i32
        %dma_start3A_163 = tpu.memref_slice %arg8[%run_scoped3A_92, %dma_start3A_162] : memref<8x128xi32, #tpu.memory_space<vmem>> -> memref<1x128xi32, #tpu.memory_space<vmem>>
        %dma_start3A_164 = tpu.memref_squeeze %dma_start3A_163 : memref<1x128xi32, #tpu.memory_space<vmem>> -> memref<128xi32, #tpu.memory_space<vmem>>
        %dma_start3A_165 = arith.constant 0 : i32
        %dma_start3A_166 = arith.constant 0 : i32
        %dma_start3A_167 = tpu.memref_slice %arg13[%dma_start3A_165, %dma_start3A_166] : memref<10112x128xf32, #tpu.memory_space<vmem_shared>> -> memref<10112x128xf32, #tpu.memory_space<vmem_shared>>
        tpu.enqueue_indirect_dma source(%arg9 : memref<128x128xf32, #tpu.memory_space<vmem>>) target(%dma_start3A_167 : memref<10112x128xf32, #tpu.memory_space<vmem_shared>>) offsets(%dma_start3A_164 : memref<128xi32, #tpu.memory_space<vmem>>) semaphore(%run_scoped3A_161 : memref<!tpu.dma_semaphore, #tpu.memory_space<semaphore_mem>>) {add = true}
        %dma_wait3A_168 = arith.constant 0 : i32
        %dma_wait3A_169 = tpu.memref_slice %arg8[%run_scoped3A_92, %dma_wait3A_168] : memref<8x128xi32, #tpu.memory_space<vmem>> -> memref<1x128xi32, #tpu.memory_space<vmem>>
        %dma_wait3A_170 = tpu.memref_squeeze %dma_wait3A_169 : memref<1x128xi32, #tpu.memory_space<vmem>> -> memref<128xi32, #tpu.memory_space<vmem>>
        %dma_wait3A_171 = arith.constant 0 : i32
        %dma_wait3A_172 = arith.constant 0 : i32
        %dma_wait3A_173 = tpu.memref_slice %arg13[%dma_wait3A_171, %dma_wait3A_172] : memref<10112x128xf32, #tpu.memory_space<vmem_shared>> -> memref<10112x128xf32, #tpu.memory_space<vmem_shared>>
        tpu.wait_indirect_dma semaphore(%run_scoped3A_161 : memref<!tpu.dma_semaphore, #tpu.memory_space<semaphore_mem>>) src(%arg9 : memref<128x128xf32, #tpu.memory_space<vmem>>) dst(%dma_wait3A_173 : memref<10112x128xf32, #tpu.memory_space<vmem_shared>>)
        tpu.yield
      }) : () -> ()
      %dma_start3A_93 = arith.constant 4 : i32
      %dma_start3A_94 = arith.constant 0 : i32
      %dma_start3A_95 = tpu.memref_slice %arg7[%dma_start3A_93, %dma_start3A_94] : memref<8x128xi32, #tpu.memory_space<vmem>> -> memref<1x128xi32, #tpu.memory_space<vmem>>
      %dma_start3A_96 = tpu.memref_squeeze %dma_start3A_95 : memref<1x128xi32, #tpu.memory_space<vmem>> -> memref<128xi32, #tpu.memory_space<vmem>>
      %dma_start3A_97 = arith.constant 0 : i32
      %dma_start3A_98 = arith.constant 0 : i32
      %dma_start3A_99 = tpu.memref_slice %arg2[%dma_start3A_97, %dma_start3A_98] : memref<10000x128xf32, #tpu.memory_space<hbm>> -> memref<10000x128xf32, #tpu.memory_space<hbm>>
      tpu.enqueue_indirect_dma source(%dma_start3A_99 : memref<10000x128xf32, #tpu.memory_space<hbm>>) target(%arg9 : memref<128x128xf32, #tpu.memory_space<vmem>>) offsets(%dma_start3A_96 : memref<128xi32, #tpu.memory_space<vmem>>) semaphore(%arg11 : memref<!tpu.dma_semaphore, #tpu.memory_space<semaphore_mem>>)
      %dma_wait3A_100 = arith.constant 3 : i32
      %dma_wait3A_101 = arith.constant 0 : i32
      %dma_wait3A_102 = tpu.memref_slice %arg7[%dma_wait3A_100, %dma_wait3A_101] : memref<8x128xi32, #tpu.memory_space<vmem>> -> memref<1x128xi32, #tpu.memory_space<vmem>>
      %dma_wait3A_103 = tpu.memref_squeeze %dma_wait3A_102 : memref<1x128xi32, #tpu.memory_space<vmem>> -> memref<128xi32, #tpu.memory_space<vmem>>
      %dma_wait3A_104 = arith.constant 0 : i32
      %dma_wait3A_105 = arith.constant 0 : i32
      %dma_wait3A_106 = tpu.memref_slice %arg2[%dma_wait3A_104, %dma_wait3A_105] : memref<10000x128xf32, #tpu.memory_space<hbm>> -> memref<10000x128xf32, #tpu.memory_space<hbm>>
      tpu.wait_indirect_dma semaphore(%arg12 : memref<!tpu.dma_semaphore, #tpu.memory_space<semaphore_mem>>) src(%dma_wait3A_106 : memref<10000x128xf32, #tpu.memory_space<hbm>>) dst(%arg10 : memref<128x128xf32, #tpu.memory_space<vmem>>)
      %run_scoped3A_107 = arith.constant 3 : i32
      "tpu.region"() ({
        %run_scoped3A_161 = tpu.sem_alloc : memref<!tpu.dma_semaphore, #tpu.memory_space<semaphore_mem>>
        %dma_start3A_162 = arith.constant 0 : i32
        %dma_start3A_163 = tpu.memref_slice %arg8[%run_scoped3A_107, %dma_start3A_162] : memref<8x128xi32, #tpu.memory_space<vmem>> -> memref<1x128xi32, #tpu.memory_space<vmem>>
        %dma_start3A_164 = tpu.memref_squeeze %dma_start3A_163 : memref<1x128xi32, #tpu.memory_space<vmem>> -> memref<128xi32, #tpu.memory_space<vmem>>
        %dma_start3A_165 = arith.constant 0 : i32
        %dma_start3A_166 = arith.constant 0 : i32
        %dma_start3A_167 = tpu.memref_slice %arg13[%dma_start3A_165, %dma_start3A_166] : memref<10112x128xf32, #tpu.memory_space<vmem_shared>> -> memref<10112x128xf32, #tpu.memory_space<vmem_shared>>
        tpu.enqueue_indirect_dma source(%arg10 : memref<128x128xf32, #tpu.memory_space<vmem>>) target(%dma_start3A_167 : memref<10112x128xf32, #tpu.memory_space<vmem_shared>>) offsets(%dma_start3A_164 : memref<128xi32, #tpu.memory_space<vmem>>) semaphore(%run_scoped3A_161 : memref<!tpu.dma_semaphore, #tpu.memory_space<semaphore_mem>>) {add = true}
        %dma_wait3A_168 = arith.constant 0 : i32
        %dma_wait3A_169 = tpu.memref_slice %arg8[%run_scoped3A_107, %dma_wait3A_168] : memref<8x128xi32, #tpu.memory_space<vmem>> -> memref<1x128xi32, #tpu.memory_space<vmem>>
        %dma_wait3A_170 = tpu.memref_squeeze %dma_wait3A_169 : memref<1x128xi32, #tpu.memory_space<vmem>> -> memref<128xi32, #tpu.memory_space<vmem>>
        %dma_wait3A_171 = arith.constant 0 : i32
        %dma_wait3A_172 = arith.constant 0 : i32
        %dma_wait3A_173 = tpu.memref_slice %arg13[%dma_wait3A_171, %dma_wait3A_172] : memref<10112x128xf32, #tpu.memory_space<vmem_shared>> -> memref<10112x128xf32, #tpu.memory_space<vmem_shared>>
        tpu.wait_indirect_dma semaphore(%run_scoped3A_161 : memref<!tpu.dma_semaphore, #tpu.memory_space<semaphore_mem>>) src(%arg10 : memref<128x128xf32, #tpu.memory_space<vmem>>) dst(%dma_wait3A_173 : memref<10112x128xf32, #tpu.memory_space<vmem_shared>>)
        tpu.yield
      }) : () -> ()
      %dma_start3A_108 = arith.constant 5 : i32
      %dma_start3A_109 = arith.constant 0 : i32
      %dma_start3A_110 = tpu.memref_slice %arg7[%dma_start3A_108, %dma_start3A_109] : memref<8x128xi32, #tpu.memory_space<vmem>> -> memref<1x128xi32, #tpu.memory_space<vmem>>
      %dma_start3A_111 = tpu.memref_squeeze %dma_start3A_110 : memref<1x128xi32, #tpu.memory_space<vmem>> -> memref<128xi32, #tpu.memory_space<vmem>>
      %dma_start3A_112 = arith.constant 0 : i32
      %dma_start3A_113 = arith.constant 0 : i32
      %dma_start3A_114 = tpu.memref_slice %arg2[%dma_start3A_112, %dma_start3A_113] : memref<10000x128xf32, #tpu.memory_space<hbm>> -> memref<10000x128xf32, #tpu.memory_space<hbm>>
      tpu.enqueue_indirect_dma source(%dma_start3A_114 : memref<10000x128xf32, #tpu.memory_space<hbm>>) target(%arg10 : memref<128x128xf32, #tpu.memory_space<vmem>>) offsets(%dma_start3A_111 : memref<128xi32, #tpu.memory_space<vmem>>) semaphore(%arg12 : memref<!tpu.dma_semaphore, #tpu.memory_space<semaphore_mem>>)
      %dma_wait3A_115 = arith.constant 4 : i32
      %dma_wait3A_116 = arith.constant 0 : i32
      %dma_wait3A_117 = tpu.memref_slice %arg7[%dma_wait3A_115, %dma_wait3A_116] : memref<8x128xi32, #tpu.memory_space<vmem>> -> memref<1x128xi32, #tpu.memory_space<vmem>>
      %dma_wait3A_118 = tpu.memref_squeeze %dma_wait3A_117 : memref<1x128xi32, #tpu.memory_space<vmem>> -> memref<128xi32, #tpu.memory_space<vmem>>
      %dma_wait3A_119 = arith.constant 0 : i32
      %dma_wait3A_120 = arith.constant 0 : i32
      %dma_wait3A_121 = tpu.memref_slice %arg2[%dma_wait3A_119, %dma_wait3A_120] : memref<10000x128xf32, #tpu.memory_space<hbm>> -> memref<10000x128xf32, #tpu.memory_space<hbm>>
      tpu.wait_indirect_dma semaphore(%arg11 : memref<!tpu.dma_semaphore, #tpu.memory_space<semaphore_mem>>) src(%dma_wait3A_121 : memref<10000x128xf32, #tpu.memory_space<hbm>>) dst(%arg9 : memref<128x128xf32, #tpu.memory_space<vmem>>)
      %run_scoped3A_122 = arith.constant 4 : i32
      "tpu.region"() ({
        %run_scoped3A_161 = tpu.sem_alloc : memref<!tpu.dma_semaphore, #tpu.memory_space<semaphore_mem>>
        %dma_start3A_162 = arith.constant 0 : i32
        %dma_start3A_163 = tpu.memref_slice %arg8[%run_scoped3A_122, %dma_start3A_162] : memref<8x128xi32, #tpu.memory_space<vmem>> -> memref<1x128xi32, #tpu.memory_space<vmem>>
        %dma_start3A_164 = tpu.memref_squeeze %dma_start3A_163 : memref<1x128xi32, #tpu.memory_space<vmem>> -> memref<128xi32, #tpu.memory_space<vmem>>
        %dma_start3A_165 = arith.constant 0 : i32
        %dma_start3A_166 = arith.constant 0 : i32
        %dma_start3A_167 = tpu.memref_slice %arg13[%dma_start3A_165, %dma_start3A_166] : memref<10112x128xf32, #tpu.memory_space<vmem_shared>> -> memref<10112x128xf32, #tpu.memory_space<vmem_shared>>
        tpu.enqueue_indirect_dma source(%arg9 : memref<128x128xf32, #tpu.memory_space<vmem>>) target(%dma_start3A_167 : memref<10112x128xf32, #tpu.memory_space<vmem_shared>>) offsets(%dma_start3A_164 : memref<128xi32, #tpu.memory_space<vmem>>) semaphore(%run_scoped3A_161 : memref<!tpu.dma_semaphore, #tpu.memory_space<semaphore_mem>>) {add = true}
        %dma_wait3A_168 = arith.constant 0 : i32
        %dma_wait3A_169 = tpu.memref_slice %arg8[%run_scoped3A_122, %dma_wait3A_168] : memref<8x128xi32, #tpu.memory_space<vmem>> -> memref<1x128xi32, #tpu.memory_space<vmem>>
        %dma_wait3A_170 = tpu.memref_squeeze %dma_wait3A_169 : memref<1x128xi32, #tpu.memory_space<vmem>> -> memref<128xi32, #tpu.memory_space<vmem>>
        %dma_wait3A_171 = arith.constant 0 : i32
        %dma_wait3A_172 = arith.constant 0 : i32
        %dma_wait3A_173 = tpu.memref_slice %arg13[%dma_wait3A_171, %dma_wait3A_172] : memref<10112x128xf32, #tpu.memory_space<vmem_shared>> -> memref<10112x128xf32, #tpu.memory_space<vmem_shared>>
        tpu.wait_indirect_dma semaphore(%run_scoped3A_161 : memref<!tpu.dma_semaphore, #tpu.memory_space<semaphore_mem>>) src(%arg9 : memref<128x128xf32, #tpu.memory_space<vmem>>) dst(%dma_wait3A_173 : memref<10112x128xf32, #tpu.memory_space<vmem_shared>>)
        tpu.yield
      }) : () -> ()
      %dma_start3A_123 = arith.constant 6 : i32
      %dma_start3A_124 = arith.constant 0 : i32
      %dma_start3A_125 = tpu.memref_slice %arg7[%dma_start3A_123, %dma_start3A_124] : memref<8x128xi32, #tpu.memory_space<vmem>> -> memref<1x128xi32, #tpu.memory_space<vmem>>
      %dma_start3A_126 = tpu.memref_squeeze %dma_start3A_125 : memref<1x128xi32, #tpu.memory_space<vmem>> -> memref<128xi32, #tpu.memory_space<vmem>>
      %dma_start3A_127 = arith.constant 0 : i32
      %dma_start3A_128 = arith.constant 0 : i32
      %dma_start3A_129 = tpu.memref_slice %arg2[%dma_start3A_127, %dma_start3A_128] : memref<10000x128xf32, #tpu.memory_space<hbm>> -> memref<10000x128xf32, #tpu.memory_space<hbm>>
      tpu.enqueue_indirect_dma source(%dma_start3A_129 : memref<10000x128xf32, #tpu.memory_space<hbm>>) target(%arg9 : memref<128x128xf32, #tpu.memory_space<vmem>>) offsets(%dma_start3A_126 : memref<128xi32, #tpu.memory_space<vmem>>) semaphore(%arg11 : memref<!tpu.dma_semaphore, #tpu.memory_space<semaphore_mem>>)
      %dma_wait3A_130 = arith.constant 5 : i32
      %dma_wait3A_131 = arith.constant 0 : i32
      %dma_wait3A_132 = tpu.memref_slice %arg7[%dma_wait3A_130, %dma_wait3A_131] : memref<8x128xi32, #tpu.memory_space<vmem>> -> memref<1x128xi32, #tpu.memory_space<vmem>>
      %dma_wait3A_133 = tpu.memref_squeeze %dma_wait3A_132 : memref<1x128xi32, #tpu.memory_space<vmem>> -> memref<128xi32, #tpu.memory_space<vmem>>
      %dma_wait3A_134 = arith.constant 0 : i32
      %dma_wait3A_135 = arith.constant 0 : i32
      %dma_wait3A_136 = tpu.memref_slice %arg2[%dma_wait3A_134, %dma_wait3A_135] : memref<10000x128xf32, #tpu.memory_space<hbm>> -> memref<10000x128xf32, #tpu.memory_space<hbm>>
      tpu.wait_indirect_dma semaphore(%arg12 : memref<!tpu.dma_semaphore, #tpu.memory_space<semaphore_mem>>) src(%dma_wait3A_136 : memref<10000x128xf32, #tpu.memory_space<hbm>>) dst(%arg10 : memref<128x128xf32, #tpu.memory_space<vmem>>)
      %run_scoped3A_137 = arith.constant 5 : i32
      "tpu.region"() ({
        %run_scoped3A_161 = tpu.sem_alloc : memref<!tpu.dma_semaphore, #tpu.memory_space<semaphore_mem>>
        %dma_start3A_162 = arith.constant 0 : i32
        %dma_start3A_163 = tpu.memref_slice %arg8[%run_scoped3A_137, %dma_start3A_162] : memref<8x128xi32, #tpu.memory_space<vmem>> -> memref<1x128xi32, #tpu.memory_space<vmem>>
        %dma_start3A_164 = tpu.memref_squeeze %dma_start3A_163 : memref<1x128xi32, #tpu.memory_space<vmem>> -> memref<128xi32, #tpu.memory_space<vmem>>
        %dma_start3A_165 = arith.constant 0 : i32
        %dma_start3A_166 = arith.constant 0 : i32
        %dma_start3A_167 = tpu.memref_slice %arg13[%dma_start3A_165, %dma_start3A_166] : memref<10112x128xf32, #tpu.memory_space<vmem_shared>> -> memref<10112x128xf32, #tpu.memory_space<vmem_shared>>
        tpu.enqueue_indirect_dma source(%arg10 : memref<128x128xf32, #tpu.memory_space<vmem>>) target(%dma_start3A_167 : memref<10112x128xf32, #tpu.memory_space<vmem_shared>>) offsets(%dma_start3A_164 : memref<128xi32, #tpu.memory_space<vmem>>) semaphore(%run_scoped3A_161 : memref<!tpu.dma_semaphore, #tpu.memory_space<semaphore_mem>>) {add = true}
        %dma_wait3A_168 = arith.constant 0 : i32
        %dma_wait3A_169 = tpu.memref_slice %arg8[%run_scoped3A_137, %dma_wait3A_168] : memref<8x128xi32, #tpu.memory_space<vmem>> -> memref<1x128xi32, #tpu.memory_space<vmem>>
        %dma_wait3A_170 = tpu.memref_squeeze %dma_wait3A_169 : memref<1x128xi32, #tpu.memory_space<vmem>> -> memref<128xi32, #tpu.memory_space<vmem>>
        %dma_wait3A_171 = arith.constant 0 : i32
        %dma_wait3A_172 = arith.constant 0 : i32
        %dma_wait3A_173 = tpu.memref_slice %arg13[%dma_wait3A_171, %dma_wait3A_172] : memref<10112x128xf32, #tpu.memory_space<vmem_shared>> -> memref<10112x128xf32, #tpu.memory_space<vmem_shared>>
        tpu.wait_indirect_dma semaphore(%run_scoped3A_161 : memref<!tpu.dma_semaphore, #tpu.memory_space<semaphore_mem>>) src(%arg10 : memref<128x128xf32, #tpu.memory_space<vmem>>) dst(%dma_wait3A_173 : memref<10112x128xf32, #tpu.memory_space<vmem_shared>>)
        tpu.yield
      }) : () -> ()
      %dma_start3A_138 = arith.constant 7 : i32
      %dma_start3A_139 = arith.constant 0 : i32
      %dma_start3A_140 = tpu.memref_slice %arg7[%dma_start3A_138, %dma_start3A_139] : memref<8x128xi32, #tpu.memory_space<vmem>> -> memref<1x128xi32, #tpu.memory_space<vmem>>
      %dma_start3A_141 = tpu.memref_squeeze %dma_start3A_140 : memref<1x128xi32, #tpu.memory_space<vmem>> -> memref<128xi32, #tpu.memory_space<vmem>>
      %dma_start3A_142 = arith.constant 0 : i32
      %dma_start3A_143 = arith.constant 0 : i32
      %dma_start3A_144 = tpu.memref_slice %arg2[%dma_start3A_142, %dma_start3A_143] : memref<10000x128xf32, #tpu.memory_space<hbm>> -> memref<10000x128xf32, #tpu.memory_space<hbm>>
      tpu.enqueue_indirect_dma source(%dma_start3A_144 : memref<10000x128xf32, #tpu.memory_space<hbm>>) target(%arg10 : memref<128x128xf32, #tpu.memory_space<vmem>>) offsets(%dma_start3A_141 : memref<128xi32, #tpu.memory_space<vmem>>) semaphore(%arg12 : memref<!tpu.dma_semaphore, #tpu.memory_space<semaphore_mem>>)
      %dma_wait3A_145 = arith.constant 6 : i32
      %dma_wait3A_146 = arith.constant 0 : i32
      %dma_wait3A_147 = tpu.memref_slice %arg7[%dma_wait3A_145, %dma_wait3A_146] : memref<8x128xi32, #tpu.memory_space<vmem>> -> memref<1x128xi32, #tpu.memory_space<vmem>>
      %dma_wait3A_148 = tpu.memref_squeeze %dma_wait3A_147 : memref<1x128xi32, #tpu.memory_space<vmem>> -> memref<128xi32, #tpu.memory_space<vmem>>
      %dma_wait3A_149 = arith.constant 0 : i32
      %dma_wait3A_150 = arith.constant 0 : i32
      %dma_wait3A_151 = tpu.memref_slice %arg2[%dma_wait3A_149, %dma_wait3A_150] : memref<10000x128xf32, #tpu.memory_space<hbm>> -> memref<10000x128xf32, #tpu.memory_space<hbm>>
      tpu.wait_indirect_dma semaphore(%arg11 : memref<!tpu.dma_semaphore, #tpu.memory_space<semaphore_mem>>) src(%dma_wait3A_151 : memref<10000x128xf32, #tpu.memory_space<hbm>>) dst(%arg9 : memref<128x128xf32, #tpu.memory_space<vmem>>)
      %run_scoped3A_152 = arith.constant 6 : i32
      "tpu.region"() ({
        %run_scoped3A_161 = tpu.sem_alloc : memref<!tpu.dma_semaphore, #tpu.memory_space<semaphore_mem>>
        %dma_start3A_162 = arith.constant 0 : i32
        %dma_start3A_163 = tpu.memref_slice %arg8[%run_scoped3A_152, %dma_start3A_162] : memref<8x128xi32, #tpu.memory_space<vmem>> -> memref<1x128xi32, #tpu.memory_space<vmem>>
        %dma_start3A_164 = tpu.memref_squeeze %dma_start3A_163 : memref<1x128xi32, #tpu.memory_space<vmem>> -> memref<128xi32, #tpu.memory_space<vmem>>
        %dma_start3A_165 = arith.constant 0 : i32
        %dma_start3A_166 = arith.constant 0 : i32
        %dma_start3A_167 = tpu.memref_slice %arg13[%dma_start3A_165, %dma_start3A_166] : memref<10112x128xf32, #tpu.memory_space<vmem_shared>> -> memref<10112x128xf32, #tpu.memory_space<vmem_shared>>
        tpu.enqueue_indirect_dma source(%arg9 : memref<128x128xf32, #tpu.memory_space<vmem>>) target(%dma_start3A_167 : memref<10112x128xf32, #tpu.memory_space<vmem_shared>>) offsets(%dma_start3A_164 : memref<128xi32, #tpu.memory_space<vmem>>) semaphore(%run_scoped3A_161 : memref<!tpu.dma_semaphore, #tpu.memory_space<semaphore_mem>>) {add = true}
        %dma_wait3A_168 = arith.constant 0 : i32
        %dma_wait3A_169 = tpu.memref_slice %arg8[%run_scoped3A_152, %dma_wait3A_168] : memref<8x128xi32, #tpu.memory_space<vmem>> -> memref<1x128xi32, #tpu.memory_space<vmem>>
        %dma_wait3A_170 = tpu.memref_squeeze %dma_wait3A_169 : memref<1x128xi32, #tpu.memory_space<vmem>> -> memref<128xi32, #tpu.memory_space<vmem>>
        %dma_wait3A_171 = arith.constant 0 : i32
        %dma_wait3A_172 = arith.constant 0 : i32
        %dma_wait3A_173 = tpu.memref_slice %arg13[%dma_wait3A_171, %dma_wait3A_172] : memref<10112x128xf32, #tpu.memory_space<vmem_shared>> -> memref<10112x128xf32, #tpu.memory_space<vmem_shared>>
        tpu.wait_indirect_dma semaphore(%run_scoped3A_161 : memref<!tpu.dma_semaphore, #tpu.memory_space<semaphore_mem>>) src(%arg9 : memref<128x128xf32, #tpu.memory_space<vmem>>) dst(%dma_wait3A_173 : memref<10112x128xf32, #tpu.memory_space<vmem_shared>>)
        tpu.yield
      }) : () -> ()
      %dma_wait3A_153 = arith.constant 7 : i32
      %dma_wait3A_154 = arith.constant 0 : i32
      %dma_wait3A_155 = tpu.memref_slice %arg7[%dma_wait3A_153, %dma_wait3A_154] : memref<8x128xi32, #tpu.memory_space<vmem>> -> memref<1x128xi32, #tpu.memory_space<vmem>>
      %dma_wait3A_156 = tpu.memref_squeeze %dma_wait3A_155 : memref<1x128xi32, #tpu.memory_space<vmem>> -> memref<128xi32, #tpu.memory_space<vmem>>
      %dma_wait3A_157 = arith.constant 0 : i32
      %dma_wait3A_158 = arith.constant 0 : i32
      %dma_wait3A_159 = tpu.memref_slice %arg2[%dma_wait3A_157, %dma_wait3A_158] : memref<10000x128xf32, #tpu.memory_space<hbm>> -> memref<10000x128xf32, #tpu.memory_space<hbm>>
      tpu.wait_indirect_dma semaphore(%arg12 : memref<!tpu.dma_semaphore, #tpu.memory_space<semaphore_mem>>) src(%dma_wait3A_159 : memref<10000x128xf32, #tpu.memory_space<hbm>>) dst(%arg10 : memref<128x128xf32, #tpu.memory_space<vmem>>)
      %run_scoped3A_160 = arith.constant 7 : i32
      "tpu.region"() ({
        %run_scoped3A_161 = tpu.sem_alloc : memref<!tpu.dma_semaphore, #tpu.memory_space<semaphore_mem>>
        %dma_start3A_162 = arith.constant 0 : i32
        %dma_start3A_163 = tpu.memref_slice %arg8[%run_scoped3A_160, %dma_start3A_162] : memref<8x128xi32, #tpu.memory_space<vmem>> -> memref<1x128xi32, #tpu.memory_space<vmem>>
        %dma_start3A_164 = tpu.memref_squeeze %dma_start3A_163 : memref<1x128xi32, #tpu.memory_space<vmem>> -> memref<128xi32, #tpu.memory_space<vmem>>
        %dma_start3A_165 = arith.constant 0 : i32
        %dma_start3A_166 = arith.constant 0 : i32
        %dma_start3A_167 = tpu.memref_slice %arg13[%dma_start3A_165, %dma_start3A_166] : memref<10112x128xf32, #tpu.memory_space<vmem_shared>> -> memref<10112x128xf32, #tpu.memory_space<vmem_shared>>
        tpu.enqueue_indirect_dma source(%arg10 : memref<128x128xf32, #tpu.memory_space<vmem>>) target(%dma_start3A_167 : memref<10112x128xf32, #tpu.memory_space<vmem_shared>>) offsets(%dma_start3A_164 : memref<128xi32, #tpu.memory_space<vmem>>) semaphore(%run_scoped3A_161 : memref<!tpu.dma_semaphore, #tpu.memory_space<semaphore_mem>>) {add = true}
        %dma_wait3A_168 = arith.constant 0 : i32
        %dma_wait3A_169 = tpu.memref_slice %arg8[%run_scoped3A_160, %dma_wait3A_168] : memref<8x128xi32, #tpu.memory_space<vmem>> -> memref<1x128xi32, #tpu.memory_space<vmem>>
        %dma_wait3A_170 = tpu.memref_squeeze %dma_wait3A_169 : memref<1x128xi32, #tpu.memory_space<vmem>> -> memref<128xi32, #tpu.memory_space<vmem>>
        %dma_wait3A_171 = arith.constant 0 : i32
        %dma_wait3A_172 = arith.constant 0 : i32
        %dma_wait3A_173 = tpu.memref_slice %arg13[%dma_wait3A_171, %dma_wait3A_172] : memref<10112x128xf32, #tpu.memory_space<vmem_shared>> -> memref<10112x128xf32, #tpu.memory_space<vmem_shared>>
        tpu.wait_indirect_dma semaphore(%run_scoped3A_161 : memref<!tpu.dma_semaphore, #tpu.memory_space<semaphore_mem>>) src(%arg10 : memref<128x128xf32, #tpu.memory_space<vmem>>) dst(%dma_wait3A_173 : memref<10112x128xf32, #tpu.memory_space<vmem_shared>>)
        tpu.yield
      }) : () -> ()
    }
    %scan3A_17 = arith.constant 10 : i32
    %barrier3A_18 = arith.constant 0 : index
    tpu.barrier barrier_id(%barrier3A_18)
    %add3A_19 = arith.constant 0 : i32
    %add3A_20 = arith.addi %mul3A_2, %add3A_19 : i32
    "tpu.region"() ({
      %run_scoped3A = tpu.sem_alloc : memref<!tpu.dma_semaphore, #tpu.memory_space<semaphore_mem>>
      %dma_start3A = arith.constant 0 : i32
      %dma_start3A_39 = arith.constant 0 : i32
      %dma_start3A_40 = tpu.memref_slice %arg9[%dma_start3A, %dma_start3A_39] : memref<128x128xf32, #tpu.memory_space<vmem>> -> memref<128x128xf32, #tpu.memory_space<vmem>>
      %dma_start3A_41 = arith.constant 0 : i32
      %dma_start3A_42 = tpu.memref_slice %arg13[%add3A_20, %dma_start3A_41] : memref<10112x128xf32, #tpu.memory_space<vmem_shared>> -> memref<128x128xf32, #tpu.memory_space<vmem_shared>>
      %dma_start3A_43 = arith.constant 0 : i32
      %dma_start3A_44 = arith.constant 0 : i32
      %dma_start3A_45 = tpu.memref_slice %arg9[%dma_start3A_43, %dma_start3A_44] : memref<128x128xf32, #tpu.memory_space<vmem>> -> memref<128x128xf32, #tpu.memory_space<vmem>>
      %dma_start3A_46 = arith.constant 0 : i32
      %dma_start3A_47 = tpu.memref_slice %arg13[%add3A_20, %dma_start3A_46] : memref<10112x128xf32, #tpu.memory_space<vmem_shared>> -> memref<128x128xf32, #tpu.memory_space<vmem_shared>>
      tpu.enqueue_dma source(%dma_start3A_47 : memref<128x128xf32, #tpu.memory_space<vmem_shared>>) target(%dma_start3A_45 : memref<128x128xf32, #tpu.memory_space<vmem>>) target_semaphore(%run_scoped3A : memref<!tpu.dma_semaphore, #tpu.memory_space<semaphore_mem>>)
      %dma_wait3A = arith.constant 0 : i32
      %dma_wait3A_48 = arith.constant 0 : i32
      %dma_wait3A_49 = tpu.memref_slice %arg9[%dma_wait3A, %dma_wait3A_48] : memref<128x128xf32, #tpu.memory_space<vmem>> -> memref<128x128xf32, #tpu.memory_space<vmem>>
      %dma_wait3A_50 = arith.constant 0 : i32
      %dma_wait3A_51 = tpu.memref_slice %arg13[%add3A_20, %dma_wait3A_50] : memref<10112x128xf32, #tpu.memory_space<vmem_shared>> -> memref<128x128xf32, #tpu.memory_space<vmem_shared>>
      %dma_wait3A_52 = arith.constant 0 : i32
      %dma_wait3A_53 = arith.constant 0 : i32
      %dma_wait3A_54 = tpu.memref_slice %arg9[%dma_wait3A_52, %dma_wait3A_53] : memref<128x128xf32, #tpu.memory_space<vmem>> -> memref<128x128xf32, #tpu.memory_space<vmem>>
      %dma_wait3A_55 = arith.constant 0 : i32
      %dma_wait3A_56 = tpu.memref_slice %arg13[%add3A_20, %dma_wait3A_55] : memref<10112x128xf32, #tpu.memory_space<vmem_shared>> -> memref<128x128xf32, #tpu.memory_space<vmem_shared>>
      tpu.wait_dma2 semaphore(%run_scoped3A : memref<!tpu.dma_semaphore, #tpu.memory_space<semaphore_mem>>) src(%dma_wait3A_56 : memref<128x128xf32, #tpu.memory_space<vmem_shared>>) dst(%dma_wait3A_54 : memref<128x128xf32, #tpu.memory_space<vmem>>)
      tpu.yield
    }) : () -> ()
    %add3A_21 = arith.constant 0 : i32
    %add3A_22 = arith.addi %mul3A_2, %add3A_21 : i32
    "tpu.region"() ({
      %run_scoped3A = tpu.sem_alloc : memref<!tpu.dma_semaphore, #tpu.memory_space<semaphore_mem>>
      %dma_start3A = arith.constant 0 : i32
      %dma_start3A_39 = arith.constant 0 : i32
      %dma_start3A_40 = tpu.memref_slice %arg9[%dma_start3A, %dma_start3A_39] : memref<128x128xf32, #tpu.memory_space<vmem>> -> memref<128x128xf32, #tpu.memory_space<vmem>>
      %dma_start3A_41 = arith.constant 0 : i32
      %dma_start3A_42 = tpu.memref_slice %arg6[%arg0, %add3A_22, %dma_start3A_41] : memref<2x10112x128xf32, #tpu.memory_space<hbm>> -> memref<1x128x128xf32, #tpu.memory_space<hbm>>
      %dma_start3A_43 = tpu.memref_squeeze %dma_start3A_42 : memref<1x128x128xf32, #tpu.memory_space<hbm>> -> memref<128x128xf32, #tpu.memory_space<hbm>>
      %dma_start3A_44 = arith.constant 0 : i32
      %dma_start3A_45 = tpu.memref_slice %arg6[%arg0, %add3A_22, %dma_start3A_44] : memref<2x10112x128xf32, #tpu.memory_space<hbm>> -> memref<1x128x128xf32, #tpu.memory_space<hbm>>
      %dma_start3A_46 = tpu.memref_squeeze %dma_start3A_45 : memref<1x128x128xf32, #tpu.memory_space<hbm>> -> memref<128x128xf32, #tpu.memory_space<hbm>>
      %dma_start3A_47 = arith.constant 0 : i32
      %dma_start3A_48 = arith.constant 0 : i32
      %dma_start3A_49 = tpu.memref_slice %arg9[%dma_start3A_47, %dma_start3A_48] : memref<128x128xf32, #tpu.memory_space<vmem>> -> memref<128x128xf32, #tpu.memory_space<vmem>>
      tpu.enqueue_dma source(%dma_start3A_49 : memref<128x128xf32, #tpu.memory_space<vmem>>) target(%dma_start3A_46 : memref<128x128xf32, #tpu.memory_space<hbm>>) target_semaphore(%run_scoped3A : memref<!tpu.dma_semaphore, #tpu.memory_space<semaphore_mem>>)
      %dma_wait3A = arith.constant 0 : i32
      %dma_wait3A_50 = arith.constant 0 : i32
      %dma_wait3A_51 = tpu.memref_slice %arg9[%dma_wait3A, %dma_wait3A_50] : memref<128x128xf32, #tpu.memory_space<vmem>> -> memref<128x128xf32, #tpu.memory_space<vmem>>
      %dma_wait3A_52 = arith.constant 0 : i32
      %dma_wait3A_53 = tpu.memref_slice %arg6[%arg0, %add3A_22, %dma_wait3A_52] : memref<2x10112x128xf32, #tpu.memory_space<hbm>> -> memref<1x128x128xf32, #tpu.memory_space<hbm>>
      %dma_wait3A_54 = tpu.memref_squeeze %dma_wait3A_53 : memref<1x128x128xf32, #tpu.memory_space<hbm>> -> memref<128x128xf32, #tpu.memory_space<hbm>>
      %dma_wait3A_55 = arith.constant 0 : i32
      %dma_wait3A_56 = tpu.memref_slice %arg6[%arg0, %add3A_22, %dma_wait3A_55] : memref<2x10112x128xf32, #tpu.memory_space<hbm>> -> memref<1x128x128xf32, #tpu.memory_space<hbm>>
      %dma_wait3A_57 = tpu.memref_squeeze %dma_wait3A_56 : memref<1x128x128xf32, #tpu.memory_space<hbm>> -> memref<128x128xf32, #tpu.memory_space<hbm>>
      %dma_wait3A_58 = arith.constant 0 : i32
      %dma_wait3A_59 = arith.constant 0 : i32
      %dma_wait3A_60 = tpu.memref_slice %arg9[%dma_wait3A_58, %dma_wait3A_59] : memref<128x128xf32, #tpu.memory_space<vmem>> -> memref<128x128xf32, #tpu.memory_space<vmem>>
      tpu.wait_dma2 semaphore(%run_scoped3A : memref<!tpu.dma_semaphore, #tpu.memory_space<semaphore_mem>>) src(%dma_wait3A_60 : memref<128x128xf32, #tpu.memory_space<vmem>>) dst(%dma_wait3A_57 : memref<128x128xf32, #tpu.memory_space<hbm>>)
      tpu.yield
    }) : () -> ()
    %add3A_23 = arith.constant 128 : i32
    %add3A_24 = arith.addi %mul3A_2, %add3A_23 : i32
    "tpu.region"() ({
      %run_scoped3A = tpu.sem_alloc : memref<!tpu.dma_semaphore, #tpu.memory_space<semaphore_mem>>
      %dma_start3A = arith.constant 0 : i32
      %dma_start3A_39 = arith.constant 0 : i32
      %dma_start3A_40 = tpu.memref_slice %arg9[%dma_start3A, %dma_start3A_39] : memref<128x128xf32, #tpu.memory_space<vmem>> -> memref<128x128xf32, #tpu.memory_space<vmem>>
      %dma_start3A_41 = arith.constant 0 : i32
      %dma_start3A_42 = tpu.memref_slice %arg13[%add3A_24, %dma_start3A_41] : memref<10112x128xf32, #tpu.memory_space<vmem_shared>> -> memref<128x128xf32, #tpu.memory_space<vmem_shared>>
      %dma_start3A_43 = arith.constant 0 : i32
      %dma_start3A_44 = arith.constant 0 : i32
      %dma_start3A_45 = tpu.memref_slice %arg9[%dma_start3A_43, %dma_start3A_44] : memref<128x128xf32, #tpu.memory_space<vmem>> -> memref<128x128xf32, #tpu.memory_space<vmem>>
      %dma_start3A_46 = arith.constant 0 : i32
      %dma_start3A_47 = tpu.memref_slice %arg13[%add3A_24, %dma_start3A_46] : memref<10112x128xf32, #tpu.memory_space<vmem_shared>> -> memref<128x128xf32, #tpu.memory_space<vmem_shared>>
      tpu.enqueue_dma source(%dma_start3A_47 : memref<128x128xf32, #tpu.memory_space<vmem_shared>>) target(%dma_start3A_45 : memref<128x128xf32, #tpu.memory_space<vmem>>) target_semaphore(%run_scoped3A : memref<!tpu.dma_semaphore, #tpu.memory_space<semaphore_mem>>)
      %dma_wait3A = arith.constant 0 : i32
      %dma_wait3A_48 = arith.constant 0 : i32
      %dma_wait3A_49 = tpu.memref_slice %arg9[%dma_wait3A, %dma_wait3A_48] : memref<128x128xf32, #tpu.memory_space<vmem>> -> memref<128x128xf32, #tpu.memory_space<vmem>>
      %dma_wait3A_50 = arith.constant 0 : i32
      %dma_wait3A_51 = tpu.memref_slice %arg13[%add3A_24, %dma_wait3A_50] : memref<10112x128xf32, #tpu.memory_space<vmem_shared>> -> memref<128x128xf32, #tpu.memory_space<vmem_shared>>
      %dma_wait3A_52 = arith.constant 0 : i32
      %dma_wait3A_53 = arith.constant 0 : i32
      %dma_wait3A_54 = tpu.memref_slice %arg9[%dma_wait3A_52, %dma_wait3A_53] : memref<128x128xf32, #tpu.memory_space<vmem>> -> memref<128x128xf32, #tpu.memory_space<vmem>>
      %dma_wait3A_55 = arith.constant 0 : i32
      %dma_wait3A_56 = tpu.memref_slice %arg13[%add3A_24, %dma_wait3A_55] : memref<10112x128xf32, #tpu.memory_space<vmem_shared>> -> memref<128x128xf32, #tpu.memory_space<vmem_shared>>
      tpu.wait_dma2 semaphore(%run_scoped3A : memref<!tpu.dma_semaphore, #tpu.memory_space<semaphore_mem>>) src(%dma_wait3A_56 : memref<128x128xf32, #tpu.memory_space<vmem_shared>>) dst(%dma_wait3A_54 : memref<128x128xf32, #tpu.memory_space<vmem>>)
      tpu.yield
    }) : () -> ()
    %add3A_25 = arith.constant 128 : i32
    %add3A_26 = arith.addi %mul3A_2, %add3A_25 : i32
    "tpu.region"() ({
      %run_scoped3A = tpu.sem_alloc : memref<!tpu.dma_semaphore, #tpu.memory_space<semaphore_mem>>
      %dma_start3A = arith.constant 0 : i32
      %dma_start3A_39 = arith.constant 0 : i32
      %dma_start3A_40 = tpu.memref_slice %arg9[%dma_start3A, %dma_start3A_39] : memref<128x128xf32, #tpu.memory_space<vmem>> -> memref<128x128xf32, #tpu.memory_space<vmem>>
      %dma_start3A_41 = arith.constant 0 : i32
      %dma_start3A_42 = tpu.memref_slice %arg6[%arg0, %add3A_26, %dma_start3A_41] : memref<2x10112x128xf32, #tpu.memory_space<hbm>> -> memref<1x128x128xf32, #tpu.memory_space<hbm>>
      %dma_start3A_43 = tpu.memref_squeeze %dma_start3A_42 : memref<1x128x128xf32, #tpu.memory_space<hbm>> -> memref<128x128xf32, #tpu.memory_space<hbm>>
      %dma_start3A_44 = arith.constant 0 : i32
      %dma_start3A_45 = tpu.memref_slice %arg6[%arg0, %add3A_26, %dma_start3A_44] : memref<2x10112x128xf32, #tpu.memory_space<hbm>> -> memref<1x128x128xf32, #tpu.memory_space<hbm>>
      %dma_start3A_46 = tpu.memref_squeeze %dma_start3A_45 : memref<1x128x128xf32, #tpu.memory_space<hbm>> -> memref<128x128xf32, #tpu.memory_space<hbm>>
      %dma_start3A_47 = arith.constant 0 : i32
      %dma_start3A_48 = arith.constant 0 : i32
      %dma_start3A_49 = tpu.memref_slice %arg9[%dma_start3A_47, %dma_start3A_48] : memref<128x128xf32, #tpu.memory_space<vmem>> -> memref<128x128xf32, #tpu.memory_space<vmem>>
      tpu.enqueue_dma source(%dma_start3A_49 : memref<128x128xf32, #tpu.memory_space<vmem>>) target(%dma_start3A_46 : memref<128x128xf32, #tpu.memory_space<hbm>>) target_semaphore(%run_scoped3A : memref<!tpu.dma_semaphore, #tpu.memory_space<semaphore_mem>>)
      %dma_wait3A = arith.constant 0 : i32
      %dma_wait3A_50 = arith.constant 0 : i32
      %dma_wait3A_51 = tpu.memref_slice %arg9[%dma_wait3A, %dma_wait3A_50] : memref<128x128xf32, #tpu.memory_space<vmem>> -> memref<128x128xf32, #tpu.memory_space<vmem>>
      %dma_wait3A_52 = arith.constant 0 : i32
      %dma_wait3A_53 = tpu.memref_slice %arg6[%arg0, %add3A_26, %dma_wait3A_52] : memref<2x10112x128xf32, #tpu.memory_space<hbm>> -> memref<1x128x128xf32, #tpu.memory_space<hbm>>
      %dma_wait3A_54 = tpu.memref_squeeze %dma_wait3A_53 : memref<1x128x128xf32, #tpu.memory_space<hbm>> -> memref<128x128xf32, #tpu.memory_space<hbm>>
      %dma_wait3A_55 = arith.constant 0 : i32
      %dma_wait3A_56 = tpu.memref_slice %arg6[%arg0, %add3A_26, %dma_wait3A_55] : memref<2x10112x128xf32, #tpu.memory_space<hbm>> -> memref<1x128x128xf32, #tpu.memory_space<hbm>>
      %dma_wait3A_57 = tpu.memref_squeeze %dma_wait3A_56 : memref<1x128x128xf32, #tpu.memory_space<hbm>> -> memref<128x128xf32, #tpu.memory_space<hbm>>
      %dma_wait3A_58 = arith.constant 0 : i32
      %dma_wait3A_59 = arith.constant 0 : i32
      %dma_wait3A_60 = tpu.memref_slice %arg9[%dma_wait3A_58, %dma_wait3A_59] : memref<128x128xf32, #tpu.memory_space<vmem>> -> memref<128x128xf32, #tpu.memory_space<vmem>>
      tpu.wait_dma2 semaphore(%run_scoped3A : memref<!tpu.dma_semaphore, #tpu.memory_space<semaphore_mem>>) src(%dma_wait3A_60 : memref<128x128xf32, #tpu.memory_space<vmem>>) dst(%dma_wait3A_57 : memref<128x128xf32, #tpu.memory_space<hbm>>)
      tpu.yield
    }) : () -> ()
    %add3A_27 = arith.constant 256 : i32
    %add3A_28 = arith.addi %mul3A_2, %add3A_27 : i32
    "tpu.region"() ({
      %run_scoped3A = tpu.sem_alloc : memref<!tpu.dma_semaphore, #tpu.memory_space<semaphore_mem>>
      %dma_start3A = arith.constant 0 : i32
      %dma_start3A_39 = arith.constant 0 : i32
      %dma_start3A_40 = tpu.memref_slice %arg9[%dma_start3A, %dma_start3A_39] : memref<128x128xf32, #tpu.memory_space<vmem>> -> memref<128x128xf32, #tpu.memory_space<vmem>>
      %dma_start3A_41 = arith.constant 0 : i32
      %dma_start3A_42 = tpu.memref_slice %arg13[%add3A_28, %dma_start3A_41] : memref<10112x128xf32, #tpu.memory_space<vmem_shared>> -> memref<128x128xf32, #tpu.memory_space<vmem_shared>>
      %dma_start3A_43 = arith.constant 0 : i32
      %dma_start3A_44 = arith.constant 0 : i32
      %dma_start3A_45 = tpu.memref_slice %arg9[%dma_start3A_43, %dma_start3A_44] : memref<128x128xf32, #tpu.memory_space<vmem>> -> memref<128x128xf32, #tpu.memory_space<vmem>>
      %dma_start3A_46 = arith.constant 0 : i32
      %dma_start3A_47 = tpu.memref_slice %arg13[%add3A_28, %dma_start3A_46] : memref<10112x128xf32, #tpu.memory_space<vmem_shared>> -> memref<128x128xf32, #tpu.memory_space<vmem_shared>>
      tpu.enqueue_dma source(%dma_start3A_47 : memref<128x128xf32, #tpu.memory_space<vmem_shared>>) target(%dma_start3A_45 : memref<128x128xf32, #tpu.memory_space<vmem>>) target_semaphore(%run_scoped3A : memref<!tpu.dma_semaphore, #tpu.memory_space<semaphore_mem>>)
      %dma_wait3A = arith.constant 0 : i32
      %dma_wait3A_48 = arith.constant 0 : i32
      %dma_wait3A_49 = tpu.memref_slice %arg9[%dma_wait3A, %dma_wait3A_48] : memref<128x128xf32, #tpu.memory_space<vmem>> -> memref<128x128xf32, #tpu.memory_space<vmem>>
      %dma_wait3A_50 = arith.constant 0 : i32
      %dma_wait3A_51 = tpu.memref_slice %arg13[%add3A_28, %dma_wait3A_50] : memref<10112x128xf32, #tpu.memory_space<vmem_shared>> -> memref<128x128xf32, #tpu.memory_space<vmem_shared>>
      %dma_wait3A_52 = arith.constant 0 : i32
      %dma_wait3A_53 = arith.constant 0 : i32
      %dma_wait3A_54 = tpu.memref_slice %arg9[%dma_wait3A_52, %dma_wait3A_53] : memref<128x128xf32, #tpu.memory_space<vmem>> -> memref<128x128xf32, #tpu.memory_space<vmem>>
      %dma_wait3A_55 = arith.constant 0 : i32
      %dma_wait3A_56 = tpu.memref_slice %arg13[%add3A_28, %dma_wait3A_55] : memref<10112x128xf32, #tpu.memory_space<vmem_shared>> -> memref<128x128xf32, #tpu.memory_space<vmem_shared>>
      tpu.wait_dma2 semaphore(%run_scoped3A : memref<!tpu.dma_semaphore, #tpu.memory_space<semaphore_mem>>) src(%dma_wait3A_56 : memref<128x128xf32, #tpu.memory_space<vmem_shared>>) dst(%dma_wait3A_54 : memref<128x128xf32, #tpu.memory_space<vmem>>)
      tpu.yield
    }) : () -> ()
    %add3A_29 = arith.constant 256 : i32
    %add3A_30 = arith.addi %mul3A_2, %add3A_29 : i32
    "tpu.region"() ({
      %run_scoped3A = tpu.sem_alloc : memref<!tpu.dma_semaphore, #tpu.memory_space<semaphore_mem>>
      %dma_start3A = arith.constant 0 : i32
      %dma_start3A_39 = arith.constant 0 : i32
      %dma_start3A_40 = tpu.memref_slice %arg9[%dma_start3A, %dma_start3A_39] : memref<128x128xf32, #tpu.memory_space<vmem>> -> memref<128x128xf32, #tpu.memory_space<vmem>>
      %dma_start3A_41 = arith.constant 0 : i32
      %dma_start3A_42 = tpu.memref_slice %arg6[%arg0, %add3A_30, %dma_start3A_41] : memref<2x10112x128xf32, #tpu.memory_space<hbm>> -> memref<1x128x128xf32, #tpu.memory_space<hbm>>
      %dma_start3A_43 = tpu.memref_squeeze %dma_start3A_42 : memref<1x128x128xf32, #tpu.memory_space<hbm>> -> memref<128x128xf32, #tpu.memory_space<hbm>>
      %dma_start3A_44 = arith.constant 0 : i32
      %dma_start3A_45 = tpu.memref_slice %arg6[%arg0, %add3A_30, %dma_start3A_44] : memref<2x10112x128xf32, #tpu.memory_space<hbm>> -> memref<1x128x128xf32, #tpu.memory_space<hbm>>
      %dma_start3A_46 = tpu.memref_squeeze %dma_start3A_45 : memref<1x128x128xf32, #tpu.memory_space<hbm>> -> memref<128x128xf32, #tpu.memory_space<hbm>>
      %dma_start3A_47 = arith.constant 0 : i32
      %dma_start3A_48 = arith.constant 0 : i32
      %dma_start3A_49 = tpu.memref_slice %arg9[%dma_start3A_47, %dma_start3A_48] : memref<128x128xf32, #tpu.memory_space<vmem>> -> memref<128x128xf32, #tpu.memory_space<vmem>>
      tpu.enqueue_dma source(%dma_start3A_49 : memref<128x128xf32, #tpu.memory_space<vmem>>) target(%dma_start3A_46 : memref<128x128xf32, #tpu.memory_space<hbm>>) target_semaphore(%run_scoped3A : memref<!tpu.dma_semaphore, #tpu.memory_space<semaphore_mem>>)
      %dma_wait3A = arith.constant 0 : i32
      %dma_wait3A_50 = arith.constant 0 : i32
      %dma_wait3A_51 = tpu.memref_slice %arg9[%dma_wait3A, %dma_wait3A_50] : memref<128x128xf32, #tpu.memory_space<vmem>> -> memref<128x128xf32, #tpu.memory_space<vmem>>
      %dma_wait3A_52 = arith.constant 0 : i32
      %dma_wait3A_53 = tpu.memref_slice %arg6[%arg0, %add3A_30, %dma_wait3A_52] : memref<2x10112x128xf32, #tpu.memory_space<hbm>> -> memref<1x128x128xf32, #tpu.memory_space<hbm>>
      %dma_wait3A_54 = tpu.memref_squeeze %dma_wait3A_53 : memref<1x128x128xf32, #tpu.memory_space<hbm>> -> memref<128x128xf32, #tpu.memory_space<hbm>>
      %dma_wait3A_55 = arith.constant 0 : i32
      %dma_wait3A_56 = tpu.memref_slice %arg6[%arg0, %add3A_30, %dma_wait3A_55] : memref<2x10112x128xf32, #tpu.memory_space<hbm>> -> memref<1x128x128xf32, #tpu.memory_space<hbm>>
      %dma_wait3A_57 = tpu.memref_squeeze %dma_wait3A_56 : memref<1x128x128xf32, #tpu.memory_space<hbm>> -> memref<128x128xf32, #tpu.memory_space<hbm>>
      %dma_wait3A_58 = arith.constant 0 : i32
      %dma_wait3A_59 = arith.constant 0 : i32
      %dma_wait3A_60 = tpu.memref_slice %arg9[%dma_wait3A_58, %dma_wait3A_59] : memref<128x128xf32, #tpu.memory_space<vmem>> -> memref<128x128xf32, #tpu.memory_space<vmem>>
      tpu.wait_dma2 semaphore(%run_scoped3A : memref<!tpu.dma_semaphore, #tpu.memory_space<semaphore_mem>>) src(%dma_wait3A_60 : memref<128x128xf32, #tpu.memory_space<vmem>>) dst(%dma_wait3A_57 : memref<128x128xf32, #tpu.memory_space<hbm>>)
      tpu.yield
    }) : () -> ()
    %add3A_31 = arith.constant 384 : i32
    %add3A_32 = arith.addi %mul3A_2, %add3A_31 : i32
    "tpu.region"() ({
      %run_scoped3A = tpu.sem_alloc : memref<!tpu.dma_semaphore, #tpu.memory_space<semaphore_mem>>
      %dma_start3A = arith.constant 0 : i32
      %dma_start3A_39 = arith.constant 0 : i32
      %dma_start3A_40 = tpu.memref_slice %arg9[%dma_start3A, %dma_start3A_39] : memref<128x128xf32, #tpu.memory_space<vmem>> -> memref<128x128xf32, #tpu.memory_space<vmem>>
      %dma_start3A_41 = arith.constant 0 : i32
      %dma_start3A_42 = tpu.memref_slice %arg13[%add3A_32, %dma_start3A_41] : memref<10112x128xf32, #tpu.memory_space<vmem_shared>> -> memref<128x128xf32, #tpu.memory_space<vmem_shared>>
      %dma_start3A_43 = arith.constant 0 : i32
      %dma_start3A_44 = arith.constant 0 : i32
      %dma_start3A_45 = tpu.memref_slice %arg9[%dma_start3A_43, %dma_start3A_44] : memref<128x128xf32, #tpu.memory_space<vmem>> -> memref<128x128xf32, #tpu.memory_space<vmem>>
      %dma_start3A_46 = arith.constant 0 : i32
      %dma_start3A_47 = tpu.memref_slice %arg13[%add3A_32, %dma_start3A_46] : memref<10112x128xf32, #tpu.memory_space<vmem_shared>> -> memref<128x128xf32, #tpu.memory_space<vmem_shared>>
      tpu.enqueue_dma source(%dma_start3A_47 : memref<128x128xf32, #tpu.memory_space<vmem_shared>>) target(%dma_start3A_45 : memref<128x128xf32, #tpu.memory_space<vmem>>) target_semaphore(%run_scoped3A : memref<!tpu.dma_semaphore, #tpu.memory_space<semaphore_mem>>)
      %dma_wait3A = arith.constant 0 : i32
      %dma_wait3A_48 = arith.constant 0 : i32
      %dma_wait3A_49 = tpu.memref_slice %arg9[%dma_wait3A, %dma_wait3A_48] : memref<128x128xf32, #tpu.memory_space<vmem>> -> memref<128x128xf32, #tpu.memory_space<vmem>>
      %dma_wait3A_50 = arith.constant 0 : i32
      %dma_wait3A_51 = tpu.memref_slice %arg13[%add3A_32, %dma_wait3A_50] : memref<10112x128xf32, #tpu.memory_space<vmem_shared>> -> memref<128x128xf32, #tpu.memory_space<vmem_shared>>
      %dma_wait3A_52 = arith.constant 0 : i32
      %dma_wait3A_53 = arith.constant 0 : i32
      %dma_wait3A_54 = tpu.memref_slice %arg9[%dma_wait3A_52, %dma_wait3A_53] : memref<128x128xf32, #tpu.memory_space<vmem>> -> memref<128x128xf32, #tpu.memory_space<vmem>>
      %dma_wait3A_55 = arith.constant 0 : i32
      %dma_wait3A_56 = tpu.memref_slice %arg13[%add3A_32, %dma_wait3A_55] : memref<10112x128xf32, #tpu.memory_space<vmem_shared>> -> memref<128x128xf32, #tpu.memory_space<vmem_shared>>
      tpu.wait_dma2 semaphore(%run_scoped3A : memref<!tpu.dma_semaphore, #tpu.memory_space<semaphore_mem>>) src(%dma_wait3A_56 : memref<128x128xf32, #tpu.memory_space<vmem_shared>>) dst(%dma_wait3A_54 : memref<128x128xf32, #tpu.memory_space<vmem>>)
      tpu.yield
    }) : () -> ()
    %add3A_33 = arith.constant 384 : i32
    %add3A_34 = arith.addi %mul3A_2, %add3A_33 : i32
    "tpu.region"() ({
      %run_scoped3A = tpu.sem_alloc : memref<!tpu.dma_semaphore, #tpu.memory_space<semaphore_mem>>
      %dma_start3A = arith.constant 0 : i32
      %dma_start3A_39 = arith.constant 0 : i32
      %dma_start3A_40 = tpu.memref_slice %arg9[%dma_start3A, %dma_start3A_39] : memref<128x128xf32, #tpu.memory_space<vmem>> -> memref<128x128xf32, #tpu.memory_space<vmem>>
      %dma_start3A_41 = arith.constant 0 : i32
      %dma_start3A_42 = tpu.memref_slice %arg6[%arg0, %add3A_34, %dma_start3A_41] : memref<2x10112x128xf32, #tpu.memory_space<hbm>> -> memref<1x128x128xf32, #tpu.memory_space<hbm>>
      %dma_start3A_43 = tpu.memref_squeeze %dma_start3A_42 : memref<1x128x128xf32, #tpu.memory_space<hbm>> -> memref<128x128xf32, #tpu.memory_space<hbm>>
      %dma_start3A_44 = arith.constant 0 : i32
      %dma_start3A_45 = tpu.memref_slice %arg6[%arg0, %add3A_34, %dma_start3A_44] : memref<2x10112x128xf32, #tpu.memory_space<hbm>> -> memref<1x128x128xf32, #tpu.memory_space<hbm>>
      %dma_start3A_46 = tpu.memref_squeeze %dma_start3A_45 : memref<1x128x128xf32, #tpu.memory_space<hbm>> -> memref<128x128xf32, #tpu.memory_space<hbm>>
      %dma_start3A_47 = arith.constant 0 : i32
      %dma_start3A_48 = arith.constant 0 : i32
      %dma_start3A_49 = tpu.memref_slice %arg9[%dma_start3A_47, %dma_start3A_48] : memref<128x128xf32, #tpu.memory_space<vmem>> -> memref<128x128xf32, #tpu.memory_space<vmem>>
      tpu.enqueue_dma source(%dma_start3A_49 : memref<128x128xf32, #tpu.memory_space<vmem>>) target(%dma_start3A_46 : memref<128x128xf32, #tpu.memory_space<hbm>>) target_semaphore(%run_scoped3A : memref<!tpu.dma_semaphore, #tpu.memory_space<semaphore_mem>>)
      %dma_wait3A = arith.constant 0 : i32
      %dma_wait3A_50 = arith.constant 0 : i32
      %dma_wait3A_51 = tpu.memref_slice %arg9[%dma_wait3A, %dma_wait3A_50] : memref<128x128xf32, #tpu.memory_space<vmem>> -> memref<128x128xf32, #tpu.memory_space<vmem>>
      %dma_wait3A_52 = arith.constant 0 : i32
      %dma_wait3A_53 = tpu.memref_slice %arg6[%arg0, %add3A_34, %dma_wait3A_52] : memref<2x10112x128xf32, #tpu.memory_space<hbm>> -> memref<1x128x128xf32, #tpu.memory_space<hbm>>
      %dma_wait3A_54 = tpu.memref_squeeze %dma_wait3A_53 : memref<1x128x128xf32, #tpu.memory_space<hbm>> -> memref<128x128xf32, #tpu.memory_space<hbm>>
      %dma_wait3A_55 = arith.constant 0 : i32
      %dma_wait3A_56 = tpu.memref_slice %arg6[%arg0, %add3A_34, %dma_wait3A_55] : memref<2x10112x128xf32, #tpu.memory_space<hbm>> -> memref<1x128x128xf32, #tpu.memory_space<hbm>>
      %dma_wait3A_57 = tpu.memref_squeeze %dma_wait3A_56 : memref<1x128x128xf32, #tpu.memory_space<hbm>> -> memref<128x128xf32, #tpu.memory_space<hbm>>
      %dma_wait3A_58 = arith.constant 0 : i32
      %dma_wait3A_59 = arith.constant 0 : i32
      %dma_wait3A_60 = tpu.memref_slice %arg9[%dma_wait3A_58, %dma_wait3A_59] : memref<128x128xf32, #tpu.memory_space<vmem>> -> memref<128x128xf32, #tpu.memory_space<vmem>>
      tpu.wait_dma2 semaphore(%run_scoped3A : memref<!tpu.dma_semaphore, #tpu.memory_space<semaphore_mem>>) src(%dma_wait3A_60 : memref<128x128xf32, #tpu.memory_space<vmem>>) dst(%dma_wait3A_57 : memref<128x128xf32, #tpu.memory_space<hbm>>)
      tpu.yield
    }) : () -> ()
    %add3A_35 = arith.constant 512 : i32
    %add3A_36 = arith.addi %mul3A_2, %add3A_35 : i32
    "tpu.region"() ({
      %run_scoped3A = tpu.sem_alloc : memref<!tpu.dma_semaphore, #tpu.memory_space<semaphore_mem>>
      %dma_start3A = arith.constant 0 : i32
      %dma_start3A_39 = arith.constant 0 : i32
      %dma_start3A_40 = tpu.memref_slice %arg9[%dma_start3A, %dma_start3A_39] : memref<128x128xf32, #tpu.memory_space<vmem>> -> memref<120x128xf32, #tpu.memory_space<vmem>>
      %dma_start3A_41 = arith.constant 0 : i32
      %dma_start3A_42 = tpu.memref_slice %arg13[%add3A_36, %dma_start3A_41] : memref<10112x128xf32, #tpu.memory_space<vmem_shared>> -> memref<120x128xf32, #tpu.memory_space<vmem_shared>>
      %dma_start3A_43 = arith.constant 0 : i32
      %dma_start3A_44 = arith.constant 0 : i32
      %dma_start3A_45 = tpu.memref_slice %arg9[%dma_start3A_43, %dma_start3A_44] : memref<128x128xf32, #tpu.memory_space<vmem>> -> memref<120x128xf32, #tpu.memory_space<vmem>>
      %dma_start3A_46 = arith.constant 0 : i32
      %dma_start3A_47 = tpu.memref_slice %arg13[%add3A_36, %dma_start3A_46] : memref<10112x128xf32, #tpu.memory_space<vmem_shared>> -> memref<120x128xf32, #tpu.memory_space<vmem_shared>>
      tpu.enqueue_dma source(%dma_start3A_47 : memref<120x128xf32, #tpu.memory_space<vmem_shared>>) target(%dma_start3A_45 : memref<120x128xf32, #tpu.memory_space<vmem>>) target_semaphore(%run_scoped3A : memref<!tpu.dma_semaphore, #tpu.memory_space<semaphore_mem>>)
      %dma_wait3A = arith.constant 0 : i32
      %dma_wait3A_48 = arith.constant 0 : i32
      %dma_wait3A_49 = tpu.memref_slice %arg9[%dma_wait3A, %dma_wait3A_48] : memref<128x128xf32, #tpu.memory_space<vmem>> -> memref<120x128xf32, #tpu.memory_space<vmem>>
      %dma_wait3A_50 = arith.constant 0 : i32
      %dma_wait3A_51 = tpu.memref_slice %arg13[%add3A_36, %dma_wait3A_50] : memref<10112x128xf32, #tpu.memory_space<vmem_shared>> -> memref<120x128xf32, #tpu.memory_space<vmem_shared>>
      %dma_wait3A_52 = arith.constant 0 : i32
      %dma_wait3A_53 = arith.constant 0 : i32
      %dma_wait3A_54 = tpu.memref_slice %arg9[%dma_wait3A_52, %dma_wait3A_53] : memref<128x128xf32, #tpu.memory_space<vmem>> -> memref<120x128xf32, #tpu.memory_space<vmem>>
      %dma_wait3A_55 = arith.constant 0 : i32
      %dma_wait3A_56 = tpu.memref_slice %arg13[%add3A_36, %dma_wait3A_55] : memref<10112x128xf32, #tpu.memory_space<vmem_shared>> -> memref<120x128xf32, #tpu.memory_space<vmem_shared>>
      tpu.wait_dma2 semaphore(%run_scoped3A : memref<!tpu.dma_semaphore, #tpu.memory_space<semaphore_mem>>) src(%dma_wait3A_56 : memref<120x128xf32, #tpu.memory_space<vmem_shared>>) dst(%dma_wait3A_54 : memref<120x128xf32, #tpu.memory_space<vmem>>)
      tpu.yield
    }) : () -> ()
    %add3A_37 = arith.constant 512 : i32
    %add3A_38 = arith.addi %mul3A_2, %add3A_37 : i32
    "tpu.region"() ({
      %run_scoped3A = tpu.sem_alloc : memref<!tpu.dma_semaphore, #tpu.memory_space<semaphore_mem>>
      %dma_start3A = arith.constant 0 : i32
      %dma_start3A_39 = arith.constant 0 : i32
      %dma_start3A_40 = tpu.memref_slice %arg9[%dma_start3A, %dma_start3A_39] : memref<128x128xf32, #tpu.memory_space<vmem>> -> memref<120x128xf32, #tpu.memory_space<vmem>>
      %dma_start3A_41 = arith.constant 0 : i32
      %dma_start3A_42 = tpu.memref_slice %arg6[%arg0, %add3A_38, %dma_start3A_41] : memref<2x10112x128xf32, #tpu.memory_space<hbm>> -> memref<1x120x128xf32, #tpu.memory_space<hbm>>
      %dma_start3A_43 = tpu.memref_squeeze %dma_start3A_42 : memref<1x120x128xf32, #tpu.memory_space<hbm>> -> memref<120x128xf32, #tpu.memory_space<hbm>>
      %dma_start3A_44 = arith.constant 0 : i32
      %dma_start3A_45 = tpu.memref_slice %arg6[%arg0, %add3A_38, %dma_start3A_44] : memref<2x10112x128xf32, #tpu.memory_space<hbm>> -> memref<1x120x128xf32, #tpu.memory_space<hbm>>
      %dma_start3A_46 = tpu.memref_squeeze %dma_start3A_45 : memref<1x120x128xf32, #tpu.memory_space<hbm>> -> memref<120x128xf32, #tpu.memory_space<hbm>>
      %dma_start3A_47 = arith.constant 0 : i32
      %dma_start3A_48 = arith.constant 0 : i32
      %dma_start3A_49 = tpu.memref_slice %arg9[%dma_start3A_47, %dma_start3A_48] : memref<128x128xf32, #tpu.memory_space<vmem>> -> memref<120x128xf32, #tpu.memory_space<vmem>>
      tpu.enqueue_dma source(%dma_start3A_49 : memref<120x128xf32, #tpu.memory_space<vmem>>) target(%dma_start3A_46 : memref<120x128xf32, #tpu.memory_space<hbm>>) target_semaphore(%run_scoped3A : memref<!tpu.dma_semaphore, #tpu.memory_space<semaphore_mem>>)
      %dma_wait3A = arith.constant 0 : i32
      %dma_wait3A_50 = arith.constant 0 : i32
      %dma_wait3A_51 = tpu.memref_slice %arg9[%dma_wait3A, %dma_wait3A_50] : memref<128x128xf32, #tpu.memory_space<vmem>> -> memref<120x128xf32, #tpu.memory_space<vmem>>
      %dma_wait3A_52 = arith.constant 0 : i32
      %dma_wait3A_53 = tpu.memref_slice %arg6[%arg0, %add3A_38, %dma_wait3A_52] : memref<2x10112x128xf32, #tpu.memory_space<hbm>> -> memref<1x120x128xf32, #tpu.memory_space<hbm>>
      %dma_wait3A_54 = tpu.memref_squeeze %dma_wait3A_53 : memref<1x120x128xf32, #tpu.memory_space<hbm>> -> memref<120x128xf32, #tpu.memory_space<hbm>>
      %dma_wait3A_55 = arith.constant 0 : i32
      %dma_wait3A_56 = tpu.memref_slice %arg6[%arg0, %add3A_38, %dma_wait3A_55] : memref<2x10112x128xf32, #tpu.memory_space<hbm>> -> memref<1x120x128xf32, #tpu.memory_space<hbm>>
      %dma_wait3A_57 = tpu.memref_squeeze %dma_wait3A_56 : memref<1x120x128xf32, #tpu.memory_space<hbm>> -> memref<120x128xf32, #tpu.memory_space<hbm>>
      %dma_wait3A_58 = arith.constant 0 : i32
      %dma_wait3A_59 = arith.constant 0 : i32
      %dma_wait3A_60 = tpu.memref_slice %arg9[%dma_wait3A_58, %dma_wait3A_59] : memref<128x128xf32, #tpu.memory_space<vmem>> -> memref<120x128xf32, #tpu.memory_space<vmem>>
      tpu.wait_dma2 semaphore(%run_scoped3A : memref<!tpu.dma_semaphore, #tpu.memory_space<semaphore_mem>>) src(%dma_wait3A_60 : memref<120x128xf32, #tpu.memory_space<vmem>>) dst(%dma_wait3A_57 : memref<120x128xf32, #tpu.memory_space<hbm>>)
      tpu.yield
    }) : () -> ()
    return
  }
}

#map = affine_map<(d0, d1) -> (0, 0)>
#map1 = affine_map<(d0, d1) -> (0, 0, 0)>
module attributes {stable_mosaic.version = 14 : i64} {
  func.func @_sc_feat_body(%arg0: i32, %arg1: i32, %arg2: memref<10000x128xf32, #tpu.memory_space<hbm>>, %arg3: memref<32x80x128xi32, #tpu.memory_space<hbm>>, %arg4: memref<32x80x128xi32, #tpu.memory_space<hbm>>, %arg5: memref<128x128xf32, #tpu.memory_space<hbm>>, %arg6: memref<2x10112x128xf32, #tpu.memory_space<hbm>>, %arg7: memref<8x128xi32, #tpu.memory_space<vmem>>, %arg8: memref<8x128xi32, #tpu.memory_space<vmem>>, %arg9: memref<128x128xf32, #tpu.memory_space<vmem>>, %arg10: memref<128x128xf32, #tpu.memory_space<vmem>>, %arg11: memref<!tpu.dma_semaphore, #tpu.memory_space<semaphore_mem>>, %arg12: memref<!tpu.dma_semaphore, #tpu.memory_space<semaphore_mem>>, %arg13: memref<10112x128xf32, #tpu.memory_space<vmem_shared>>) attributes {dimension_semantics = [#tpu.dimension_semantics<core_parallel>, #tpu.dimension_semantics<subcore_parallel>], iteration_bounds = array<i64: 2, 16>, scalar_prefetch = 0 : i64, scratch_operands = 7 : i64, tpu.core_type = #tpu.core_type<sc_vector_subcore>, window_params = [{transform_indices = #map}, {transform_indices = #map1}, {transform_indices = #map1}, {transform_indices = #map}, {transform_indices = #map1}]} {
    %mul3A = arith.constant 16 : i32
    %mul3A_0 = arith.muli %arg0, %mul3A : i32
    %add3A = arith.addi %mul3A_0, %arg1 : i32
    %mul3A_1 = arith.constant 632 : i32
    %mul3A_2 = arith.muli %arg1, %mul3A_1 : i32
    "tpu.region"() ({
      %run_scoped3A = tpu.sem_alloc : memref<!tpu.dma_semaphore, #tpu.memory_space<semaphore_mem>>
      tpu.enqueue_dma source(%arg5 : memref<128x128xf32, #tpu.memory_space<hbm>>) target(%arg9 : memref<128x128xf32, #tpu.memory_space<vmem>>) target_semaphore(%run_scoped3A : memref<!tpu.dma_semaphore, #tpu.memory_space<semaphore_mem>>)
      tpu.wait_dma2 semaphore(%run_scoped3A : memref<!tpu.dma_semaphore, #tpu.memory_space<semaphore_mem>>) src(%arg5 : memref<128x128xf32, #tpu.memory_space<hbm>>) dst(%arg9 : memref<128x128xf32, #tpu.memory_space<vmem>>)
      tpu.yield
    }) : () -> ()
    %add3A_3 = arith.constant 0 : i32
    %add3A_4 = arith.addi %mul3A_2, %add3A_3 : i32
    "tpu.region"() ({
      %run_scoped3A = tpu.sem_alloc : memref<!tpu.dma_semaphore, #tpu.memory_space<semaphore_mem>>
      %dma_start3A = arith.constant 0 : i32
      %dma_start3A_39 = arith.constant 0 : i32
      %dma_start3A_40 = tpu.memref_slice %arg9[%dma_start3A, %dma_start3A_39] : memref<128x128xf32, #tpu.memory_space<vmem>> -> memref<128x128xf32, #tpu.memory_space<vmem>>
      %dma_start3A_41 = arith.constant 0 : i32
      %dma_start3A_42 = tpu.memref_slice %arg13[%add3A_4, %dma_start3A_41] : memref<10112x128xf32, #tpu.memory_space<vmem_shared>> -> memref<128x128xf32, #tpu.memory_space<vmem_shared>>
      %dma_start3A_43 = arith.constant 0 : i32
      %dma_start3A_44 = tpu.memref_slice %arg13[%add3A_4, %dma_start3A_43] : memref<10112x128xf32, #tpu.memory_space<vmem_shared>> -> memref<128x128xf32, #tpu.memory_space<vmem_shared>>
      %dma_start3A_45 = arith.constant 0 : i32
      %dma_start3A_46 = arith.constant 0 : i32
      %dma_start3A_47 = tpu.memref_slice %arg9[%dma_start3A_45, %dma_start3A_46] : memref<128x128xf32, #tpu.memory_space<vmem>> -> memref<128x128xf32, #tpu.memory_space<vmem>>
      tpu.enqueue_dma source(%dma_start3A_47 : memref<128x128xf32, #tpu.memory_space<vmem>>) target(%dma_start3A_44 : memref<128x128xf32, #tpu.memory_space<vmem_shared>>) target_semaphore(%run_scoped3A : memref<!tpu.dma_semaphore, #tpu.memory_space<semaphore_mem>>)
      %dma_wait3A = arith.constant 0 : i32
      %dma_wait3A_48 = arith.constant 0 : i32
      %dma_wait3A_49 = tpu.memref_slice %arg9[%dma_wait3A, %dma_wait3A_48] : memref<128x128xf32, #tpu.memory_space<vmem>> -> memref<128x128xf32, #tpu.memory_space<vmem>>
      %dma_wait3A_50 = arith.constant 0 : i32
      %dma_wait3A_51 = tpu.memref_slice %arg13[%add3A_4, %dma_wait3A_50] : memref<10112x128xf32, #tpu.memory_space<vmem_shared>> -> memref<128x128xf32, #tpu.memory_space<vmem_shared>>
      %dma_wait3A_52 = arith.constant 0 : i32
      %dma_wait3A_53 = tpu.memref_slice %arg13[%add3A_4, %dma_wait3A_52] : memref<10112x128xf32, #tpu.memory_space<vmem_shared>> -> memref<128x128xf32, #tpu.memory_space<vmem_shared>>
      %dma_wait3A_54 = arith.constant 0 : i32
      %dma_wait3A_55 = arith.constant 0 : i32
      %dma_wait3A_56 = tpu.memref_slice %arg9[%dma_wait3A_54, %dma_wait3A_55] : memref<128x128xf32, #tpu.memory_space<vmem>> -> memref<128x128xf32, #tpu.memory_space<vmem>>
      tpu.wait_dma2 semaphore(%run_scoped3A : memref<!tpu.dma_semaphore, #tpu.memory_space<semaphore_mem>>) src(%dma_wait3A_56 : memref<128x128xf32, #tpu.memory_space<vmem>>) dst(%dma_wait3A_53 : memref<128x128xf32, #tpu.memory_space<vmem_shared>>)
      tpu.yield
    }) : () -> ()
    %add3A_5 = arith.constant 128 : i32
    %add3A_6 = arith.addi %mul3A_2, %add3A_5 : i32
    "tpu.region"() ({
      %run_scoped3A = tpu.sem_alloc : memref<!tpu.dma_semaphore, #tpu.memory_space<semaphore_mem>>
      %dma_start3A = arith.constant 0 : i32
      %dma_start3A_39 = arith.constant 0 : i32
      %dma_start3A_40 = tpu.memref_slice %arg9[%dma_start3A, %dma_start3A_39] : memref<128x128xf32, #tpu.memory_space<vmem>> -> memref<128x128xf32, #tpu.memory_space<vmem>>
      %dma_start3A_41 = arith.constant 0 : i32
      %dma_start3A_42 = tpu.memref_slice %arg13[%add3A_6, %dma_start3A_41] : memref<10112x128xf32, #tpu.memory_space<vmem_shared>> -> memref<128x128xf32, #tpu.memory_space<vmem_shared>>
      %dma_start3A_43 = arith.constant 0 : i32
      %dma_start3A_44 = tpu.memref_slice %arg13[%add3A_6, %dma_start3A_43] : memref<10112x128xf32, #tpu.memory_space<vmem_shared>> -> memref<128x128xf32, #tpu.memory_space<vmem_shared>>
      %dma_start3A_45 = arith.constant 0 : i32
      %dma_start3A_46 = arith.constant 0 : i32
      %dma_start3A_47 = tpu.memref_slice %arg9[%dma_start3A_45, %dma_start3A_46] : memref<128x128xf32, #tpu.memory_space<vmem>> -> memref<128x128xf32, #tpu.memory_space<vmem>>
      tpu.enqueue_dma source(%dma_start3A_47 : memref<128x128xf32, #tpu.memory_space<vmem>>) target(%dma_start3A_44 : memref<128x128xf32, #tpu.memory_space<vmem_shared>>) target_semaphore(%run_scoped3A : memref<!tpu.dma_semaphore, #tpu.memory_space<semaphore_mem>>)
      %dma_wait3A = arith.constant 0 : i32
      %dma_wait3A_48 = arith.constant 0 : i32
      %dma_wait3A_49 = tpu.memref_slice %arg9[%dma_wait3A, %dma_wait3A_48] : memref<128x128xf32, #tpu.memory_space<vmem>> -> memref<128x128xf32, #tpu.memory_space<vmem>>
      %dma_wait3A_50 = arith.constant 0 : i32
      %dma_wait3A_51 = tpu.memref_slice %arg13[%add3A_6, %dma_wait3A_50] : memref<10112x128xf32, #tpu.memory_space<vmem_shared>> -> memref<128x128xf32, #tpu.memory_space<vmem_shared>>
      %dma_wait3A_52 = arith.constant 0 : i32
      %dma_wait3A_53 = tpu.memref_slice %arg13[%add3A_6, %dma_wait3A_52] : memref<10112x128xf32, #tpu.memory_space<vmem_shared>> -> memref<128x128xf32, #tpu.memory_space<vmem_shared>>
      %dma_wait3A_54 = arith.constant 0 : i32
      %dma_wait3A_55 = arith.constant 0 : i32
      %dma_wait3A_56 = tpu.memref_slice %arg9[%dma_wait3A_54, %dma_wait3A_55] : memref<128x128xf32, #tpu.memory_space<vmem>> -> memref<128x128xf32, #tpu.memory_space<vmem>>
      tpu.wait_dma2 semaphore(%run_scoped3A : memref<!tpu.dma_semaphore, #tpu.memory_space<semaphore_mem>>) src(%dma_wait3A_56 : memref<128x128xf32, #tpu.memory_space<vmem>>) dst(%dma_wait3A_53 : memref<128x128xf32, #tpu.memory_space<vmem_shared>>)
      tpu.yield
    }) : () -> ()
    %add3A_7 = arith.constant 256 : i32
    %add3A_8 = arith.addi %mul3A_2, %add3A_7 : i32
    "tpu.region"() ({
      %run_scoped3A = tpu.sem_alloc : memref<!tpu.dma_semaphore, #tpu.memory_space<semaphore_mem>>
      %dma_start3A = arith.constant 0 : i32
      %dma_start3A_39 = arith.constant 0 : i32
      %dma_start3A_40 = tpu.memref_slice %arg9[%dma_start3A, %dma_start3A_39] : memref<128x128xf32, #tpu.memory_space<vmem>> -> memref<128x128xf32, #tpu.memory_space<vmem>>
      %dma_start3A_41 = arith.constant 0 : i32
      %dma_start3A_42 = tpu.memref_slice %arg13[%add3A_8, %dma_start3A_41] : memref<10112x128xf32, #tpu.memory_space<vmem_shared>> -> memref<128x128xf32, #tpu.memory_space<vmem_shared>>
      %dma_start3A_43 = arith.constant 0 : i32
      %dma_start3A_44 = tpu.memref_slice %arg13[%add3A_8, %dma_start3A_43] : memref<10112x128xf32, #tpu.memory_space<vmem_shared>> -> memref<128x128xf32, #tpu.memory_space<vmem_shared>>
      %dma_start3A_45 = arith.constant 0 : i32
      %dma_start3A_46 = arith.constant 0 : i32
      %dma_start3A_47 = tpu.memref_slice %arg9[%dma_start3A_45, %dma_start3A_46] : memref<128x128xf32, #tpu.memory_space<vmem>> -> memref<128x128xf32, #tpu.memory_space<vmem>>
      tpu.enqueue_dma source(%dma_start3A_47 : memref<128x128xf32, #tpu.memory_space<vmem>>) target(%dma_start3A_44 : memref<128x128xf32, #tpu.memory_space<vmem_shared>>) target_semaphore(%run_scoped3A : memref<!tpu.dma_semaphore, #tpu.memory_space<semaphore_mem>>)
      %dma_wait3A = arith.constant 0 : i32
      %dma_wait3A_48 = arith.constant 0 : i32
      %dma_wait3A_49 = tpu.memref_slice %arg9[%dma_wait3A, %dma_wait3A_48] : memref<128x128xf32, #tpu.memory_space<vmem>> -> memref<128x128xf32, #tpu.memory_space<vmem>>
      %dma_wait3A_50 = arith.constant 0 : i32
      %dma_wait3A_51 = tpu.memref_slice %arg13[%add3A_8, %dma_wait3A_50] : memref<10112x128xf32, #tpu.memory_space<vmem_shared>> -> memref<128x128xf32, #tpu.memory_space<vmem_shared>>
      %dma_wait3A_52 = arith.constant 0 : i32
      %dma_wait3A_53 = tpu.memref_slice %arg13[%add3A_8, %dma_wait3A_52] : memref<10112x128xf32, #tpu.memory_space<vmem_shared>> -> memref<128x128xf32, #tpu.memory_space<vmem_shared>>
      %dma_wait3A_54 = arith.constant 0 : i32
      %dma_wait3A_55 = arith.constant 0 : i32
      %dma_wait3A_56 = tpu.memref_slice %arg9[%dma_wait3A_54, %dma_wait3A_55] : memref<128x128xf32, #tpu.memory_space<vmem>> -> memref<128x128xf32, #tpu.memory_space<vmem>>
      tpu.wait_dma2 semaphore(%run_scoped3A : memref<!tpu.dma_semaphore, #tpu.memory_space<semaphore_mem>>) src(%dma_wait3A_56 : memref<128x128xf32, #tpu.memory_space<vmem>>) dst(%dma_wait3A_53 : memref<128x128xf32, #tpu.memory_space<vmem_shared>>)
      tpu.yield
    }) : () -> ()
    %add3A_9 = arith.constant 384 : i32
    %add3A_10 = arith.addi %mul3A_2, %add3A_9 : i32
    "tpu.region"() ({
      %run_scoped3A = tpu.sem_alloc : memref<!tpu.dma_semaphore, #tpu.memory_space<semaphore_mem>>
      %dma_start3A = arith.constant 0 : i32
      %dma_start3A_39 = arith.constant 0 : i32
      %dma_start3A_40 = tpu.memref_slice %arg9[%dma_start3A, %dma_start3A_39] : memref<128x128xf32, #tpu.memory_space<vmem>> -> memref<128x128xf32, #tpu.memory_space<vmem>>
      %dma_start3A_41 = arith.constant 0 : i32
      %dma_start3A_42 = tpu.memref_slice %arg13[%add3A_10, %dma_start3A_41] : memref<10112x128xf32, #tpu.memory_space<vmem_shared>> -> memref<128x128xf32, #tpu.memory_space<vmem_shared>>
      %dma_start3A_43 = arith.constant 0 : i32
      %dma_start3A_44 = tpu.memref_slice %arg13[%add3A_10, %dma_start3A_43] : memref<10112x128xf32, #tpu.memory_space<vmem_shared>> -> memref<128x128xf32, #tpu.memory_space<vmem_shared>>
      %dma_start3A_45 = arith.constant 0 : i32
      %dma_start3A_46 = arith.constant 0 : i32
      %dma_start3A_47 = tpu.memref_slice %arg9[%dma_start3A_45, %dma_start3A_46] : memref<128x128xf32, #tpu.memory_space<vmem>> -> memref<128x128xf32, #tpu.memory_space<vmem>>
      tpu.enqueue_dma source(%dma_start3A_47 : memref<128x128xf32, #tpu.memory_space<vmem>>) target(%dma_start3A_44 : memref<128x128xf32, #tpu.memory_space<vmem_shared>>) target_semaphore(%run_scoped3A : memref<!tpu.dma_semaphore, #tpu.memory_space<semaphore_mem>>)
      %dma_wait3A = arith.constant 0 : i32
      %dma_wait3A_48 = arith.constant 0 : i32
      %dma_wait3A_49 = tpu.memref_slice %arg9[%dma_wait3A, %dma_wait3A_48] : memref<128x128xf32, #tpu.memory_space<vmem>> -> memref<128x128xf32, #tpu.memory_space<vmem>>
      %dma_wait3A_50 = arith.constant 0 : i32
      %dma_wait3A_51 = tpu.memref_slice %arg13[%add3A_10, %dma_wait3A_50] : memref<10112x128xf32, #tpu.memory_space<vmem_shared>> -> memref<128x128xf32, #tpu.memory_space<vmem_shared>>
      %dma_wait3A_52 = arith.constant 0 : i32
      %dma_wait3A_53 = tpu.memref_slice %arg13[%add3A_10, %dma_wait3A_52] : memref<10112x128xf32, #tpu.memory_space<vmem_shared>> -> memref<128x128xf32, #tpu.memory_space<vmem_shared>>
      %dma_wait3A_54 = arith.constant 0 : i32
      %dma_wait3A_55 = arith.constant 0 : i32
      %dma_wait3A_56 = tpu.memref_slice %arg9[%dma_wait3A_54, %dma_wait3A_55] : memref<128x128xf32, #tpu.memory_space<vmem>> -> memref<128x128xf32, #tpu.memory_space<vmem>>
      tpu.wait_dma2 semaphore(%run_scoped3A : memref<!tpu.dma_semaphore, #tpu.memory_space<semaphore_mem>>) src(%dma_wait3A_56 : memref<128x128xf32, #tpu.memory_space<vmem>>) dst(%dma_wait3A_53 : memref<128x128xf32, #tpu.memory_space<vmem_shared>>)
      tpu.yield
    }) : () -> ()
    %add3A_11 = arith.constant 512 : i32
    %add3A_12 = arith.addi %mul3A_2, %add3A_11 : i32
    "tpu.region"() ({
      %run_scoped3A = tpu.sem_alloc : memref<!tpu.dma_semaphore, #tpu.memory_space<semaphore_mem>>
      %dma_start3A = arith.constant 0 : i32
      %dma_start3A_39 = arith.constant 0 : i32
      %dma_start3A_40 = tpu.memref_slice %arg9[%dma_start3A, %dma_start3A_39] : memref<128x128xf32, #tpu.memory_space<vmem>> -> memref<120x128xf32, #tpu.memory_space<vmem>>
      %dma_start3A_41 = arith.constant 0 : i32
      %dma_start3A_42 = tpu.memref_slice %arg13[%add3A_12, %dma_start3A_41] : memref<10112x128xf32, #tpu.memory_space<vmem_shared>> -> memref<120x128xf32, #tpu.memory_space<vmem_shared>>
      %dma_start3A_43 = arith.constant 0 : i32
      %dma_start3A_44 = tpu.memref_slice %arg13[%add3A_12, %dma_start3A_43] : memref<10112x128xf32, #tpu.memory_space<vmem_shared>> -> memref<120x128xf32, #tpu.memory_space<vmem_shared>>
      %dma_start3A_45 = arith.constant 0 : i32
      %dma_start3A_46 = arith.constant 0 : i32
      %dma_start3A_47 = tpu.memref_slice %arg9[%dma_start3A_45, %dma_start3A_46] : memref<128x128xf32, #tpu.memory_space<vmem>> -> memref<120x128xf32, #tpu.memory_space<vmem>>
      tpu.enqueue_dma source(%dma_start3A_47 : memref<120x128xf32, #tpu.memory_space<vmem>>) target(%dma_start3A_44 : memref<120x128xf32, #tpu.memory_space<vmem_shared>>) target_semaphore(%run_scoped3A : memref<!tpu.dma_semaphore, #tpu.memory_space<semaphore_mem>>)
      %dma_wait3A = arith.constant 0 : i32
      %dma_wait3A_48 = arith.constant 0 : i32
      %dma_wait3A_49 = tpu.memref_slice %arg9[%dma_wait3A, %dma_wait3A_48] : memref<128x128xf32, #tpu.memory_space<vmem>> -> memref<120x128xf32, #tpu.memory_space<vmem>>
      %dma_wait3A_50 = arith.constant 0 : i32
      %dma_wait3A_51 = tpu.memref_slice %arg13[%add3A_12, %dma_wait3A_50] : memref<10112x128xf32, #tpu.memory_space<vmem_shared>> -> memref<120x128xf32, #tpu.memory_space<vmem_shared>>
      %dma_wait3A_52 = arith.constant 0 : i32
      %dma_wait3A_53 = tpu.memref_slice %arg13[%add3A_12, %dma_wait3A_52] : memref<10112x128xf32, #tpu.memory_space<vmem_shared>> -> memref<120x128xf32, #tpu.memory_space<vmem_shared>>
      %dma_wait3A_54 = arith.constant 0 : i32
      %dma_wait3A_55 = arith.constant 0 : i32
      %dma_wait3A_56 = tpu.memref_slice %arg9[%dma_wait3A_54, %dma_wait3A_55] : memref<128x128xf32, #tpu.memory_space<vmem>> -> memref<120x128xf32, #tpu.memory_space<vmem>>
      tpu.wait_dma2 semaphore(%run_scoped3A : memref<!tpu.dma_semaphore, #tpu.memory_space<semaphore_mem>>) src(%dma_wait3A_56 : memref<120x128xf32, #tpu.memory_space<vmem>>) dst(%dma_wait3A_53 : memref<120x128xf32, #tpu.memory_space<vmem_shared>>)
      tpu.yield
    }) : () -> ()
    %barrier3A = arith.constant 0 : index
    tpu.barrier barrier_id(%barrier3A)
    %scan3A = arith.constant 0 : i32
    %scan3A_13 = arith.constant 0 : i32
    %scan3A_14 = arith.constant 10 : i32
    %scan3A_15 = arith.addi %scan3A_13, %scan3A_14 : i32
    %scan3A_16 = arith.constant 1 : i32
    scf.for %scan3A_39 = %scan3A_13 to %scan3A_15 step %scan3A_16  : i32 {
      %mul3A_40 = arith.constant 8 : i32
      %mul3A_41 = arith.muli %scan3A_39, %mul3A_40 : i32
      "tpu.region"() ({
        %run_scoped3A_161 = tpu.sem_alloc : memref<!tpu.dma_semaphore, #tpu.memory_space<semaphore_mem>>
        %dma_start3A_162 = arith.constant 0 : i32
        %dma_start3A_163 = tpu.memref_slice %arg3[%add3A, %mul3A_41, %dma_start3A_162] : memref<32x80x128xi32, #tpu.memory_space<hbm>> -> memref<1x8x128xi32, #tpu.memory_space<hbm>>
        %dma_start3A_164 = tpu.memref_squeeze %dma_start3A_163 : memref<1x8x128xi32, #tpu.memory_space<hbm>> -> memref<8x128xi32, #tpu.memory_space<hbm>>
        %dma_start3A_165 = arith.constant 0 : i32
        %dma_start3A_166 = tpu.memref_slice %arg3[%add3A, %mul3A_41, %dma_start3A_165] : memref<32x80x128xi32, #tpu.memory_space<hbm>> -> memref<1x8x128xi32, #tpu.memory_space<hbm>>
        %dma_start3A_167 = tpu.memref_squeeze %dma_start3A_166 : memref<1x8x128xi32, #tpu.memory_space<hbm>> -> memref<8x128xi32, #tpu.memory_space<hbm>>
        tpu.enqueue_dma source(%dma_start3A_167 : memref<8x128xi32, #tpu.memory_space<hbm>>) target(%arg7 : memref<8x128xi32, #tpu.memory_space<vmem>>) target_semaphore(%run_scoped3A_161 : memref<!tpu.dma_semaphore, #tpu.memory_space<semaphore_mem>>)
        %dma_wait3A_168 = arith.constant 0 : i32
        %dma_wait3A_169 = tpu.memref_slice %arg3[%add3A, %mul3A_41, %dma_wait3A_168] : memref<32x80x128xi32, #tpu.memory_space<hbm>> -> memref<1x8x128xi32, #tpu.memory_space<hbm>>
        %dma_wait3A_170 = tpu.memref_squeeze %dma_wait3A_169 : memref<1x8x128xi32, #tpu.memory_space<hbm>> -> memref<8x128xi32, #tpu.memory_space<hbm>>
        %dma_wait3A_171 = arith.constant 0 : i32
        %dma_wait3A_172 = tpu.memref_slice %arg3[%add3A, %mul3A_41, %dma_wait3A_171] : memref<32x80x128xi32, #tpu.memory_space<hbm>> -> memref<1x8x128xi32, #tpu.memory_space<hbm>>
        %dma_wait3A_173 = tpu.memref_squeeze %dma_wait3A_172 : memref<1x8x128xi32, #tpu.memory_space<hbm>> -> memref<8x128xi32, #tpu.memory_space<hbm>>
        tpu.wait_dma2 semaphore(%run_scoped3A_161 : memref<!tpu.dma_semaphore, #tpu.memory_space<semaphore_mem>>) src(%dma_wait3A_173 : memref<8x128xi32, #tpu.memory_space<hbm>>) dst(%arg7 : memref<8x128xi32, #tpu.memory_space<vmem>>)
        tpu.yield
      }) : () -> ()
      %mul3A_42 = arith.constant 8 : i32
      %mul3A_43 = arith.muli %scan3A_39, %mul3A_42 : i32
      "tpu.region"() ({
        %run_scoped3A_161 = tpu.sem_alloc : memref<!tpu.dma_semaphore, #tpu.memory_space<semaphore_mem>>
        %dma_start3A_162 = arith.constant 0 : i32
        %dma_start3A_163 = tpu.memref_slice %arg4[%add3A, %mul3A_43, %dma_start3A_162] : memref<32x80x128xi32, #tpu.memory_space<hbm>> -> memref<1x8x128xi32, #tpu.memory_space<hbm>>
        %dma_start3A_164 = tpu.memref_squeeze %dma_start3A_163 : memref<1x8x128xi32, #tpu.memory_space<hbm>> -> memref<8x128xi32, #tpu.memory_space<hbm>>
        %dma_start3A_165 = arith.constant 0 : i32
        %dma_start3A_166 = tpu.memref_slice %arg4[%add3A, %mul3A_43, %dma_start3A_165] : memref<32x80x128xi32, #tpu.memory_space<hbm>> -> memref<1x8x128xi32, #tpu.memory_space<hbm>>
        %dma_start3A_167 = tpu.memref_squeeze %dma_start3A_166 : memref<1x8x128xi32, #tpu.memory_space<hbm>> -> memref<8x128xi32, #tpu.memory_space<hbm>>
        tpu.enqueue_dma source(%dma_start3A_167 : memref<8x128xi32, #tpu.memory_space<hbm>>) target(%arg8 : memref<8x128xi32, #tpu.memory_space<vmem>>) target_semaphore(%run_scoped3A_161 : memref<!tpu.dma_semaphore, #tpu.memory_space<semaphore_mem>>)
        %dma_wait3A_168 = arith.constant 0 : i32
        %dma_wait3A_169 = tpu.memref_slice %arg4[%add3A, %mul3A_43, %dma_wait3A_168] : memref<32x80x128xi32, #tpu.memory_space<hbm>> -> memref<1x8x128xi32, #tpu.memory_space<hbm>>
        %dma_wait3A_170 = tpu.memref_squeeze %dma_wait3A_169 : memref<1x8x128xi32, #tpu.memory_space<hbm>> -> memref<8x128xi32, #tpu.memory_space<hbm>>
        %dma_wait3A_171 = arith.constant 0 : i32
        %dma_wait3A_172 = tpu.memref_slice %arg4[%add3A, %mul3A_43, %dma_wait3A_171] : memref<32x80x128xi32, #tpu.memory_space<hbm>> -> memref<1x8x128xi32, #tpu.memory_space<hbm>>
        %dma_wait3A_173 = tpu.memref_squeeze %dma_wait3A_172 : memref<1x8x128xi32, #tpu.memory_space<hbm>> -> memref<8x128xi32, #tpu.memory_space<hbm>>
        tpu.wait_dma2 semaphore(%run_scoped3A_161 : memref<!tpu.dma_semaphore, #tpu.memory_space<semaphore_mem>>) src(%dma_wait3A_173 : memref<8x128xi32, #tpu.memory_space<hbm>>) dst(%arg8 : memref<8x128xi32, #tpu.memory_space<vmem>>)
        tpu.yield
      }) : () -> ()
      %dma_start3A = arith.constant 0 : i32
      %dma_start3A_44 = arith.constant 0 : i32
      %dma_start3A_45 = tpu.memref_slice %arg7[%dma_start3A, %dma_start3A_44] : memref<8x128xi32, #tpu.memory_space<vmem>> -> memref<1x128xi32, #tpu.memory_space<vmem>>
      %dma_start3A_46 = tpu.memref_squeeze %dma_start3A_45 : memref<1x128xi32, #tpu.memory_space<vmem>> -> memref<128xi32, #tpu.memory_space<vmem>>
      %dma_start3A_47 = arith.constant 0 : i32
      %dma_start3A_48 = arith.constant 0 : i32
      %dma_start3A_49 = tpu.memref_slice %arg2[%dma_start3A_47, %dma_start3A_48] : memref<10000x128xf32, #tpu.memory_space<hbm>> -> memref<10000x128xf32, #tpu.memory_space<hbm>>
      tpu.enqueue_indirect_dma source(%dma_start3A_49 : memref<10000x128xf32, #tpu.memory_space<hbm>>) target(%arg9 : memref<128x128xf32, #tpu.memory_space<vmem>>) offsets(%dma_start3A_46 : memref<128xi32, #tpu.memory_space<vmem>>) semaphore(%arg11 : memref<!tpu.dma_semaphore, #tpu.memory_space<semaphore_mem>>)
      %dma_start3A_50 = arith.constant 1 : i32
      %dma_start3A_51 = arith.constant 0 : i32
      %dma_start3A_52 = tpu.memref_slice %arg7[%dma_start3A_50, %dma_start3A_51] : memref<8x128xi32, #tpu.memory_space<vmem>> -> memref<1x128xi32, #tpu.memory_space<vmem>>
      %dma_start3A_53 = tpu.memref_squeeze %dma_start3A_52 : memref<1x128xi32, #tpu.memory_space<vmem>> -> memref<128xi32, #tpu.memory_space<vmem>>
      %dma_start3A_54 = arith.constant 0 : i32
      %dma_start3A_55 = arith.constant 0 : i32
      %dma_start3A_56 = tpu.memref_slice %arg2[%dma_start3A_54, %dma_start3A_55] : memref<10000x128xf32, #tpu.memory_space<hbm>> -> memref<10000x128xf32, #tpu.memory_space<hbm>>
      tpu.enqueue_indirect_dma source(%dma_start3A_56 : memref<10000x128xf32, #tpu.memory_space<hbm>>) target(%arg10 : memref<128x128xf32, #tpu.memory_space<vmem>>) offsets(%dma_start3A_53 : memref<128xi32, #tpu.memory_space<vmem>>) semaphore(%arg12 : memref<!tpu.dma_semaphore, #tpu.memory_space<semaphore_mem>>)
      %dma_wait3A = arith.constant 0 : i32
      %dma_wait3A_57 = arith.constant 0 : i32
      %dma_wait3A_58 = tpu.memref_slice %arg7[%dma_wait3A, %dma_wait3A_57] : memref<8x128xi32, #tpu.memory_space<vmem>> -> memref<1x128xi32, #tpu.memory_space<vmem>>
      %dma_wait3A_59 = tpu.memref_squeeze %dma_wait3A_58 : memref<1x128xi32, #tpu.memory_space<vmem>> -> memref<128xi32, #tpu.memory_space<vmem>>
      %dma_wait3A_60 = arith.constant 0 : i32
      %dma_wait3A_61 = arith.constant 0 : i32
      %dma_wait3A_62 = tpu.memref_slice %arg2[%dma_wait3A_60, %dma_wait3A_61] : memref<10000x128xf32, #tpu.memory_space<hbm>> -> memref<10000x128xf32, #tpu.memory_space<hbm>>
      tpu.wait_indirect_dma semaphore(%arg11 : memref<!tpu.dma_semaphore, #tpu.memory_space<semaphore_mem>>) src(%dma_wait3A_62 : memref<10000x128xf32, #tpu.memory_space<hbm>>) dst(%arg9 : memref<128x128xf32, #tpu.memory_space<vmem>>)
      %run_scoped3A = arith.constant 0 : i32
      "tpu.region"() ({
        %run_scoped3A_161 = tpu.sem_alloc : memref<!tpu.dma_semaphore, #tpu.memory_space<semaphore_mem>>
        %dma_start3A_162 = arith.constant 0 : i32
        %dma_start3A_163 = tpu.memref_slice %arg8[%run_scoped3A, %dma_start3A_162] : memref<8x128xi32, #tpu.memory_space<vmem>> -> memref<1x128xi32, #tpu.memory_space<vmem>>
        %dma_start3A_164 = tpu.memref_squeeze %dma_start3A_163 : memref<1x128xi32, #tpu.memory_space<vmem>> -> memref<128xi32, #tpu.memory_space<vmem>>
        %dma_start3A_165 = arith.constant 0 : i32
        %dma_start3A_166 = arith.constant 0 : i32
        %dma_start3A_167 = tpu.memref_slice %arg13[%dma_start3A_165, %dma_start3A_166] : memref<10112x128xf32, #tpu.memory_space<vmem_shared>> -> memref<10112x128xf32, #tpu.memory_space<vmem_shared>>
        tpu.enqueue_indirect_dma source(%arg9 : memref<128x128xf32, #tpu.memory_space<vmem>>) target(%dma_start3A_167 : memref<10112x128xf32, #tpu.memory_space<vmem_shared>>) offsets(%dma_start3A_164 : memref<128xi32, #tpu.memory_space<vmem>>) semaphore(%run_scoped3A_161 : memref<!tpu.dma_semaphore, #tpu.memory_space<semaphore_mem>>) {add = true}
        %dma_wait3A_168 = arith.constant 0 : i32
        %dma_wait3A_169 = tpu.memref_slice %arg8[%run_scoped3A, %dma_wait3A_168] : memref<8x128xi32, #tpu.memory_space<vmem>> -> memref<1x128xi32, #tpu.memory_space<vmem>>
        %dma_wait3A_170 = tpu.memref_squeeze %dma_wait3A_169 : memref<1x128xi32, #tpu.memory_space<vmem>> -> memref<128xi32, #tpu.memory_space<vmem>>
        %dma_wait3A_171 = arith.constant 0 : i32
        %dma_wait3A_172 = arith.constant 0 : i32
        %dma_wait3A_173 = tpu.memref_slice %arg13[%dma_wait3A_171, %dma_wait3A_172] : memref<10112x128xf32, #tpu.memory_space<vmem_shared>> -> memref<10112x128xf32, #tpu.memory_space<vmem_shared>>
        tpu.wait_indirect_dma semaphore(%run_scoped3A_161 : memref<!tpu.dma_semaphore, #tpu.memory_space<semaphore_mem>>) src(%arg9 : memref<128x128xf32, #tpu.memory_space<vmem>>) dst(%dma_wait3A_173 : memref<10112x128xf32, #tpu.memory_space<vmem_shared>>)
        tpu.yield
      }) : () -> ()
      %dma_start3A_63 = arith.constant 2 : i32
      %dma_start3A_64 = arith.constant 0 : i32
      %dma_start3A_65 = tpu.memref_slice %arg7[%dma_start3A_63, %dma_start3A_64] : memref<8x128xi32, #tpu.memory_space<vmem>> -> memref<1x128xi32, #tpu.memory_space<vmem>>
      %dma_start3A_66 = tpu.memref_squeeze %dma_start3A_65 : memref<1x128xi32, #tpu.memory_space<vmem>> -> memref<128xi32, #tpu.memory_space<vmem>>
      %dma_start3A_67 = arith.constant 0 : i32
      %dma_start3A_68 = arith.constant 0 : i32
      %dma_start3A_69 = tpu.memref_slice %arg2[%dma_start3A_67, %dma_start3A_68] : memref<10000x128xf32, #tpu.memory_space<hbm>> -> memref<10000x128xf32, #tpu.memory_space<hbm>>
      tpu.enqueue_indirect_dma source(%dma_start3A_69 : memref<10000x128xf32, #tpu.memory_space<hbm>>) target(%arg9 : memref<128x128xf32, #tpu.memory_space<vmem>>) offsets(%dma_start3A_66 : memref<128xi32, #tpu.memory_space<vmem>>) semaphore(%arg11 : memref<!tpu.dma_semaphore, #tpu.memory_space<semaphore_mem>>)
      %dma_wait3A_70 = arith.constant 1 : i32
      %dma_wait3A_71 = arith.constant 0 : i32
      %dma_wait3A_72 = tpu.memref_slice %arg7[%dma_wait3A_70, %dma_wait3A_71] : memref<8x128xi32, #tpu.memory_space<vmem>> -> memref<1x128xi32, #tpu.memory_space<vmem>>
      %dma_wait3A_73 = tpu.memref_squeeze %dma_wait3A_72 : memref<1x128xi32, #tpu.memory_space<vmem>> -> memref<128xi32, #tpu.memory_space<vmem>>
      %dma_wait3A_74 = arith.constant 0 : i32
      %dma_wait3A_75 = arith.constant 0 : i32
      %dma_wait3A_76 = tpu.memref_slice %arg2[%dma_wait3A_74, %dma_wait3A_75] : memref<10000x128xf32, #tpu.memory_space<hbm>> -> memref<10000x128xf32, #tpu.memory_space<hbm>>
      tpu.wait_indirect_dma semaphore(%arg12 : memref<!tpu.dma_semaphore, #tpu.memory_space<semaphore_mem>>) src(%dma_wait3A_76 : memref<10000x128xf32, #tpu.memory_space<hbm>>) dst(%arg10 : memref<128x128xf32, #tpu.memory_space<vmem>>)
      %run_scoped3A_77 = arith.constant 1 : i32
      "tpu.region"() ({
        %run_scoped3A_161 = tpu.sem_alloc : memref<!tpu.dma_semaphore, #tpu.memory_space<semaphore_mem>>
        %dma_start3A_162 = arith.constant 0 : i32
        %dma_start3A_163 = tpu.memref_slice %arg8[%run_scoped3A_77, %dma_start3A_162] : memref<8x128xi32, #tpu.memory_space<vmem>> -> memref<1x128xi32, #tpu.memory_space<vmem>>
        %dma_start3A_164 = tpu.memref_squeeze %dma_start3A_163 : memref<1x128xi32, #tpu.memory_space<vmem>> -> memref<128xi32, #tpu.memory_space<vmem>>
        %dma_start3A_165 = arith.constant 0 : i32
        %dma_start3A_166 = arith.constant 0 : i32
        %dma_start3A_167 = tpu.memref_slice %arg13[%dma_start3A_165, %dma_start3A_166] : memref<10112x128xf32, #tpu.memory_space<vmem_shared>> -> memref<10112x128xf32, #tpu.memory_space<vmem_shared>>
        tpu.enqueue_indirect_dma source(%arg10 : memref<128x128xf32, #tpu.memory_space<vmem>>) target(%dma_start3A_167 : memref<10112x128xf32, #tpu.memory_space<vmem_shared>>) offsets(%dma_start3A_164 : memref<128xi32, #tpu.memory_space<vmem>>) semaphore(%run_scoped3A_161 : memref<!tpu.dma_semaphore, #tpu.memory_space<semaphore_mem>>) {add = true}
        %dma_wait3A_168 = arith.constant 0 : i32
        %dma_wait3A_169 = tpu.memref_slice %arg8[%run_scoped3A_77, %dma_wait3A_168] : memref<8x128xi32, #tpu.memory_space<vmem>> -> memref<1x128xi32, #tpu.memory_space<vmem>>
        %dma_wait3A_170 = tpu.memref_squeeze %dma_wait3A_169 : memref<1x128xi32, #tpu.memory_space<vmem>> -> memref<128xi32, #tpu.memory_space<vmem>>
        %dma_wait3A_171 = arith.constant 0 : i32
        %dma_wait3A_172 = arith.constant 0 : i32
        %dma_wait3A_173 = tpu.memref_slice %arg13[%dma_wait3A_171, %dma_wait3A_172] : memref<10112x128xf32, #tpu.memory_space<vmem_shared>> -> memref<10112x128xf32, #tpu.memory_space<vmem_shared>>
        tpu.wait_indirect_dma semaphore(%run_scoped3A_161 : memref<!tpu.dma_semaphore, #tpu.memory_space<semaphore_mem>>) src(%arg10 : memref<128x128xf32, #tpu.memory_space<vmem>>) dst(%dma_wait3A_173 : memref<10112x128xf32, #tpu.memory_space<vmem_shared>>)
        tpu.yield
      }) : () -> ()
      %dma_start3A_78 = arith.constant 3 : i32
      %dma_start3A_79 = arith.constant 0 : i32
      %dma_start3A_80 = tpu.memref_slice %arg7[%dma_start3A_78, %dma_start3A_79] : memref<8x128xi32, #tpu.memory_space<vmem>> -> memref<1x128xi32, #tpu.memory_space<vmem>>
      %dma_start3A_81 = tpu.memref_squeeze %dma_start3A_80 : memref<1x128xi32, #tpu.memory_space<vmem>> -> memref<128xi32, #tpu.memory_space<vmem>>
      %dma_start3A_82 = arith.constant 0 : i32
      %dma_start3A_83 = arith.constant 0 : i32
      %dma_start3A_84 = tpu.memref_slice %arg2[%dma_start3A_82, %dma_start3A_83] : memref<10000x128xf32, #tpu.memory_space<hbm>> -> memref<10000x128xf32, #tpu.memory_space<hbm>>
      tpu.enqueue_indirect_dma source(%dma_start3A_84 : memref<10000x128xf32, #tpu.memory_space<hbm>>) target(%arg10 : memref<128x128xf32, #tpu.memory_space<vmem>>) offsets(%dma_start3A_81 : memref<128xi32, #tpu.memory_space<vmem>>) semaphore(%arg12 : memref<!tpu.dma_semaphore, #tpu.memory_space<semaphore_mem>>)
      %dma_wait3A_85 = arith.constant 2 : i32
      %dma_wait3A_86 = arith.constant 0 : i32
      %dma_wait3A_87 = tpu.memref_slice %arg7[%dma_wait3A_85, %dma_wait3A_86] : memref<8x128xi32, #tpu.memory_space<vmem>> -> memref<1x128xi32, #tpu.memory_space<vmem>>
      %dma_wait3A_88 = tpu.memref_squeeze %dma_wait3A_87 : memref<1x128xi32, #tpu.memory_space<vmem>> -> memref<128xi32, #tpu.memory_space<vmem>>
      %dma_wait3A_89 = arith.constant 0 : i32
      %dma_wait3A_90 = arith.constant 0 : i32
      %dma_wait3A_91 = tpu.memref_slice %arg2[%dma_wait3A_89, %dma_wait3A_90] : memref<10000x128xf32, #tpu.memory_space<hbm>> -> memref<10000x128xf32, #tpu.memory_space<hbm>>
      tpu.wait_indirect_dma semaphore(%arg11 : memref<!tpu.dma_semaphore, #tpu.memory_space<semaphore_mem>>) src(%dma_wait3A_91 : memref<10000x128xf32, #tpu.memory_space<hbm>>) dst(%arg9 : memref<128x128xf32, #tpu.memory_space<vmem>>)
      %run_scoped3A_92 = arith.constant 2 : i32
      "tpu.region"() ({
        %run_scoped3A_161 = tpu.sem_alloc : memref<!tpu.dma_semaphore, #tpu.memory_space<semaphore_mem>>
        %dma_start3A_162 = arith.constant 0 : i32
        %dma_start3A_163 = tpu.memref_slice %arg8[%run_scoped3A_92, %dma_start3A_162] : memref<8x128xi32, #tpu.memory_space<vmem>> -> memref<1x128xi32, #tpu.memory_space<vmem>>
        %dma_start3A_164 = tpu.memref_squeeze %dma_start3A_163 : memref<1x128xi32, #tpu.memory_space<vmem>> -> memref<128xi32, #tpu.memory_space<vmem>>
        %dma_start3A_165 = arith.constant 0 : i32
        %dma_start3A_166 = arith.constant 0 : i32
        %dma_start3A_167 = tpu.memref_slice %arg13[%dma_start3A_165, %dma_start3A_166] : memref<10112x128xf32, #tpu.memory_space<vmem_shared>> -> memref<10112x128xf32, #tpu.memory_space<vmem_shared>>
        tpu.enqueue_indirect_dma source(%arg9 : memref<128x128xf32, #tpu.memory_space<vmem>>) target(%dma_start3A_167 : memref<10112x128xf32, #tpu.memory_space<vmem_shared>>) offsets(%dma_start3A_164 : memref<128xi32, #tpu.memory_space<vmem>>) semaphore(%run_scoped3A_161 : memref<!tpu.dma_semaphore, #tpu.memory_space<semaphore_mem>>) {add = true}
        %dma_wait3A_168 = arith.constant 0 : i32
        %dma_wait3A_169 = tpu.memref_slice %arg8[%run_scoped3A_92, %dma_wait3A_168] : memref<8x128xi32, #tpu.memory_space<vmem>> -> memref<1x128xi32, #tpu.memory_space<vmem>>
        %dma_wait3A_170 = tpu.memref_squeeze %dma_wait3A_169 : memref<1x128xi32, #tpu.memory_space<vmem>> -> memref<128xi32, #tpu.memory_space<vmem>>
        %dma_wait3A_171 = arith.constant 0 : i32
        %dma_wait3A_172 = arith.constant 0 : i32
        %dma_wait3A_173 = tpu.memref_slice %arg13[%dma_wait3A_171, %dma_wait3A_172] : memref<10112x128xf32, #tpu.memory_space<vmem_shared>> -> memref<10112x128xf32, #tpu.memory_space<vmem_shared>>
        tpu.wait_indirect_dma semaphore(%run_scoped3A_161 : memref<!tpu.dma_semaphore, #tpu.memory_space<semaphore_mem>>) src(%arg9 : memref<128x128xf32, #tpu.memory_space<vmem>>) dst(%dma_wait3A_173 : memref<10112x128xf32, #tpu.memory_space<vmem_shared>>)
        tpu.yield
      }) : () -> ()
      %dma_start3A_93 = arith.constant 4 : i32
      %dma_start3A_94 = arith.constant 0 : i32
      %dma_start3A_95 = tpu.memref_slice %arg7[%dma_start3A_93, %dma_start3A_94] : memref<8x128xi32, #tpu.memory_space<vmem>> -> memref<1x128xi32, #tpu.memory_space<vmem>>
      %dma_start3A_96 = tpu.memref_squeeze %dma_start3A_95 : memref<1x128xi32, #tpu.memory_space<vmem>> -> memref<128xi32, #tpu.memory_space<vmem>>
      %dma_start3A_97 = arith.constant 0 : i32
      %dma_start3A_98 = arith.constant 0 : i32
      %dma_start3A_99 = tpu.memref_slice %arg2[%dma_start3A_97, %dma_start3A_98] : memref<10000x128xf32, #tpu.memory_space<hbm>> -> memref<10000x128xf32, #tpu.memory_space<hbm>>
      tpu.enqueue_indirect_dma source(%dma_start3A_99 : memref<10000x128xf32, #tpu.memory_space<hbm>>) target(%arg9 : memref<128x128xf32, #tpu.memory_space<vmem>>) offsets(%dma_start3A_96 : memref<128xi32, #tpu.memory_space<vmem>>) semaphore(%arg11 : memref<!tpu.dma_semaphore, #tpu.memory_space<semaphore_mem>>)
      %dma_wait3A_100 = arith.constant 3 : i32
      %dma_wait3A_101 = arith.constant 0 : i32
      %dma_wait3A_102 = tpu.memref_slice %arg7[%dma_wait3A_100, %dma_wait3A_101] : memref<8x128xi32, #tpu.memory_space<vmem>> -> memref<1x128xi32, #tpu.memory_space<vmem>>
      %dma_wait3A_103 = tpu.memref_squeeze %dma_wait3A_102 : memref<1x128xi32, #tpu.memory_space<vmem>> -> memref<128xi32, #tpu.memory_space<vmem>>
      %dma_wait3A_104 = arith.constant 0 : i32
      %dma_wait3A_105 = arith.constant 0 : i32
      %dma_wait3A_106 = tpu.memref_slice %arg2[%dma_wait3A_104, %dma_wait3A_105] : memref<10000x128xf32, #tpu.memory_space<hbm>> -> memref<10000x128xf32, #tpu.memory_space<hbm>>
      tpu.wait_indirect_dma semaphore(%arg12 : memref<!tpu.dma_semaphore, #tpu.memory_space<semaphore_mem>>) src(%dma_wait3A_106 : memref<10000x128xf32, #tpu.memory_space<hbm>>) dst(%arg10 : memref<128x128xf32, #tpu.memory_space<vmem>>)
      %run_scoped3A_107 = arith.constant 3 : i32
      "tpu.region"() ({
        %run_scoped3A_161 = tpu.sem_alloc : memref<!tpu.dma_semaphore, #tpu.memory_space<semaphore_mem>>
        %dma_start3A_162 = arith.constant 0 : i32
        %dma_start3A_163 = tpu.memref_slice %arg8[%run_scoped3A_107, %dma_start3A_162] : memref<8x128xi32, #tpu.memory_space<vmem>> -> memref<1x128xi32, #tpu.memory_space<vmem>>
        %dma_start3A_164 = tpu.memref_squeeze %dma_start3A_163 : memref<1x128xi32, #tpu.memory_space<vmem>> -> memref<128xi32, #tpu.memory_space<vmem>>
        %dma_start3A_165 = arith.constant 0 : i32
        %dma_start3A_166 = arith.constant 0 : i32
        %dma_start3A_167 = tpu.memref_slice %arg13[%dma_start3A_165, %dma_start3A_166] : memref<10112x128xf32, #tpu.memory_space<vmem_shared>> -> memref<10112x128xf32, #tpu.memory_space<vmem_shared>>
        tpu.enqueue_indirect_dma source(%arg10 : memref<128x128xf32, #tpu.memory_space<vmem>>) target(%dma_start3A_167 : memref<10112x128xf32, #tpu.memory_space<vmem_shared>>) offsets(%dma_start3A_164 : memref<128xi32, #tpu.memory_space<vmem>>) semaphore(%run_scoped3A_161 : memref<!tpu.dma_semaphore, #tpu.memory_space<semaphore_mem>>) {add = true}
        %dma_wait3A_168 = arith.constant 0 : i32
        %dma_wait3A_169 = tpu.memref_slice %arg8[%run_scoped3A_107, %dma_wait3A_168] : memref<8x128xi32, #tpu.memory_space<vmem>> -> memref<1x128xi32, #tpu.memory_space<vmem>>
        %dma_wait3A_170 = tpu.memref_squeeze %dma_wait3A_169 : memref<1x128xi32, #tpu.memory_space<vmem>> -> memref<128xi32, #tpu.memory_space<vmem>>
        %dma_wait3A_171 = arith.constant 0 : i32
        %dma_wait3A_172 = arith.constant 0 : i32
        %dma_wait3A_173 = tpu.memref_slice %arg13[%dma_wait3A_171, %dma_wait3A_172] : memref<10112x128xf32, #tpu.memory_space<vmem_shared>> -> memref<10112x128xf32, #tpu.memory_space<vmem_shared>>
        tpu.wait_indirect_dma semaphore(%run_scoped3A_161 : memref<!tpu.dma_semaphore, #tpu.memory_space<semaphore_mem>>) src(%arg10 : memref<128x128xf32, #tpu.memory_space<vmem>>) dst(%dma_wait3A_173 : memref<10112x128xf32, #tpu.memory_space<vmem_shared>>)
        tpu.yield
      }) : () -> ()
      %dma_start3A_108 = arith.constant 5 : i32
      %dma_start3A_109 = arith.constant 0 : i32
      %dma_start3A_110 = tpu.memref_slice %arg7[%dma_start3A_108, %dma_start3A_109] : memref<8x128xi32, #tpu.memory_space<vmem>> -> memref<1x128xi32, #tpu.memory_space<vmem>>
      %dma_start3A_111 = tpu.memref_squeeze %dma_start3A_110 : memref<1x128xi32, #tpu.memory_space<vmem>> -> memref<128xi32, #tpu.memory_space<vmem>>
      %dma_start3A_112 = arith.constant 0 : i32
      %dma_start3A_113 = arith.constant 0 : i32
      %dma_start3A_114 = tpu.memref_slice %arg2[%dma_start3A_112, %dma_start3A_113] : memref<10000x128xf32, #tpu.memory_space<hbm>> -> memref<10000x128xf32, #tpu.memory_space<hbm>>
      tpu.enqueue_indirect_dma source(%dma_start3A_114 : memref<10000x128xf32, #tpu.memory_space<hbm>>) target(%arg10 : memref<128x128xf32, #tpu.memory_space<vmem>>) offsets(%dma_start3A_111 : memref<128xi32, #tpu.memory_space<vmem>>) semaphore(%arg12 : memref<!tpu.dma_semaphore, #tpu.memory_space<semaphore_mem>>)
      %dma_wait3A_115 = arith.constant 4 : i32
      %dma_wait3A_116 = arith.constant 0 : i32
      %dma_wait3A_117 = tpu.memref_slice %arg7[%dma_wait3A_115, %dma_wait3A_116] : memref<8x128xi32, #tpu.memory_space<vmem>> -> memref<1x128xi32, #tpu.memory_space<vmem>>
      %dma_wait3A_118 = tpu.memref_squeeze %dma_wait3A_117 : memref<1x128xi32, #tpu.memory_space<vmem>> -> memref<128xi32, #tpu.memory_space<vmem>>
      %dma_wait3A_119 = arith.constant 0 : i32
      %dma_wait3A_120 = arith.constant 0 : i32
      %dma_wait3A_121 = tpu.memref_slice %arg2[%dma_wait3A_119, %dma_wait3A_120] : memref<10000x128xf32, #tpu.memory_space<hbm>> -> memref<10000x128xf32, #tpu.memory_space<hbm>>
      tpu.wait_indirect_dma semaphore(%arg11 : memref<!tpu.dma_semaphore, #tpu.memory_space<semaphore_mem>>) src(%dma_wait3A_121 : memref<10000x128xf32, #tpu.memory_space<hbm>>) dst(%arg9 : memref<128x128xf32, #tpu.memory_space<vmem>>)
      %run_scoped3A_122 = arith.constant 4 : i32
      "tpu.region"() ({
        %run_scoped3A_161 = tpu.sem_alloc : memref<!tpu.dma_semaphore, #tpu.memory_space<semaphore_mem>>
        %dma_start3A_162 = arith.constant 0 : i32
        %dma_start3A_163 = tpu.memref_slice %arg8[%run_scoped3A_122, %dma_start3A_162] : memref<8x128xi32, #tpu.memory_space<vmem>> -> memref<1x128xi32, #tpu.memory_space<vmem>>
        %dma_start3A_164 = tpu.memref_squeeze %dma_start3A_163 : memref<1x128xi32, #tpu.memory_space<vmem>> -> memref<128xi32, #tpu.memory_space<vmem>>
        %dma_start3A_165 = arith.constant 0 : i32
        %dma_start3A_166 = arith.constant 0 : i32
        %dma_start3A_167 = tpu.memref_slice %arg13[%dma_start3A_165, %dma_start3A_166] : memref<10112x128xf32, #tpu.memory_space<vmem_shared>> -> memref<10112x128xf32, #tpu.memory_space<vmem_shared>>
        tpu.enqueue_indirect_dma source(%arg9 : memref<128x128xf32, #tpu.memory_space<vmem>>) target(%dma_start3A_167 : memref<10112x128xf32, #tpu.memory_space<vmem_shared>>) offsets(%dma_start3A_164 : memref<128xi32, #tpu.memory_space<vmem>>) semaphore(%run_scoped3A_161 : memref<!tpu.dma_semaphore, #tpu.memory_space<semaphore_mem>>) {add = true}
        %dma_wait3A_168 = arith.constant 0 : i32
        %dma_wait3A_169 = tpu.memref_slice %arg8[%run_scoped3A_122, %dma_wait3A_168] : memref<8x128xi32, #tpu.memory_space<vmem>> -> memref<1x128xi32, #tpu.memory_space<vmem>>
        %dma_wait3A_170 = tpu.memref_squeeze %dma_wait3A_169 : memref<1x128xi32, #tpu.memory_space<vmem>> -> memref<128xi32, #tpu.memory_space<vmem>>
        %dma_wait3A_171 = arith.constant 0 : i32
        %dma_wait3A_172 = arith.constant 0 : i32
        %dma_wait3A_173 = tpu.memref_slice %arg13[%dma_wait3A_171, %dma_wait3A_172] : memref<10112x128xf32, #tpu.memory_space<vmem_shared>> -> memref<10112x128xf32, #tpu.memory_space<vmem_shared>>
        tpu.wait_indirect_dma semaphore(%run_scoped3A_161 : memref<!tpu.dma_semaphore, #tpu.memory_space<semaphore_mem>>) src(%arg9 : memref<128x128xf32, #tpu.memory_space<vmem>>) dst(%dma_wait3A_173 : memref<10112x128xf32, #tpu.memory_space<vmem_shared>>)
        tpu.yield
      }) : () -> ()
      %dma_start3A_123 = arith.constant 6 : i32
      %dma_start3A_124 = arith.constant 0 : i32
      %dma_start3A_125 = tpu.memref_slice %arg7[%dma_start3A_123, %dma_start3A_124] : memref<8x128xi32, #tpu.memory_space<vmem>> -> memref<1x128xi32, #tpu.memory_space<vmem>>
      %dma_start3A_126 = tpu.memref_squeeze %dma_start3A_125 : memref<1x128xi32, #tpu.memory_space<vmem>> -> memref<128xi32, #tpu.memory_space<vmem>>
      %dma_start3A_127 = arith.constant 0 : i32
      %dma_start3A_128 = arith.constant 0 : i32
      %dma_start3A_129 = tpu.memref_slice %arg2[%dma_start3A_127, %dma_start3A_128] : memref<10000x128xf32, #tpu.memory_space<hbm>> -> memref<10000x128xf32, #tpu.memory_space<hbm>>
      tpu.enqueue_indirect_dma source(%dma_start3A_129 : memref<10000x128xf32, #tpu.memory_space<hbm>>) target(%arg9 : memref<128x128xf32, #tpu.memory_space<vmem>>) offsets(%dma_start3A_126 : memref<128xi32, #tpu.memory_space<vmem>>) semaphore(%arg11 : memref<!tpu.dma_semaphore, #tpu.memory_space<semaphore_mem>>)
      %dma_wait3A_130 = arith.constant 5 : i32
      %dma_wait3A_131 = arith.constant 0 : i32
      %dma_wait3A_132 = tpu.memref_slice %arg7[%dma_wait3A_130, %dma_wait3A_131] : memref<8x128xi32, #tpu.memory_space<vmem>> -> memref<1x128xi32, #tpu.memory_space<vmem>>
      %dma_wait3A_133 = tpu.memref_squeeze %dma_wait3A_132 : memref<1x128xi32, #tpu.memory_space<vmem>> -> memref<128xi32, #tpu.memory_space<vmem>>
      %dma_wait3A_134 = arith.constant 0 : i32
      %dma_wait3A_135 = arith.constant 0 : i32
      %dma_wait3A_136 = tpu.memref_slice %arg2[%dma_wait3A_134, %dma_wait3A_135] : memref<10000x128xf32, #tpu.memory_space<hbm>> -> memref<10000x128xf32, #tpu.memory_space<hbm>>
      tpu.wait_indirect_dma semaphore(%arg12 : memref<!tpu.dma_semaphore, #tpu.memory_space<semaphore_mem>>) src(%dma_wait3A_136 : memref<10000x128xf32, #tpu.memory_space<hbm>>) dst(%arg10 : memref<128x128xf32, #tpu.memory_space<vmem>>)
      %run_scoped3A_137 = arith.constant 5 : i32
      "tpu.region"() ({
        %run_scoped3A_161 = tpu.sem_alloc : memref<!tpu.dma_semaphore, #tpu.memory_space<semaphore_mem>>
        %dma_start3A_162 = arith.constant 0 : i32
        %dma_start3A_163 = tpu.memref_slice %arg8[%run_scoped3A_137, %dma_start3A_162] : memref<8x128xi32, #tpu.memory_space<vmem>> -> memref<1x128xi32, #tpu.memory_space<vmem>>
        %dma_start3A_164 = tpu.memref_squeeze %dma_start3A_163 : memref<1x128xi32, #tpu.memory_space<vmem>> -> memref<128xi32, #tpu.memory_space<vmem>>
        %dma_start3A_165 = arith.constant 0 : i32
        %dma_start3A_166 = arith.constant 0 : i32
        %dma_start3A_167 = tpu.memref_slice %arg13[%dma_start3A_165, %dma_start3A_166] : memref<10112x128xf32, #tpu.memory_space<vmem_shared>> -> memref<10112x128xf32, #tpu.memory_space<vmem_shared>>
        tpu.enqueue_indirect_dma source(%arg10 : memref<128x128xf32, #tpu.memory_space<vmem>>) target(%dma_start3A_167 : memref<10112x128xf32, #tpu.memory_space<vmem_shared>>) offsets(%dma_start3A_164 : memref<128xi32, #tpu.memory_space<vmem>>) semaphore(%run_scoped3A_161 : memref<!tpu.dma_semaphore, #tpu.memory_space<semaphore_mem>>) {add = true}
        %dma_wait3A_168 = arith.constant 0 : i32
        %dma_wait3A_169 = tpu.memref_slice %arg8[%run_scoped3A_137, %dma_wait3A_168] : memref<8x128xi32, #tpu.memory_space<vmem>> -> memref<1x128xi32, #tpu.memory_space<vmem>>
        %dma_wait3A_170 = tpu.memref_squeeze %dma_wait3A_169 : memref<1x128xi32, #tpu.memory_space<vmem>> -> memref<128xi32, #tpu.memory_space<vmem>>
        %dma_wait3A_171 = arith.constant 0 : i32
        %dma_wait3A_172 = arith.constant 0 : i32
        %dma_wait3A_173 = tpu.memref_slice %arg13[%dma_wait3A_171, %dma_wait3A_172] : memref<10112x128xf32, #tpu.memory_space<vmem_shared>> -> memref<10112x128xf32, #tpu.memory_space<vmem_shared>>
        tpu.wait_indirect_dma semaphore(%run_scoped3A_161 : memref<!tpu.dma_semaphore, #tpu.memory_space<semaphore_mem>>) src(%arg10 : memref<128x128xf32, #tpu.memory_space<vmem>>) dst(%dma_wait3A_173 : memref<10112x128xf32, #tpu.memory_space<vmem_shared>>)
        tpu.yield
      }) : () -> ()
      %dma_start3A_138 = arith.constant 7 : i32
      %dma_start3A_139 = arith.constant 0 : i32
      %dma_start3A_140 = tpu.memref_slice %arg7[%dma_start3A_138, %dma_start3A_139] : memref<8x128xi32, #tpu.memory_space<vmem>> -> memref<1x128xi32, #tpu.memory_space<vmem>>
      %dma_start3A_141 = tpu.memref_squeeze %dma_start3A_140 : memref<1x128xi32, #tpu.memory_space<vmem>> -> memref<128xi32, #tpu.memory_space<vmem>>
      %dma_start3A_142 = arith.constant 0 : i32
      %dma_start3A_143 = arith.constant 0 : i32
      %dma_start3A_144 = tpu.memref_slice %arg2[%dma_start3A_142, %dma_start3A_143] : memref<10000x128xf32, #tpu.memory_space<hbm>> -> memref<10000x128xf32, #tpu.memory_space<hbm>>
      tpu.enqueue_indirect_dma source(%dma_start3A_144 : memref<10000x128xf32, #tpu.memory_space<hbm>>) target(%arg10 : memref<128x128xf32, #tpu.memory_space<vmem>>) offsets(%dma_start3A_141 : memref<128xi32, #tpu.memory_space<vmem>>) semaphore(%arg12 : memref<!tpu.dma_semaphore, #tpu.memory_space<semaphore_mem>>)
      %dma_wait3A_145 = arith.constant 6 : i32
      %dma_wait3A_146 = arith.constant 0 : i32
      %dma_wait3A_147 = tpu.memref_slice %arg7[%dma_wait3A_145, %dma_wait3A_146] : memref<8x128xi32, #tpu.memory_space<vmem>> -> memref<1x128xi32, #tpu.memory_space<vmem>>
      %dma_wait3A_148 = tpu.memref_squeeze %dma_wait3A_147 : memref<1x128xi32, #tpu.memory_space<vmem>> -> memref<128xi32, #tpu.memory_space<vmem>>
      %dma_wait3A_149 = arith.constant 0 : i32
      %dma_wait3A_150 = arith.constant 0 : i32
      %dma_wait3A_151 = tpu.memref_slice %arg2[%dma_wait3A_149, %dma_wait3A_150] : memref<10000x128xf32, #tpu.memory_space<hbm>> -> memref<10000x128xf32, #tpu.memory_space<hbm>>
      tpu.wait_indirect_dma semaphore(%arg11 : memref<!tpu.dma_semaphore, #tpu.memory_space<semaphore_mem>>) src(%dma_wait3A_151 : memref<10000x128xf32, #tpu.memory_space<hbm>>) dst(%arg9 : memref<128x128xf32, #tpu.memory_space<vmem>>)
      %run_scoped3A_152 = arith.constant 6 : i32
      "tpu.region"() ({
        %run_scoped3A_161 = tpu.sem_alloc : memref<!tpu.dma_semaphore, #tpu.memory_space<semaphore_mem>>
        %dma_start3A_162 = arith.constant 0 : i32
        %dma_start3A_163 = tpu.memref_slice %arg8[%run_scoped3A_152, %dma_start3A_162] : memref<8x128xi32, #tpu.memory_space<vmem>> -> memref<1x128xi32, #tpu.memory_space<vmem>>
        %dma_start3A_164 = tpu.memref_squeeze %dma_start3A_163 : memref<1x128xi32, #tpu.memory_space<vmem>> -> memref<128xi32, #tpu.memory_space<vmem>>
        %dma_start3A_165 = arith.constant 0 : i32
        %dma_start3A_166 = arith.constant 0 : i32
        %dma_start3A_167 = tpu.memref_slice %arg13[%dma_start3A_165, %dma_start3A_166] : memref<10112x128xf32, #tpu.memory_space<vmem_shared>> -> memref<10112x128xf32, #tpu.memory_space<vmem_shared>>
        tpu.enqueue_indirect_dma source(%arg9 : memref<128x128xf32, #tpu.memory_space<vmem>>) target(%dma_start3A_167 : memref<10112x128xf32, #tpu.memory_space<vmem_shared>>) offsets(%dma_start3A_164 : memref<128xi32, #tpu.memory_space<vmem>>) semaphore(%run_scoped3A_161 : memref<!tpu.dma_semaphore, #tpu.memory_space<semaphore_mem>>) {add = true}
        %dma_wait3A_168 = arith.constant 0 : i32
        %dma_wait3A_169 = tpu.memref_slice %arg8[%run_scoped3A_152, %dma_wait3A_168] : memref<8x128xi32, #tpu.memory_space<vmem>> -> memref<1x128xi32, #tpu.memory_space<vmem>>
        %dma_wait3A_170 = tpu.memref_squeeze %dma_wait3A_169 : memref<1x128xi32, #tpu.memory_space<vmem>> -> memref<128xi32, #tpu.memory_space<vmem>>
        %dma_wait3A_171 = arith.constant 0 : i32
        %dma_wait3A_172 = arith.constant 0 : i32
        %dma_wait3A_173 = tpu.memref_slice %arg13[%dma_wait3A_171, %dma_wait3A_172] : memref<10112x128xf32, #tpu.memory_space<vmem_shared>> -> memref<10112x128xf32, #tpu.memory_space<vmem_shared>>
        tpu.wait_indirect_dma semaphore(%run_scoped3A_161 : memref<!tpu.dma_semaphore, #tpu.memory_space<semaphore_mem>>) src(%arg9 : memref<128x128xf32, #tpu.memory_space<vmem>>) dst(%dma_wait3A_173 : memref<10112x128xf32, #tpu.memory_space<vmem_shared>>)
        tpu.yield
      }) : () -> ()
      %dma_wait3A_153 = arith.constant 7 : i32
      %dma_wait3A_154 = arith.constant 0 : i32
      %dma_wait3A_155 = tpu.memref_slice %arg7[%dma_wait3A_153, %dma_wait3A_154] : memref<8x128xi32, #tpu.memory_space<vmem>> -> memref<1x128xi32, #tpu.memory_space<vmem>>
      %dma_wait3A_156 = tpu.memref_squeeze %dma_wait3A_155 : memref<1x128xi32, #tpu.memory_space<vmem>> -> memref<128xi32, #tpu.memory_space<vmem>>
      %dma_wait3A_157 = arith.constant 0 : i32
      %dma_wait3A_158 = arith.constant 0 : i32
      %dma_wait3A_159 = tpu.memref_slice %arg2[%dma_wait3A_157, %dma_wait3A_158] : memref<10000x128xf32, #tpu.memory_space<hbm>> -> memref<10000x128xf32, #tpu.memory_space<hbm>>
      tpu.wait_indirect_dma semaphore(%arg12 : memref<!tpu.dma_semaphore, #tpu.memory_space<semaphore_mem>>) src(%dma_wait3A_159 : memref<10000x128xf32, #tpu.memory_space<hbm>>) dst(%arg10 : memref<128x128xf32, #tpu.memory_space<vmem>>)
      %run_scoped3A_160 = arith.constant 7 : i32
      "tpu.region"() ({
        %run_scoped3A_161 = tpu.sem_alloc : memref<!tpu.dma_semaphore, #tpu.memory_space<semaphore_mem>>
        %dma_start3A_162 = arith.constant 0 : i32
        %dma_start3A_163 = tpu.memref_slice %arg8[%run_scoped3A_160, %dma_start3A_162] : memref<8x128xi32, #tpu.memory_space<vmem>> -> memref<1x128xi32, #tpu.memory_space<vmem>>
        %dma_start3A_164 = tpu.memref_squeeze %dma_start3A_163 : memref<1x128xi32, #tpu.memory_space<vmem>> -> memref<128xi32, #tpu.memory_space<vmem>>
        %dma_start3A_165 = arith.constant 0 : i32
        %dma_start3A_166 = arith.constant 0 : i32
        %dma_start3A_167 = tpu.memref_slice %arg13[%dma_start3A_165, %dma_start3A_166] : memref<10112x128xf32, #tpu.memory_space<vmem_shared>> -> memref<10112x128xf32, #tpu.memory_space<vmem_shared>>
        tpu.enqueue_indirect_dma source(%arg10 : memref<128x128xf32, #tpu.memory_space<vmem>>) target(%dma_start3A_167 : memref<10112x128xf32, #tpu.memory_space<vmem_shared>>) offsets(%dma_start3A_164 : memref<128xi32, #tpu.memory_space<vmem>>) semaphore(%run_scoped3A_161 : memref<!tpu.dma_semaphore, #tpu.memory_space<semaphore_mem>>) {add = true}
        %dma_wait3A_168 = arith.constant 0 : i32
        %dma_wait3A_169 = tpu.memref_slice %arg8[%run_scoped3A_160, %dma_wait3A_168] : memref<8x128xi32, #tpu.memory_space<vmem>> -> memref<1x128xi32, #tpu.memory_space<vmem>>
        %dma_wait3A_170 = tpu.memref_squeeze %dma_wait3A_169 : memref<1x128xi32, #tpu.memory_space<vmem>> -> memref<128xi32, #tpu.memory_space<vmem>>
        %dma_wait3A_171 = arith.constant 0 : i32
        %dma_wait3A_172 = arith.constant 0 : i32
        %dma_wait3A_173 = tpu.memref_slice %arg13[%dma_wait3A_171, %dma_wait3A_172] : memref<10112x128xf32, #tpu.memory_space<vmem_shared>> -> memref<10112x128xf32, #tpu.memory_space<vmem_shared>>
        tpu.wait_indirect_dma semaphore(%run_scoped3A_161 : memref<!tpu.dma_semaphore, #tpu.memory_space<semaphore_mem>>) src(%arg10 : memref<128x128xf32, #tpu.memory_space<vmem>>) dst(%dma_wait3A_173 : memref<10112x128xf32, #tpu.memory_space<vmem_shared>>)
        tpu.yield
      }) : () -> ()
    }
    %scan3A_17 = arith.constant 10 : i32
    %barrier3A_18 = arith.constant 0 : index
    tpu.barrier barrier_id(%barrier3A_18)
    %add3A_19 = arith.constant 0 : i32
    %add3A_20 = arith.addi %mul3A_2, %add3A_19 : i32
    "tpu.region"() ({
      %run_scoped3A = tpu.sem_alloc : memref<!tpu.dma_semaphore, #tpu.memory_space<semaphore_mem>>
      %dma_start3A = arith.constant 0 : i32
      %dma_start3A_39 = arith.constant 0 : i32
      %dma_start3A_40 = tpu.memref_slice %arg9[%dma_start3A, %dma_start3A_39] : memref<128x128xf32, #tpu.memory_space<vmem>> -> memref<128x128xf32, #tpu.memory_space<vmem>>
      %dma_start3A_41 = arith.constant 0 : i32
      %dma_start3A_42 = tpu.memref_slice %arg13[%add3A_20, %dma_start3A_41] : memref<10112x128xf32, #tpu.memory_space<vmem_shared>> -> memref<128x128xf32, #tpu.memory_space<vmem_shared>>
      %dma_start3A_43 = arith.constant 0 : i32
      %dma_start3A_44 = arith.constant 0 : i32
      %dma_start3A_45 = tpu.memref_slice %arg9[%dma_start3A_43, %dma_start3A_44] : memref<128x128xf32, #tpu.memory_space<vmem>> -> memref<128x128xf32, #tpu.memory_space<vmem>>
      %dma_start3A_46 = arith.constant 0 : i32
      %dma_start3A_47 = tpu.memref_slice %arg13[%add3A_20, %dma_start3A_46] : memref<10112x128xf32, #tpu.memory_space<vmem_shared>> -> memref<128x128xf32, #tpu.memory_space<vmem_shared>>
      tpu.enqueue_dma source(%dma_start3A_47 : memref<128x128xf32, #tpu.memory_space<vmem_shared>>) target(%dma_start3A_45 : memref<128x128xf32, #tpu.memory_space<vmem>>) target_semaphore(%run_scoped3A : memref<!tpu.dma_semaphore, #tpu.memory_space<semaphore_mem>>)
      %dma_wait3A = arith.constant 0 : i32
      %dma_wait3A_48 = arith.constant 0 : i32
      %dma_wait3A_49 = tpu.memref_slice %arg9[%dma_wait3A, %dma_wait3A_48] : memref<128x128xf32, #tpu.memory_space<vmem>> -> memref<128x128xf32, #tpu.memory_space<vmem>>
      %dma_wait3A_50 = arith.constant 0 : i32
      %dma_wait3A_51 = tpu.memref_slice %arg13[%add3A_20, %dma_wait3A_50] : memref<10112x128xf32, #tpu.memory_space<vmem_shared>> -> memref<128x128xf32, #tpu.memory_space<vmem_shared>>
      %dma_wait3A_52 = arith.constant 0 : i32
      %dma_wait3A_53 = arith.constant 0 : i32
      %dma_wait3A_54 = tpu.memref_slice %arg9[%dma_wait3A_52, %dma_wait3A_53] : memref<128x128xf32, #tpu.memory_space<vmem>> -> memref<128x128xf32, #tpu.memory_space<vmem>>
      %dma_wait3A_55 = arith.constant 0 : i32
      %dma_wait3A_56 = tpu.memref_slice %arg13[%add3A_20, %dma_wait3A_55] : memref<10112x128xf32, #tpu.memory_space<vmem_shared>> -> memref<128x128xf32, #tpu.memory_space<vmem_shared>>
      tpu.wait_dma2 semaphore(%run_scoped3A : memref<!tpu.dma_semaphore, #tpu.memory_space<semaphore_mem>>) src(%dma_wait3A_56 : memref<128x128xf32, #tpu.memory_space<vmem_shared>>) dst(%dma_wait3A_54 : memref<128x128xf32, #tpu.memory_space<vmem>>)
      tpu.yield
    }) : () -> ()
    %add3A_21 = arith.constant 0 : i32
    %add3A_22 = arith.addi %mul3A_2, %add3A_21 : i32
    "tpu.region"() ({
      %run_scoped3A = tpu.sem_alloc : memref<!tpu.dma_semaphore, #tpu.memory_space<semaphore_mem>>
      %dma_start3A = arith.constant 0 : i32
      %dma_start3A_39 = arith.constant 0 : i32
      %dma_start3A_40 = tpu.memref_slice %arg9[%dma_start3A, %dma_start3A_39] : memref<128x128xf32, #tpu.memory_space<vmem>> -> memref<128x128xf32, #tpu.memory_space<vmem>>
      %dma_start3A_41 = arith.constant 0 : i32
      %dma_start3A_42 = tpu.memref_slice %arg6[%arg0, %add3A_22, %dma_start3A_41] : memref<2x10112x128xf32, #tpu.memory_space<hbm>> -> memref<1x128x128xf32, #tpu.memory_space<hbm>>
      %dma_start3A_43 = tpu.memref_squeeze %dma_start3A_42 : memref<1x128x128xf32, #tpu.memory_space<hbm>> -> memref<128x128xf32, #tpu.memory_space<hbm>>
      %dma_start3A_44 = arith.constant 0 : i32
      %dma_start3A_45 = tpu.memref_slice %arg6[%arg0, %add3A_22, %dma_start3A_44] : memref<2x10112x128xf32, #tpu.memory_space<hbm>> -> memref<1x128x128xf32, #tpu.memory_space<hbm>>
      %dma_start3A_46 = tpu.memref_squeeze %dma_start3A_45 : memref<1x128x128xf32, #tpu.memory_space<hbm>> -> memref<128x128xf32, #tpu.memory_space<hbm>>
      %dma_start3A_47 = arith.constant 0 : i32
      %dma_start3A_48 = arith.constant 0 : i32
      %dma_start3A_49 = tpu.memref_slice %arg9[%dma_start3A_47, %dma_start3A_48] : memref<128x128xf32, #tpu.memory_space<vmem>> -> memref<128x128xf32, #tpu.memory_space<vmem>>
      tpu.enqueue_dma source(%dma_start3A_49 : memref<128x128xf32, #tpu.memory_space<vmem>>) target(%dma_start3A_46 : memref<128x128xf32, #tpu.memory_space<hbm>>) target_semaphore(%run_scoped3A : memref<!tpu.dma_semaphore, #tpu.memory_space<semaphore_mem>>)
      %dma_wait3A = arith.constant 0 : i32
      %dma_wait3A_50 = arith.constant 0 : i32
      %dma_wait3A_51 = tpu.memref_slice %arg9[%dma_wait3A, %dma_wait3A_50] : memref<128x128xf32, #tpu.memory_space<vmem>> -> memref<128x128xf32, #tpu.memory_space<vmem>>
      %dma_wait3A_52 = arith.constant 0 : i32
      %dma_wait3A_53 = tpu.memref_slice %arg6[%arg0, %add3A_22, %dma_wait3A_52] : memref<2x10112x128xf32, #tpu.memory_space<hbm>> -> memref<1x128x128xf32, #tpu.memory_space<hbm>>
      %dma_wait3A_54 = tpu.memref_squeeze %dma_wait3A_53 : memref<1x128x128xf32, #tpu.memory_space<hbm>> -> memref<128x128xf32, #tpu.memory_space<hbm>>
      %dma_wait3A_55 = arith.constant 0 : i32
      %dma_wait3A_56 = tpu.memref_slice %arg6[%arg0, %add3A_22, %dma_wait3A_55] : memref<2x10112x128xf32, #tpu.memory_space<hbm>> -> memref<1x128x128xf32, #tpu.memory_space<hbm>>
      %dma_wait3A_57 = tpu.memref_squeeze %dma_wait3A_56 : memref<1x128x128xf32, #tpu.memory_space<hbm>> -> memref<128x128xf32, #tpu.memory_space<hbm>>
      %dma_wait3A_58 = arith.constant 0 : i32
      %dma_wait3A_59 = arith.constant 0 : i32
      %dma_wait3A_60 = tpu.memref_slice %arg9[%dma_wait3A_58, %dma_wait3A_59] : memref<128x128xf32, #tpu.memory_space<vmem>> -> memref<128x128xf32, #tpu.memory_space<vmem>>
      tpu.wait_dma2 semaphore(%run_scoped3A : memref<!tpu.dma_semaphore, #tpu.memory_space<semaphore_mem>>) src(%dma_wait3A_60 : memref<128x128xf32, #tpu.memory_space<vmem>>) dst(%dma_wait3A_57 : memref<128x128xf32, #tpu.memory_space<hbm>>)
      tpu.yield
    }) : () -> ()
    %add3A_23 = arith.constant 128 : i32
    %add3A_24 = arith.addi %mul3A_2, %add3A_23 : i32
    "tpu.region"() ({
      %run_scoped3A = tpu.sem_alloc : memref<!tpu.dma_semaphore, #tpu.memory_space<semaphore_mem>>
      %dma_start3A = arith.constant 0 : i32
      %dma_start3A_39 = arith.constant 0 : i32
      %dma_start3A_40 = tpu.memref_slice %arg9[%dma_start3A, %dma_start3A_39] : memref<128x128xf32, #tpu.memory_space<vmem>> -> memref<128x128xf32, #tpu.memory_space<vmem>>
      %dma_start3A_41 = arith.constant 0 : i32
      %dma_start3A_42 = tpu.memref_slice %arg13[%add3A_24, %dma_start3A_41] : memref<10112x128xf32, #tpu.memory_space<vmem_shared>> -> memref<128x128xf32, #tpu.memory_space<vmem_shared>>
      %dma_start3A_43 = arith.constant 0 : i32
      %dma_start3A_44 = arith.constant 0 : i32
      %dma_start3A_45 = tpu.memref_slice %arg9[%dma_start3A_43, %dma_start3A_44] : memref<128x128xf32, #tpu.memory_space<vmem>> -> memref<128x128xf32, #tpu.memory_space<vmem>>
      %dma_start3A_46 = arith.constant 0 : i32
      %dma_start3A_47 = tpu.memref_slice %arg13[%add3A_24, %dma_start3A_46] : memref<10112x128xf32, #tpu.memory_space<vmem_shared>> -> memref<128x128xf32, #tpu.memory_space<vmem_shared>>
      tpu.enqueue_dma source(%dma_start3A_47 : memref<128x128xf32, #tpu.memory_space<vmem_shared>>) target(%dma_start3A_45 : memref<128x128xf32, #tpu.memory_space<vmem>>) target_semaphore(%run_scoped3A : memref<!tpu.dma_semaphore, #tpu.memory_space<semaphore_mem>>)
      %dma_wait3A = arith.constant 0 : i32
      %dma_wait3A_48 = arith.constant 0 : i32
      %dma_wait3A_49 = tpu.memref_slice %arg9[%dma_wait3A, %dma_wait3A_48] : memref<128x128xf32, #tpu.memory_space<vmem>> -> memref<128x128xf32, #tpu.memory_space<vmem>>
      %dma_wait3A_50 = arith.constant 0 : i32
      %dma_wait3A_51 = tpu.memref_slice %arg13[%add3A_24, %dma_wait3A_50] : memref<10112x128xf32, #tpu.memory_space<vmem_shared>> -> memref<128x128xf32, #tpu.memory_space<vmem_shared>>
      %dma_wait3A_52 = arith.constant 0 : i32
      %dma_wait3A_53 = arith.constant 0 : i32
      %dma_wait3A_54 = tpu.memref_slice %arg9[%dma_wait3A_52, %dma_wait3A_53] : memref<128x128xf32, #tpu.memory_space<vmem>> -> memref<128x128xf32, #tpu.memory_space<vmem>>
      %dma_wait3A_55 = arith.constant 0 : i32
      %dma_wait3A_56 = tpu.memref_slice %arg13[%add3A_24, %dma_wait3A_55] : memref<10112x128xf32, #tpu.memory_space<vmem_shared>> -> memref<128x128xf32, #tpu.memory_space<vmem_shared>>
      tpu.wait_dma2 semaphore(%run_scoped3A : memref<!tpu.dma_semaphore, #tpu.memory_space<semaphore_mem>>) src(%dma_wait3A_56 : memref<128x128xf32, #tpu.memory_space<vmem_shared>>) dst(%dma_wait3A_54 : memref<128x128xf32, #tpu.memory_space<vmem>>)
      tpu.yield
    }) : () -> ()
    %add3A_25 = arith.constant 128 : i32
    %add3A_26 = arith.addi %mul3A_2, %add3A_25 : i32
    "tpu.region"() ({
      %run_scoped3A = tpu.sem_alloc : memref<!tpu.dma_semaphore, #tpu.memory_space<semaphore_mem>>
      %dma_start3A = arith.constant 0 : i32
      %dma_start3A_39 = arith.constant 0 : i32
      %dma_start3A_40 = tpu.memref_slice %arg9[%dma_start3A, %dma_start3A_39] : memref<128x128xf32, #tpu.memory_space<vmem>> -> memref<128x128xf32, #tpu.memory_space<vmem>>
      %dma_start3A_41 = arith.constant 0 : i32
      %dma_start3A_42 = tpu.memref_slice %arg6[%arg0, %add3A_26, %dma_start3A_41] : memref<2x10112x128xf32, #tpu.memory_space<hbm>> -> memref<1x128x128xf32, #tpu.memory_space<hbm>>
      %dma_start3A_43 = tpu.memref_squeeze %dma_start3A_42 : memref<1x128x128xf32, #tpu.memory_space<hbm>> -> memref<128x128xf32, #tpu.memory_space<hbm>>
      %dma_start3A_44 = arith.constant 0 : i32
      %dma_start3A_45 = tpu.memref_slice %arg6[%arg0, %add3A_26, %dma_start3A_44] : memref<2x10112x128xf32, #tpu.memory_space<hbm>> -> memref<1x128x128xf32, #tpu.memory_space<hbm>>
      %dma_start3A_46 = tpu.memref_squeeze %dma_start3A_45 : memref<1x128x128xf32, #tpu.memory_space<hbm>> -> memref<128x128xf32, #tpu.memory_space<hbm>>
      %dma_start3A_47 = arith.constant 0 : i32
      %dma_start3A_48 = arith.constant 0 : i32
      %dma_start3A_49 = tpu.memref_slice %arg9[%dma_start3A_47, %dma_start3A_48] : memref<128x128xf32, #tpu.memory_space<vmem>> -> memref<128x128xf32, #tpu.memory_space<vmem>>
      tpu.enqueue_dma source(%dma_start3A_49 : memref<128x128xf32, #tpu.memory_space<vmem>>) target(%dma_start3A_46 : memref<128x128xf32, #tpu.memory_space<hbm>>) target_semaphore(%run_scoped3A : memref<!tpu.dma_semaphore, #tpu.memory_space<semaphore_mem>>)
      %dma_wait3A = arith.constant 0 : i32
      %dma_wait3A_50 = arith.constant 0 : i32
      %dma_wait3A_51 = tpu.memref_slice %arg9[%dma_wait3A, %dma_wait3A_50] : memref<128x128xf32, #tpu.memory_space<vmem>> -> memref<128x128xf32, #tpu.memory_space<vmem>>
      %dma_wait3A_52 = arith.constant 0 : i32
      %dma_wait3A_53 = tpu.memref_slice %arg6[%arg0, %add3A_26, %dma_wait3A_52] : memref<2x10112x128xf32, #tpu.memory_space<hbm>> -> memref<1x128x128xf32, #tpu.memory_space<hbm>>
      %dma_wait3A_54 = tpu.memref_squeeze %dma_wait3A_53 : memref<1x128x128xf32, #tpu.memory_space<hbm>> -> memref<128x128xf32, #tpu.memory_space<hbm>>
      %dma_wait3A_55 = arith.constant 0 : i32
      %dma_wait3A_56 = tpu.memref_slice %arg6[%arg0, %add3A_26, %dma_wait3A_55] : memref<2x10112x128xf32, #tpu.memory_space<hbm>> -> memref<1x128x128xf32, #tpu.memory_space<hbm>>
      %dma_wait3A_57 = tpu.memref_squeeze %dma_wait3A_56 : memref<1x128x128xf32, #tpu.memory_space<hbm>> -> memref<128x128xf32, #tpu.memory_space<hbm>>
      %dma_wait3A_58 = arith.constant 0 : i32
      %dma_wait3A_59 = arith.constant 0 : i32
      %dma_wait3A_60 = tpu.memref_slice %arg9[%dma_wait3A_58, %dma_wait3A_59] : memref<128x128xf32, #tpu.memory_space<vmem>> -> memref<128x128xf32, #tpu.memory_space<vmem>>
      tpu.wait_dma2 semaphore(%run_scoped3A : memref<!tpu.dma_semaphore, #tpu.memory_space<semaphore_mem>>) src(%dma_wait3A_60 : memref<128x128xf32, #tpu.memory_space<vmem>>) dst(%dma_wait3A_57 : memref<128x128xf32, #tpu.memory_space<hbm>>)
      tpu.yield
    }) : () -> ()
    %add3A_27 = arith.constant 256 : i32
    %add3A_28 = arith.addi %mul3A_2, %add3A_27 : i32
    "tpu.region"() ({
      %run_scoped3A = tpu.sem_alloc : memref<!tpu.dma_semaphore, #tpu.memory_space<semaphore_mem>>
      %dma_start3A = arith.constant 0 : i32
      %dma_start3A_39 = arith.constant 0 : i32
      %dma_start3A_40 = tpu.memref_slice %arg9[%dma_start3A, %dma_start3A_39] : memref<128x128xf32, #tpu.memory_space<vmem>> -> memref<128x128xf32, #tpu.memory_space<vmem>>
      %dma_start3A_41 = arith.constant 0 : i32
      %dma_start3A_42 = tpu.memref_slice %arg13[%add3A_28, %dma_start3A_41] : memref<10112x128xf32, #tpu.memory_space<vmem_shared>> -> memref<128x128xf32, #tpu.memory_space<vmem_shared>>
      %dma_start3A_43 = arith.constant 0 : i32
      %dma_start3A_44 = arith.constant 0 : i32
      %dma_start3A_45 = tpu.memref_slice %arg9[%dma_start3A_43, %dma_start3A_44] : memref<128x128xf32, #tpu.memory_space<vmem>> -> memref<128x128xf32, #tpu.memory_space<vmem>>
      %dma_start3A_46 = arith.constant 0 : i32
      %dma_start3A_47 = tpu.memref_slice %arg13[%add3A_28, %dma_start3A_46] : memref<10112x128xf32, #tpu.memory_space<vmem_shared>> -> memref<128x128xf32, #tpu.memory_space<vmem_shared>>
      tpu.enqueue_dma source(%dma_start3A_47 : memref<128x128xf32, #tpu.memory_space<vmem_shared>>) target(%dma_start3A_45 : memref<128x128xf32, #tpu.memory_space<vmem>>) target_semaphore(%run_scoped3A : memref<!tpu.dma_semaphore, #tpu.memory_space<semaphore_mem>>)
      %dma_wait3A = arith.constant 0 : i32
      %dma_wait3A_48 = arith.constant 0 : i32
      %dma_wait3A_49 = tpu.memref_slice %arg9[%dma_wait3A, %dma_wait3A_48] : memref<128x128xf32, #tpu.memory_space<vmem>> -> memref<128x128xf32, #tpu.memory_space<vmem>>
      %dma_wait3A_50 = arith.constant 0 : i32
      %dma_wait3A_51 = tpu.memref_slice %arg13[%add3A_28, %dma_wait3A_50] : memref<10112x128xf32, #tpu.memory_space<vmem_shared>> -> memref<128x128xf32, #tpu.memory_space<vmem_shared>>
      %dma_wait3A_52 = arith.constant 0 : i32
      %dma_wait3A_53 = arith.constant 0 : i32
      %dma_wait3A_54 = tpu.memref_slice %arg9[%dma_wait3A_52, %dma_wait3A_53] : memref<128x128xf32, #tpu.memory_space<vmem>> -> memref<128x128xf32, #tpu.memory_space<vmem>>
      %dma_wait3A_55 = arith.constant 0 : i32
      %dma_wait3A_56 = tpu.memref_slice %arg13[%add3A_28, %dma_wait3A_55] : memref<10112x128xf32, #tpu.memory_space<vmem_shared>> -> memref<128x128xf32, #tpu.memory_space<vmem_shared>>
      tpu.wait_dma2 semaphore(%run_scoped3A : memref<!tpu.dma_semaphore, #tpu.memory_space<semaphore_mem>>) src(%dma_wait3A_56 : memref<128x128xf32, #tpu.memory_space<vmem_shared>>) dst(%dma_wait3A_54 : memref<128x128xf32, #tpu.memory_space<vmem>>)
      tpu.yield
    }) : () -> ()
    %add3A_29 = arith.constant 256 : i32
    %add3A_30 = arith.addi %mul3A_2, %add3A_29 : i32
    "tpu.region"() ({
      %run_scoped3A = tpu.sem_alloc : memref<!tpu.dma_semaphore, #tpu.memory_space<semaphore_mem>>
      %dma_start3A = arith.constant 0 : i32
      %dma_start3A_39 = arith.constant 0 : i32
      %dma_start3A_40 = tpu.memref_slice %arg9[%dma_start3A, %dma_start3A_39] : memref<128x128xf32, #tpu.memory_space<vmem>> -> memref<128x128xf32, #tpu.memory_space<vmem>>
      %dma_start3A_41 = arith.constant 0 : i32
      %dma_start3A_42 = tpu.memref_slice %arg6[%arg0, %add3A_30, %dma_start3A_41] : memref<2x10112x128xf32, #tpu.memory_space<hbm>> -> memref<1x128x128xf32, #tpu.memory_space<hbm>>
      %dma_start3A_43 = tpu.memref_squeeze %dma_start3A_42 : memref<1x128x128xf32, #tpu.memory_space<hbm>> -> memref<128x128xf32, #tpu.memory_space<hbm>>
      %dma_start3A_44 = arith.constant 0 : i32
      %dma_start3A_45 = tpu.memref_slice %arg6[%arg0, %add3A_30, %dma_start3A_44] : memref<2x10112x128xf32, #tpu.memory_space<hbm>> -> memref<1x128x128xf32, #tpu.memory_space<hbm>>
      %dma_start3A_46 = tpu.memref_squeeze %dma_start3A_45 : memref<1x128x128xf32, #tpu.memory_space<hbm>> -> memref<128x128xf32, #tpu.memory_space<hbm>>
      %dma_start3A_47 = arith.constant 0 : i32
      %dma_start3A_48 = arith.constant 0 : i32
      %dma_start3A_49 = tpu.memref_slice %arg9[%dma_start3A_47, %dma_start3A_48] : memref<128x128xf32, #tpu.memory_space<vmem>> -> memref<128x128xf32, #tpu.memory_space<vmem>>
      tpu.enqueue_dma source(%dma_start3A_49 : memref<128x128xf32, #tpu.memory_space<vmem>>) target(%dma_start3A_46 : memref<128x128xf32, #tpu.memory_space<hbm>>) target_semaphore(%run_scoped3A : memref<!tpu.dma_semaphore, #tpu.memory_space<semaphore_mem>>)
      %dma_wait3A = arith.constant 0 : i32
      %dma_wait3A_50 = arith.constant 0 : i32
      %dma_wait3A_51 = tpu.memref_slice %arg9[%dma_wait3A, %dma_wait3A_50] : memref<128x128xf32, #tpu.memory_space<vmem>> -> memref<128x128xf32, #tpu.memory_space<vmem>>
      %dma_wait3A_52 = arith.constant 0 : i32
      %dma_wait3A_53 = tpu.memref_slice %arg6[%arg0, %add3A_30, %dma_wait3A_52] : memref<2x10112x128xf32, #tpu.memory_space<hbm>> -> memref<1x128x128xf32, #tpu.memory_space<hbm>>
      %dma_wait3A_54 = tpu.memref_squeeze %dma_wait3A_53 : memref<1x128x128xf32, #tpu.memory_space<hbm>> -> memref<128x128xf32, #tpu.memory_space<hbm>>
      %dma_wait3A_55 = arith.constant 0 : i32
      %dma_wait3A_56 = tpu.memref_slice %arg6[%arg0, %add3A_30, %dma_wait3A_55] : memref<2x10112x128xf32, #tpu.memory_space<hbm>> -> memref<1x128x128xf32, #tpu.memory_space<hbm>>
      %dma_wait3A_57 = tpu.memref_squeeze %dma_wait3A_56 : memref<1x128x128xf32, #tpu.memory_space<hbm>> -> memref<128x128xf32, #tpu.memory_space<hbm>>
      %dma_wait3A_58 = arith.constant 0 : i32
      %dma_wait3A_59 = arith.constant 0 : i32
      %dma_wait3A_60 = tpu.memref_slice %arg9[%dma_wait3A_58, %dma_wait3A_59] : memref<128x128xf32, #tpu.memory_space<vmem>> -> memref<128x128xf32, #tpu.memory_space<vmem>>
      tpu.wait_dma2 semaphore(%run_scoped3A : memref<!tpu.dma_semaphore, #tpu.memory_space<semaphore_mem>>) src(%dma_wait3A_60 : memref<128x128xf32, #tpu.memory_space<vmem>>) dst(%dma_wait3A_57 : memref<128x128xf32, #tpu.memory_space<hbm>>)
      tpu.yield
    }) : () -> ()
    %add3A_31 = arith.constant 384 : i32
    %add3A_32 = arith.addi %mul3A_2, %add3A_31 : i32
    "tpu.region"() ({
      %run_scoped3A = tpu.sem_alloc : memref<!tpu.dma_semaphore, #tpu.memory_space<semaphore_mem>>
      %dma_start3A = arith.constant 0 : i32
      %dma_start3A_39 = arith.constant 0 : i32
      %dma_start3A_40 = tpu.memref_slice %arg9[%dma_start3A, %dma_start3A_39] : memref<128x128xf32, #tpu.memory_space<vmem>> -> memref<128x128xf32, #tpu.memory_space<vmem>>
      %dma_start3A_41 = arith.constant 0 : i32
      %dma_start3A_42 = tpu.memref_slice %arg13[%add3A_32, %dma_start3A_41] : memref<10112x128xf32, #tpu.memory_space<vmem_shared>> -> memref<128x128xf32, #tpu.memory_space<vmem_shared>>
      %dma_start3A_43 = arith.constant 0 : i32
      %dma_start3A_44 = arith.constant 0 : i32
      %dma_start3A_45 = tpu.memref_slice %arg9[%dma_start3A_43, %dma_start3A_44] : memref<128x128xf32, #tpu.memory_space<vmem>> -> memref<128x128xf32, #tpu.memory_space<vmem>>
      %dma_start3A_46 = arith.constant 0 : i32
      %dma_start3A_47 = tpu.memref_slice %arg13[%add3A_32, %dma_start3A_46] : memref<10112x128xf32, #tpu.memory_space<vmem_shared>> -> memref<128x128xf32, #tpu.memory_space<vmem_shared>>
      tpu.enqueue_dma source(%dma_start3A_47 : memref<128x128xf32, #tpu.memory_space<vmem_shared>>) target(%dma_start3A_45 : memref<128x128xf32, #tpu.memory_space<vmem>>) target_semaphore(%run_scoped3A : memref<!tpu.dma_semaphore, #tpu.memory_space<semaphore_mem>>)
      %dma_wait3A = arith.constant 0 : i32
      %dma_wait3A_48 = arith.constant 0 : i32
      %dma_wait3A_49 = tpu.memref_slice %arg9[%dma_wait3A, %dma_wait3A_48] : memref<128x128xf32, #tpu.memory_space<vmem>> -> memref<128x128xf32, #tpu.memory_space<vmem>>
      %dma_wait3A_50 = arith.constant 0 : i32
      %dma_wait3A_51 = tpu.memref_slice %arg13[%add3A_32, %dma_wait3A_50] : memref<10112x128xf32, #tpu.memory_space<vmem_shared>> -> memref<128x128xf32, #tpu.memory_space<vmem_shared>>
      %dma_wait3A_52 = arith.constant 0 : i32
      %dma_wait3A_53 = arith.constant 0 : i32
      %dma_wait3A_54 = tpu.memref_slice %arg9[%dma_wait3A_52, %dma_wait3A_53] : memref<128x128xf32, #tpu.memory_space<vmem>> -> memref<128x128xf32, #tpu.memory_space<vmem>>
      %dma_wait3A_55 = arith.constant 0 : i32
      %dma_wait3A_56 = tpu.memref_slice %arg13[%add3A_32, %dma_wait3A_55] : memref<10112x128xf32, #tpu.memory_space<vmem_shared>> -> memref<128x128xf32, #tpu.memory_space<vmem_shared>>
      tpu.wait_dma2 semaphore(%run_scoped3A : memref<!tpu.dma_semaphore, #tpu.memory_space<semaphore_mem>>) src(%dma_wait3A_56 : memref<128x128xf32, #tpu.memory_space<vmem_shared>>) dst(%dma_wait3A_54 : memref<128x128xf32, #tpu.memory_space<vmem>>)
      tpu.yield
    }) : () -> ()
    %add3A_33 = arith.constant 384 : i32
    %add3A_34 = arith.addi %mul3A_2, %add3A_33 : i32
    "tpu.region"() ({
      %run_scoped3A = tpu.sem_alloc : memref<!tpu.dma_semaphore, #tpu.memory_space<semaphore_mem>>
      %dma_start3A = arith.constant 0 : i32
      %dma_start3A_39 = arith.constant 0 : i32
      %dma_start3A_40 = tpu.memref_slice %arg9[%dma_start3A, %dma_start3A_39] : memref<128x128xf32, #tpu.memory_space<vmem>> -> memref<128x128xf32, #tpu.memory_space<vmem>>
      %dma_start3A_41 = arith.constant 0 : i32
      %dma_start3A_42 = tpu.memref_slice %arg6[%arg0, %add3A_34, %dma_start3A_41] : memref<2x10112x128xf32, #tpu.memory_space<hbm>> -> memref<1x128x128xf32, #tpu.memory_space<hbm>>
      %dma_start3A_43 = tpu.memref_squeeze %dma_start3A_42 : memref<1x128x128xf32, #tpu.memory_space<hbm>> -> memref<128x128xf32, #tpu.memory_space<hbm>>
      %dma_start3A_44 = arith.constant 0 : i32
      %dma_start3A_45 = tpu.memref_slice %arg6[%arg0, %add3A_34, %dma_start3A_44] : memref<2x10112x128xf32, #tpu.memory_space<hbm>> -> memref<1x128x128xf32, #tpu.memory_space<hbm>>
      %dma_start3A_46 = tpu.memref_squeeze %dma_start3A_45 : memref<1x128x128xf32, #tpu.memory_space<hbm>> -> memref<128x128xf32, #tpu.memory_space<hbm>>
      %dma_start3A_47 = arith.constant 0 : i32
      %dma_start3A_48 = arith.constant 0 : i32
      %dma_start3A_49 = tpu.memref_slice %arg9[%dma_start3A_47, %dma_start3A_48] : memref<128x128xf32, #tpu.memory_space<vmem>> -> memref<128x128xf32, #tpu.memory_space<vmem>>
      tpu.enqueue_dma source(%dma_start3A_49 : memref<128x128xf32, #tpu.memory_space<vmem>>) target(%dma_start3A_46 : memref<128x128xf32, #tpu.memory_space<hbm>>) target_semaphore(%run_scoped3A : memref<!tpu.dma_semaphore, #tpu.memory_space<semaphore_mem>>)
      %dma_wait3A = arith.constant 0 : i32
      %dma_wait3A_50 = arith.constant 0 : i32
      %dma_wait3A_51 = tpu.memref_slice %arg9[%dma_wait3A, %dma_wait3A_50] : memref<128x128xf32, #tpu.memory_space<vmem>> -> memref<128x128xf32, #tpu.memory_space<vmem>>
      %dma_wait3A_52 = arith.constant 0 : i32
      %dma_wait3A_53 = tpu.memref_slice %arg6[%arg0, %add3A_34, %dma_wait3A_52] : memref<2x10112x128xf32, #tpu.memory_space<hbm>> -> memref<1x128x128xf32, #tpu.memory_space<hbm>>
      %dma_wait3A_54 = tpu.memref_squeeze %dma_wait3A_53 : memref<1x128x128xf32, #tpu.memory_space<hbm>> -> memref<128x128xf32, #tpu.memory_space<hbm>>
      %dma_wait3A_55 = arith.constant 0 : i32
      %dma_wait3A_56 = tpu.memref_slice %arg6[%arg0, %add3A_34, %dma_wait3A_55] : memref<2x10112x128xf32, #tpu.memory_space<hbm>> -> memref<1x128x128xf32, #tpu.memory_space<hbm>>
      %dma_wait3A_57 = tpu.memref_squeeze %dma_wait3A_56 : memref<1x128x128xf32, #tpu.memory_space<hbm>> -> memref<128x128xf32, #tpu.memory_space<hbm>>
      %dma_wait3A_58 = arith.constant 0 : i32
      %dma_wait3A_59 = arith.constant 0 : i32
      %dma_wait3A_60 = tpu.memref_slice %arg9[%dma_wait3A_58, %dma_wait3A_59] : memref<128x128xf32, #tpu.memory_space<vmem>> -> memref<128x128xf32, #tpu.memory_space<vmem>>
      tpu.wait_dma2 semaphore(%run_scoped3A : memref<!tpu.dma_semaphore, #tpu.memory_space<semaphore_mem>>) src(%dma_wait3A_60 : memref<128x128xf32, #tpu.memory_space<vmem>>) dst(%dma_wait3A_57 : memref<128x128xf32, #tpu.memory_space<hbm>>)
      tpu.yield
    }) : () -> ()
    %add3A_35 = arith.constant 512 : i32
    %add3A_36 = arith.addi %mul3A_2, %add3A_35 : i32
    "tpu.region"() ({
      %run_scoped3A = tpu.sem_alloc : memref<!tpu.dma_semaphore, #tpu.memory_space<semaphore_mem>>
      %dma_start3A = arith.constant 0 : i32
      %dma_start3A_39 = arith.constant 0 : i32
      %dma_start3A_40 = tpu.memref_slice %arg9[%dma_start3A, %dma_start3A_39] : memref<128x128xf32, #tpu.memory_space<vmem>> -> memref<120x128xf32, #tpu.memory_space<vmem>>
      %dma_start3A_41 = arith.constant 0 : i32
      %dma_start3A_42 = tpu.memref_slice %arg13[%add3A_36, %dma_start3A_41] : memref<10112x128xf32, #tpu.memory_space<vmem_shared>> -> memref<120x128xf32, #tpu.memory_space<vmem_shared>>
      %dma_start3A_43 = arith.constant 0 : i32
      %dma_start3A_44 = arith.constant 0 : i32
      %dma_start3A_45 = tpu.memref_slice %arg9[%dma_start3A_43, %dma_start3A_44] : memref<128x128xf32, #tpu.memory_space<vmem>> -> memref<120x128xf32, #tpu.memory_space<vmem>>
      %dma_start3A_46 = arith.constant 0 : i32
      %dma_start3A_47 = tpu.memref_slice %arg13[%add3A_36, %dma_start3A_46] : memref<10112x128xf32, #tpu.memory_space<vmem_shared>> -> memref<120x128xf32, #tpu.memory_space<vmem_shared>>
      tpu.enqueue_dma source(%dma_start3A_47 : memref<120x128xf32, #tpu.memory_space<vmem_shared>>) target(%dma_start3A_45 : memref<120x128xf32, #tpu.memory_space<vmem>>) target_semaphore(%run_scoped3A : memref<!tpu.dma_semaphore, #tpu.memory_space<semaphore_mem>>)
      %dma_wait3A = arith.constant 0 : i32
      %dma_wait3A_48 = arith.constant 0 : i32
      %dma_wait3A_49 = tpu.memref_slice %arg9[%dma_wait3A, %dma_wait3A_48] : memref<128x128xf32, #tpu.memory_space<vmem>> -> memref<120x128xf32, #tpu.memory_space<vmem>>
      %dma_wait3A_50 = arith.constant 0 : i32
      %dma_wait3A_51 = tpu.memref_slice %arg13[%add3A_36, %dma_wait3A_50] : memref<10112x128xf32, #tpu.memory_space<vmem_shared>> -> memref<120x128xf32, #tpu.memory_space<vmem_shared>>
      %dma_wait3A_52 = arith.constant 0 : i32
      %dma_wait3A_53 = arith.constant 0 : i32
      %dma_wait3A_54 = tpu.memref_slice %arg9[%dma_wait3A_52, %dma_wait3A_53] : memref<128x128xf32, #tpu.memory_space<vmem>> -> memref<120x128xf32, #tpu.memory_space<vmem>>
      %dma_wait3A_55 = arith.constant 0 : i32
      %dma_wait3A_56 = tpu.memref_slice %arg13[%add3A_36, %dma_wait3A_55] : memref<10112x128xf32, #tpu.memory_space<vmem_shared>> -> memref<120x128xf32, #tpu.memory_space<vmem_shared>>
      tpu.wait_dma2 semaphore(%run_scoped3A : memref<!tpu.dma_semaphore, #tpu.memory_space<semaphore_mem>>) src(%dma_wait3A_56 : memref<120x128xf32, #tpu.memory_space<vmem_shared>>) dst(%dma_wait3A_54 : memref<120x128xf32, #tpu.memory_space<vmem>>)
      tpu.yield
    }) : () -> ()
    %add3A_37 = arith.constant 512 : i32
    %add3A_38 = arith.addi %mul3A_2, %add3A_37 : i32
    "tpu.region"() ({
      %run_scoped3A = tpu.sem_alloc : memref<!tpu.dma_semaphore, #tpu.memory_space<semaphore_mem>>
      %dma_start3A = arith.constant 0 : i32
      %dma_start3A_39 = arith.constant 0 : i32
      %dma_start3A_40 = tpu.memref_slice %arg9[%dma_start3A, %dma_start3A_39] : memref<128x128xf32, #tpu.memory_space<vmem>> -> memref<120x128xf32, #tpu.memory_space<vmem>>
      %dma_start3A_41 = arith.constant 0 : i32
      %dma_start3A_42 = tpu.memref_slice %arg6[%arg0, %add3A_38, %dma_start3A_41] : memref<2x10112x128xf32, #tpu.memory_space<hbm>> -> memref<1x120x128xf32, #tpu.memory_space<hbm>>
      %dma_start3A_43 = tpu.memref_squeeze %dma_start3A_42 : memref<1x120x128xf32, #tpu.memory_space<hbm>> -> memref<120x128xf32, #tpu.memory_space<hbm>>
      %dma_start3A_44 = arith.constant 0 : i32
      %dma_start3A_45 = tpu.memref_slice %arg6[%arg0, %add3A_38, %dma_start3A_44] : memref<2x10112x128xf32, #tpu.memory_space<hbm>> -> memref<1x120x128xf32, #tpu.memory_space<hbm>>
      %dma_start3A_46 = tpu.memref_squeeze %dma_start3A_45 : memref<1x120x128xf32, #tpu.memory_space<hbm>> -> memref<120x128xf32, #tpu.memory_space<hbm>>
      %dma_start3A_47 = arith.constant 0 : i32
      %dma_start3A_48 = arith.constant 0 : i32
      %dma_start3A_49 = tpu.memref_slice %arg9[%dma_start3A_47, %dma_start3A_48] : memref<128x128xf32, #tpu.memory_space<vmem>> -> memref<120x128xf32, #tpu.memory_space<vmem>>
      tpu.enqueue_dma source(%dma_start3A_49 : memref<120x128xf32, #tpu.memory_space<vmem>>) target(%dma_start3A_46 : memref<120x128xf32, #tpu.memory_space<hbm>>) target_semaphore(%run_scoped3A : memref<!tpu.dma_semaphore, #tpu.memory_space<semaphore_mem>>)
      %dma_wait3A = arith.constant 0 : i32
      %dma_wait3A_50 = arith.constant 0 : i32
      %dma_wait3A_51 = tpu.memref_slice %arg9[%dma_wait3A, %dma_wait3A_50] : memref<128x128xf32, #tpu.memory_space<vmem>> -> memref<120x128xf32, #tpu.memory_space<vmem>>
      %dma_wait3A_52 = arith.constant 0 : i32
      %dma_wait3A_53 = tpu.memref_slice %arg6[%arg0, %add3A_38, %dma_wait3A_52] : memref<2x10112x128xf32, #tpu.memory_space<hbm>> -> memref<1x120x128xf32, #tpu.memory_space<hbm>>
      %dma_wait3A_54 = tpu.memref_squeeze %dma_wait3A_53 : memref<1x120x128xf32, #tpu.memory_space<hbm>> -> memref<120x128xf32, #tpu.memory_space<hbm>>
      %dma_wait3A_55 = arith.constant 0 : i32
      %dma_wait3A_56 = tpu.memref_slice %arg6[%arg0, %add3A_38, %dma_wait3A_55] : memref<2x10112x128xf32, #tpu.memory_space<hbm>> -> memref<1x120x128xf32, #tpu.memory_space<hbm>>
      %dma_wait3A_57 = tpu.memref_squeeze %dma_wait3A_56 : memref<1x120x128xf32, #tpu.memory_space<hbm>> -> memref<120x128xf32, #tpu.memory_space<hbm>>
      %dma_wait3A_58 = arith.constant 0 : i32
      %dma_wait3A_59 = arith.constant 0 : i32
      %dma_wait3A_60 = tpu.memref_slice %arg9[%dma_wait3A_58, %dma_wait3A_59] : memref<128x128xf32, #tpu.memory_space<vmem>> -> memref<120x128xf32, #tpu.memory_space<vmem>>
      tpu.wait_dma2 semaphore(%run_scoped3A : memref<!tpu.dma_semaphore, #tpu.memory_space<semaphore_mem>>) src(%dma_wait3A_60 : memref<120x128xf32, #tpu.memory_space<vmem>>) dst(%dma_wait3A_57 : memref<120x128xf32, #tpu.memory_space<hbm>>)
      tpu.yield
    }) : () -> ()
    return
  }
}

#map = affine_map<(d0, d1) -> (0, 0, 0)>
module attributes {stable_mosaic.version = 14 : i64} {
  func.func @_sc_deg_body(%arg0: i32, %arg1: i32, %arg2: memref<32x80x128xi32, #tpu.memory_space<hbm>>, %arg3: memref<2x128x128xf32, #tpu.memory_space<hbm>>, %arg4: memref<2x10112x128xf32, #tpu.memory_space<hbm>>, %arg5: memref<8x128xi32, #tpu.memory_space<vmem>>, %arg6: memref<128x128xf32, #tpu.memory_space<vmem>>, %arg7: memref<10112x128xf32, #tpu.memory_space<vmem_shared>>, %arg8: memref<!tpu.dma_semaphore, #tpu.memory_space<semaphore_mem>>) attributes {dimension_semantics = [#tpu.dimension_semantics<core_parallel>, #tpu.dimension_semantics<subcore_parallel>], iteration_bounds = array<i64: 2, 16>, scalar_prefetch = 0 : i64, scratch_operands = 4 : i64, tpu.core_type = #tpu.core_type<sc_vector_subcore>, window_params = [{transform_indices = #map}, {transform_indices = #map}, {transform_indices = #map}]} {
    %mul3A = arith.constant 16 : i32
    %mul3A_0 = arith.muli %arg0, %mul3A : i32
    %add3A = arith.addi %mul3A_0, %arg1 : i32
    %mul3A_1 = arith.constant 632 : i32
    %mul3A_2 = arith.muli %arg1, %mul3A_1 : i32
    %run_scoped3A = arith.constant 1 : i32
    "tpu.region"() ({
      %run_scoped3A_40 = tpu.sem_alloc : memref<!tpu.dma_semaphore, #tpu.memory_space<semaphore_mem>>
      %dma_start3A = arith.constant 0 : i32
      %dma_start3A_41 = arith.constant 0 : i32
      %dma_start3A_42 = tpu.memref_slice %arg3[%run_scoped3A, %dma_start3A, %dma_start3A_41] : memref<2x128x128xf32, #tpu.memory_space<hbm>> -> memref<1x128x128xf32, #tpu.memory_space<hbm>>
      %dma_start3A_43 = tpu.memref_squeeze %dma_start3A_42 : memref<1x128x128xf32, #tpu.memory_space<hbm>> -> memref<128x128xf32, #tpu.memory_space<hbm>>
      %dma_start3A_44 = arith.constant 0 : i32
      %dma_start3A_45 = arith.constant 0 : i32
      %dma_start3A_46 = tpu.memref_slice %arg3[%run_scoped3A, %dma_start3A_44, %dma_start3A_45] : memref<2x128x128xf32, #tpu.memory_space<hbm>> -> memref<1x128x128xf32, #tpu.memory_space<hbm>>
      %dma_start3A_47 = tpu.memref_squeeze %dma_start3A_46 : memref<1x128x128xf32, #tpu.memory_space<hbm>> -> memref<128x128xf32, #tpu.memory_space<hbm>>
      tpu.enqueue_dma source(%dma_start3A_47 : memref<128x128xf32, #tpu.memory_space<hbm>>) target(%arg6 : memref<128x128xf32, #tpu.memory_space<vmem>>) target_semaphore(%run_scoped3A_40 : memref<!tpu.dma_semaphore, #tpu.memory_space<semaphore_mem>>)
      %dma_wait3A = arith.constant 0 : i32
      %dma_wait3A_48 = arith.constant 0 : i32
      %dma_wait3A_49 = tpu.memref_slice %arg3[%run_scoped3A, %dma_wait3A, %dma_wait3A_48] : memref<2x128x128xf32, #tpu.memory_space<hbm>> -> memref<1x128x128xf32, #tpu.memory_space<hbm>>
      %dma_wait3A_50 = tpu.memref_squeeze %dma_wait3A_49 : memref<1x128x128xf32, #tpu.memory_space<hbm>> -> memref<128x128xf32, #tpu.memory_space<hbm>>
      %dma_wait3A_51 = arith.constant 0 : i32
      %dma_wait3A_52 = arith.constant 0 : i32
      %dma_wait3A_53 = tpu.memref_slice %arg3[%run_scoped3A, %dma_wait3A_51, %dma_wait3A_52] : memref<2x128x128xf32, #tpu.memory_space<hbm>> -> memref<1x128x128xf32, #tpu.memory_space<hbm>>
      %dma_wait3A_54 = tpu.memref_squeeze %dma_wait3A_53 : memref<1x128x128xf32, #tpu.memory_space<hbm>> -> memref<128x128xf32, #tpu.memory_space<hbm>>
      tpu.wait_dma2 semaphore(%run_scoped3A_40 : memref<!tpu.dma_semaphore, #tpu.memory_space<semaphore_mem>>) src(%dma_wait3A_54 : memref<128x128xf32, #tpu.memory_space<hbm>>) dst(%arg6 : memref<128x128xf32, #tpu.memory_space<vmem>>)
      tpu.yield
    }) : () -> ()
    %add3A_3 = arith.constant 0 : i32
    %add3A_4 = arith.addi %mul3A_2, %add3A_3 : i32
    "tpu.region"() ({
      %run_scoped3A_40 = tpu.sem_alloc : memref<!tpu.dma_semaphore, #tpu.memory_space<semaphore_mem>>
      %dma_start3A = arith.constant 0 : i32
      %dma_start3A_41 = arith.constant 0 : i32
      %dma_start3A_42 = tpu.memref_slice %arg6[%dma_start3A, %dma_start3A_41] : memref<128x128xf32, #tpu.memory_space<vmem>> -> memref<128x128xf32, #tpu.memory_space<vmem>>
      %dma_start3A_43 = arith.constant 0 : i32
      %dma_start3A_44 = tpu.memref_slice %arg7[%add3A_4, %dma_start3A_43] : memref<10112x128xf32, #tpu.memory_space<vmem_shared>> -> memref<128x128xf32, #tpu.memory_space<vmem_shared>>
      %dma_start3A_45 = arith.constant 0 : i32
      %dma_start3A_46 = tpu.memref_slice %arg7[%add3A_4, %dma_start3A_45] : memref<10112x128xf32, #tpu.memory_space<vmem_shared>> -> memref<128x128xf32, #tpu.memory_space<vmem_shared>>
      %dma_start3A_47 = arith.constant 0 : i32
      %dma_start3A_48 = arith.constant 0 : i32
      %dma_start3A_49 = tpu.memref_slice %arg6[%dma_start3A_47, %dma_start3A_48] : memref<128x128xf32, #tpu.memory_space<vmem>> -> memref<128x128xf32, #tpu.memory_space<vmem>>
      tpu.enqueue_dma source(%dma_start3A_49 : memref<128x128xf32, #tpu.memory_space<vmem>>) target(%dma_start3A_46 : memref<128x128xf32, #tpu.memory_space<vmem_shared>>) target_semaphore(%run_scoped3A_40 : memref<!tpu.dma_semaphore, #tpu.memory_space<semaphore_mem>>)
      %dma_wait3A = arith.constant 0 : i32
      %dma_wait3A_50 = arith.constant 0 : i32
      %dma_wait3A_51 = tpu.memref_slice %arg6[%dma_wait3A, %dma_wait3A_50] : memref<128x128xf32, #tpu.memory_space<vmem>> -> memref<128x128xf32, #tpu.memory_space<vmem>>
      %dma_wait3A_52 = arith.constant 0 : i32
      %dma_wait3A_53 = tpu.memref_slice %arg7[%add3A_4, %dma_wait3A_52] : memref<10112x128xf32, #tpu.memory_space<vmem_shared>> -> memref<128x128xf32, #tpu.memory_space<vmem_shared>>
      %dma_wait3A_54 = arith.constant 0 : i32
      %dma_wait3A_55 = tpu.memref_slice %arg7[%add3A_4, %dma_wait3A_54] : memref<10112x128xf32, #tpu.memory_space<vmem_shared>> -> memref<128x128xf32, #tpu.memory_space<vmem_shared>>
      %dma_wait3A_56 = arith.constant 0 : i32
      %dma_wait3A_57 = arith.constant 0 : i32
      %dma_wait3A_58 = tpu.memref_slice %arg6[%dma_wait3A_56, %dma_wait3A_57] : memref<128x128xf32, #tpu.memory_space<vmem>> -> memref<128x128xf32, #tpu.memory_space<vmem>>
      tpu.wait_dma2 semaphore(%run_scoped3A_40 : memref<!tpu.dma_semaphore, #tpu.memory_space<semaphore_mem>>) src(%dma_wait3A_58 : memref<128x128xf32, #tpu.memory_space<vmem>>) dst(%dma_wait3A_55 : memref<128x128xf32, #tpu.memory_space<vmem_shared>>)
      tpu.yield
    }) : () -> ()
    %add3A_5 = arith.constant 128 : i32
    %add3A_6 = arith.addi %mul3A_2, %add3A_5 : i32
    "tpu.region"() ({
      %run_scoped3A_40 = tpu.sem_alloc : memref<!tpu.dma_semaphore, #tpu.memory_space<semaphore_mem>>
      %dma_start3A = arith.constant 0 : i32
      %dma_start3A_41 = arith.constant 0 : i32
      %dma_start3A_42 = tpu.memref_slice %arg6[%dma_start3A, %dma_start3A_41] : memref<128x128xf32, #tpu.memory_space<vmem>> -> memref<128x128xf32, #tpu.memory_space<vmem>>
      %dma_start3A_43 = arith.constant 0 : i32
      %dma_start3A_44 = tpu.memref_slice %arg7[%add3A_6, %dma_start3A_43] : memref<10112x128xf32, #tpu.memory_space<vmem_shared>> -> memref<128x128xf32, #tpu.memory_space<vmem_shared>>
      %dma_start3A_45 = arith.constant 0 : i32
      %dma_start3A_46 = tpu.memref_slice %arg7[%add3A_6, %dma_start3A_45] : memref<10112x128xf32, #tpu.memory_space<vmem_shared>> -> memref<128x128xf32, #tpu.memory_space<vmem_shared>>
      %dma_start3A_47 = arith.constant 0 : i32
      %dma_start3A_48 = arith.constant 0 : i32
      %dma_start3A_49 = tpu.memref_slice %arg6[%dma_start3A_47, %dma_start3A_48] : memref<128x128xf32, #tpu.memory_space<vmem>> -> memref<128x128xf32, #tpu.memory_space<vmem>>
      tpu.enqueue_dma source(%dma_start3A_49 : memref<128x128xf32, #tpu.memory_space<vmem>>) target(%dma_start3A_46 : memref<128x128xf32, #tpu.memory_space<vmem_shared>>) target_semaphore(%run_scoped3A_40 : memref<!tpu.dma_semaphore, #tpu.memory_space<semaphore_mem>>)
      %dma_wait3A = arith.constant 0 : i32
      %dma_wait3A_50 = arith.constant 0 : i32
      %dma_wait3A_51 = tpu.memref_slice %arg6[%dma_wait3A, %dma_wait3A_50] : memref<128x128xf32, #tpu.memory_space<vmem>> -> memref<128x128xf32, #tpu.memory_space<vmem>>
      %dma_wait3A_52 = arith.constant 0 : i32
      %dma_wait3A_53 = tpu.memref_slice %arg7[%add3A_6, %dma_wait3A_52] : memref<10112x128xf32, #tpu.memory_space<vmem_shared>> -> memref<128x128xf32, #tpu.memory_space<vmem_shared>>
      %dma_wait3A_54 = arith.constant 0 : i32
      %dma_wait3A_55 = tpu.memref_slice %arg7[%add3A_6, %dma_wait3A_54] : memref<10112x128xf32, #tpu.memory_space<vmem_shared>> -> memref<128x128xf32, #tpu.memory_space<vmem_shared>>
      %dma_wait3A_56 = arith.constant 0 : i32
      %dma_wait3A_57 = arith.constant 0 : i32
      %dma_wait3A_58 = tpu.memref_slice %arg6[%dma_wait3A_56, %dma_wait3A_57] : memref<128x128xf32, #tpu.memory_space<vmem>> -> memref<128x128xf32, #tpu.memory_space<vmem>>
      tpu.wait_dma2 semaphore(%run_scoped3A_40 : memref<!tpu.dma_semaphore, #tpu.memory_space<semaphore_mem>>) src(%dma_wait3A_58 : memref<128x128xf32, #tpu.memory_space<vmem>>) dst(%dma_wait3A_55 : memref<128x128xf32, #tpu.memory_space<vmem_shared>>)
      tpu.yield
    }) : () -> ()
    %add3A_7 = arith.constant 256 : i32
    %add3A_8 = arith.addi %mul3A_2, %add3A_7 : i32
    "tpu.region"() ({
      %run_scoped3A_40 = tpu.sem_alloc : memref<!tpu.dma_semaphore, #tpu.memory_space<semaphore_mem>>
      %dma_start3A = arith.constant 0 : i32
      %dma_start3A_41 = arith.constant 0 : i32
      %dma_start3A_42 = tpu.memref_slice %arg6[%dma_start3A, %dma_start3A_41] : memref<128x128xf32, #tpu.memory_space<vmem>> -> memref<128x128xf32, #tpu.memory_space<vmem>>
      %dma_start3A_43 = arith.constant 0 : i32
      %dma_start3A_44 = tpu.memref_slice %arg7[%add3A_8, %dma_start3A_43] : memref<10112x128xf32, #tpu.memory_space<vmem_shared>> -> memref<128x128xf32, #tpu.memory_space<vmem_shared>>
      %dma_start3A_45 = arith.constant 0 : i32
      %dma_start3A_46 = tpu.memref_slice %arg7[%add3A_8, %dma_start3A_45] : memref<10112x128xf32, #tpu.memory_space<vmem_shared>> -> memref<128x128xf32, #tpu.memory_space<vmem_shared>>
      %dma_start3A_47 = arith.constant 0 : i32
      %dma_start3A_48 = arith.constant 0 : i32
      %dma_start3A_49 = tpu.memref_slice %arg6[%dma_start3A_47, %dma_start3A_48] : memref<128x128xf32, #tpu.memory_space<vmem>> -> memref<128x128xf32, #tpu.memory_space<vmem>>
      tpu.enqueue_dma source(%dma_start3A_49 : memref<128x128xf32, #tpu.memory_space<vmem>>) target(%dma_start3A_46 : memref<128x128xf32, #tpu.memory_space<vmem_shared>>) target_semaphore(%run_scoped3A_40 : memref<!tpu.dma_semaphore, #tpu.memory_space<semaphore_mem>>)
      %dma_wait3A = arith.constant 0 : i32
      %dma_wait3A_50 = arith.constant 0 : i32
      %dma_wait3A_51 = tpu.memref_slice %arg6[%dma_wait3A, %dma_wait3A_50] : memref<128x128xf32, #tpu.memory_space<vmem>> -> memref<128x128xf32, #tpu.memory_space<vmem>>
      %dma_wait3A_52 = arith.constant 0 : i32
      %dma_wait3A_53 = tpu.memref_slice %arg7[%add3A_8, %dma_wait3A_52] : memref<10112x128xf32, #tpu.memory_space<vmem_shared>> -> memref<128x128xf32, #tpu.memory_space<vmem_shared>>
      %dma_wait3A_54 = arith.constant 0 : i32
      %dma_wait3A_55 = tpu.memref_slice %arg7[%add3A_8, %dma_wait3A_54] : memref<10112x128xf32, #tpu.memory_space<vmem_shared>> -> memref<128x128xf32, #tpu.memory_space<vmem_shared>>
      %dma_wait3A_56 = arith.constant 0 : i32
      %dma_wait3A_57 = arith.constant 0 : i32
      %dma_wait3A_58 = tpu.memref_slice %arg6[%dma_wait3A_56, %dma_wait3A_57] : memref<128x128xf32, #tpu.memory_space<vmem>> -> memref<128x128xf32, #tpu.memory_space<vmem>>
      tpu.wait_dma2 semaphore(%run_scoped3A_40 : memref<!tpu.dma_semaphore, #tpu.memory_space<semaphore_mem>>) src(%dma_wait3A_58 : memref<128x128xf32, #tpu.memory_space<vmem>>) dst(%dma_wait3A_55 : memref<128x128xf32, #tpu.memory_space<vmem_shared>>)
      tpu.yield
    }) : () -> ()
    %add3A_9 = arith.constant 384 : i32
    %add3A_10 = arith.addi %mul3A_2, %add3A_9 : i32
    "tpu.region"() ({
      %run_scoped3A_40 = tpu.sem_alloc : memref<!tpu.dma_semaphore, #tpu.memory_space<semaphore_mem>>
      %dma_start3A = arith.constant 0 : i32
      %dma_start3A_41 = arith.constant 0 : i32
      %dma_start3A_42 = tpu.memref_slice %arg6[%dma_start3A, %dma_start3A_41] : memref<128x128xf32, #tpu.memory_space<vmem>> -> memref<128x128xf32, #tpu.memory_space<vmem>>
      %dma_start3A_43 = arith.constant 0 : i32
      %dma_start3A_44 = tpu.memref_slice %arg7[%add3A_10, %dma_start3A_43] : memref<10112x128xf32, #tpu.memory_space<vmem_shared>> -> memref<128x128xf32, #tpu.memory_space<vmem_shared>>
      %dma_start3A_45 = arith.constant 0 : i32
      %dma_start3A_46 = tpu.memref_slice %arg7[%add3A_10, %dma_start3A_45] : memref<10112x128xf32, #tpu.memory_space<vmem_shared>> -> memref<128x128xf32, #tpu.memory_space<vmem_shared>>
      %dma_start3A_47 = arith.constant 0 : i32
      %dma_start3A_48 = arith.constant 0 : i32
      %dma_start3A_49 = tpu.memref_slice %arg6[%dma_start3A_47, %dma_start3A_48] : memref<128x128xf32, #tpu.memory_space<vmem>> -> memref<128x128xf32, #tpu.memory_space<vmem>>
      tpu.enqueue_dma source(%dma_start3A_49 : memref<128x128xf32, #tpu.memory_space<vmem>>) target(%dma_start3A_46 : memref<128x128xf32, #tpu.memory_space<vmem_shared>>) target_semaphore(%run_scoped3A_40 : memref<!tpu.dma_semaphore, #tpu.memory_space<semaphore_mem>>)
      %dma_wait3A = arith.constant 0 : i32
      %dma_wait3A_50 = arith.constant 0 : i32
      %dma_wait3A_51 = tpu.memref_slice %arg6[%dma_wait3A, %dma_wait3A_50] : memref<128x128xf32, #tpu.memory_space<vmem>> -> memref<128x128xf32, #tpu.memory_space<vmem>>
      %dma_wait3A_52 = arith.constant 0 : i32
      %dma_wait3A_53 = tpu.memref_slice %arg7[%add3A_10, %dma_wait3A_52] : memref<10112x128xf32, #tpu.memory_space<vmem_shared>> -> memref<128x128xf32, #tpu.memory_space<vmem_shared>>
      %dma_wait3A_54 = arith.constant 0 : i32
      %dma_wait3A_55 = tpu.memref_slice %arg7[%add3A_10, %dma_wait3A_54] : memref<10112x128xf32, #tpu.memory_space<vmem_shared>> -> memref<128x128xf32, #tpu.memory_space<vmem_shared>>
      %dma_wait3A_56 = arith.constant 0 : i32
      %dma_wait3A_57 = arith.constant 0 : i32
      %dma_wait3A_58 = tpu.memref_slice %arg6[%dma_wait3A_56, %dma_wait3A_57] : memref<128x128xf32, #tpu.memory_space<vmem>> -> memref<128x128xf32, #tpu.memory_space<vmem>>
      tpu.wait_dma2 semaphore(%run_scoped3A_40 : memref<!tpu.dma_semaphore, #tpu.memory_space<semaphore_mem>>) src(%dma_wait3A_58 : memref<128x128xf32, #tpu.memory_space<vmem>>) dst(%dma_wait3A_55 : memref<128x128xf32, #tpu.memory_space<vmem_shared>>)
      tpu.yield
    }) : () -> ()
    %add3A_11 = arith.constant 512 : i32
    %add3A_12 = arith.addi %mul3A_2, %add3A_11 : i32
    "tpu.region"() ({
      %run_scoped3A_40 = tpu.sem_alloc : memref<!tpu.dma_semaphore, #tpu.memory_space<semaphore_mem>>
      %dma_start3A = arith.constant 0 : i32
      %dma_start3A_41 = arith.constant 0 : i32
      %dma_start3A_42 = tpu.memref_slice %arg6[%dma_start3A, %dma_start3A_41] : memref<128x128xf32, #tpu.memory_space<vmem>> -> memref<120x128xf32, #tpu.memory_space<vmem>>
      %dma_start3A_43 = arith.constant 0 : i32
      %dma_start3A_44 = tpu.memref_slice %arg7[%add3A_12, %dma_start3A_43] : memref<10112x128xf32, #tpu.memory_space<vmem_shared>> -> memref<120x128xf32, #tpu.memory_space<vmem_shared>>
      %dma_start3A_45 = arith.constant 0 : i32
      %dma_start3A_46 = tpu.memref_slice %arg7[%add3A_12, %dma_start3A_45] : memref<10112x128xf32, #tpu.memory_space<vmem_shared>> -> memref<120x128xf32, #tpu.memory_space<vmem_shared>>
      %dma_start3A_47 = arith.constant 0 : i32
      %dma_start3A_48 = arith.constant 0 : i32
      %dma_start3A_49 = tpu.memref_slice %arg6[%dma_start3A_47, %dma_start3A_48] : memref<128x128xf32, #tpu.memory_space<vmem>> -> memref<120x128xf32, #tpu.memory_space<vmem>>
      tpu.enqueue_dma source(%dma_start3A_49 : memref<120x128xf32, #tpu.memory_space<vmem>>) target(%dma_start3A_46 : memref<120x128xf32, #tpu.memory_space<vmem_shared>>) target_semaphore(%run_scoped3A_40 : memref<!tpu.dma_semaphore, #tpu.memory_space<semaphore_mem>>)
      %dma_wait3A = arith.constant 0 : i32
      %dma_wait3A_50 = arith.constant 0 : i32
      %dma_wait3A_51 = tpu.memref_slice %arg6[%dma_wait3A, %dma_wait3A_50] : memref<128x128xf32, #tpu.memory_space<vmem>> -> memref<120x128xf32, #tpu.memory_space<vmem>>
      %dma_wait3A_52 = arith.constant 0 : i32
      %dma_wait3A_53 = tpu.memref_slice %arg7[%add3A_12, %dma_wait3A_52] : memref<10112x128xf32, #tpu.memory_space<vmem_shared>> -> memref<120x128xf32, #tpu.memory_space<vmem_shared>>
      %dma_wait3A_54 = arith.constant 0 : i32
      %dma_wait3A_55 = tpu.memref_slice %arg7[%add3A_12, %dma_wait3A_54] : memref<10112x128xf32, #tpu.memory_space<vmem_shared>> -> memref<120x128xf32, #tpu.memory_space<vmem_shared>>
      %dma_wait3A_56 = arith.constant 0 : i32
      %dma_wait3A_57 = arith.constant 0 : i32
      %dma_wait3A_58 = tpu.memref_slice %arg6[%dma_wait3A_56, %dma_wait3A_57] : memref<128x128xf32, #tpu.memory_space<vmem>> -> memref<120x128xf32, #tpu.memory_space<vmem>>
      tpu.wait_dma2 semaphore(%run_scoped3A_40 : memref<!tpu.dma_semaphore, #tpu.memory_space<semaphore_mem>>) src(%dma_wait3A_58 : memref<120x128xf32, #tpu.memory_space<vmem>>) dst(%dma_wait3A_55 : memref<120x128xf32, #tpu.memory_space<vmem_shared>>)
      tpu.yield
    }) : () -> ()
    %run_scoped3A_13 = arith.constant 0 : i32
    "tpu.region"() ({
      %run_scoped3A_40 = tpu.sem_alloc : memref<!tpu.dma_semaphore, #tpu.memory_space<semaphore_mem>>
      %dma_start3A = arith.constant 0 : i32
      %dma_start3A_41 = arith.constant 0 : i32
      %dma_start3A_42 = tpu.memref_slice %arg3[%run_scoped3A_13, %dma_start3A, %dma_start3A_41] : memref<2x128x128xf32, #tpu.memory_space<hbm>> -> memref<1x128x128xf32, #tpu.memory_space<hbm>>
      %dma_start3A_43 = tpu.memref_squeeze %dma_start3A_42 : memref<1x128x128xf32, #tpu.memory_space<hbm>> -> memref<128x128xf32, #tpu.memory_space<hbm>>
      %dma_start3A_44 = arith.constant 0 : i32
      %dma_start3A_45 = arith.constant 0 : i32
      %dma_start3A_46 = tpu.memref_slice %arg3[%run_scoped3A_13, %dma_start3A_44, %dma_start3A_45] : memref<2x128x128xf32, #tpu.memory_space<hbm>> -> memref<1x128x128xf32, #tpu.memory_space<hbm>>
      %dma_start3A_47 = tpu.memref_squeeze %dma_start3A_46 : memref<1x128x128xf32, #tpu.memory_space<hbm>> -> memref<128x128xf32, #tpu.memory_space<hbm>>
      tpu.enqueue_dma source(%dma_start3A_47 : memref<128x128xf32, #tpu.memory_space<hbm>>) target(%arg6 : memref<128x128xf32, #tpu.memory_space<vmem>>) target_semaphore(%run_scoped3A_40 : memref<!tpu.dma_semaphore, #tpu.memory_space<semaphore_mem>>)
      %dma_wait3A = arith.constant 0 : i32
      %dma_wait3A_48 = arith.constant 0 : i32
      %dma_wait3A_49 = tpu.memref_slice %arg3[%run_scoped3A_13, %dma_wait3A, %dma_wait3A_48] : memref<2x128x128xf32, #tpu.memory_space<hbm>> -> memref<1x128x128xf32, #tpu.memory_space<hbm>>
      %dma_wait3A_50 = tpu.memref_squeeze %dma_wait3A_49 : memref<1x128x128xf32, #tpu.memory_space<hbm>> -> memref<128x128xf32, #tpu.memory_space<hbm>>
      %dma_wait3A_51 = arith.constant 0 : i32
      %dma_wait3A_52 = arith.constant 0 : i32
      %dma_wait3A_53 = tpu.memref_slice %arg3[%run_scoped3A_13, %dma_wait3A_51, %dma_wait3A_52] : memref<2x128x128xf32, #tpu.memory_space<hbm>> -> memref<1x128x128xf32, #tpu.memory_space<hbm>>
      %dma_wait3A_54 = tpu.memref_squeeze %dma_wait3A_53 : memref<1x128x128xf32, #tpu.memory_space<hbm>> -> memref<128x128xf32, #tpu.memory_space<hbm>>
      tpu.wait_dma2 semaphore(%run_scoped3A_40 : memref<!tpu.dma_semaphore, #tpu.memory_space<semaphore_mem>>) src(%dma_wait3A_54 : memref<128x128xf32, #tpu.memory_space<hbm>>) dst(%arg6 : memref<128x128xf32, #tpu.memory_space<vmem>>)
      tpu.yield
    }) : () -> ()
    %barrier3A = arith.constant 0 : index
    tpu.barrier barrier_id(%barrier3A)
    %scan3A = arith.constant 0 : i32
    %scan3A_14 = arith.constant 0 : i32
    %scan3A_15 = arith.constant 10 : i32
    %scan3A_16 = arith.addi %scan3A_14, %scan3A_15 : i32
    %scan3A_17 = arith.constant 1 : i32
    scf.for %scan3A_40 = %scan3A_14 to %scan3A_16 step %scan3A_17  : i32 {
      %mul3A_41 = arith.constant 8 : i32
      %mul3A_42 = arith.muli %scan3A_40, %mul3A_41 : i32
      "tpu.region"() ({
        %run_scoped3A_48 = tpu.sem_alloc : memref<!tpu.dma_semaphore, #tpu.memory_space<semaphore_mem>>
        %dma_start3A = arith.constant 0 : i32
        %dma_start3A_49 = tpu.memref_slice %arg2[%add3A, %mul3A_42, %dma_start3A] : memref<32x80x128xi32, #tpu.memory_space<hbm>> -> memref<1x8x128xi32, #tpu.memory_space<hbm>>
        %dma_start3A_50 = tpu.memref_squeeze %dma_start3A_49 : memref<1x8x128xi32, #tpu.memory_space<hbm>> -> memref<8x128xi32, #tpu.memory_space<hbm>>
        %dma_start3A_51 = arith.constant 0 : i32
        %dma_start3A_52 = tpu.memref_slice %arg2[%add3A, %mul3A_42, %dma_start3A_51] : memref<32x80x128xi32, #tpu.memory_space<hbm>> -> memref<1x8x128xi32, #tpu.memory_space<hbm>>
        %dma_start3A_53 = tpu.memref_squeeze %dma_start3A_52 : memref<1x8x128xi32, #tpu.memory_space<hbm>> -> memref<8x128xi32, #tpu.memory_space<hbm>>
        tpu.enqueue_dma source(%dma_start3A_53 : memref<8x128xi32, #tpu.memory_space<hbm>>) target(%arg5 : memref<8x128xi32, #tpu.memory_space<vmem>>) target_semaphore(%run_scoped3A_48 : memref<!tpu.dma_semaphore, #tpu.memory_space<semaphore_mem>>)
        %dma_wait3A = arith.constant 0 : i32
        %dma_wait3A_54 = tpu.memref_slice %arg2[%add3A, %mul3A_42, %dma_wait3A] : memref<32x80x128xi32, #tpu.memory_space<hbm>> -> memref<1x8x128xi32, #tpu.memory_space<hbm>>
        %dma_wait3A_55 = tpu.memref_squeeze %dma_wait3A_54 : memref<1x8x128xi32, #tpu.memory_space<hbm>> -> memref<8x128xi32, #tpu.memory_space<hbm>>
        %dma_wait3A_56 = arith.constant 0 : i32
        %dma_wait3A_57 = tpu.memref_slice %arg2[%add3A, %mul3A_42, %dma_wait3A_56] : memref<32x80x128xi32, #tpu.memory_space<hbm>> -> memref<1x8x128xi32, #tpu.memory_space<hbm>>
        %dma_wait3A_58 = tpu.memref_squeeze %dma_wait3A_57 : memref<1x8x128xi32, #tpu.memory_space<hbm>> -> memref<8x128xi32, #tpu.memory_space<hbm>>
        tpu.wait_dma2 semaphore(%run_scoped3A_48 : memref<!tpu.dma_semaphore, #tpu.memory_space<semaphore_mem>>) src(%dma_wait3A_58 : memref<8x128xi32, #tpu.memory_space<hbm>>) dst(%arg5 : memref<8x128xi32, #tpu.memory_space<vmem>>)
        tpu.yield
      }) : () -> ()
      %scan3A_43 = arith.constant 0 : i32
      %scan3A_44 = arith.constant 8 : i32
      %scan3A_45 = arith.addi %scan3A_43, %scan3A_44 : i32
      %scan3A_46 = arith.constant 1 : i32
      scf.for %scan3A_48 = %scan3A_43 to %scan3A_45 step %scan3A_46  : i32 {
        "tpu.region"() ({
          %run_scoped3A_49 = tpu.sem_alloc : memref<!tpu.dma_semaphore, #tpu.memory_space<semaphore_mem>>
          %dma_start3A = arith.constant 0 : i32
          %dma_start3A_50 = tpu.memref_slice %arg5[%scan3A_48, %dma_start3A] : memref<8x128xi32, #tpu.memory_space<vmem>> -> memref<1x128xi32, #tpu.memory_space<vmem>>
          %dma_start3A_51 = tpu.memref_squeeze %dma_start3A_50 : memref<1x128xi32, #tpu.memory_space<vmem>> -> memref<128xi32, #tpu.memory_space<vmem>>
          %dma_start3A_52 = arith.constant 0 : i32
          %dma_start3A_53 = arith.constant 0 : i32
          %dma_start3A_54 = tpu.memref_slice %arg7[%dma_start3A_52, %dma_start3A_53] : memref<10112x128xf32, #tpu.memory_space<vmem_shared>> -> memref<10112x128xf32, #tpu.memory_space<vmem_shared>>
          tpu.enqueue_indirect_dma source(%arg6 : memref<128x128xf32, #tpu.memory_space<vmem>>) target(%dma_start3A_54 : memref<10112x128xf32, #tpu.memory_space<vmem_shared>>) offsets(%dma_start3A_51 : memref<128xi32, #tpu.memory_space<vmem>>) semaphore(%run_scoped3A_49 : memref<!tpu.dma_semaphore, #tpu.memory_space<semaphore_mem>>) {add = true}
          %dma_wait3A = arith.constant 0 : i32
          %dma_wait3A_55 = tpu.memref_slice %arg5[%scan3A_48, %dma_wait3A] : memref<8x128xi32, #tpu.memory_space<vmem>> -> memref<1x128xi32, #tpu.memory_space<vmem>>
          %dma_wait3A_56 = tpu.memref_squeeze %dma_wait3A_55 : memref<1x128xi32, #tpu.memory_space<vmem>> -> memref<128xi32, #tpu.memory_space<vmem>>
          %dma_wait3A_57 = arith.constant 0 : i32
          %dma_wait3A_58 = arith.constant 0 : i32
          %dma_wait3A_59 = tpu.memref_slice %arg7[%dma_wait3A_57, %dma_wait3A_58] : memref<10112x128xf32, #tpu.memory_space<vmem_shared>> -> memref<10112x128xf32, #tpu.memory_space<vmem_shared>>
          tpu.wait_indirect_dma semaphore(%run_scoped3A_49 : memref<!tpu.dma_semaphore, #tpu.memory_space<semaphore_mem>>) src(%arg6 : memref<128x128xf32, #tpu.memory_space<vmem>>) dst(%dma_wait3A_59 : memref<10112x128xf32, #tpu.memory_space<vmem_shared>>)
          tpu.yield
        }) : () -> ()
      }
      %scan3A_47 = arith.constant 8 : i32
    }
    %scan3A_18 = arith.constant 10 : i32
    %barrier3A_19 = arith.constant 0 : index
    tpu.barrier barrier_id(%barrier3A_19)
    %add3A_20 = arith.constant 0 : i32
    %add3A_21 = arith.addi %mul3A_2, %add3A_20 : i32
    "tpu.region"() ({
      %run_scoped3A_40 = tpu.sem_alloc : memref<!tpu.dma_semaphore, #tpu.memory_space<semaphore_mem>>
      %dma_start3A = arith.constant 0 : i32
      %dma_start3A_41 = arith.constant 0 : i32
      %dma_start3A_42 = tpu.memref_slice %arg6[%dma_start3A, %dma_start3A_41] : memref<128x128xf32, #tpu.memory_space<vmem>> -> memref<128x128xf32, #tpu.memory_space<vmem>>
      %dma_start3A_43 = arith.constant 0 : i32
      %dma_start3A_44 = tpu.memref_slice %arg7[%add3A_21, %dma_start3A_43] : memref<10112x128xf32, #tpu.memory_space<vmem_shared>> -> memref<128x128xf32, #tpu.memory_space<vmem_shared>>
      %dma_start3A_45 = arith.constant 0 : i32
      %dma_start3A_46 = arith.constant 0 : i32
      %dma_start3A_47 = tpu.memref_slice %arg6[%dma_start3A_45, %dma_start3A_46] : memref<128x128xf32, #tpu.memory_space<vmem>> -> memref<128x128xf32, #tpu.memory_space<vmem>>
      %dma_start3A_48 = arith.constant 0 : i32
      %dma_start3A_49 = tpu.memref_slice %arg7[%add3A_21, %dma_start3A_48] : memref<10112x128xf32, #tpu.memory_space<vmem_shared>> -> memref<128x128xf32, #tpu.memory_space<vmem_shared>>
      tpu.enqueue_dma source(%dma_start3A_49 : memref<128x128xf32, #tpu.memory_space<vmem_shared>>) target(%dma_start3A_47 : memref<128x128xf32, #tpu.memory_space<vmem>>) target_semaphore(%run_scoped3A_40 : memref<!tpu.dma_semaphore, #tpu.memory_space<semaphore_mem>>)
      %dma_wait3A = arith.constant 0 : i32
      %dma_wait3A_50 = arith.constant 0 : i32
      %dma_wait3A_51 = tpu.memref_slice %arg6[%dma_wait3A, %dma_wait3A_50] : memref<128x128xf32, #tpu.memory_space<vmem>> -> memref<128x128xf32, #tpu.memory_space<vmem>>
      %dma_wait3A_52 = arith.constant 0 : i32
      %dma_wait3A_53 = tpu.memref_slice %arg7[%add3A_21, %dma_wait3A_52] : memref<10112x128xf32, #tpu.memory_space<vmem_shared>> -> memref<128x128xf32, #tpu.memory_space<vmem_shared>>
      %dma_wait3A_54 = arith.constant 0 : i32
      %dma_wait3A_55 = arith.constant 0 : i32
      %dma_wait3A_56 = tpu.memref_slice %arg6[%dma_wait3A_54, %dma_wait3A_55] : memref<128x128xf32, #tpu.memory_space<vmem>> -> memref<128x128xf32, #tpu.memory_space<vmem>>
      %dma_wait3A_57 = arith.constant 0 : i32
      %dma_wait3A_58 = tpu.memref_slice %arg7[%add3A_21, %dma_wait3A_57] : memref<10112x128xf32, #tpu.memory_space<vmem_shared>> -> memref<128x128xf32, #tpu.memory_space<vmem_shared>>
      tpu.wait_dma2 semaphore(%run_scoped3A_40 : memref<!tpu.dma_semaphore, #tpu.memory_space<semaphore_mem>>) src(%dma_wait3A_58 : memref<128x128xf32, #tpu.memory_space<vmem_shared>>) dst(%dma_wait3A_56 : memref<128x128xf32, #tpu.memory_space<vmem>>)
      tpu.yield
    }) : () -> ()
    %add3A_22 = arith.constant 0 : i32
    %add3A_23 = arith.addi %mul3A_2, %add3A_22 : i32
    "tpu.region"() ({
      %run_scoped3A_40 = tpu.sem_alloc : memref<!tpu.dma_semaphore, #tpu.memory_space<semaphore_mem>>
      %dma_start3A = arith.constant 0 : i32
      %dma_start3A_41 = arith.constant 0 : i32
      %dma_start3A_42 = tpu.memref_slice %arg6[%dma_start3A, %dma_start3A_41] : memref<128x128xf32, #tpu.memory_space<vmem>> -> memref<128x128xf32, #tpu.memory_space<vmem>>
      %dma_start3A_43 = arith.constant 0 : i32
      %dma_start3A_44 = tpu.memref_slice %arg4[%arg0, %add3A_23, %dma_start3A_43] : memref<2x10112x128xf32, #tpu.memory_space<hbm>> -> memref<1x128x128xf32, #tpu.memory_space<hbm>>
      %dma_start3A_45 = tpu.memref_squeeze %dma_start3A_44 : memref<1x128x128xf32, #tpu.memory_space<hbm>> -> memref<128x128xf32, #tpu.memory_space<hbm>>
      %dma_start3A_46 = arith.constant 0 : i32
      %dma_start3A_47 = tpu.memref_slice %arg4[%arg0, %add3A_23, %dma_start3A_46] : memref<2x10112x128xf32, #tpu.memory_space<hbm>> -> memref<1x128x128xf32, #tpu.memory_space<hbm>>
      %dma_start3A_48 = tpu.memref_squeeze %dma_start3A_47 : memref<1x128x128xf32, #tpu.memory_space<hbm>> -> memref<128x128xf32, #tpu.memory_space<hbm>>
      %dma_start3A_49 = arith.constant 0 : i32
      %dma_start3A_50 = arith.constant 0 : i32
      %dma_start3A_51 = tpu.memref_slice %arg6[%dma_start3A_49, %dma_start3A_50] : memref<128x128xf32, #tpu.memory_space<vmem>> -> memref<128x128xf32, #tpu.memory_space<vmem>>
      tpu.enqueue_dma source(%dma_start3A_51 : memref<128x128xf32, #tpu.memory_space<vmem>>) target(%dma_start3A_48 : memref<128x128xf32, #tpu.memory_space<hbm>>) target_semaphore(%run_scoped3A_40 : memref<!tpu.dma_semaphore, #tpu.memory_space<semaphore_mem>>)
      %dma_wait3A = arith.constant 0 : i32
      %dma_wait3A_52 = arith.constant 0 : i32
      %dma_wait3A_53 = tpu.memref_slice %arg6[%dma_wait3A, %dma_wait3A_52] : memref<128x128xf32, #tpu.memory_space<vmem>> -> memref<128x128xf32, #tpu.memory_space<vmem>>
      %dma_wait3A_54 = arith.constant 0 : i32
      %dma_wait3A_55 = tpu.memref_slice %arg4[%arg0, %add3A_23, %dma_wait3A_54] : memref<2x10112x128xf32, #tpu.memory_space<hbm>> -> memref<1x128x128xf32, #tpu.memory_space<hbm>>
      %dma_wait3A_56 = tpu.memref_squeeze %dma_wait3A_55 : memref<1x128x128xf32, #tpu.memory_space<hbm>> -> memref<128x128xf32, #tpu.memory_space<hbm>>
      %dma_wait3A_57 = arith.constant 0 : i32
      %dma_wait3A_58 = tpu.memref_slice %arg4[%arg0, %add3A_23, %dma_wait3A_57] : memref<2x10112x128xf32, #tpu.memory_space<hbm>> -> memref<1x128x128xf32, #tpu.memory_space<hbm>>
      %dma_wait3A_59 = tpu.memref_squeeze %dma_wait3A_58 : memref<1x128x128xf32, #tpu.memory_space<hbm>> -> memref<128x128xf32, #tpu.memory_space<hbm>>
      %dma_wait3A_60 = arith.constant 0 : i32
      %dma_wait3A_61 = arith.constant 0 : i32
      %dma_wait3A_62 = tpu.memref_slice %arg6[%dma_wait3A_60, %dma_wait3A_61] : memref<128x128xf32, #tpu.memory_space<vmem>> -> memref<128x128xf32, #tpu.memory_space<vmem>>
      tpu.wait_dma2 semaphore(%run_scoped3A_40 : memref<!tpu.dma_semaphore, #tpu.memory_space<semaphore_mem>>) src(%dma_wait3A_62 : memref<128x128xf32, #tpu.memory_space<vmem>>) dst(%dma_wait3A_59 : memref<128x128xf32, #tpu.memory_space<hbm>>)
      tpu.yield
    }) : () -> ()
    %add3A_24 = arith.constant 128 : i32
    %add3A_25 = arith.addi %mul3A_2, %add3A_24 : i32
    "tpu.region"() ({
      %run_scoped3A_40 = tpu.sem_alloc : memref<!tpu.dma_semaphore, #tpu.memory_space<semaphore_mem>>
      %dma_start3A = arith.constant 0 : i32
      %dma_start3A_41 = arith.constant 0 : i32
      %dma_start3A_42 = tpu.memref_slice %arg6[%dma_start3A, %dma_start3A_41] : memref<128x128xf32, #tpu.memory_space<vmem>> -> memref<128x128xf32, #tpu.memory_space<vmem>>
      %dma_start3A_43 = arith.constant 0 : i32
      %dma_start3A_44 = tpu.memref_slice %arg7[%add3A_25, %dma_start3A_43] : memref<10112x128xf32, #tpu.memory_space<vmem_shared>> -> memref<128x128xf32, #tpu.memory_space<vmem_shared>>
      %dma_start3A_45 = arith.constant 0 : i32
      %dma_start3A_46 = arith.constant 0 : i32
      %dma_start3A_47 = tpu.memref_slice %arg6[%dma_start3A_45, %dma_start3A_46] : memref<128x128xf32, #tpu.memory_space<vmem>> -> memref<128x128xf32, #tpu.memory_space<vmem>>
      %dma_start3A_48 = arith.constant 0 : i32
      %dma_start3A_49 = tpu.memref_slice %arg7[%add3A_25, %dma_start3A_48] : memref<10112x128xf32, #tpu.memory_space<vmem_shared>> -> memref<128x128xf32, #tpu.memory_space<vmem_shared>>
      tpu.enqueue_dma source(%dma_start3A_49 : memref<128x128xf32, #tpu.memory_space<vmem_shared>>) target(%dma_start3A_47 : memref<128x128xf32, #tpu.memory_space<vmem>>) target_semaphore(%run_scoped3A_40 : memref<!tpu.dma_semaphore, #tpu.memory_space<semaphore_mem>>)
      %dma_wait3A = arith.constant 0 : i32
      %dma_wait3A_50 = arith.constant 0 : i32
      %dma_wait3A_51 = tpu.memref_slice %arg6[%dma_wait3A, %dma_wait3A_50] : memref<128x128xf32, #tpu.memory_space<vmem>> -> memref<128x128xf32, #tpu.memory_space<vmem>>
      %dma_wait3A_52 = arith.constant 0 : i32
      %dma_wait3A_53 = tpu.memref_slice %arg7[%add3A_25, %dma_wait3A_52] : memref<10112x128xf32, #tpu.memory_space<vmem_shared>> -> memref<128x128xf32, #tpu.memory_space<vmem_shared>>
      %dma_wait3A_54 = arith.constant 0 : i32
      %dma_wait3A_55 = arith.constant 0 : i32
      %dma_wait3A_56 = tpu.memref_slice %arg6[%dma_wait3A_54, %dma_wait3A_55] : memref<128x128xf32, #tpu.memory_space<vmem>> -> memref<128x128xf32, #tpu.memory_space<vmem>>
      %dma_wait3A_57 = arith.constant 0 : i32
      %dma_wait3A_58 = tpu.memref_slice %arg7[%add3A_25, %dma_wait3A_57] : memref<10112x128xf32, #tpu.memory_space<vmem_shared>> -> memref<128x128xf32, #tpu.memory_space<vmem_shared>>
      tpu.wait_dma2 semaphore(%run_scoped3A_40 : memref<!tpu.dma_semaphore, #tpu.memory_space<semaphore_mem>>) src(%dma_wait3A_58 : memref<128x128xf32, #tpu.memory_space<vmem_shared>>) dst(%dma_wait3A_56 : memref<128x128xf32, #tpu.memory_space<vmem>>)
      tpu.yield
    }) : () -> ()
    %add3A_26 = arith.constant 128 : i32
    %add3A_27 = arith.addi %mul3A_2, %add3A_26 : i32
    "tpu.region"() ({
      %run_scoped3A_40 = tpu.sem_alloc : memref<!tpu.dma_semaphore, #tpu.memory_space<semaphore_mem>>
      %dma_start3A = arith.constant 0 : i32
      %dma_start3A_41 = arith.constant 0 : i32
      %dma_start3A_42 = tpu.memref_slice %arg6[%dma_start3A, %dma_start3A_41] : memref<128x128xf32, #tpu.memory_space<vmem>> -> memref<128x128xf32, #tpu.memory_space<vmem>>
      %dma_start3A_43 = arith.constant 0 : i32
      %dma_start3A_44 = tpu.memref_slice %arg4[%arg0, %add3A_27, %dma_start3A_43] : memref<2x10112x128xf32, #tpu.memory_space<hbm>> -> memref<1x128x128xf32, #tpu.memory_space<hbm>>
      %dma_start3A_45 = tpu.memref_squeeze %dma_start3A_44 : memref<1x128x128xf32, #tpu.memory_space<hbm>> -> memref<128x128xf32, #tpu.memory_space<hbm>>
      %dma_start3A_46 = arith.constant 0 : i32
      %dma_start3A_47 = tpu.memref_slice %arg4[%arg0, %add3A_27, %dma_start3A_46] : memref<2x10112x128xf32, #tpu.memory_space<hbm>> -> memref<1x128x128xf32, #tpu.memory_space<hbm>>
      %dma_start3A_48 = tpu.memref_squeeze %dma_start3A_47 : memref<1x128x128xf32, #tpu.memory_space<hbm>> -> memref<128x128xf32, #tpu.memory_space<hbm>>
      %dma_start3A_49 = arith.constant 0 : i32
      %dma_start3A_50 = arith.constant 0 : i32
      %dma_start3A_51 = tpu.memref_slice %arg6[%dma_start3A_49, %dma_start3A_50] : memref<128x128xf32, #tpu.memory_space<vmem>> -> memref<128x128xf32, #tpu.memory_space<vmem>>
      tpu.enqueue_dma source(%dma_start3A_51 : memref<128x128xf32, #tpu.memory_space<vmem>>) target(%dma_start3A_48 : memref<128x128xf32, #tpu.memory_space<hbm>>) target_semaphore(%run_scoped3A_40 : memref<!tpu.dma_semaphore, #tpu.memory_space<semaphore_mem>>)
      %dma_wait3A = arith.constant 0 : i32
      %dma_wait3A_52 = arith.constant 0 : i32
      %dma_wait3A_53 = tpu.memref_slice %arg6[%dma_wait3A, %dma_wait3A_52] : memref<128x128xf32, #tpu.memory_space<vmem>> -> memref<128x128xf32, #tpu.memory_space<vmem>>
      %dma_wait3A_54 = arith.constant 0 : i32
      %dma_wait3A_55 = tpu.memref_slice %arg4[%arg0, %add3A_27, %dma_wait3A_54] : memref<2x10112x128xf32, #tpu.memory_space<hbm>> -> memref<1x128x128xf32, #tpu.memory_space<hbm>>
      %dma_wait3A_56 = tpu.memref_squeeze %dma_wait3A_55 : memref<1x128x128xf32, #tpu.memory_space<hbm>> -> memref<128x128xf32, #tpu.memory_space<hbm>>
      %dma_wait3A_57 = arith.constant 0 : i32
      %dma_wait3A_58 = tpu.memref_slice %arg4[%arg0, %add3A_27, %dma_wait3A_57] : memref<2x10112x128xf32, #tpu.memory_space<hbm>> -> memref<1x128x128xf32, #tpu.memory_space<hbm>>
      %dma_wait3A_59 = tpu.memref_squeeze %dma_wait3A_58 : memref<1x128x128xf32, #tpu.memory_space<hbm>> -> memref<128x128xf32, #tpu.memory_space<hbm>>
      %dma_wait3A_60 = arith.constant 0 : i32
      %dma_wait3A_61 = arith.constant 0 : i32
      %dma_wait3A_62 = tpu.memref_slice %arg6[%dma_wait3A_60, %dma_wait3A_61] : memref<128x128xf32, #tpu.memory_space<vmem>> -> memref<128x128xf32, #tpu.memory_space<vmem>>
      tpu.wait_dma2 semaphore(%run_scoped3A_40 : memref<!tpu.dma_semaphore, #tpu.memory_space<semaphore_mem>>) src(%dma_wait3A_62 : memref<128x128xf32, #tpu.memory_space<vmem>>) dst(%dma_wait3A_59 : memref<128x128xf32, #tpu.memory_space<hbm>>)
      tpu.yield
    }) : () -> ()
    %add3A_28 = arith.constant 256 : i32
    %add3A_29 = arith.addi %mul3A_2, %add3A_28 : i32
    "tpu.region"() ({
      %run_scoped3A_40 = tpu.sem_alloc : memref<!tpu.dma_semaphore, #tpu.memory_space<semaphore_mem>>
      %dma_start3A = arith.constant 0 : i32
      %dma_start3A_41 = arith.constant 0 : i32
      %dma_start3A_42 = tpu.memref_slice %arg6[%dma_start3A, %dma_start3A_41] : memref<128x128xf32, #tpu.memory_space<vmem>> -> memref<128x128xf32, #tpu.memory_space<vmem>>
      %dma_start3A_43 = arith.constant 0 : i32
      %dma_start3A_44 = tpu.memref_slice %arg7[%add3A_29, %dma_start3A_43] : memref<10112x128xf32, #tpu.memory_space<vmem_shared>> -> memref<128x128xf32, #tpu.memory_space<vmem_shared>>
      %dma_start3A_45 = arith.constant 0 : i32
      %dma_start3A_46 = arith.constant 0 : i32
      %dma_start3A_47 = tpu.memref_slice %arg6[%dma_start3A_45, %dma_start3A_46] : memref<128x128xf32, #tpu.memory_space<vmem>> -> memref<128x128xf32, #tpu.memory_space<vmem>>
      %dma_start3A_48 = arith.constant 0 : i32
      %dma_start3A_49 = tpu.memref_slice %arg7[%add3A_29, %dma_start3A_48] : memref<10112x128xf32, #tpu.memory_space<vmem_shared>> -> memref<128x128xf32, #tpu.memory_space<vmem_shared>>
      tpu.enqueue_dma source(%dma_start3A_49 : memref<128x128xf32, #tpu.memory_space<vmem_shared>>) target(%dma_start3A_47 : memref<128x128xf32, #tpu.memory_space<vmem>>) target_semaphore(%run_scoped3A_40 : memref<!tpu.dma_semaphore, #tpu.memory_space<semaphore_mem>>)
      %dma_wait3A = arith.constant 0 : i32
      %dma_wait3A_50 = arith.constant 0 : i32
      %dma_wait3A_51 = tpu.memref_slice %arg6[%dma_wait3A, %dma_wait3A_50] : memref<128x128xf32, #tpu.memory_space<vmem>> -> memref<128x128xf32, #tpu.memory_space<vmem>>
      %dma_wait3A_52 = arith.constant 0 : i32
      %dma_wait3A_53 = tpu.memref_slice %arg7[%add3A_29, %dma_wait3A_52] : memref<10112x128xf32, #tpu.memory_space<vmem_shared>> -> memref<128x128xf32, #tpu.memory_space<vmem_shared>>
      %dma_wait3A_54 = arith.constant 0 : i32
      %dma_wait3A_55 = arith.constant 0 : i32
      %dma_wait3A_56 = tpu.memref_slice %arg6[%dma_wait3A_54, %dma_wait3A_55] : memref<128x128xf32, #tpu.memory_space<vmem>> -> memref<128x128xf32, #tpu.memory_space<vmem>>
      %dma_wait3A_57 = arith.constant 0 : i32
      %dma_wait3A_58 = tpu.memref_slice %arg7[%add3A_29, %dma_wait3A_57] : memref<10112x128xf32, #tpu.memory_space<vmem_shared>> -> memref<128x128xf32, #tpu.memory_space<vmem_shared>>
      tpu.wait_dma2 semaphore(%run_scoped3A_40 : memref<!tpu.dma_semaphore, #tpu.memory_space<semaphore_mem>>) src(%dma_wait3A_58 : memref<128x128xf32, #tpu.memory_space<vmem_shared>>) dst(%dma_wait3A_56 : memref<128x128xf32, #tpu.memory_space<vmem>>)
      tpu.yield
    }) : () -> ()
    %add3A_30 = arith.constant 256 : i32
    %add3A_31 = arith.addi %mul3A_2, %add3A_30 : i32
    "tpu.region"() ({
      %run_scoped3A_40 = tpu.sem_alloc : memref<!tpu.dma_semaphore, #tpu.memory_space<semaphore_mem>>
      %dma_start3A = arith.constant 0 : i32
      %dma_start3A_41 = arith.constant 0 : i32
      %dma_start3A_42 = tpu.memref_slice %arg6[%dma_start3A, %dma_start3A_41] : memref<128x128xf32, #tpu.memory_space<vmem>> -> memref<128x128xf32, #tpu.memory_space<vmem>>
      %dma_start3A_43 = arith.constant 0 : i32
      %dma_start3A_44 = tpu.memref_slice %arg4[%arg0, %add3A_31, %dma_start3A_43] : memref<2x10112x128xf32, #tpu.memory_space<hbm>> -> memref<1x128x128xf32, #tpu.memory_space<hbm>>
      %dma_start3A_45 = tpu.memref_squeeze %dma_start3A_44 : memref<1x128x128xf32, #tpu.memory_space<hbm>> -> memref<128x128xf32, #tpu.memory_space<hbm>>
      %dma_start3A_46 = arith.constant 0 : i32
      %dma_start3A_47 = tpu.memref_slice %arg4[%arg0, %add3A_31, %dma_start3A_46] : memref<2x10112x128xf32, #tpu.memory_space<hbm>> -> memref<1x128x128xf32, #tpu.memory_space<hbm>>
      %dma_start3A_48 = tpu.memref_squeeze %dma_start3A_47 : memref<1x128x128xf32, #tpu.memory_space<hbm>> -> memref<128x128xf32, #tpu.memory_space<hbm>>
      %dma_start3A_49 = arith.constant 0 : i32
      %dma_start3A_50 = arith.constant 0 : i32
      %dma_start3A_51 = tpu.memref_slice %arg6[%dma_start3A_49, %dma_start3A_50] : memref<128x128xf32, #tpu.memory_space<vmem>> -> memref<128x128xf32, #tpu.memory_space<vmem>>
      tpu.enqueue_dma source(%dma_start3A_51 : memref<128x128xf32, #tpu.memory_space<vmem>>) target(%dma_start3A_48 : memref<128x128xf32, #tpu.memory_space<hbm>>) target_semaphore(%run_scoped3A_40 : memref<!tpu.dma_semaphore, #tpu.memory_space<semaphore_mem>>)
      %dma_wait3A = arith.constant 0 : i32
      %dma_wait3A_52 = arith.constant 0 : i32
      %dma_wait3A_53 = tpu.memref_slice %arg6[%dma_wait3A, %dma_wait3A_52] : memref<128x128xf32, #tpu.memory_space<vmem>> -> memref<128x128xf32, #tpu.memory_space<vmem>>
      %dma_wait3A_54 = arith.constant 0 : i32
      %dma_wait3A_55 = tpu.memref_slice %arg4[%arg0, %add3A_31, %dma_wait3A_54] : memref<2x10112x128xf32, #tpu.memory_space<hbm>> -> memref<1x128x128xf32, #tpu.memory_space<hbm>>
      %dma_wait3A_56 = tpu.memref_squeeze %dma_wait3A_55 : memref<1x128x128xf32, #tpu.memory_space<hbm>> -> memref<128x128xf32, #tpu.memory_space<hbm>>
      %dma_wait3A_57 = arith.constant 0 : i32
      %dma_wait3A_58 = tpu.memref_slice %arg4[%arg0, %add3A_31, %dma_wait3A_57] : memref<2x10112x128xf32, #tpu.memory_space<hbm>> -> memref<1x128x128xf32, #tpu.memory_space<hbm>>
      %dma_wait3A_59 = tpu.memref_squeeze %dma_wait3A_58 : memref<1x128x128xf32, #tpu.memory_space<hbm>> -> memref<128x128xf32, #tpu.memory_space<hbm>>
      %dma_wait3A_60 = arith.constant 0 : i32
      %dma_wait3A_61 = arith.constant 0 : i32
      %dma_wait3A_62 = tpu.memref_slice %arg6[%dma_wait3A_60, %dma_wait3A_61] : memref<128x128xf32, #tpu.memory_space<vmem>> -> memref<128x128xf32, #tpu.memory_space<vmem>>
      tpu.wait_dma2 semaphore(%run_scoped3A_40 : memref<!tpu.dma_semaphore, #tpu.memory_space<semaphore_mem>>) src(%dma_wait3A_62 : memref<128x128xf32, #tpu.memory_space<vmem>>) dst(%dma_wait3A_59 : memref<128x128xf32, #tpu.memory_space<hbm>>)
      tpu.yield
    }) : () -> ()
    %add3A_32 = arith.constant 384 : i32
    %add3A_33 = arith.addi %mul3A_2, %add3A_32 : i32
    "tpu.region"() ({
      %run_scoped3A_40 = tpu.sem_alloc : memref<!tpu.dma_semaphore, #tpu.memory_space<semaphore_mem>>
      %dma_start3A = arith.constant 0 : i32
      %dma_start3A_41 = arith.constant 0 : i32
      %dma_start3A_42 = tpu.memref_slice %arg6[%dma_start3A, %dma_start3A_41] : memref<128x128xf32, #tpu.memory_space<vmem>> -> memref<128x128xf32, #tpu.memory_space<vmem>>
      %dma_start3A_43 = arith.constant 0 : i32
      %dma_start3A_44 = tpu.memref_slice %arg7[%add3A_33, %dma_start3A_43] : memref<10112x128xf32, #tpu.memory_space<vmem_shared>> -> memref<128x128xf32, #tpu.memory_space<vmem_shared>>
      %dma_start3A_45 = arith.constant 0 : i32
      %dma_start3A_46 = arith.constant 0 : i32
      %dma_start3A_47 = tpu.memref_slice %arg6[%dma_start3A_45, %dma_start3A_46] : memref<128x128xf32, #tpu.memory_space<vmem>> -> memref<128x128xf32, #tpu.memory_space<vmem>>
      %dma_start3A_48 = arith.constant 0 : i32
      %dma_start3A_49 = tpu.memref_slice %arg7[%add3A_33, %dma_start3A_48] : memref<10112x128xf32, #tpu.memory_space<vmem_shared>> -> memref<128x128xf32, #tpu.memory_space<vmem_shared>>
      tpu.enqueue_dma source(%dma_start3A_49 : memref<128x128xf32, #tpu.memory_space<vmem_shared>>) target(%dma_start3A_47 : memref<128x128xf32, #tpu.memory_space<vmem>>) target_semaphore(%run_scoped3A_40 : memref<!tpu.dma_semaphore, #tpu.memory_space<semaphore_mem>>)
      %dma_wait3A = arith.constant 0 : i32
      %dma_wait3A_50 = arith.constant 0 : i32
      %dma_wait3A_51 = tpu.memref_slice %arg6[%dma_wait3A, %dma_wait3A_50] : memref<128x128xf32, #tpu.memory_space<vmem>> -> memref<128x128xf32, #tpu.memory_space<vmem>>
      %dma_wait3A_52 = arith.constant 0 : i32
      %dma_wait3A_53 = tpu.memref_slice %arg7[%add3A_33, %dma_wait3A_52] : memref<10112x128xf32, #tpu.memory_space<vmem_shared>> -> memref<128x128xf32, #tpu.memory_space<vmem_shared>>
      %dma_wait3A_54 = arith.constant 0 : i32
      %dma_wait3A_55 = arith.constant 0 : i32
      %dma_wait3A_56 = tpu.memref_slice %arg6[%dma_wait3A_54, %dma_wait3A_55] : memref<128x128xf32, #tpu.memory_space<vmem>> -> memref<128x128xf32, #tpu.memory_space<vmem>>
      %dma_wait3A_57 = arith.constant 0 : i32
      %dma_wait3A_58 = tpu.memref_slice %arg7[%add3A_33, %dma_wait3A_57] : memref<10112x128xf32, #tpu.memory_space<vmem_shared>> -> memref<128x128xf32, #tpu.memory_space<vmem_shared>>
      tpu.wait_dma2 semaphore(%run_scoped3A_40 : memref<!tpu.dma_semaphore, #tpu.memory_space<semaphore_mem>>) src(%dma_wait3A_58 : memref<128x128xf32, #tpu.memory_space<vmem_shared>>) dst(%dma_wait3A_56 : memref<128x128xf32, #tpu.memory_space<vmem>>)
      tpu.yield
    }) : () -> ()
    %add3A_34 = arith.constant 384 : i32
    %add3A_35 = arith.addi %mul3A_2, %add3A_34 : i32
    "tpu.region"() ({
      %run_scoped3A_40 = tpu.sem_alloc : memref<!tpu.dma_semaphore, #tpu.memory_space<semaphore_mem>>
      %dma_start3A = arith.constant 0 : i32
      %dma_start3A_41 = arith.constant 0 : i32
      %dma_start3A_42 = tpu.memref_slice %arg6[%dma_start3A, %dma_start3A_41] : memref<128x128xf32, #tpu.memory_space<vmem>> -> memref<128x128xf32, #tpu.memory_space<vmem>>
      %dma_start3A_43 = arith.constant 0 : i32
      %dma_start3A_44 = tpu.memref_slice %arg4[%arg0, %add3A_35, %dma_start3A_43] : memref<2x10112x128xf32, #tpu.memory_space<hbm>> -> memref<1x128x128xf32, #tpu.memory_space<hbm>>
      %dma_start3A_45 = tpu.memref_squeeze %dma_start3A_44 : memref<1x128x128xf32, #tpu.memory_space<hbm>> -> memref<128x128xf32, #tpu.memory_space<hbm>>
      %dma_start3A_46 = arith.constant 0 : i32
      %dma_start3A_47 = tpu.memref_slice %arg4[%arg0, %add3A_35, %dma_start3A_46] : memref<2x10112x128xf32, #tpu.memory_space<hbm>> -> memref<1x128x128xf32, #tpu.memory_space<hbm>>
      %dma_start3A_48 = tpu.memref_squeeze %dma_start3A_47 : memref<1x128x128xf32, #tpu.memory_space<hbm>> -> memref<128x128xf32, #tpu.memory_space<hbm>>
      %dma_start3A_49 = arith.constant 0 : i32
      %dma_start3A_50 = arith.constant 0 : i32
      %dma_start3A_51 = tpu.memref_slice %arg6[%dma_start3A_49, %dma_start3A_50] : memref<128x128xf32, #tpu.memory_space<vmem>> -> memref<128x128xf32, #tpu.memory_space<vmem>>
      tpu.enqueue_dma source(%dma_start3A_51 : memref<128x128xf32, #tpu.memory_space<vmem>>) target(%dma_start3A_48 : memref<128x128xf32, #tpu.memory_space<hbm>>) target_semaphore(%run_scoped3A_40 : memref<!tpu.dma_semaphore, #tpu.memory_space<semaphore_mem>>)
      %dma_wait3A = arith.constant 0 : i32
      %dma_wait3A_52 = arith.constant 0 : i32
      %dma_wait3A_53 = tpu.memref_slice %arg6[%dma_wait3A, %dma_wait3A_52] : memref<128x128xf32, #tpu.memory_space<vmem>> -> memref<128x128xf32, #tpu.memory_space<vmem>>
      %dma_wait3A_54 = arith.constant 0 : i32
      %dma_wait3A_55 = tpu.memref_slice %arg4[%arg0, %add3A_35, %dma_wait3A_54] : memref<2x10112x128xf32, #tpu.memory_space<hbm>> -> memref<1x128x128xf32, #tpu.memory_space<hbm>>
      %dma_wait3A_56 = tpu.memref_squeeze %dma_wait3A_55 : memref<1x128x128xf32, #tpu.memory_space<hbm>> -> memref<128x128xf32, #tpu.memory_space<hbm>>
      %dma_wait3A_57 = arith.constant 0 : i32
      %dma_wait3A_58 = tpu.memref_slice %arg4[%arg0, %add3A_35, %dma_wait3A_57] : memref<2x10112x128xf32, #tpu.memory_space<hbm>> -> memref<1x128x128xf32, #tpu.memory_space<hbm>>
      %dma_wait3A_59 = tpu.memref_squeeze %dma_wait3A_58 : memref<1x128x128xf32, #tpu.memory_space<hbm>> -> memref<128x128xf32, #tpu.memory_space<hbm>>
      %dma_wait3A_60 = arith.constant 0 : i32
      %dma_wait3A_61 = arith.constant 0 : i32
      %dma_wait3A_62 = tpu.memref_slice %arg6[%dma_wait3A_60, %dma_wait3A_61] : memref<128x128xf32, #tpu.memory_space<vmem>> -> memref<128x128xf32, #tpu.memory_space<vmem>>
      tpu.wait_dma2 semaphore(%run_scoped3A_40 : memref<!tpu.dma_semaphore, #tpu.memory_space<semaphore_mem>>) src(%dma_wait3A_62 : memref<128x128xf32, #tpu.memory_space<vmem>>) dst(%dma_wait3A_59 : memref<128x128xf32, #tpu.memory_space<hbm>>)
      tpu.yield
    }) : () -> ()
    %add3A_36 = arith.constant 512 : i32
    %add3A_37 = arith.addi %mul3A_2, %add3A_36 : i32
    "tpu.region"() ({
      %run_scoped3A_40 = tpu.sem_alloc : memref<!tpu.dma_semaphore, #tpu.memory_space<semaphore_mem>>
      %dma_start3A = arith.constant 0 : i32
      %dma_start3A_41 = arith.constant 0 : i32
      %dma_start3A_42 = tpu.memref_slice %arg6[%dma_start3A, %dma_start3A_41] : memref<128x128xf32, #tpu.memory_space<vmem>> -> memref<120x128xf32, #tpu.memory_space<vmem>>
      %dma_start3A_43 = arith.constant 0 : i32
      %dma_start3A_44 = tpu.memref_slice %arg7[%add3A_37, %dma_start3A_43] : memref<10112x128xf32, #tpu.memory_space<vmem_shared>> -> memref<120x128xf32, #tpu.memory_space<vmem_shared>>
      %dma_start3A_45 = arith.constant 0 : i32
      %dma_start3A_46 = arith.constant 0 : i32
      %dma_start3A_47 = tpu.memref_slice %arg6[%dma_start3A_45, %dma_start3A_46] : memref<128x128xf32, #tpu.memory_space<vmem>> -> memref<120x128xf32, #tpu.memory_space<vmem>>
      %dma_start3A_48 = arith.constant 0 : i32
      %dma_start3A_49 = tpu.memref_slice %arg7[%add3A_37, %dma_start3A_48] : memref<10112x128xf32, #tpu.memory_space<vmem_shared>> -> memref<120x128xf32, #tpu.memory_space<vmem_shared>>
      tpu.enqueue_dma source(%dma_start3A_49 : memref<120x128xf32, #tpu.memory_space<vmem_shared>>) target(%dma_start3A_47 : memref<120x128xf32, #tpu.memory_space<vmem>>) target_semaphore(%run_scoped3A_40 : memref<!tpu.dma_semaphore, #tpu.memory_space<semaphore_mem>>)
      %dma_wait3A = arith.constant 0 : i32
      %dma_wait3A_50 = arith.constant 0 : i32
      %dma_wait3A_51 = tpu.memref_slice %arg6[%dma_wait3A, %dma_wait3A_50] : memref<128x128xf32, #tpu.memory_space<vmem>> -> memref<120x128xf32, #tpu.memory_space<vmem>>
      %dma_wait3A_52 = arith.constant 0 : i32
      %dma_wait3A_53 = tpu.memref_slice %arg7[%add3A_37, %dma_wait3A_52] : memref<10112x128xf32, #tpu.memory_space<vmem_shared>> -> memref<120x128xf32, #tpu.memory_space<vmem_shared>>
      %dma_wait3A_54 = arith.constant 0 : i32
      %dma_wait3A_55 = arith.constant 0 : i32
      %dma_wait3A_56 = tpu.memref_slice %arg6[%dma_wait3A_54, %dma_wait3A_55] : memref<128x128xf32, #tpu.memory_space<vmem>> -> memref<120x128xf32, #tpu.memory_space<vmem>>
      %dma_wait3A_57 = arith.constant 0 : i32
      %dma_wait3A_58 = tpu.memref_slice %arg7[%add3A_37, %dma_wait3A_57] : memref<10112x128xf32, #tpu.memory_space<vmem_shared>> -> memref<120x128xf32, #tpu.memory_space<vmem_shared>>
      tpu.wait_dma2 semaphore(%run_scoped3A_40 : memref<!tpu.dma_semaphore, #tpu.memory_space<semaphore_mem>>) src(%dma_wait3A_58 : memref<120x128xf32, #tpu.memory_space<vmem_shared>>) dst(%dma_wait3A_56 : memref<120x128xf32, #tpu.memory_space<vmem>>)
      tpu.yield
    }) : () -> ()
    %add3A_38 = arith.constant 512 : i32
    %add3A_39 = arith.addi %mul3A_2, %add3A_38 : i32
    "tpu.region"() ({
      %run_scoped3A_40 = tpu.sem_alloc : memref<!tpu.dma_semaphore, #tpu.memory_space<semaphore_mem>>
      %dma_start3A = arith.constant 0 : i32
      %dma_start3A_41 = arith.constant 0 : i32
      %dma_start3A_42 = tpu.memref_slice %arg6[%dma_start3A, %dma_start3A_41] : memref<128x128xf32, #tpu.memory_space<vmem>> -> memref<120x128xf32, #tpu.memory_space<vmem>>
      %dma_start3A_43 = arith.constant 0 : i32
      %dma_start3A_44 = tpu.memref_slice %arg4[%arg0, %add3A_39, %dma_start3A_43] : memref<2x10112x128xf32, #tpu.memory_space<hbm>> -> memref<1x120x128xf32, #tpu.memory_space<hbm>>
      %dma_start3A_45 = tpu.memref_squeeze %dma_start3A_44 : memref<1x120x128xf32, #tpu.memory_space<hbm>> -> memref<120x128xf32, #tpu.memory_space<hbm>>
      %dma_start3A_46 = arith.constant 0 : i32
      %dma_start3A_47 = tpu.memref_slice %arg4[%arg0, %add3A_39, %dma_start3A_46] : memref<2x10112x128xf32, #tpu.memory_space<hbm>> -> memref<1x120x128xf32, #tpu.memory_space<hbm>>
      %dma_start3A_48 = tpu.memref_squeeze %dma_start3A_47 : memref<1x120x128xf32, #tpu.memory_space<hbm>> -> memref<120x128xf32, #tpu.memory_space<hbm>>
      %dma_start3A_49 = arith.constant 0 : i32
      %dma_start3A_50 = arith.constant 0 : i32
      %dma_start3A_51 = tpu.memref_slice %arg6[%dma_start3A_49, %dma_start3A_50] : memref<128x128xf32, #tpu.memory_space<vmem>> -> memref<120x128xf32, #tpu.memory_space<vmem>>
      tpu.enqueue_dma source(%dma_start3A_51 : memref<120x128xf32, #tpu.memory_space<vmem>>) target(%dma_start3A_48 : memref<120x128xf32, #tpu.memory_space<hbm>>) target_semaphore(%run_scoped3A_40 : memref<!tpu.dma_semaphore, #tpu.memory_space<semaphore_mem>>)
      %dma_wait3A = arith.constant 0 : i32
      %dma_wait3A_52 = arith.constant 0 : i32
      %dma_wait3A_53 = tpu.memref_slice %arg6[%dma_wait3A, %dma_wait3A_52] : memref<128x128xf32, #tpu.memory_space<vmem>> -> memref<120x128xf32, #tpu.memory_space<vmem>>
      %dma_wait3A_54 = arith.constant 0 : i32
      %dma_wait3A_55 = tpu.memref_slice %arg4[%arg0, %add3A_39, %dma_wait3A_54] : memref<2x10112x128xf32, #tpu.memory_space<hbm>> -> memref<1x120x128xf32, #tpu.memory_space<hbm>>
      %dma_wait3A_56 = tpu.memref_squeeze %dma_wait3A_55 : memref<1x120x128xf32, #tpu.memory_space<hbm>> -> memref<120x128xf32, #tpu.memory_space<hbm>>
      %dma_wait3A_57 = arith.constant 0 : i32
      %dma_wait3A_58 = tpu.memref_slice %arg4[%arg0, %add3A_39, %dma_wait3A_57] : memref<2x10112x128xf32, #tpu.memory_space<hbm>> -> memref<1x120x128xf32, #tpu.memory_space<hbm>>
      %dma_wait3A_59 = tpu.memref_squeeze %dma_wait3A_58 : memref<1x120x128xf32, #tpu.memory_space<hbm>> -> memref<120x128xf32, #tpu.memory_space<hbm>>
      %dma_wait3A_60 = arith.constant 0 : i32
      %dma_wait3A_61 = arith.constant 0 : i32
      %dma_wait3A_62 = tpu.memref_slice %arg6[%dma_wait3A_60, %dma_wait3A_61] : memref<128x128xf32, #tpu.memory_space<vmem>> -> memref<120x128xf32, #tpu.memory_space<vmem>>
      tpu.wait_dma2 semaphore(%run_scoped3A_40 : memref<!tpu.dma_semaphore, #tpu.memory_space<semaphore_mem>>) src(%dma_wait3A_62 : memref<120x128xf32, #tpu.memory_space<vmem>>) dst(%dma_wait3A_59 : memref<120x128xf32, #tpu.memory_space<hbm>>)
      tpu.yield
    }) : () -> ()
    return
  }
}

module attributes {stable_mosaic.version = 14 : i64} {
  func.func @_tc_a_body(%arg0: i32, %arg1: memref<1000x128xf32, #tpu.memory_space<vmem>>, %arg2: memref<1000x128xf32, #tpu.memory_space<vmem>>, %arg3: memref<1000x128xf32, #tpu.memory_space<vmem>>, %arg4: memref<1000x128xf32, #tpu.memory_space<vmem>>, %arg5: memref<1000x128xf32, #tpu.memory_space<vmem>>, %arg6: memref<128x128xf32, #tpu.memory_space<vmem>>, %arg7: memref<1x128xf32, #tpu.memory_space<vmem>>, %arg8: memref<128x128xf32, #tpu.memory_space<vmem>>, %arg9: memref<128x128xf32, #tpu.memory_space<vmem>>, %arg10: memref<1000x128xf32, #tpu.memory_space<vmem>>, %arg11: memref<1000x128xf32, #tpu.memory_space<vmem>>) attributes {dimension_semantics = [#tpu.dimension_semantics<arbitrary>], iteration_bounds = array<i64: 10>, scalar_prefetch = 0 : i64, scratch_operands = 0 : i64, tpu.core_type = #tpu.core_type<tc>, window_params = [{transform_indices = @transform_0, window_bounds = array<i64: 1000, 128>}, {transform_indices = @transform_1, window_bounds = array<i64: 1000, 128>}, {transform_indices = @transform_2, window_bounds = array<i64: 1000, 128>}, {transform_indices = @transform_3, window_bounds = array<i64: 1000, 128>}, {transform_indices = @transform_4, window_bounds = array<i64: 1000, 128>}, {pipeline_mode = #tpu.pipeline_mode<synchronous>, transform_indices = @transform_5, window_bounds = array<i64: 128, 128>}, {pipeline_mode = #tpu.pipeline_mode<synchronous>, transform_indices = @transform_6, window_bounds = array<i64: 1, 128>}, {pipeline_mode = #tpu.pipeline_mode<synchronous>, transform_indices = @transform_7, window_bounds = array<i64: 128, 128>}, {pipeline_mode = #tpu.pipeline_mode<synchronous>, transform_indices = @transform_8, window_bounds = array<i64: 128, 128>}, {transform_indices = @transform_9, window_bounds = array<i64: 1000, 128>}, {transform_indices = @transform_10, window_bounds = array<i64: 1000, 128>}]} {
    %get3A = arith.constant 0 : index
    %get3A_0 = arith.constant 0 : index
    %get3A_1 = vector.load %arg2[%get3A, %get3A_0] : memref<1000x128xf32, #tpu.memory_space<vmem>>, vector<1000x128xf32>
    %get3A_2 = arith.constant 0 : index
    %get3A_3 = arith.constant 0 : index
    %get3A_4 = vector.load %arg3[%get3A_2, %get3A_3] : memref<1000x128xf32, #tpu.memory_space<vmem>>, vector<1000x128xf32>
    %add3A = arith.addf %get3A_1, %get3A_4 : vector<1000x128xf32>
    %get3A_5 = arith.constant 0 : index
    %get3A_6 = arith.constant 0 : index
    %get3A_7 = vector.load %arg6[%get3A_5, %get3A_6] : memref<128x128xf32, #tpu.memory_space<vmem>>, vector<128x128xf32>
    %dot_general3A = arith.constant dense<0.000000e+00> : vector<1000x128xf32>
    %dot_general3A_8 = tpu.matmul %add3A, %get3A_7, %dot_general3A {dimension_numbers = #tpu.dot_dimension_numbers<[1], [0], [0], [1], [0, 0, 1, 1], [], []>, transpose_lhs_hint = false} : vector<1000x128xf32>, vector<128x128xf32>, vector<1000x128xf32> -> vector<1000x128xf32>
    %get3A_9 = arith.constant 0 : index
    %get3A_10 = arith.constant 0 : index
    %get3A_11 = vector.load %arg7[%get3A_9, %get3A_10] : memref<1x128xf32, #tpu.memory_space<vmem>>, vector<1x128xf32>
    %add3A_12 = vector.broadcast %get3A_11 : vector<1x128xf32> to vector<1000x128xf32>
    %add3A_13 = arith.addf %dot_general3A_8, %add3A_12 : vector<1000x128xf32>
    %get3A_14 = arith.constant 0 : index
    %get3A_15 = arith.constant 0 : index
    %get3A_16 = vector.load %arg1[%get3A_14, %get3A_15] : memref<1000x128xf32, #tpu.memory_space<vmem>>, vector<1000x128xf32>
    %get3A_17 = arith.constant 0 : index
    %get3A_18 = arith.constant 0 : index
    %get3A_19 = vector.load %arg8[%get3A_17, %get3A_18] : memref<128x128xf32, #tpu.memory_space<vmem>>, vector<128x128xf32>
    %dot_general3A_20 = arith.constant dense<0.000000e+00> : vector<1000x128xf32>
    %dot_general3A_21 = tpu.matmul %get3A_16, %get3A_19, %dot_general3A_20 {dimension_numbers = #tpu.dot_dimension_numbers<[1], [0], [0], [1], [0, 0, 1, 1], [], []>, transpose_lhs_hint = false} : vector<1000x128xf32>, vector<128x128xf32>, vector<1000x128xf32> -> vector<1000x128xf32>
    %get3A_22 = arith.constant 0 : index
    %get3A_23 = arith.constant 0 : index
    %get3A_24 = vector.load %arg9[%get3A_22, %get3A_23] : memref<128x128xf32, #tpu.memory_space<vmem>>, vector<128x128xf32>
    %dot_general3A_25 = arith.constant dense<0.000000e+00> : vector<1000x128xf32>
    %dot_general3A_26 = tpu.matmul %add3A_13, %get3A_24, %dot_general3A_25 {dimension_numbers = #tpu.dot_dimension_numbers<[1], [0], [0], [1], [0, 0, 1, 1], [], []>, transpose_lhs_hint = false} : vector<1000x128xf32>, vector<128x128xf32>, vector<1000x128xf32> -> vector<1000x128xf32>
    %add3A_27 = arith.addf %dot_general3A_21, %dot_general3A_26 : vector<1000x128xf32>
    %get3A_28 = arith.constant 0 : index
    %get3A_29 = arith.constant 0 : index
    %get3A_30 = vector.load %arg4[%get3A_28, %get3A_29] : memref<1000x128xf32, #tpu.memory_space<vmem>>, vector<1000x1xf32>
    %get3A_31 = arith.constant 0 : index
    %get3A_32 = arith.constant 0 : index
    %get3A_33 = vector.load %arg5[%get3A_31, %get3A_32] : memref<1000x128xf32, #tpu.memory_space<vmem>>, vector<1000x1xf32>
    %add3A_34 = arith.addf %get3A_30, %get3A_33 : vector<1000x1xf32>
    %add3A_35 = arith.constant 1.000000e+00 : f32
    %add3A_36 = vector.broadcast %add3A_35 : f32 to vector<1000x1xf32>
    %add3A_37 = arith.addf %add3A_34, %add3A_36 : vector<1000x1xf32>
    %rsqrt3A = math.rsqrt %add3A_37 : vector<1000x1xf32>
    %mul3A = vector.broadcast %rsqrt3A : vector<1000x1xf32> to vector<1000x128xf32>
    %mul3A_38 = arith.mulf %add3A_27, %mul3A : vector<1000x128xf32>
    %swap3A = arith.constant 0 : index
    %swap3A_39 = arith.constant 0 : index
    %swap3A_40 = vector.load %arg10[%swap3A, %swap3A_39] : memref<1000x128xf32, #tpu.memory_space<vmem>>, vector<1000x128xf32>
    tpu.vector_store %arg10[%swap3A, %swap3A_39], %mul3A_38 {strides = array<i32>} : memref<1000x128xf32, #tpu.memory_space<vmem>>, vector<1000x128xf32>,
    %div3A = arith.constant 1.000000e+00 : f32
    %div3A_41 = vector.broadcast %div3A : f32 to vector<1000x1xf32>
    %div3A_42 = arith.divf %div3A_41, %add3A_37 : vector<1000x1xf32>
    %mul3A_43 = vector.broadcast %div3A_42 : vector<1000x1xf32> to vector<1000x128xf32>
    %mul3A_44 = arith.mulf %add3A_27, %mul3A_43 : vector<1000x128xf32>
    %swap3A_45 = arith.constant 0 : index
    %swap3A_46 = arith.constant 0 : index
    %swap3A_47 = vector.load %arg11[%swap3A_45, %swap3A_46] : memref<1000x128xf32, #tpu.memory_space<vmem>>, vector<1000x128xf32>
    tpu.vector_store %arg11[%swap3A_45, %swap3A_46], %mul3A_44 {strides = array<i32>} : memref<1000x128xf32, #tpu.memory_space<vmem>>, vector<1000x128xf32>,
    return
  }
  func.func @transform_0(%arg0: i32) -> (i32, i32) {
    %c0_i32 = arith.constant 0 : i32
    %c0_i32_0 = arith.constant 0 : i32
    return %arg0, %c0_i32 : i32, i32
  }
  func.func @transform_1(%arg0: i32) -> (i32, i32) {
    %c0_i32 = arith.constant 0 : i32
    %c0_i32_0 = arith.constant 0 : i32
    return %arg0, %c0_i32 : i32, i32
  }
  func.func @transform_2(%arg0: i32) -> (i32, i32) {
    %c0_i32 = arith.constant 0 : i32
    %c0_i32_0 = arith.constant 0 : i32
    return %arg0, %c0_i32 : i32, i32
  }
  func.func @transform_3(%arg0: i32) -> (i32, i32) {
    %c0_i32 = arith.constant 0 : i32
    %c0_i32_0 = arith.constant 0 : i32
    return %arg0, %c0_i32 : i32, i32
  }
  func.func @transform_4(%arg0: i32) -> (i32, i32) {
    %c0_i32 = arith.constant 0 : i32
    %c0_i32_0 = arith.constant 0 : i32
    return %arg0, %c0_i32 : i32, i32
  }
  func.func @transform_5(%arg0: i32) -> (i32, i32) {
    %c0_i32 = arith.constant 0 : i32
    %c0_i32_0 = arith.constant 0 : i32
    %c0_i32_1 = arith.constant 0 : i32
    return %c0_i32, %c0_i32_0 : i32, i32
  }
  func.func @transform_6(%arg0: i32) -> (i32, i32) {
    %c0_i32 = arith.constant 0 : i32
    %c0_i32_0 = arith.constant 0 : i32
    %c0_i32_1 = arith.constant 0 : i32
    return %c0_i32, %c0_i32_0 : i32, i32
  }
  func.func @transform_7(%arg0: i32) -> (i32, i32) {
    %c0_i32 = arith.constant 0 : i32
    %c0_i32_0 = arith.constant 0 : i32
    %c0_i32_1 = arith.constant 0 : i32
    return %c0_i32, %c0_i32_0 : i32, i32
  }
  func.func @transform_8(%arg0: i32) -> (i32, i32) {
    %c0_i32 = arith.constant 0 : i32
    %c0_i32_0 = arith.constant 0 : i32
    %c0_i32_1 = arith.constant 0 : i32
    return %c0_i32, %c0_i32_0 : i32, i32
  }
  func.func @transform_9(%arg0: i32) -> (i32, i32) {
    %c0_i32 = arith.constant 0 : i32
    %c0_i32_0 = arith.constant 0 : i32
    return %arg0, %c0_i32 : i32, i32
  }
  func.func @transform_10(%arg0: i32) -> (i32, i32) {
    %c0_i32 = arith.constant 0 : i32
    %c0_i32_0 = arith.constant 0 : i32
    return %arg0, %c0_i32 : i32, i32
  }
}

module attributes {stable_mosaic.version = 14 : i64} {
  func.func @_tc_b_body(%arg0: i32, %arg1: memref<1000x128xf32, #tpu.memory_space<vmem>>, %arg2: memref<1000x128xf32, #tpu.memory_space<vmem>>, %arg3: memref<1000x128xf32, #tpu.memory_space<vmem>>, %arg4: memref<1000x128xf32, #tpu.memory_space<vmem>>, %arg5: memref<1000x128xf32, #tpu.memory_space<vmem>>, %arg6: memref<1x128xf32, #tpu.memory_space<vmem>>, %arg7: memref<128x64xf32, #tpu.memory_space<vmem>>, %arg8: memref<1x64xf32, #tpu.memory_space<vmem>>, %arg9: memref<64x128xf32, #tpu.memory_space<vmem>>, %arg10: memref<1x128xf32, #tpu.memory_space<vmem>>, %arg11: memref<1000x128xf32, #tpu.memory_space<vmem>>) attributes {dimension_semantics = [#tpu.dimension_semantics<arbitrary>], iteration_bounds = array<i64: 10>, scalar_prefetch = 0 : i64, scratch_operands = 0 : i64, tpu.core_type = #tpu.core_type<tc>, window_params = [{transform_indices = @transform_0, window_bounds = array<i64: 1000, 128>}, {transform_indices = @transform_1, window_bounds = array<i64: 1000, 128>}, {transform_indices = @transform_2, window_bounds = array<i64: 1000, 128>}, {transform_indices = @transform_3, window_bounds = array<i64: 1000, 128>}, {transform_indices = @transform_4, window_bounds = array<i64: 1000, 128>}, {pipeline_mode = #tpu.pipeline_mode<synchronous>, transform_indices = @transform_5, window_bounds = array<i64: 1, 128>}, {pipeline_mode = #tpu.pipeline_mode<synchronous>, transform_indices = @transform_6, window_bounds = array<i64: 128, 64>}, {pipeline_mode = #tpu.pipeline_mode<synchronous>, transform_indices = @transform_7, window_bounds = array<i64: 1, 64>}, {pipeline_mode = #tpu.pipeline_mode<synchronous>, transform_indices = @transform_8, window_bounds = array<i64: 64, 128>}, {pipeline_mode = #tpu.pipeline_mode<synchronous>, transform_indices = @transform_9, window_bounds = array<i64: 1, 128>}, {transform_indices = @transform_10, window_bounds = array<i64: 1000, 128>}]} {
    %get3A = arith.constant 0 : index
    %get3A_0 = arith.constant 0 : index
    %get3A_1 = vector.load %arg3[%get3A, %get3A_0] : memref<1000x128xf32, #tpu.memory_space<vmem>>, vector<1000x1xf32>
    %get3A_2 = arith.constant 0 : index
    %get3A_3 = arith.constant 0 : index
    %get3A_4 = vector.load %arg4[%get3A_2, %get3A_3] : memref<1000x128xf32, #tpu.memory_space<vmem>>, vector<1000x1xf32>
    %add3A = arith.addf %get3A_1, %get3A_4 : vector<1000x1xf32>
    %add3A_5 = arith.constant 1.000000e+00 : f32
    %add3A_6 = vector.broadcast %add3A_5 : f32 to vector<1000x1xf32>
    %add3A_7 = arith.addf %add3A, %add3A_6 : vector<1000x1xf32>
    %rsqrt3A = math.rsqrt %add3A_7 : vector<1000x1xf32>
    %get3A_8 = arith.constant 0 : index
    %get3A_9 = arith.constant 0 : index
    %get3A_10 = vector.load %arg1[%get3A_8, %get3A_9] : memref<1000x128xf32, #tpu.memory_space<vmem>>, vector<1000x128xf32>
    %get3A_11 = arith.constant 0 : index
    %get3A_12 = arith.constant 0 : index
    %get3A_13 = vector.load %arg2[%get3A_11, %get3A_12] : memref<1000x128xf32, #tpu.memory_space<vmem>>, vector<1000x128xf32>
    %add3A_14 = arith.addf %get3A_10, %get3A_13 : vector<1000x128xf32>
    %mul3A = vector.broadcast %rsqrt3A : vector<1000x1xf32> to vector<1000x128xf32>
    %mul3A_15 = arith.mulf %add3A_14, %mul3A : vector<1000x128xf32>
    %get3A_16 = arith.constant 0 : index
    %get3A_17 = arith.constant 0 : index
    %get3A_18 = vector.load %arg5[%get3A_16, %get3A_17] : memref<1000x128xf32, #tpu.memory_space<vmem>>, vector<1000x128xf32>
    %add3A_19 = arith.addf %mul3A_15, %get3A_18 : vector<1000x128xf32>
    %get3A_20 = arith.constant 0 : index
    %get3A_21 = arith.constant 0 : index
    %get3A_22 = vector.load %arg6[%get3A_20, %get3A_21] : memref<1x128xf32, #tpu.memory_space<vmem>>, vector<1x128xf32>
    %add3A_23 = vector.broadcast %get3A_22 : vector<1x128xf32> to vector<1000x128xf32>
    %add3A_24 = arith.addf %add3A_19, %add3A_23 : vector<1000x128xf32>
    %get3A_25 = arith.constant 0 : index
    %get3A_26 = arith.constant 0 : index
    %get3A_27 = vector.load %arg7[%get3A_25, %get3A_26] : memref<128x64xf32, #tpu.memory_space<vmem>>, vector<128x64xf32>
    %dot_general3A = arith.constant dense<0.000000e+00> : vector<1000x64xf32>
    %dot_general3A_28 = tpu.matmul %add3A_24, %get3A_27, %dot_general3A {dimension_numbers = #tpu.dot_dimension_numbers<[1], [0], [0], [1], [0, 0, 1, 1], [], []>, transpose_lhs_hint = false} : vector<1000x128xf32>, vector<128x64xf32>, vector<1000x64xf32> -> vector<1000x64xf32>
    %get3A_29 = arith.constant 0 : index
    %get3A_30 = arith.constant 0 : index
    %get3A_31 = vector.load %arg8[%get3A_29, %get3A_30] : memref<1x64xf32, #tpu.memory_space<vmem>>, vector<1x64xf32>
    %add3A_32 = vector.broadcast %get3A_31 : vector<1x64xf32> to vector<1000x64xf32>
    %add3A_33 = arith.addf %dot_general3A_28, %add3A_32 : vector<1000x64xf32>
    %max3A = arith.constant 0.000000e+00 : f32
    %max3A_34 = vector.broadcast %max3A : f32 to vector<1000x64xf32>
    %max3A_35 = arith.maximumf %add3A_33, %max3A_34 : vector<1000x64xf32>
    %get3A_36 = arith.constant 0 : index
    %get3A_37 = arith.constant 0 : index
    %get3A_38 = vector.load %arg9[%get3A_36, %get3A_37] : memref<64x128xf32, #tpu.memory_space<vmem>>, vector<64x128xf32>
    %dot_general3A_39 = arith.constant dense<0.000000e+00> : vector<1000x128xf32>
    %dot_general3A_40 = tpu.matmul %max3A_35, %get3A_38, %dot_general3A_39 {dimension_numbers = #tpu.dot_dimension_numbers<[1], [0], [0], [1], [0, 0, 1, 1], [], []>, transpose_lhs_hint = false} : vector<1000x64xf32>, vector<64x128xf32>, vector<1000x128xf32> -> vector<1000x128xf32>
    %get3A_41 = arith.constant 0 : index
    %get3A_42 = arith.constant 0 : index
    %get3A_43 = vector.load %arg10[%get3A_41, %get3A_42] : memref<1x128xf32, #tpu.memory_space<vmem>>, vector<1x128xf32>
    %add3A_44 = vector.broadcast %get3A_43 : vector<1x128xf32> to vector<1000x128xf32>
    %add3A_45 = arith.addf %dot_general3A_40, %add3A_44 : vector<1000x128xf32>
    %swap3A = arith.constant 0 : index
    %swap3A_46 = arith.constant 0 : index
    %swap3A_47 = vector.load %arg11[%swap3A, %swap3A_46] : memref<1000x128xf32, #tpu.memory_space<vmem>>, vector<1000x128xf32>
    tpu.vector_store %arg11[%swap3A, %swap3A_46], %add3A_45 {strides = array<i32>} : memref<1000x128xf32, #tpu.memory_space<vmem>>, vector<1000x128xf32>,
    return
  }
  func.func @transform_0(%arg0: i32) -> (i32, i32) {
    %c0_i32 = arith.constant 0 : i32
    %c0_i32_0 = arith.constant 0 : i32
    return %arg0, %c0_i32 : i32, i32
  }
  func.func @transform_1(%arg0: i32) -> (i32, i32) {
    %c0_i32 = arith.constant 0 : i32
    %c0_i32_0 = arith.constant 0 : i32
    return %arg0, %c0_i32 : i32, i32
  }
  func.func @transform_2(%arg0: i32) -> (i32, i32) {
    %c0_i32 = arith.constant 0 : i32
    %c0_i32_0 = arith.constant 0 : i32
    return %arg0, %c0_i32 : i32, i32
  }
  func.func @transform_3(%arg0: i32) -> (i32, i32) {
    %c0_i32 = arith.constant 0 : i32
    %c0_i32_0 = arith.constant 0 : i32
    return %arg0, %c0_i32 : i32, i32
  }
  func.func @transform_4(%arg0: i32) -> (i32, i32) {
    %c0_i32 = arith.constant 0 : i32
    %c0_i32_0 = arith.constant 0 : i32
    return %arg0, %c0_i32 : i32, i32
  }
  func.func @transform_5(%arg0: i32) -> (i32, i32) {
    %c0_i32 = arith.constant 0 : i32
    %c0_i32_0 = arith.constant 0 : i32
    %c0_i32_1 = arith.constant 0 : i32
    return %c0_i32, %c0_i32_0 : i32, i32
  }
  func.func @transform_6(%arg0: i32) -> (i32, i32) {
    %c0_i32 = arith.constant 0 : i32
    %c0_i32_0 = arith.constant 0 : i32
    %c0_i32_1 = arith.constant 0 : i32
    return %c0_i32, %c0_i32_0 : i32, i32
  }
  func.func @transform_7(%arg0: i32) -> (i32, i32) {
    %c0_i32 = arith.constant 0 : i32
    %c0_i32_0 = arith.constant 0 : i32
    %c0_i32_1 = arith.constant 0 : i32
    return %c0_i32, %c0_i32_0 : i32, i32
  }
  func.func @transform_8(%arg0: i32) -> (i32, i32) {
    %c0_i32 = arith.constant 0 : i32
    %c0_i32_0 = arith.constant 0 : i32
    %c0_i32_1 = arith.constant 0 : i32
    return %c0_i32, %c0_i32_0 : i32, i32
  }
  func.func @transform_9(%arg0: i32) -> (i32, i32) {
    %c0_i32 = arith.constant 0 : i32
    %c0_i32_0 = arith.constant 0 : i32
    %c0_i32_1 = arith.constant 0 : i32
    return %c0_i32, %c0_i32_0 : i32, i32
  }
  func.func @transform_10(%arg0: i32) -> (i32, i32) {
    %c0_i32 = arith.constant 0 : i32
    %c0_i32_0 = arith.constant 0 : i32
    return %arg0, %c0_i32 : i32, i32
  }
}

</mosaic_0001>

<sc_bundles>
// kernel: kernel.10.cloned.1.call-start
scs
__scs_entry_jumppad:
0x0: {  	(pc) =	sbr.rel $0x88, $3  }
0x1: {  	(tag) =	ssettag $0x0;
	lr =	simm.s32 $0x1  }
0x2: {  	[smem:$0x3F97] =	sst lr;
	_ =	strace $0xD0000000  }
0x3: {  	_ = 	snop  }
0x4: {  	_ = 	snop  }
0x5: {  	_ = 	snop  }
0x6: {  	_ = 	snop  }
0x7: {  	_ = 	snop  }
__scs_overlays_trampoline_lowered:
0x8: {  	[smem:$0x3FA6] =	sst s0  }
0x9: {  	[smem:$0x3FA7] =	sst s1  }
0xa: {  	[smem:$0x3FA8] =	sst s2  }
0xb: {  	[smem:$0x3FA9] =	sst s3  }
0xc: {  	[smem:$0x3FAA] =	sst s4  }
0xd: {  	[smem:$0x3FAB] =	sst s5  }
0xe: {  	[smem:$0x3FAC] =	sst s6  }
0xf: {  	[smem:$0x3FAD] =	sst s7  }
0x10: {  	[smem:$0x3FAE] =	sst s8  }
0x11: {  	[smem:$0x3FAF] =	sst s9;
	s0 =	simm.s32 @!p0 $0x0  }
0x12: {  	s1 =	sld [smem:$0x3F95];
	s0 =	simm.s32 @p0 $0x1  }
0x13: {  	[smem:$0x3FB0] =	sst s0;
	s0 =	simm.s32 @!p1 $0x0  }
0x14: {  	s2 =	sld [smem:$0x3F94];
	s0 =	simm.s32 @p1 $0x1  }
0x15: {  	[smem:$0x3FB1] =	sst s0;
	s0 =	simm.s32 @!p2 $0x0  }
0x16: {  	s3 =	sld [smem:$0x3FDB];
	s0 =	simm.s32 @p2 $0x1  }
0x17: {  	s4 =	simm.s32 $0x1BF5;
	[smem:$0x3FB3] =	sst s0  }
0x18: {  	s0 =	sld [smem:$0x3F96];
	_ =	swait.ge [sflag:s4], $0x0  }
0x19: {  	s7 =	sld [smem:$0x3F97]  }
0x1a: {  	s8 =	sadd.s32 $0xFFFFE003, lr  }
0x1b: {  	s9 =	sadd.s32 $0xFFFFFEF7, lr;
	s5 =	simm.s32 $0xFFFFFFFF;
	p2 =	slt.u32 s8, $0xFFFFF086  }
0x1c: {  	p1 =	slt.u32 s9, $0xF7A;
	s5 =	simm.s32 @!p2 $0x0  }
0x1d: {  	s5 =	simm.s32 @p1 $0x1;
	p0 =	seq.s32 s7, s2  }
0x1e: {  	s7 =	smul.u32 @!p0 $0xF7A, s2;
	p2 =	seq.s32 @!p0 s5, $0x0  }
0x1f: {  	s9 =	smul.u32 $0xF7A, s1;
	s8 =	simm.s32 @!p0 $0x1BF5;
	p2 =	por !p2, p0  }
0x20: {  	[sflag:s8] =	ssyncset.s32 @!p0 $0xFFFFF086;
	s6 =	sadd.s32 @!p0 s3, s7;
	s7 =	simm.s32 @!p0 $0x108  }
0x21: {  	s3 =	sadd.s32 s3, s9;
	s6 =	sadd.s32 @!p0 $0x88, s6;
	s7 =	simm.s32 @p2 $0x1082  }
0x22: {  	[simem:s7], [sflag:s8] =	dma.local @!p0 [hbm:s6], $0xF7A  }
0x23: {  	s9 =	sor.u32 $0xD0000000, s2;
	s6 =	simm.s32 $0x108;
	_ =	swait.ge @!p0 [sflag:s8], $0x0  }
0x24: {  	s3 =	sadd.s32 $0x88, s3;
	s6 =	simm.s32 @!p1 $0x1082;
	[sflag:s4] =	ssyncset.s32 $0xFFFFF086  }
0x25: {  	[simem:s6], [sflag:s4] =	dma.local [hbm:s3], $0xF7A  }
0x26: {  	[smem:$0x3F97] =	sst s1;
	(tag) =	ssettag s2;
	_ =	strace s9  }
0x27: {  	s1 =	sld [smem:$0x3FA7]  }
0x28: {  	s2 =	sld [smem:$0x3FA8]  }
0x29: {  	s4 =	sld [smem:$0x3FAA]  }
0x2a: {  	p0 =	seq.s32 s5, $0x0;
	s5 =	sld [smem:$0x3FAB]  }
0x2b: {  	s6 =	sld [smem:$0x3FAC]  }
0x2c: {  	s7 =	sld [smem:$0x3FAD]  }
0x2d: {  	s3 =	simm.s32 $0x108;
	s8 =	sld [smem:$0x3FAE]  }
0x2e: {  	s3 =	simm.s32 @!p0 $0x1082;
	s9 =	sld [smem:$0x3FAF]  }
0x2f: {  	lr =	sadd.s32 s0, s3;
	s0 =	sld [smem:$0x3FA6]  }
0x30: {  	s3 =	sld [smem:$0x3FA9]  }
0x31: {  	[smem:$0x3FB2] =	sst s10  }
0x32: {  	s10 =	sld [smem:$0x3FB0];
	_ =	sdelay $0x3  }
0x33: {  	p0 =	seq.s32 s10, $0x1;
	s10 =	sld [smem:$0x3FB2];
	_ =	sdelay $0x3  }
0x34: {  	[smem:$0x3FB2] =	sst s10  }
0x35: {  	s10 =	sld [smem:$0x3FB1];
	_ =	sdelay $0x3  }
0x36: {  	p1 =	seq.s32 s10, $0x1;
	s10 =	sld [smem:$0x3FB2];
	_ =	sdelay $0x3  }
0x37: {  	[smem:$0x3FB2] =	sst s10  }
0x38: {  	s10 =	sld [smem:$0x3FB3]  }
0x39: {  	_ = 	snop;
	(pc) =	sbr.ind lr, $3  }
0x3a: {  	_ = 	snop  }
0x3b: {  	_ = 	snop  }
0x3c: {  	p2 =	seq.s32 s10, $0x1;
	s10 =	sld [smem:$0x3FB2]  }
0x3d: {  	_ =	shalt  }
0x3e: {  	_ =	shalt  }
0x3f: {  	_ =	shalt  }
0x40: {  	_ =	shalt  }
0x41: {  	_ =	shalt  }
0x42: {  	_ =	shalt  }
0x43: {  	_ =	shalt  }
0x44: {  	_ =	shalt  }
0x45: {  	_ =	shalt  }
0x46: {  	_ =	shalt  }
0x47: {  	_ =	shalt  }
0x48: {  	_ =	shalt  }
0x49: {  	_ =	shalt  }
0x4a: {  	_ =	shalt  }
0x4b: {  	_ =	shalt  }
0x4c: {  	_ =	shalt  }
0x4d: {  	_ =	shalt  }
0x4e: {  	_ =	shalt  }
0x4f: {  	_ =	shalt  }
0x50: {  	_ =	shalt  }
0x51: {  	_ =	shalt  }
0x52: {  	_ =	shalt  }
0x53: {  	_ =	shalt  }
0x54: {  	_ =	shalt  }
0x55: {  	_ =	shalt  }
0x56: {  	_ =	shalt  }
0x57: {  	_ =	shalt  }
0x58: {  	_ =	shalt  }
0x59: {  	_ =	shalt  }
0x5a: {  	_ =	shalt  }
0x5b: {  	_ =	shalt  }
0x5c: {  	_ =	shalt  }
0x5d: {  	_ =	shalt  }
0x5e: {  	_ =	shalt  }
0x5f: {  	_ =	shalt  }
0x60: {  	_ =	shalt  }
0x61: {  	_ =	shalt  }
0x62: {  	_ =	shalt  }
0x63: {  	_ =	shalt  }
0x64: {  	_ =	shalt  }
0x65: {  	_ =	shalt  }
0x66: {  	_ =	shalt  }
0x67: {  	_ =	shalt  }
0x68: {  	_ =	shalt  }
0x69: {  	_ =	shalt  }
0x6a: {  	_ =	shalt  }
0x6b: {  	_ =	shalt  }
0x6c: {  	_ =	shalt  }
0x6d: {  	_ =	shalt  }
0x6e: {  	_ =	shalt  }
0x6f: {  	_ =	shalt  }
0x70: {  	_ =	shalt  }
0x71: {  	_ =	shalt  }
0x72: {  	_ =	shalt  }
0x73: {  	_ =	shalt  }
0x74: {  	_ =	shalt  }
0x75: {  	_ =	shalt  }
0x76: {  	_ =	shalt  }
0x77: {  	_ =	shalt  }
0x78: {  	_ =	shalt  }
0x79: {  	_ =	shalt  }
0x7a: {  	_ =	shalt  }
0x7b: {  	_ =	shalt  }
0x7c: {  	_ =	shalt  }
0x7d: {  	_ =	shalt  }
0x7e: {  	_ =	shalt  }
0x7f: {  	_ =	shalt  }
0x80: {  	_ =	shalt  }
0x81: {  	_ =	shalt  }
0x82: {  	_ =	shalt  }
0x83: {  	_ =	shalt  }
0x84: {  	_ =	shalt  }
0x85: {  	_ =	shalt  }
0x86: {  	_ =	shalt  }
0x87: {  	_ =	shalt  }
.Lfunc_end0:
.L_simem_size_0:
called_computation.1_lowered:
.L_overlay_start_0:
0x88: {  	s2 =	sld [smem:$0x3FD9]  }
0x89: {  	s3 =	sld [smem:$0x3FFE];
	_ =	sdelay $0x1  }
0x8a: {  	s1 =	srdreg.scid  }
0x8b: {  	s0 =	sand.u32 $0x1, s1  }
0x8c: {  	s17 =	sshll.u32 s0, $0xA;
	s2 =	sadd.s32 s3, s2  }
0x8d: {  	s2 =	sadd.s32 s2, s17  }
0x8e: {  	[smem:$0x3FBE] =	sst s2  }
0x8f: {  	_ = 	snop  }
0x90: {  	(tm) =	ssettm $0x1  }
0x91: {  	s18 =	sld [smem:$0x3FFB];
	_ =	sdelay $0x3  }
0x92: {  	_ =	strace s18  }
0x93: {  	s2 =	sld [smem:$0x3FFC];
	_ =	sdelay $0x3  }
0x94: {  	_ =	strace s2  }
0x95: {  	s2 =	sld [smem:$0x3FFD];
	_ =	sdelay $0x3  }
0x96: {  	_ =	strace s2  }
0x97: {  	_ =	strace $0x8FFFFFFF  }
0x98: {  	s19 =	sld [smem:$0x3FDB];
	_ =	sdelay $0x1  }
0x99: {  	s20 =	simm.s32 $_scs_section_size  }
0x9a: {  	s4 =	simm.s32 $_size__tile_overlayer_lowered;
	s5 =	simm.s32 $_tile_overlayer_lowered  }
0x9b: {  	s6 =	simm.s32 $0x1BFF;
	s21 =	sshll.u32 s5, $0x1;
	s3 =	sadd.s32 s20, s19  }
0x9c: {  	s22 =	simm.s32 $0x0;
	s4 =	sshll.u32 s4, $0x1;
	s5 =	sadd.s32 s21, s3  }
0x9d: {  	[timem:s22], [sflag:s6] =	dma.local [hbm:s5], s4  }
0x9e: {  	_ =	swait.ge [sflag:s6], s4  }
0x9f: {  	s4 =	ssub.s32 $0x0, s4;
	[sflag:s6] =	ssyncset.done $0x0  }
0xa0: {  	[sflag:s6] =	ssyncadd.s32 s4;
	_ =	sdelay $0x1  }
0xa1: {  	s23 =	simm.s32 $0x1B8B  }
0xa2: {  	_ =	swait.ge [sflag:s23], $0x1  }
0xa3: {  	[sflag:s23] =	ssyncset.done $0x0  }
0xa4: {  	[sflag:s23] =	ssyncadd.s32 $0xFFFFFFFF  }
0xa5: {  	s4 =	sld [smem:$0x0]  }
0xa6: {  	s5 =	sand.u32 $0xFFFFFFFE, s1  }
0xa7: {  	p0 =	sne.s32 s1, s5  }
0xa8: {  	s5 =	sshll.u32 @p0 s5, $0xE  }
0xa9: {  	s5 =	sadd.s32 @p0 $0x11B8D, s5;
	s6 =	sshll.u32 @p0 s4, $0x11  }
0xaa: {  	s5 =	sor.u32 @p0 s6, s5  }
0xab: {  	[sflag:s5] =	ssyncadd.remote.s32 @p0 $0x1;
	_ =	sdelay $0x1  }
0xac: {  	s5 =	simm.s32 @p0 $0x1B8D  }
0xad: {  	_ =	swait.eq @p0 [sflag:s5], $0x1  }
0xae: {  	[sflag:s5] =	ssyncadd.s32 @p0 $0xFFFFFFFF  }
0xaf: {  	s6 =	sshll.u32 @!p0 s1, $0xE  }
0xb0: {  	s6 =	sor.u32 @!p0 $0x4000, s6;
	s5 =	simm.s32 @!p0 $0x1B8D  }
0xb1: {  	s4 =	sshll.u32 @!p0 s4, $0x11;
	s6 =	sadd.s32 @!p0 $0x11B8D, s6;
	_ =	swait.eq @!p0 [sflag:s5], $0x1  }
0xb2: {  	s4 =	sor.u32 @!p0 s4, s6;
	[sflag:s5] =	ssyncadd.s32 @!p0 $0xFFFFFFFF  }
0xb3: {  	s25 =	simm.s32 $0x1B8E;
	s24 =	sld [smem:$0x3FFE];
	[sflag:s4] =	ssyncadd.remote.s32 @!p0 $0x1  }
0xb4: {  	s26 =	simm.s32 $execute0_lowered;
	[smem:$0x3FD2] =	sst s25  }
0xb5: {  	s5 =	sshll.u32 s26, $0x1;
	_ =	strace $0x80000049;
	[dreg:$0x1] =	wrdreg $0xFFFFFFFF  }
0xb6: {  	s28 =	simm.s32 $_size_execute0_lowered;
	s3 =	sadd.s32 s3, s5;
	[dreg:$0x0] =	wrdreg $0x0  }
0xb7: {  	s5 =	sshll.u32 s28, $0x1;
	[dreg:$0x2] =	wrdreg s3  }
0xb8: {  	[dreg:$0x3] =	wrdreg s5  }
0xb9: {  	[dreg:$0x4] =	wrdreg $0xC0  }
0xba: {  	_ =	task [dreg:s22], $0x5FFFF  }
0xbb: {  	[dreg:$0x1] =	wrdreg $0xFFFFFFFF  }
0xbc: {  	[dreg:$0x0] =	wrdreg $0x60  }
0xbd: {  	[dreg:$0x2] =	wrdreg s24  }
0xbe: {  	[dreg:$0x3] =	wrdreg $0x44000  }
0xbf: {  	[dreg:$0x4] =	wrdreg $0xA  }
0xc0: {  	_ =	task.clear_ibuf [dreg:s22], $0x5FFFF;
	_ =	strace $0x90000049  }
0xc1: {  	s29 =	simm.s32 $0xA;
	_ =	strace $0x8000004B  }
0xc2: {  	_ =	swait.ge [sflag:s29], $0x1  }
0xc3: {  	[sflag:s29] =	ssyncadd.s32 $0xFFFFFFFF  }
0xc4: {  	_ =	strace $0x9000004B  }
0xc5: {  	_ =	sfence  }
0xc6: {  	s30 =	sld [smem:$0x0];
	_ =	sdelay $0x2  }
0xc7: {  	s31 =	sshll.u32 s1, $0xD;
	s1 =	sshrl.u32 s1, $0x2  }
0xc8: {  	s4 =	sand.u32 $0x4000, s31;
	s1 =	sadd.s32 s1, s30  }
0xc9: {  	s0 =	sor.u32 s4, s0;
	s1 =	sshll.u32 s1, $0x11  }
0xca: {  	s0 =	sor.u32 s1, s0  }
0xcb: {  	s0 =	sadd.s32 $0x8F2B, s0  }
0xcc: {  	[sflag:s0] =	ssyncadd.remote.s32 $0x1  }
0xcd: {  	_ =	sfence.sel $0xFFFF  }
0xce: {  	[dreg:$0x0] =	wrdreg $0xFFFFFFFF;
	(pc) =	sbr.abs _section_cstart, $3  }
0xcf: {  	[dreg:$0x1] =	wrdreg $0xFFFFFFFF  }
0xd0: {  	_ =	task.clear_ibuf [dreg:s22], $0x2FFFF;
	_ =	strace $0x9FFFFFFF  }
0xd1: {  	(tm) =	ssettm $0x7FFFFFFF  }
tec
execute0_lowered:
.L_overlay_start_1:
0x0: {  	(tag) =	ssettag $0x1  }
0x1: {  	s0 =	srdreg.scid;
	s5 =	rddreg [dreg:$0x0]  }
0x2: {  	s2 =	rddreg [dreg:$0x1];
	s3 =	simm.s32 $0x0;
	s21 =	simm.s32 $0x100  }
0x3: {  	s22 =	simm.s32 $0x180;
	s23 =	simm.s32 $0x200;
	s7 =	sand.u32 $0x1, s0  }
0x4: {  	s24 =	simm.s32 $0x280;
	s0 =	stileid.u32;
	s4 =	smul.u32 $0x28000, s7  }
0x5: {  	s25 =	simm.s32 $0x300;
	s26 =	simm.s32 $0x380;
	s6 =	smul.u32 $0x2800, s0  }
0x6: {  	s28 =	simm.s32 $0x0;
	[smem:$0x7FF] =	sst s3;
	s31 =	smul.u32 $0x4F000, s0  }
0x7: {  	s15 =	sadd.s32 $0x66C00, s5;
	s8 =	ssub.s32 $0x2, s7;
	s10 =	smul.u32 $0x13C00, s0  }
0x8: {  	_ =	strace $0x8000004A;
	s14 =	smul.u32 $0x13C000, s7;
	s9 =	sshrl.u32 s8, $0x1  }
0x9: {  	s4 =	sadd.s32 s6, s4;
	s6 =	sshrl.u32 s31, $0x2;
	s16 =	ssub.s32 s8, s9  }
0xa: {  	s11 =	sadd.s32 $0x4000, s10;
	s13 =	sadd.s32 $0x8000, s10;
	s18 =	sadd.s32 $0xC000, s10  }
0xb: {  	s12 =	sadd.s32 s10, s14;
	s19 =	sadd.s32 $0x10000, s10;
	s4 =	sshrl.u32 s4, $0x3  }
0xc: {  	s6 =	sadd.s32 s6, s2;
	s7 =	sadd.s32 s11, s2;
	s8 =	sadd.s32 s13, s2  }
0xd: {  	s9 =	sadd.s32 s18, s2;
	s11 =	sadd.s32 s14, s11;
	s12 =	sshrl.u32 s12, $0x3  }
0xe: {  	s10 =	sadd.s32 s19, s2;
	s13 =	sadd.s32 s14, s13;
	s18 =	sadd.s32 s14, s18  }
0xf: {  	s14 =	sadd.s32 s14, s19;
	s16 =	smax.u32 s16, $0x1;
	s17 =	sadd.s32 s4, s5  }
0x10: {  	s4 =	sadd.s32 $0x65C00, s5;
	s5 =	sadd.s32 $0x66400, s5;
	s20 =	sshrl.u32 s11, $0x3  }
0x11: {  	s11 =	sadd.s32 s15, s12;
	s13 =	sshrl.u32 s13, $0x3;
	s18 =	sshrl.u32 s18, $0x3  }
0x12: {  	s19 =	sshrl.u32 s14, $0x3;
	s12 =	sadd.s32 s15, s20;
	s13 =	sadd.s32 s15, s13  }
0x13: {  	s14 =	sadd.s32 s15, s18;
	s15 =	sadd.s32 s15, s19;
	s17 =	sadd.s32 $0x2C00, s17  }
0x14: {  	s18 =	simm.s32 $0x400;
	s19 =	simm.s32 $0x1;
	s20 =	simm.s32 $0x80  }
.LBB2_1:
0x15: {  	[tilespmem:s18], [sflag:$0x1] =	stream.linear.gather [hbm4b:s5+s3], $0x4000, $0x38;
	[tilespmem:$0x18000] =	vst v63  }
0x16: {  	_ =	swait.ge [sflag:s19], $0x4000  }
0x17: {  	[sflag:s19] =	ssyncset.done $0x0  }
0x18: {  	[sflag:s19] =	ssyncadd.s32 $0xFFFFC000  }
0x19: {  	[spmem:s6] =	stream.linear.scatter [tilespmem:s18], [sflag:$0x1], $0x4000, $0x38;
	[tilespmem:$0x18000] =	vst v63  }
0x1a: {  	_ =	swait.ge [sflag:s19], $0x4000  }
0x1b: {  	[sflag:s19] =	ssyncset.done $0x0  }
0x1c: {  	[sflag:s19] =	ssyncadd.s32 $0xFFFFC000  }
0x1d: {  	[spmem:s7] =	stream.linear.scatter [tilespmem:s18], [sflag:$0x1], $0x4000, $0x38;
	[tilespmem:$0x18000] =	vst v63  }
0x1e: {  	_ =	swait.ge [sflag:s19], $0x4000  }
0x1f: {  	[sflag:s19] =	ssyncset.done $0x0  }
0x20: {  	[sflag:s19] =	ssyncadd.s32 $0xFFFFC000  }
0x21: {  	[spmem:s8] =	stream.linear.scatter [tilespmem:s18], [sflag:$0x1], $0x4000, $0x38;
	[tilespmem:$0x18000] =	vst v63  }
0x22: {  	_ =	swait.ge [sflag:s19], $0x4000  }
0x23: {  	[sflag:s19] =	ssyncset.done $0x0  }
0x24: {  	[sflag:s19] =	ssyncadd.s32 $0xFFFFC000  }
0x25: {  	[spmem:s9] =	stream.linear.scatter [tilespmem:s18], [sflag:$0x1], $0x4000, $0x38;
	[tilespmem:$0x18000] =	vst v63  }
0x26: {  	_ =	swait.ge [sflag:s19], $0x4000  }
0x27: {  	[sflag:s19] =	ssyncset.done $0x0  }
0x28: {  	[sflag:s19] =	ssyncadd.s32 $0xFFFFC000  }
0x29: {  	[spmem:s10] =	stream.linear.scatter [tilespmem:s18], [sflag:$0x1], $0x3C00, $0x38;
	[tilespmem:$0x18000] =	vst v63  }
0x2a: {  	_ =	swait.ge [sflag:s19], $0x3C00  }
0x2b: {  	[sflag:s19] =	ssyncset.done $0x0  }
0x2c: {  	[sflag:s19] =	ssyncadd.s32 $0xFFFFC400  }
0x2d: {  	[tilespmem:s18], [sflag:$0x1] =	stream.linear.gather [hbm4b:s4+s3], $0x4000, $0x38;
	[tilespmem:$0x18000] =	vst v63  }
0x2e: {  	_ =	swait.ge [sflag:s19], $0x4000  }
0x2f: {  	[sflag:s19] =	ssyncset.done $0x0  }
0x30: {  	[sflag:s19] =	ssyncadd.s32 $0xFFFFC000  }
0x31: {  	s29 =	sadd.s32 $0x0, s17;
	[bflag:$0x0] =	sbarrier.arrive $0xFFFF  }
0x32: {  	[tilespmem:s3], [sflag:$0x1] =	stream.linear.gather [hbm4b:s29+s3], $0x400, $0x38;
	[tilespmem:$0x18000] =	vst v63  }
0x33: {  	_ =	swait.ge [sflag:s19], $0x400  }
0x34: {  	[sflag:s19] =	ssyncset.done $0x0  }
0x35: {  	[sflag:s19] =	ssyncadd.s32 $0xFFFFFC00  }
0x36: {  	[spmem:s2] =	stream.indirect.scatter.add.f32 [tilespmem:s18], [sflag:$0x1], $0x80, s3, s20, $0xb8;
	[tilespmem:$0x18000] =	vst v63  }
0x37: {  	_ =	swait.ge [sflag:s19], $0x4000  }
0x38: {  	[sflag:s19] =	ssyncset.done $0x0  }
0x39: {  	[sflag:s19] =	ssyncadd.s32 $0xFFFFC000  }
0x3a: {  	[spmem:s2] =	stream.indirect.scatter.add.f32 [tilespmem:s18], [sflag:$0x1], $0x80, s20, s20, $0xb8;
	[tilespmem:$0x18000] =	vst v63  }
0x3b: {  	_ =	swait.ge [sflag:s19], $0x4000  }
0x3c: {  	[sflag:s19] =	ssyncset.done $0x0  }
0x3d: {  	[sflag:s19] =	ssyncadd.s32 $0xFFFFC000  }
0x3e: {  	[spmem:s2] =	stream.indirect.scatter.add.f32 [tilespmem:s18], [sflag:$0x1], $0x80, s21, s20, $0xb8;
	[tilespmem:$0x18000] =	vst v63  }
0x3f: {  	_ =	swait.ge [sflag:s19], $0x4000  }
0x40: {  	[sflag:s19] =	ssyncset.done $0x0  }
0x41: {  	[sflag:s19] =	ssyncadd.s32 $0xFFFFC000  }
0x42: {  	[spmem:s2] =	stream.indirect.scatter.add.f32 [tilespmem:s18], [sflag:$0x1], $0x80, s22, s20, $0xb8;
	[tilespmem:$0x18000] =	vst v63  }
0x43: {  	_ =	swait.ge [sflag:s19], $0x4000  }
0x44: {  	[sflag:s19] =	ssyncset.done $0x0  }
0x45: {  	[sflag:s19] =	ssyncadd.s32 $0xFFFFC000  }
0x46: {  	[spmem:s2] =	stream.indirect.scatter.add.f32 [tilespmem:s18], [sflag:$0x1], $0x80, s23, s20, $0xb8;
	[tilespmem:$0x18000] =	vst v63  }
0x47: {  	_ =	swait.ge [sflag:s19], $0x4000  }
0x48: {  	[sflag:s19] =	ssyncset.done $0x0  }
0x49: {  	[sflag:s19] =	ssyncadd.s32 $0xFFFFC000  }
0x4a: {  	[spmem:s2] =	stream.indirect.scatter.add.f32 [tilespmem:s18], [sflag:$0x1], $0x80, s24, s20, $0xb8;
	[tilespmem:$0x18000] =	vst v63  }
0x4b: {  	_ =	swait.ge [sflag:s19], $0x4000  }
0x4c: {  	[sflag:s19] =	ssyncset.done $0x0  }
0x4d: {  	[sflag:s19] =	ssyncadd.s32 $0xFFFFC000  }
0x4e: {  	[spmem:s2] =	stream.indirect.scatter.add.f32 [tilespmem:s18], [sflag:$0x1], $0x80, s25, s20, $0xb8;
	[tilespmem:$0x18000] =	vst v63  }
0x4f: {  	_ =	swait.ge [sflag:s19], $0x4000  }
0x50: {  	[sflag:s19] =	ssyncset.done $0x0  }
0x51: {  	[sflag:s19] =	ssyncadd.s32 $0xFFFFC000  }
0x52: {  	[spmem:s2] =	stream.indirect.scatter.add.f32 [tilespmem:s18], [sflag:$0x1], $0x80, s26, s20, $0xb8;
	[tilespmem:$0x18000] =	vst v63  }
0x53: {  	_ =	swait.ge [sflag:s19], $0x4000  }
0x54: {  	s31 =	simm.s32 $0x100;
	s29 =	simm.s32 $0x80;
	[sflag:s19] =	ssyncset.done $0x0  }
.LBB2_2:
0x55: {  	s1 =	sadd.s32 s29, s17  }
0x56: {  	[sflag:s19] =	ssyncadd.s32 $0xFFFFC000;
	s29 =	smov.u32 s31;
	s30 =	sadd.s32 $0x80, s31  }
0x57: {  	[tilespmem:s3], [sflag:$0x1] =	stream.linear.gather [hbm4b:s1+s3], $0x400, $0x38;
	[tilespmem:$0x18000] =	vst v63  }
0x58: {  	p0 =	sne.s32 s31, $0x480;
	_ =	swait.ge [sflag:s19], $0x400  }
0x59: {  	[sflag:s19] =	ssyncset.done $0x0  }
0x5a: {  	[sflag:s19] =	ssyncadd.s32 $0xFFFFFC00  }
0x5b: {  	[spmem:s2] =	stream.indirect.scatter.add.f32 [tilespmem:s18], [sflag:$0x1], $0x80, s3, s20, $0xb8;
	[tilespmem:$0x18000] =	vst v63  }
0x5c: {  	_ =	swait.ge [sflag:s19], $0x4000  }
0x5d: {  	[sflag:s19] =	ssyncset.done $0x0  }
0x5e: {  	[sflag:s19] =	ssyncadd.s32 $0xFFFFC000  }
0x5f: {  	[spmem:s2] =	stream.indirect.scatter.add.f32 [tilespmem:s18], [sflag:$0x1], $0x80, s20, s20, $0xb8;
	[tilespmem:$0x18000] =	vst v63  }
0x60: {  	_ =	swait.ge [sflag:s19], $0x4000  }
0x61: {  	[sflag:s19] =	ssyncset.done $0x0  }
0x62: {  	[sflag:s19] =	ssyncadd.s32 $0xFFFFC000  }
0x63: {  	[spmem:s2] =	stream.indirect.scatter.add.f32 [tilespmem:s18], [sflag:$0x1], $0x80, s21, s20, $0xb8;
	[tilespmem:$0x18000] =	vst v63  }
0x64: {  	_ =	swait.ge [sflag:s19], $0x4000  }
0x65: {  	[sflag:s19] =	ssyncset.done $0x0  }
0x66: {  	[sflag:s19] =	ssyncadd.s32 $0xFFFFC000  }
0x67: {  	[spmem:s2] =	stream.indirect.scatter.add.f32 [tilespmem:s18], [sflag:$0x1], $0x80, s22, s20, $0xb8;
	[tilespmem:$0x18000] =	vst v63  }
0x68: {  	_ =	swait.ge [sflag:s19], $0x4000  }
0x69: {  	[sflag:s19] =	ssyncset.done $0x0  }
0x6a: {  	[sflag:s19] =	ssyncadd.s32 $0xFFFFC000  }
0x6b: {  	[spmem:s2] =	stream.indirect.scatter.add.f32 [tilespmem:s18], [sflag:$0x1], $0x80, s23, s20, $0xb8;
	[tilespmem:$0x18000] =	vst v63  }
0x6c: {  	_ =	swait.ge [sflag:s19], $0x4000  }
0x6d: {  	[sflag:s19] =	ssyncset.done $0x0  }
0x6e: {  	[sflag:s19] =	ssyncadd.s32 $0xFFFFC000  }
0x6f: {  	[spmem:s2] =	stream.indirect.scatter.add.f32 [tilespmem:s18], [sflag:$0x1], $0x80, s24, s20, $0xb8;
	[tilespmem:$0x18000] =	vst v63  }
0x70: {  	_ =	swait.ge [sflag:s19], $0x4000  }
0x71: {  	[sflag:s19] =	ssyncset.done $0x0  }
0x72: {  	[sflag:s19] =	ssyncadd.s32 $0xFFFFC000  }
0x73: {  	[spmem:s2] =	stream.indirect.scatter.add.f32 [tilespmem:s18], [sflag:$0x1], $0x80, s25, s20, $0xb8;
	[tilespmem:$0x18000] =	vst v63  }
0x74: {  	_ =	swait.ge [sflag:s19], $0x4000  }
.Ltmp0:
0x75: {  	[sflag:s19] =	ssyncset.done $0x0;
	(pc) =	sbr.rel @p0 .LBB2_2-.Ltmp0, $4  }
0x76: {  	[sflag:s19] =	ssyncadd.s32 $0xFFFFC000  }
0x77: {  	[spmem:s2] =	stream.indirect.scatter.add.f32 [tilespmem:s18], [sflag:$0x1], $0x80, s26, s20, $0xb8;
	[tilespmem:$0x18000] =	vst v63  }
0x78: {  	_ =	swait.ge [sflag:s19], $0x4000  }
0x79: {  	s31 =	smov.u32 s30;
	[sflag:s19] =	ssyncset.done $0x0  }
0x7a: {  	s1 =	sadd.s32 s29, s17;
	[sflag:s19] =	ssyncadd.s32 $0xFFFFC000  }
0x7b: {  	[tilespmem:s3], [sflag:$0x1] =	stream.linear.gather [hbm4b:s1+s3], $0x400, $0x38;
	[tilespmem:$0x18000] =	vst v63  }
0x7c: {  	_ =	swait.ge [sflag:s19], $0x400  }
0x7d: {  	[sflag:s19] =	ssyncset.done $0x0  }
0x7e: {  	[sflag:s19] =	ssyncadd.s32 $0xFFFFFC00  }
0x7f: {  	[spmem:s2] =	stream.indirect.scatter.add.f32 [tilespmem:s18], [sflag:$0x1], $0x80, s3, s20, $0xb8;
	[tilespmem:$0x18000] =	vst v63  }
0x80: {  	_ =	swait.ge [sflag:s19], $0x4000  }
0x81: {  	[sflag:s19] =	ssyncset.done $0x0  }
0x82: {  	[sflag:s19] =	ssyncadd.s32 $0xFFFFC000  }
0x83: {  	[spmem:s2] =	stream.indirect.scatter.add.f32 [tilespmem:s18], [sflag:$0x1], $0x80, s20, s20, $0xb8;
	[tilespmem:$0x18000] =	vst v63  }
0x84: {  	_ =	swait.ge [sflag:s19], $0x4000  }
0x85: {  	[sflag:s19] =	ssyncset.done $0x0  }
0x86: {  	[sflag:s19] =	ssyncadd.s32 $0xFFFFC000  }
0x87: {  	[spmem:s2] =	stream.indirect.scatter.add.f32 [tilespmem:s18], [sflag:$0x1], $0x80, s21, s20, $0xb8;
	[tilespmem:$0x18000] =	vst v63  }
0x88: {  	_ =	swait.ge [sflag:s19], $0x4000  }
0x89: {  	[sflag:s19] =	ssyncset.done $0x0  }
0x8a: {  	[sflag:s19] =	ssyncadd.s32 $0xFFFFC000  }
0x8b: {  	[spmem:s2] =	stream.indirect.scatter.add.f32 [tilespmem:s18], [sflag:$0x1], $0x80, s22, s20, $0xb8;
	[tilespmem:$0x18000] =	vst v63  }
0x8c: {  	_ =	swait.ge [sflag:s19], $0x4000  }
0x8d: {  	[sflag:s19] =	ssyncset.done $0x0  }
0x8e: {  	[sflag:s19] =	ssyncadd.s32 $0xFFFFC000  }
0x8f: {  	[spmem:s2] =	stream.indirect.scatter.add.f32 [tilespmem:s18], [sflag:$0x1], $0x80, s23, s20, $0xb8;
	[tilespmem:$0x18000] =	vst v63  }
0x90: {  	_ =	swait.ge [sflag:s19], $0x4000  }
0x91: {  	[sflag:s19] =	ssyncset.done $0x0  }
0x92: {  	[sflag:s19] =	ssyncadd.s32 $0xFFFFC000  }
0x93: {  	[spmem:s2] =	stream.indirect.scatter.add.f32 [tilespmem:s18], [sflag:$0x1], $0x80, s24, s20, $0xb8;
	[tilespmem:$0x18000] =	vst v63  }
0x94: {  	_ =	swait.ge [sflag:s19], $0x4000  }
0x95: {  	[sflag:s19] =	ssyncset.done $0x0  }
0x96: {  	[sflag:s19] =	ssyncadd.s32 $0xFFFFC000  }
0x97: {  	[spmem:s2] =	stream.indirect.scatter.add.f32 [tilespmem:s18], [sflag:$0x1], $0x80, s25, s20, $0xb8;
	[tilespmem:$0x18000] =	vst v63  }
0x98: {  	_ =	swait.ge [sflag:s19], $0x4000  }
0x99: {  	[sflag:s19] =	ssyncset.done $0x0  }
0x9a: {  	[sflag:s19] =	ssyncadd.s32 $0xFFFFC000  }
0x9b: {  	[spmem:s2] =	stream.indirect.scatter.add.f32 [tilespmem:s18], [sflag:$0x1], $0x80, s26, s20, $0xb8;
	[tilespmem:$0x18000] =	vst v63  }
0x9c: {  	_ =	swait.ge [sflag:s19], $0x4000  }
0x9d: {  	[sflag:s19] =	ssyncset.done $0x0  }
0x9e: {  	[sflag:s19] =	ssyncadd.s32 $0xFFFFC000  }
0x9f: {  	[bflag:$0x0] =	sbarrier.arrive $0xFFFF  }
0xa0: {  	[tilespmem:s18], [sflag:$0x1] =	stream.linear.gather [spmem:s6], $0x4000, $0x38;
	[tilespmem:$0x18000] =	vst v63  }
0xa1: {  	_ =	swait.ge [sflag:s19], $0x4000  }
0xa2: {  	[sflag:s19] =	ssyncset.done $0x0  }
0xa3: {  	[sflag:s19] =	ssyncadd.s32 $0xFFFFC000  }
0xa4: {  	[hbm4b:s11+s3] =	stream.linear.scatter [tilespmem:s18], [sflag:$0x1], $0x4000, $0x38;
	[tilespmem:$0x18000] =	vst v63  }
0xa5: {  	_ =	swait.ge [sflag:s19], $0x4000  }
0xa6: {  	[sflag:s19] =	ssyncset.done $0x0  }
0xa7: {  	[sflag:s19] =	ssyncadd.s32 $0xFFFFC000  }
0xa8: {  	[tilespmem:s18], [sflag:$0x1] =	stream.linear.gather [spmem:s7], $0x4000, $0x38;
	[tilespmem:$0x18000] =	vst v63  }
0xa9: {  	_ =	swait.ge [sflag:s19], $0x4000  }
0xaa: {  	[sflag:s19] =	ssyncset.done $0x0  }
0xab: {  	[sflag:s19] =	ssyncadd.s32 $0xFFFFC000  }
0xac: {  	[hbm4b:s12+s3] =	stream.linear.scatter [tilespmem:s18], [sflag:$0x1], $0x4000, $0x38;
	[tilespmem:$0x18000] =	vst v63  }
0xad: {  	_ =	swait.ge [sflag:s19], $0x4000  }
0xae: {  	[sflag:s19] =	ssyncset.done $0x0  }
0xaf: {  	[sflag:s19] =	ssyncadd.s32 $0xFFFFC000  }
0xb0: {  	[tilespmem:s18], [sflag:$0x1] =	stream.linear.gather [spmem:s8], $0x4000, $0x38;
	[tilespmem:$0x18000] =	vst v63  }
0xb1: {  	_ =	swait.ge [sflag:s19], $0x4000  }
0xb2: {  	[sflag:s19] =	ssyncset.done $0x0  }
0xb3: {  	[sflag:s19] =	ssyncadd.s32 $0xFFFFC000  }
0xb4: {  	[hbm4b:s13+s3] =	stream.linear.scatter [tilespmem:s18], [sflag:$0x1], $0x4000, $0x38;
	[tilespmem:$0x18000] =	vst v63  }
0xb5: {  	_ =	swait.ge [sflag:s19], $0x4000  }
0xb6: {  	[sflag:s19] =	ssyncset.done $0x0  }
0xb7: {  	[sflag:s19] =	ssyncadd.s32 $0xFFFFC000  }
0xb8: {  	[tilespmem:s18], [sflag:$0x1] =	stream.linear.gather [spmem:s9], $0x4000, $0x38;
	[tilespmem:$0x18000] =	vst v63  }
0xb9: {  	_ =	swait.ge [sflag:s19], $0x4000  }
0xba: {  	[sflag:s19] =	ssyncset.done $0x0  }
0xbb: {  	[sflag:s19] =	ssyncadd.s32 $0xFFFFC000  }
0xbc: {  	[hbm4b:s14+s3] =	stream.linear.scatter [tilespmem:s18], [sflag:$0x1], $0x4000, $0x38;
	[tilespmem:$0x18000] =	vst v63  }
0xbd: {  	_ =	swait.ge [sflag:s19], $0x4000  }
0xbe: {  	[sflag:s19] =	ssyncset.done $0x0  }
0xbf: {  	[sflag:s19] =	ssyncadd.s32 $0xFFFFC000  }
0xc0: {  	[tilespmem:s18], [sflag:$0x1] =	stream.linear.gather [spmem:s10], $0x3C00, $0x38;
	[tilespmem:$0x18000] =	vst v63  }
0xc1: {  	s28 =	sadd.s32 $0x1, s28;
	_ =	swait.ge [sflag:s19], $0x3C00  }
0xc2: {  	p0 =	sne.s32 s28, s16;
	[sflag:s19] =	ssyncset.done $0x0  }
.Ltmp1:
0xc3: {  	[sflag:s19] =	ssyncadd.s32 $0xFFFFC400;
	(pc) =	sbr.rel @p0 .LBB2_1-.Ltmp1, $4  }
0xc4: {  	[hbm4b:s15+s3] =	stream.linear.scatter [tilespmem:s18], [sflag:$0x1], $0x3C00, $0x38;
	[tilespmem:$0x18000] =	vst v63  }
0xc5: {  	_ =	swait.ge [sflag:s19], $0x3C00  }
0xc6: {  	[sflag:s19] =	ssyncset.done $0x0  }
0xc7: {  	[sflag:s19] =	ssyncadd.s32 $0xFFFFC400  }
0xc8: {  	_ =	sfence.sel $0x180000  }
0xc9: {  	[bflag:$0x0] =	sbarrier.arrive $0xFFFF  }
0xca: {  	_ =	strace $0x9000004A  }
0xcb: {  	[bflag:$0x2] =	sbarrier.arrive $0xFFFF  }
0xcc: {  	p0 =	sne.s32 s0, $0x0;
	s0 =	rddreg [dreg:$0x2]  }
0xcd: {  	s0 =	sadd.s32 @!p0 $0x100000, s0  }
0xce: {  	[sflag:s0] =	ssyncadd.tile.s32 @!p0 $0x1;
	_ =	shalt  }
.Lfunc_end2:
_tile_overlayer_lowered:
.L_overlay_start_2:
0xcf: {  	(tag) =	ssettag $0x2  }
0xd0: {  	s0 =	rddreg [dreg:$0x0];
	s2 =	stileid.u32  }
0xd1: {  	s1 =	rddreg [dreg:$0x1];
	p0 =	sne.s32 s2, $0x0  }
0xd2: {  	s3 =	rddreg [dreg:$0x2];
	[bflag:$0x3] =	sbarrier.arrive $0xFFFF;
	s2 =	simm.s32 @!p0 $0x1C01  }
0xd3: {  	[timem:s3], [sflag:s2] =	dma.local @!p0 [hbm:s0], s1  }
0xd4: {  	s0 =	simm.s32 @!p0 $0x1  }
0xd5: {  	_ =	swait.ge @!p0 [sflag:s0], s1  }
0xd6: {  	s1 =	ssub.s32 @!p0 $0x0, s1;
	[sflag:s0] =	ssyncset.done @!p0 $0x0  }
0xd7: {  	[sflag:s0] =	ssyncadd.s32 @!p0 s1  }
0xd8: {  	[bflag:$0x3] =	sbarrier.arrive $0xFFFF  }
0xd9: {  	_ =	shalt  }

// kernel: kernel.13.cloned.1.call-start
scs
__scs_entry_jumppad:
0x0: {  	(pc) =	sbr.rel $0x88, $3  }
0x1: {  	(tag) =	ssettag $0x0;
	lr =	simm.s32 $0x1  }
0x2: {  	[smem:$0x3F97] =	sst lr;
	_ =	strace $0xD0000000  }
0x3: {  	_ = 	snop  }
0x4: {  	_ = 	snop  }
0x5: {  	_ = 	snop  }
0x6: {  	_ = 	snop  }
0x7: {  	_ = 	snop  }
__scs_overlays_trampoline_lowered:
0x8: {  	[smem:$0x3FA6] =	sst s0  }
0x9: {  	[smem:$0x3FA7] =	sst s1  }
0xa: {  	[smem:$0x3FA8] =	sst s2  }
0xb: {  	[smem:$0x3FA9] =	sst s3  }
0xc: {  	[smem:$0x3FAA] =	sst s4  }
0xd: {  	[smem:$0x3FAB] =	sst s5  }
0xe: {  	[smem:$0x3FAC] =	sst s6  }
0xf: {  	[smem:$0x3FAD] =	sst s7  }
0x10: {  	[smem:$0x3FAE] =	sst s8  }
0x11: {  	[smem:$0x3FAF] =	sst s9;
	s0 =	simm.s32 @!p0 $0x0  }
0x12: {  	s1 =	sld [smem:$0x3F95];
	s0 =	simm.s32 @p0 $0x1  }
0x13: {  	[smem:$0x3FB0] =	sst s0;
	s0 =	simm.s32 @!p1 $0x0  }
0x14: {  	s2 =	sld [smem:$0x3F94];
	s0 =	simm.s32 @p1 $0x1  }
0x15: {  	[smem:$0x3FB1] =	sst s0;
	s0 =	simm.s32 @!p2 $0x0  }
0x16: {  	s3 =	sld [smem:$0x3FDB];
	s0 =	simm.s32 @p2 $0x1  }
0x17: {  	s4 =	simm.s32 $0x1BF5;
	[smem:$0x3FB3] =	sst s0  }
0x18: {  	s0 =	sld [smem:$0x3F96];
	_ =	swait.ge [sflag:s4], $0x0  }
0x19: {  	s7 =	sld [smem:$0x3F97]  }
0x1a: {  	s8 =	sadd.s32 $0xFFFFE003, lr  }
0x1b: {  	s9 =	sadd.s32 $0xFFFFFEF7, lr;
	s5 =	simm.s32 $0xFFFFFFFF;
	p2 =	slt.u32 s8, $0xFFFFF086  }
0x1c: {  	p1 =	slt.u32 s9, $0xF7A;
	s5 =	simm.s32 @!p2 $0x0  }
0x1d: {  	s5 =	simm.s32 @p1 $0x1;
	p0 =	seq.s32 s7, s2  }
0x1e: {  	s7 =	smul.u32 @!p0 $0xF7A, s2;
	p2 =	seq.s32 @!p0 s5, $0x0  }
0x1f: {  	s9 =	smul.u32 $0xF7A, s1;
	s8 =	simm.s32 @!p0 $0x1BF5;
	p2 =	por !p2, p0  }
0x20: {  	[sflag:s8] =	ssyncset.s32 @!p0 $0xFFFFF086;
	s6 =	sadd.s32 @!p0 s3, s7;
	s7 =	simm.s32 @!p0 $0x108  }
0x21: {  	s3 =	sadd.s32 s3, s9;
	s6 =	sadd.s32 @!p0 $0x88, s6;
	s7 =	simm.s32 @p2 $0x1082  }
0x22: {  	[simem:s7], [sflag:s8] =	dma.local @!p0 [hbm:s6], $0xF7A  }
0x23: {  	s9 =	sor.u32 $0xD0000000, s2;
	s6 =	simm.s32 $0x108;
	_ =	swait.ge @!p0 [sflag:s8], $0x0  }
0x24: {  	s3 =	sadd.s32 $0x88, s3;
	s6 =	simm.s32 @!p1 $0x1082;
	[sflag:s4] =	ssyncset.s32 $0xFFFFF086  }
0x25: {  	[simem:s6], [sflag:s4] =	dma.local [hbm:s3], $0xF7A  }
0x26: {  	[smem:$0x3F97] =	sst s1;
	(tag) =	ssettag s2;
	_ =	strace s9  }
0x27: {  	s1 =	sld [smem:$0x3FA7]  }
0x28: {  	s2 =	sld [smem:$0x3FA8]  }
0x29: {  	s4 =	sld [smem:$0x3FAA]  }
0x2a: {  	p0 =	seq.s32 s5, $0x0;
	s5 =	sld [smem:$0x3FAB]  }
0x2b: {  	s6 =	sld [smem:$0x3FAC]  }
0x2c: {  	s7 =	sld [smem:$0x3FAD]  }
0x2d: {  	s3 =	simm.s32 $0x108;
	s8 =	sld [smem:$0x3FAE]  }
0x2e: {  	s3 =	simm.s32 @!p0 $0x1082;
	s9 =	sld [smem:$0x3FAF]  }
0x2f: {  	lr =	sadd.s32 s0, s3;
	s0 =	sld [smem:$0x3FA6]  }
0x30: {  	s3 =	sld [smem:$0x3FA9]  }
0x31: {  	[smem:$0x3FB2] =	sst s10  }
0x32: {  	s10 =	sld [smem:$0x3FB0];
	_ =	sdelay $0x3  }
0x33: {  	p0 =	seq.s32 s10, $0x1;
	s10 =	sld [smem:$0x3FB2];
	_ =	sdelay $0x3  }
0x34: {  	[smem:$0x3FB2] =	sst s10  }
0x35: {  	s10 =	sld [smem:$0x3FB1];
	_ =	sdelay $0x3  }
0x36: {  	p1 =	seq.s32 s10, $0x1;
	s10 =	sld [smem:$0x3FB2];
	_ =	sdelay $0x3  }
0x37: {  	[smem:$0x3FB2] =	sst s10  }
0x38: {  	s10 =	sld [smem:$0x3FB3]  }
0x39: {  	_ = 	snop;
	(pc) =	sbr.ind lr, $3  }
0x3a: {  	_ = 	snop  }
0x3b: {  	_ = 	snop  }
0x3c: {  	p2 =	seq.s32 s10, $0x1;
	s10 =	sld [smem:$0x3FB2]  }
0x3d: {  	_ =	shalt  }
0x3e: {  	_ =	shalt  }
0x3f: {  	_ =	shalt  }
0x40: {  	_ =	shalt  }
0x41: {  	_ =	shalt  }
0x42: {  	_ =	shalt  }
0x43: {  	_ =	shalt  }
0x44: {  	_ =	shalt  }
0x45: {  	_ =	shalt  }
0x46: {  	_ =	shalt  }
0x47: {  	_ =	shalt  }
0x48: {  	_ =	shalt  }
0x49: {  	_ =	shalt  }
0x4a: {  	_ =	shalt  }
0x4b: {  	_ =	shalt  }
0x4c: {  	_ =	shalt  }
0x4d: {  	_ =	shalt  }
0x4e: {  	_ =	shalt  }
0x4f: {  	_ =	shalt  }
0x50: {  	_ =	shalt  }
0x51: {  	_ =	shalt  }
0x52: {  	_ =	shalt  }
0x53: {  	_ =	shalt  }
0x54: {  	_ =	shalt  }
0x55: {  	_ =	shalt  }
0x56: {  	_ =	shalt  }
0x57: {  	_ =	shalt  }
0x58: {  	_ =	shalt  }
0x59: {  	_ =	shalt  }
0x5a: {  	_ =	shalt  }
0x5b: {  	_ =	shalt  }
0x5c: {  	_ =	shalt  }
0x5d: {  	_ =	shalt  }
0x5e: {  	_ =	shalt  }
0x5f: {  	_ =	shalt  }
0x60: {  	_ =	shalt  }
0x61: {  	_ =	shalt  }
0x62: {  	_ =	shalt  }
0x63: {  	_ =	shalt  }
0x64: {  	_ =	shalt  }
0x65: {  	_ =	shalt  }
0x66: {  	_ =	shalt  }
0x67: {  	_ =	shalt  }
0x68: {  	_ =	shalt  }
0x69: {  	_ =	shalt  }
0x6a: {  	_ =	shalt  }
0x6b: {  	_ =	shalt  }
0x6c: {  	_ =	shalt  }
0x6d: {  	_ =	shalt  }
0x6e: {  	_ =	shalt  }
0x6f: {  	_ =	shalt  }
0x70: {  	_ =	shalt  }
0x71: {  	_ =	shalt  }
0x72: {  	_ =	shalt  }
0x73: {  	_ =	shalt  }
0x74: {  	_ =	shalt  }
0x75: {  	_ =	shalt  }
0x76: {  	_ =	shalt  }
0x77: {  	_ =	shalt  }
0x78: {  	_ =	shalt  }
0x79: {  	_ =	shalt  }
0x7a: {  	_ =	shalt  }
0x7b: {  	_ =	shalt  }
0x7c: {  	_ =	shalt  }
0x7d: {  	_ =	shalt  }
0x7e: {  	_ =	shalt  }
0x7f: {  	_ =	shalt  }
0x80: {  	_ =	shalt  }
0x81: {  	_ =	shalt  }
0x82: {  	_ =	shalt  }
0x83: {  	_ =	shalt  }
0x84: {  	_ =	shalt  }
0x85: {  	_ =	shalt  }
0x86: {  	_ =	shalt  }
0x87: {  	_ =	shalt  }
.Lfunc_end0:
.L_simem_size_0:
called_computation.2_lowered:
.L_overlay_start_0:
0x88: {  	s2 =	sld [smem:$0x3FD9]  }
0x89: {  	s3 =	sld [smem:$0x3FFE];
	_ =	sdelay $0x1  }
0x8a: {  	s1 =	srdreg.scid  }
0x8b: {  	s0 =	sand.u32 $0x1, s1  }
0x8c: {  	s17 =	sshll.u32 s0, $0xA;
	s2 =	sadd.s32 s3, s2  }
0x8d: {  	s2 =	sadd.s32 s2, s17  }
0x8e: {  	[smem:$0x3FBE] =	sst s2  }
0x8f: {  	_ = 	snop  }
0x90: {  	s2 =	sld [smem:$0x3FD0];
	(tm) =	ssettm $0x1  }
0x91: {  	s18 =	sld [smem:$0x3FFB];
	_ =	sdelay $0x3  }
0x92: {  	_ =	strace s18  }
0x93: {  	s3 =	sld [smem:$0x3FFC];
	_ =	sdelay $0x3  }
0x94: {  	_ =	strace s3  }
0x95: {  	s3 =	sld [smem:$0x3FFD];
	_ =	sdelay $0x3  }
0x96: {  	_ =	strace s3  }
0x97: {  	_ =	strace $0x8FFFFFFF  }
0x98: {  	s19 =	sld [smem:$0x3FDB];
	_ =	sdelay $0x1  }
0x99: {  	s4 =	simm.s32 $_scs_section_size  }
0x9a: {  	s5 =	simm.s32 $_size__tile_overlayer_lowered;
	s6 =	simm.s32 $_tile_overlayer_lowered  }
0x9b: {  	s22 =	simm.s32 $0x1BFF;
	s21 =	sshll.u32 s6, $0x1;
	s3 =	sadd.s32 s4, s19  }
0x9c: {  	s7 =	simm.s32 $0x0;
	s20 =	sshll.u32 s5, $0x1;
	s5 =	sadd.s32 s21, s3  }
0x9d: {  	[timem:s7], [sflag:s22] =	dma.local [hbm:s5], s20  }
0x9e: {  	_ =	swait.ge [sflag:s22], s20  }
0x9f: {  	s4 =	ssub.s32 $0x0, s20;
	[sflag:s22] =	ssyncset.done $0x0  }
0xa0: {  	[sflag:s22] =	ssyncadd.s32 s4;
	_ =	sdelay $0x1  }
0xa1: {  	s23 =	simm.s32 $0x1B8B  }
0xa2: {  	_ =	swait.ge [sflag:s23], $0x1  }
0xa3: {  	[sflag:s23] =	ssyncset.done $0x0  }
0xa4: {  	s25 =	simm.s32 $0x1B8E;
	s24 =	sld [smem:$0x3FFE];
	[sflag:s23] =	ssyncadd.s32 $0xFFFFFFFF  }
0xa5: {  	s26 =	simm.s32 $execute0_lowered;
	[smem:$0x3FD2] =	sst s25  }
0xa6: {  	s5 =	sshll.u32 s26, $0x1;
	_ =	strace $0x8000004C;
	[dreg:$0x1] =	wrdreg $0xFFFFFFFF  }
0xa7: {  	s28 =	simm.s32 $_size_execute0_lowered;
	s3 =	sadd.s32 s3, s5;
	[dreg:$0x0] =	wrdreg $0x0  }
0xa8: {  	s5 =	sshll.u32 s28, $0x1;
	[dreg:$0x2] =	wrdreg s3  }
0xa9: {  	[dreg:$0x3] =	wrdreg s5  }
0xaa: {  	[dreg:$0x4] =	wrdreg $0xC0  }
0xab: {  	_ =	task [dreg:s7], $0x5FFFF  }
0xac: {  	[dreg:$0x1] =	wrdreg $0xFFFFFFFF  }
0xad: {  	[dreg:$0x0] =	wrdreg $0x60  }
0xae: {  	[dreg:$0x2] =	wrdreg s24  }
0xaf: {  	[dreg:$0x3] =	wrdreg s2  }
0xb0: {  	[dreg:$0x4] =	wrdreg $0x88000  }
0xb1: {  	[dreg:$0x5] =	wrdreg $0x9  }
0xb2: {  	_ =	task.clear_ibuf [dreg:s7], $0x6FFFF;
	_ =	strace $0x9000004C  }
0xb3: {  	s29 =	simm.s32 $0x9;
	_ =	strace $0x8000004E  }
0xb4: {  	_ =	swait.ge [sflag:s29], $0x1  }
0xb5: {  	[sflag:s29] =	ssyncadd.s32 $0xFFFFFFFF  }
0xb6: {  	_ =	strace $0x9000004E  }
0xb7: {  	_ =	sfence  }
0xb8: {  	s30 =	sld [smem:$0x0];
	_ =	sdelay $0x2  }
0xb9: {  	s31 =	sshll.u32 s1, $0xD;
	s1 =	sshrl.u32 s1, $0x2  }
0xba: {  	s3 =	sand.u32 $0x4000, s31;
	s1 =	sadd.s32 s1, s30  }
0xbb: {  	s0 =	sor.u32 s3, s0;
	s1 =	sshll.u32 s1, $0x11  }
0xbc: {  	s0 =	sor.u32 s1, s0  }
0xbd: {  	s0 =	sadd.s32 $0x8F2B, s0  }
0xbe: {  	[sflag:s0] =	ssyncadd.remote.s32 $0x1  }
0xbf: {  	_ =	sfence.sel $0xFFFF  }
0xc0: {  	[dreg:$0x0] =	wrdreg $0xFFFFFFFF;
	(pc) =	sbr.abs _section_cstart, $3  }
0xc1: {  	[dreg:$0x1] =	wrdreg $0xFFFFFFFF  }
0xc2: {  	_ =	task.clear_ibuf [dreg:s7], $0x2FFFF;
	_ =	strace $0x9FFFFFFF  }
0xc3: {  	(tm) =	ssettm $0x7FFFFFFF  }
tec
execute0_lowered:
.L_overlay_start_1:
0x0: {  	(tag) =	ssettag $0x1  }
0x1: {  	s0 =	rddreg [dreg:$0x0];
	s1 =	srdreg.scid  }
0x2: {  	s9 =	stileid.u32;
	s3 =	rddreg [dreg:$0x2]  }
0x3: {  	s4 =	simm.s32 $0x0;
	s19 =	simm.s32 $0x800;
	s20 =	simm.s32 $0x3  }
0x4: {  	s28 =	simm.s32 $0x480;
	s29 =	simm.s32 $0x180;
	s5 =	smul.u32 $0x2800, s9  }
0x5: {  	s30 =	simm.s32 $0x500;
	s31 =	simm.s32 $0x200;
	s6 =	smul.u32 $0x4F000, s9  }
0x6: {  	s1 =	sand.u32 $0x1, s1;
	[smem:$0x7FF] =	sst s4;
	s10 =	smul.u32 $0x13C00, s9  }
0x7: {  	s2 =	smul.u32 $0x28000, s1;
	_ =	strace $0x8000004D;
	s7 =	ssub.s32 $0x2, s1  }
0x8: {  	s1 =	smul.u32 $0x13C000, s1;
	s8 =	sshrl.u32 s7, $0x1;
	s6 =	sshrl.u32 s6, $0x2  }
0x9: {  	s21 =	sadd.s32 $0x4000, s10;
	s22 =	sadd.s32 $0x8000, s10;
	s11 =	sadd.s32 $0xC000, s10  }
0xa: {  	s13 =	sadd.s32 $0x10000, s10;
	s2 =	sadd.s32 s5, s2;
	s5 =	sadd.s32 $0x16C00, s0  }
0xb: {  	s7 =	ssub.s32 s7, s8;
	s9 =	sadd.s32 s6, s3;
	s14 =	sadd.s32 s21, s3  }
0xc: {  	s15 =	sadd.s32 s22, s3;
	s16 =	sadd.s32 s11, s3;
	s12 =	sadd.s32 s10, s1  }
0xd: {  	s6 =	sadd.s32 s1, s21;
	s23 =	sadd.s32 s1, s22;
	s24 =	sadd.s32 s1, s11  }
0xe: {  	s1 =	sadd.s32 s1, s13;
	s21 =	simm.s32 $0x400;
	s22 =	simm.s32 $0x80  }
0xf: {  	s11 =	simm.s32 $0x300;
	s2 =	sshrl.u32 s2, $0x3;
	s10 =	smov.u32 s16  }
0x10: {  	s12 =	sshrl.u32 s12, $0x3;
	s6 =	sshrl.u32 s6, $0x3;
	s16 =	sadd.s32 s13, s3  }
0x11: {  	s8 =	sshrl.u32 s24, $0x3;
	s26 =	smax.u32 s7, $0x1;
	[dreg:$0x4] =	wrdreg s9  }
0x12: {  	s1 =	sshrl.u32 s1, $0x3;
	s7 =	smov.u32 s14;
	[dreg:$0xe] =	wrdreg s26  }
0x13: {  	s24 =	simm.s32 $0x1;
	s13 =	simm.s32 $0x380;
	[dreg:$0x5] =	wrdreg s7  }
0x14: {  	s14 =	simm.s32 $0x700;
	s2 =	sadd.s32 s2, s0;
	[dreg:$0x7] =	wrdreg s10  }
0x15: {  	s0 =	sadd.s32 $0x65000, s0;
	s26 =	simm.s32 $0x2;
	[dreg:$0x8] =	wrdreg s16  }
0x16: {  	s12 =	sadd.s32 s0, s12;
	s6 =	sadd.s32 s0, s6;
	s25 =	sadd.s32 s0, s8  }
0x17: {  	s8 =	smov.u32 s15;
	s17 =	sadd.s32 $0x2C00, s2;
	[dreg:$0x9] =	wrdreg s12  }
0x18: {  	s18 =	sadd.s32 $0xCC00, s2;
	s2 =	simm.s32 $0x600;
	[dreg:$0xa] =	wrdreg s6  }
0x19: {  	s15 =	simm.s32 $0x780;
	s6 =	sshrl.u32 s23, $0x3;
	[dreg:$0xc] =	wrdreg s25  }
0x1a: {  	s23 =	simm.s32 $0x4800;
	[dreg:$0x6] =	wrdreg s8;
	s6 =	sadd.s32 s0, s6  }
0x1b: {  	s25 =	simm.s32 $0x100;
	s0 =	sadd.s32 s0, s1;
	[dreg:$0xb] =	wrdreg s6  }
0x1c: {  	s12 =	simm.s32 $0x680;
	[dreg:$0xd] =	wrdreg s0;
	s6 =	simm.s32 $0x0  }
0x1d: {  	s1 =	simm.s32 $0x580;
	s0 =	simm.s32 $0x280;
	[dreg:$0xf] =	wrdreg s6  }
.LBB2_1:
0x1e: {  	s6 =	rddreg [dreg:$0x1]  }
0x1f: {  	[tilespmem:s19], [sflag:$0x3] =	stream.linear.gather [hbm4b:s6+s4], $0x4000, $0x38;
	[tilespmem:$0x1C400] =	vst v63  }
0x20: {  	_ =	swait.ge [sflag:s20], $0x4000  }
0x21: {  	[sflag:s20] =	ssyncset.done $0x0  }
0x22: {  	[sflag:s20] =	ssyncadd.s32 $0xFFFFC000  }
0x23: {  	[spmem:s9] =	stream.linear.scatter [tilespmem:s19], [sflag:$0x3], $0x4000, $0x38;
	[tilespmem:$0x1C400] =	vst v63  }
0x24: {  	_ =	swait.ge [sflag:s20], $0x4000  }
0x25: {  	[sflag:s20] =	ssyncset.done $0x0  }
0x26: {  	[sflag:s20] =	ssyncadd.s32 $0xFFFFC000  }
0x27: {  	[spmem:s7] =	stream.linear.scatter [tilespmem:s19], [sflag:$0x3], $0x4000, $0x38;
	[tilespmem:$0x1C400] =	vst v63  }
0x28: {  	_ =	swait.ge [sflag:s20], $0x4000  }
0x29: {  	[sflag:s20] =	ssyncset.done $0x0  }
0x2a: {  	[sflag:s20] =	ssyncadd.s32 $0xFFFFC000  }
0x2b: {  	[spmem:s8] =	stream.linear.scatter [tilespmem:s19], [sflag:$0x3], $0x4000, $0x38;
	[tilespmem:$0x1C400] =	vst v63  }
0x2c: {  	_ =	swait.ge [sflag:s20], $0x4000  }
0x2d: {  	[sflag:s20] =	ssyncset.done $0x0  }
0x2e: {  	[sflag:s20] =	ssyncadd.s32 $0xFFFFC000  }
0x2f: {  	[spmem:s10] =	stream.linear.scatter [tilespmem:s19], [sflag:$0x3], $0x4000, $0x38;
	[tilespmem:$0x1C400] =	vst v63  }
0x30: {  	_ =	swait.ge [sflag:s20], $0x4000  }
0x31: {  	[sflag:s20] =	ssyncset.done $0x0  }
0x32: {  	[sflag:s20] =	ssyncadd.s32 $0xFFFFC000  }
0x33: {  	[spmem:s16] =	stream.linear.scatter [tilespmem:s19], [sflag:$0x3], $0x3C00, $0x38;
	[tilespmem:$0x1C400] =	vst v63  }
0x34: {  	_ =	swait.ge [sflag:s20], $0x3C00  }
0x35: {  	[sflag:s20] =	ssyncset.done $0x0  }
0x36: {  	[sflag:s20] =	ssyncadd.s32 $0xFFFFC400  }
0x37: {  	s10 =	sadd.s32 $0x0, s18;
	[bflag:$0x0] =	sbarrier.arrive $0xFFFF  }
0x38: {  	[tilespmem:s4], [sflag:$0x3] =	stream.linear.gather [hbm4b:s10+s4], $0x400, $0x38;
	[tilespmem:$0x1C400] =	vst v63  }
0x39: {  	_ =	swait.ge [sflag:s20], $0x400  }
0x3a: {  	[sflag:s20] =	ssyncset.done $0x0  }
0x3b: {  	s16 =	sadd.s32 $0x0, s17;
	[sflag:s20] =	ssyncadd.s32 $0xFFFFFC00  }
0x3c: {  	[tilespmem:s21], [sflag:$0x3] =	stream.linear.gather [hbm4b:s16+s4], $0x400, $0x38;
	[tilespmem:$0x1C400] =	vst v63  }
0x3d: {  	_ =	swait.ge [sflag:s20], $0x400  }
0x3e: {  	[sflag:s20] =	ssyncset.done $0x0  }
0x3f: {  	[sflag:s20] =	ssyncadd.s32 $0xFFFFFC00  }
0x40: {  	[tilespmem:s19], [sflag:$0x1] =	stream.indirect.gather [hbm4b:s5+s22], $0x80, s4, s22, $0xb8;
	[tilespmem:$0x1C400] =	vst v63  }
0x41: {  	_ = 	snop  }
0x42: {  	[tilespmem:s23], [sflag:$0x2] =	stream.indirect.gather [hbm4b:s5+s22], $0x80, s22, s22, $0xb8;
	[tilespmem:$0x1C400] =	vst v63  }
0x43: {  	_ =	swait.ge [sflag:s24], $0x4000  }
0x44: {  	[sflag:s24] =	ssyncset.done $0x0  }
0x45: {  	[sflag:s24] =	ssyncadd.s32 $0xFFFFC000  }
0x46: {  	[spmem:s3] =	stream.indirect.scatter.add.f32 [tilespmem:s19], [sflag:$0x3], $0x80, s21, s22, $0xb8;
	[tilespmem:$0x1C400] =	vst v63  }
0x47: {  	_ =	swait.ge [sflag:s20], $0x4000  }
0x48: {  	[sflag:s20] =	ssyncset.done $0x0  }
0x49: {  	[sflag:s20] =	ssyncadd.s32 $0xFFFFC000  }
0x4a: {  	[tilespmem:s19], [sflag:$0x1] =	stream.indirect.gather [hbm4b:s5+s22], $0x80, s25, s22, $0xb8;
	[tilespmem:$0x1C400] =	vst v63  }
0x4b: {  	_ =	swait.ge [sflag:s26], $0x4000  }
0x4c: {  	[sflag:s26] =	ssyncset.done $0x0  }
0x4d: {  	[sflag:s26] =	ssyncadd.s32 $0xFFFFC000  }
0x4e: {  	[spmem:s3] =	stream.indirect.scatter.add.f32 [tilespmem:s23], [sflag:$0x3], $0x80, s28, s22, $0xb8;
	[tilespmem:$0x1C400] =	vst v63  }
0x4f: {  	_ =	swait.ge [sflag:s20], $0x4000  }
0x50: {  	[sflag:s20] =	ssyncset.done $0x0  }
0x51: {  	[sflag:s20] =	ssyncadd.s32 $0xFFFFC000  }
0x52: {  	[tilespmem:s23], [sflag:$0x2] =	stream.indirect.gather [hbm4b:s5+s22], $0x80, s29, s22, $0xb8;
	[tilespmem:$0x1C400] =	vst v63  }
0x53: {  	_ =	swait.ge [sflag:s24], $0x4000  }
0x54: {  	[sflag:s24] =	ssyncset.done $0x0  }
0x55: {  	[sflag:s24] =	ssyncadd.s32 $0xFFFFC000  }
0x56: {  	[spmem:s3] =	stream.indirect.scatter.add.f32 [tilespmem:s19], [sflag:$0x3], $0x80, s30, s22, $0xb8;
	[tilespmem:$0x1C400] =	vst v63  }
0x57: {  	_ =	swait.ge [sflag:s20], $0x4000  }
0x58: {  	[sflag:s20] =	ssyncset.done $0x0  }
0x59: {  	[sflag:s20] =	ssyncadd.s32 $0xFFFFC000  }
0x5a: {  	[tilespmem:s19], [sflag:$0x1] =	stream.indirect.gather [hbm4b:s5+s22], $0x80, s31, s22, $0xb8;
	[tilespmem:$0x1C400] =	vst v63  }
0x5b: {  	_ =	swait.ge [sflag:s26], $0x4000  }
0x5c: {  	[sflag:s26] =	ssyncset.done $0x0  }
0x5d: {  	[sflag:s26] =	ssyncadd.s32 $0xFFFFC000  }
0x5e: {  	[spmem:s3] =	stream.indirect.scatter.add.f32 [tilespmem:s23], [sflag:$0x3], $0x80, s1, s22, $0xb8;
	[tilespmem:$0x1C400] =	vst v63  }
0x5f: {  	_ =	swait.ge [sflag:s20], $0x4000  }
0x60: {  	[sflag:s20] =	ssyncset.done $0x0  }
0x61: {  	[sflag:s20] =	ssyncadd.s32 $0xFFFFC000  }
0x62: {  	[tilespmem:s23], [sflag:$0x2] =	stream.indirect.gather [hbm4b:s5+s22], $0x80, s0, s22, $0xb8;
	[tilespmem:$0x1C400] =	vst v63  }
0x63: {  	_ =	swait.ge [sflag:s24], $0x4000  }
0x64: {  	[sflag:s24] =	ssyncset.done $0x0  }
0x65: {  	[sflag:s24] =	ssyncadd.s32 $0xFFFFC000  }
0x66: {  	[spmem:s3] =	stream.indirect.scatter.add.f32 [tilespmem:s19], [sflag:$0x3], $0x80, s2, s22, $0xb8;
	[tilespmem:$0x1C400] =	vst v63  }
0x67: {  	_ =	swait.ge [sflag:s20], $0x4000  }
0x68: {  	[sflag:s20] =	ssyncset.done $0x0  }
0x69: {  	[sflag:s20] =	ssyncadd.s32 $0xFFFFC000  }
0x6a: {  	[tilespmem:s19], [sflag:$0x1] =	stream.indirect.gather [hbm4b:s5+s22], $0x80, s11, s22, $0xb8;
	[tilespmem:$0x1C400] =	vst v63  }
0x6b: {  	_ =	swait.ge [sflag:s26], $0x4000  }
0x6c: {  	[sflag:s26] =	ssyncset.done $0x0  }
0x6d: {  	[sflag:s26] =	ssyncadd.s32 $0xFFFFC000  }
0x6e: {  	[spmem:s3] =	stream.indirect.scatter.add.f32 [tilespmem:s23], [sflag:$0x3], $0x80, s12, s22, $0xb8;
	[tilespmem:$0x1C400] =	vst v63  }
0x6f: {  	_ =	swait.ge [sflag:s20], $0x4000  }
0x70: {  	[sflag:s20] =	ssyncset.done $0x0  }
0x71: {  	[sflag:s20] =	ssyncadd.s32 $0xFFFFC000  }
0x72: {  	[tilespmem:s23], [sflag:$0x2] =	stream.indirect.gather [hbm4b:s5+s22], $0x80, s13, s22, $0xb8;
	[tilespmem:$0x1C400] =	vst v63  }
0x73: {  	_ =	swait.ge [sflag:s24], $0x4000  }
0x74: {  	[sflag:s24] =	ssyncset.done $0x0  }
0x75: {  	[sflag:s24] =	ssyncadd.s32 $0xFFFFC000  }
0x76: {  	[spmem:s3] =	stream.indirect.scatter.add.f32 [tilespmem:s19], [sflag:$0x3], $0x80, s14, s22, $0xb8;
	[tilespmem:$0x1C400] =	vst v63  }
0x77: {  	_ =	swait.ge [sflag:s20], $0x4000  }
0x78: {  	[sflag:s20] =	ssyncset.done $0x0  }
0x79: {  	[sflag:s20] =	ssyncadd.s32 $0xFFFFC000  }
0x7a: {  	_ =	swait.ge [sflag:s26], $0x4000  }
0x7b: {  	[sflag:s26] =	ssyncset.done $0x0  }
0x7c: {  	[sflag:s26] =	ssyncadd.s32 $0xFFFFC000  }
0x7d: {  	[spmem:s3] =	stream.indirect.scatter.add.f32 [tilespmem:s23], [sflag:$0x3], $0x80, s15, s22, $0xb8;
	[tilespmem:$0x1C400] =	vst v63  }
0x7e: {  	_ =	swait.ge [sflag:s20], $0x4000  }
0x7f: {  	s6 =	simm.s32 $0x80;
	s7 =	simm.s32 $0x100;
	[sflag:s20] =	ssyncset.done $0x0  }
.LBB2_2:
0x80: {  	s9 =	sadd.s32 s6, s18  }
0x81: {  	[sflag:s20] =	ssyncadd.s32 $0xFFFFC000;
	s10 =	smov.u32 s7;
	s8 =	sadd.s32 $0x80, s7  }
0x82: {  	[tilespmem:s4], [sflag:$0x3] =	stream.linear.gather [hbm4b:s9+s4], $0x400, $0x38;
	[tilespmem:$0x1C400] =	vst v63  }
0x83: {  	p0 =	sne.s32 s7, $0x480;
	_ =	swait.ge [sflag:s20], $0x400  }
0x84: {  	[sflag:s20] =	ssyncset.done $0x0  }
0x85: {  	s7 =	sadd.s32 s6, s17;
	s6 =	smov.u32 s10;
	[sflag:s20] =	ssyncadd.s32 $0xFFFFFC00  }
0x86: {  	[tilespmem:s21], [sflag:$0x3] =	stream.linear.gather [hbm4b:s7+s4], $0x400, $0x38;
	[tilespmem:$0x1C400] =	vst v63  }
0x87: {  	_ =	swait.ge [sflag:s20], $0x400  }
0x88: {  	[sflag:s20] =	ssyncset.done $0x0  }
0x89: {  	[sflag:s20] =	ssyncadd.s32 $0xFFFFFC00  }
0x8a: {  	[tilespmem:s19], [sflag:$0x1] =	stream.indirect.gather [hbm4b:s5+s22], $0x80, s4, s22, $0xb8;
	[tilespmem:$0x1C400] =	vst v63  }
0x8b: {  	_ = 	snop  }
0x8c: {  	[tilespmem:s23], [sflag:$0x2] =	stream.indirect.gather [hbm4b:s5+s22], $0x80, s22, s22, $0xb8;
	[tilespmem:$0x1C400] =	vst v63  }
0x8d: {  	_ =	swait.ge [sflag:s24], $0x4000  }
0x8e: {  	[sflag:s24] =	ssyncset.done $0x0  }
0x8f: {  	[sflag:s24] =	ssyncadd.s32 $0xFFFFC000  }
0x90: {  	[spmem:s3] =	stream.indirect.scatter.add.f32 [tilespmem:s19], [sflag:$0x3], $0x80, s21, s22, $0xb8;
	[tilespmem:$0x1C400] =	vst v63  }
0x91: {  	_ =	swait.ge [sflag:s20], $0x4000  }
0x92: {  	[sflag:s20] =	ssyncset.done $0x0  }
0x93: {  	[sflag:s20] =	ssyncadd.s32 $0xFFFFC000  }
0x94: {  	[tilespmem:s19], [sflag:$0x1] =	stream.indirect.gather [hbm4b:s5+s22], $0x80, s25, s22, $0xb8;
	[tilespmem:$0x1C400] =	vst v63  }
0x95: {  	_ =	swait.ge [sflag:s26], $0x4000  }
0x96: {  	[sflag:s26] =	ssyncset.done $0x0  }
0x97: {  	[sflag:s26] =	ssyncadd.s32 $0xFFFFC000  }
0x98: {  	[spmem:s3] =	stream.indirect.scatter.add.f32 [tilespmem:s23], [sflag:$0x3], $0x80, s28, s22, $0xb8;
	[tilespmem:$0x1C400] =	vst v63  }
0x99: {  	_ =	swait.ge [sflag:s20], $0x4000  }
0x9a: {  	[sflag:s20] =	ssyncset.done $0x0  }
0x9b: {  	[sflag:s20] =	ssyncadd.s32 $0xFFFFC000  }
0x9c: {  	[tilespmem:s23], [sflag:$0x2] =	stream.indirect.gather [hbm4b:s5+s22], $0x80, s29, s22, $0xb8;
	[tilespmem:$0x1C400] =	vst v63  }
0x9d: {  	_ =	swait.ge [sflag:s24], $0x4000  }
0x9e: {  	[sflag:s24] =	ssyncset.done $0x0  }
0x9f: {  	[sflag:s24] =	ssyncadd.s32 $0xFFFFC000  }
0xa0: {  	[spmem:s3] =	stream.indirect.scatter.add.f32 [tilespmem:s19], [sflag:$0x3], $0x80, s30, s22, $0xb8;
	[tilespmem:$0x1C400] =	vst v63  }
0xa1: {  	_ =	swait.ge [sflag:s20], $0x4000  }
0xa2: {  	[sflag:s20] =	ssyncset.done $0x0  }
0xa3: {  	[sflag:s20] =	ssyncadd.s32 $0xFFFFC000  }
0xa4: {  	[tilespmem:s19], [sflag:$0x1] =	stream.indirect.gather [hbm4b:s5+s22], $0x80, s31, s22, $0xb8;
	[tilespmem:$0x1C400] =	vst v63  }
0xa5: {  	_ =	swait.ge [sflag:s26], $0x4000  }
0xa6: {  	[sflag:s26] =	ssyncset.done $0x0  }
0xa7: {  	[sflag:s26] =	ssyncadd.s32 $0xFFFFC000  }
0xa8: {  	[spmem:s3] =	stream.indirect.scatter.add.f32 [tilespmem:s23], [sflag:$0x3], $0x80, s1, s22, $0xb8;
	[tilespmem:$0x1C400] =	vst v63  }
0xa9: {  	_ =	swait.ge [sflag:s20], $0x4000  }
0xaa: {  	[sflag:s20] =	ssyncset.done $0x0  }
0xab: {  	[sflag:s20] =	ssyncadd.s32 $0xFFFFC000  }
0xac: {  	[tilespmem:s23], [sflag:$0x2] =	stream.indirect.gather [hbm4b:s5+s22], $0x80, s0, s22, $0xb8;
	[tilespmem:$0x1C400] =	vst v63  }
0xad: {  	_ =	swait.ge [sflag:s24], $0x4000  }
0xae: {  	[sflag:s24] =	ssyncset.done $0x0  }
0xaf: {  	[sflag:s24] =	ssyncadd.s32 $0xFFFFC000  }
0xb0: {  	[spmem:s3] =	stream.indirect.scatter.add.f32 [tilespmem:s19], [sflag:$0x3], $0x80, s2, s22, $0xb8;
	[tilespmem:$0x1C400] =	vst v63  }
0xb1: {  	_ =	swait.ge [sflag:s20], $0x4000  }
0xb2: {  	[sflag:s20] =	ssyncset.done $0x0  }
0xb3: {  	[sflag:s20] =	ssyncadd.s32 $0xFFFFC000  }
0xb4: {  	[tilespmem:s19], [sflag:$0x1] =	stream.indirect.gather [hbm4b:s5+s22], $0x80, s11, s22, $0xb8;
	[tilespmem:$0x1C400] =	vst v63  }
0xb5: {  	_ =	swait.ge [sflag:s26], $0x4000  }
0xb6: {  	[sflag:s26] =	ssyncset.done $0x0  }
0xb7: {  	[sflag:s26] =	ssyncadd.s32 $0xFFFFC000  }
0xb8: {  	[spmem:s3] =	stream.indirect.scatter.add.f32 [tilespmem:s23], [sflag:$0x3], $0x80, s12, s22, $0xb8;
	[tilespmem:$0x1C400] =	vst v63  }
0xb9: {  	_ =	swait.ge [sflag:s20], $0x4000  }
0xba: {  	[sflag:s20] =	ssyncset.done $0x0  }
0xbb: {  	[sflag:s20] =	ssyncadd.s32 $0xFFFFC000  }
0xbc: {  	[tilespmem:s23], [sflag:$0x2] =	stream.indirect.gather [hbm4b:s5+s22], $0x80, s13, s22, $0xb8;
	[tilespmem:$0x1C400] =	vst v63  }
0xbd: {  	_ =	swait.ge [sflag:s24], $0x4000  }
0xbe: {  	[sflag:s24] =	ssyncset.done $0x0  }
0xbf: {  	[sflag:s24] =	ssyncadd.s32 $0xFFFFC000  }
0xc0: {  	[spmem:s3] =	stream.indirect.scatter.add.f32 [tilespmem:s19], [sflag:$0x3], $0x80, s14, s22, $0xb8;
	[tilespmem:$0x1C400] =	vst v63  }
0xc1: {  	_ =	swait.ge [sflag:s20], $0x4000  }
0xc2: {  	[sflag:s20] =	ssyncset.done $0x0  }
0xc3: {  	[sflag:s20] =	ssyncadd.s32 $0xFFFFC000  }
0xc4: {  	_ =	swait.ge [sflag:s26], $0x4000  }
.Ltmp0:
0xc5: {  	[sflag:s26] =	ssyncset.done $0x0;
	(pc) =	sbr.rel @p0 .LBB2_2-.Ltmp0, $4  }
0xc6: {  	[sflag:s26] =	ssyncadd.s32 $0xFFFFC000  }
0xc7: {  	[spmem:s3] =	stream.indirect.scatter.add.f32 [tilespmem:s23], [sflag:$0x3], $0x80, s15, s22, $0xb8;
	[tilespmem:$0x1C400] =	vst v63  }
0xc8: {  	_ =	swait.ge [sflag:s20], $0x4000  }
0xc9: {  	s7 =	smov.u32 s8;
	[sflag:s20] =	ssyncset.done $0x0  }
0xca: {  	s7 =	sadd.s32 s6, s18;
	[sflag:s20] =	ssyncadd.s32 $0xFFFFC000  }
0xcb: {  	[tilespmem:s4], [sflag:$0x3] =	stream.linear.gather [hbm4b:s7+s4], $0x400, $0x38;
	[tilespmem:$0x1C400] =	vst v63  }
0xcc: {  	_ =	swait.ge [sflag:s20], $0x400  }
0xcd: {  	[sflag:s20] =	ssyncset.done $0x0  }
0xce: {  	s16 =	sadd.s32 s6, s17;
	[sflag:s20] =	ssyncadd.s32 $0xFFFFFC00  }
0xcf: {  	[tilespmem:s21], [sflag:$0x3] =	stream.linear.gather [hbm4b:s16+s4], $0x400, $0x38;
	[tilespmem:$0x1C400] =	vst v63  }
0xd0: {  	_ =	swait.ge [sflag:s20], $0x400  }
0xd1: {  	[sflag:s20] =	ssyncset.done $0x0  }
0xd2: {  	[sflag:s20] =	ssyncadd.s32 $0xFFFFFC00  }
0xd3: {  	[tilespmem:s19], [sflag:$0x1] =	stream.indirect.gather [hbm4b:s5+s22], $0x80, s4, s22, $0xb8;
	[tilespmem:$0x1C400] =	vst v63  }
0xd4: {  	_ = 	snop  }
0xd5: {  	[tilespmem:s23], [sflag:$0x2] =	stream.indirect.gather [hbm4b:s5+s22], $0x80, s22, s22, $0xb8;
	[tilespmem:$0x1C400] =	vst v63  }
0xd6: {  	_ =	swait.ge [sflag:s24], $0x4000  }
0xd7: {  	[sflag:s24] =	ssyncset.done $0x0  }
0xd8: {  	[sflag:s24] =	ssyncadd.s32 $0xFFFFC000  }
0xd9: {  	[spmem:s3] =	stream.indirect.scatter.add.f32 [tilespmem:s19], [sflag:$0x3], $0x80, s21, s22, $0xb8;
	[tilespmem:$0x1C400] =	vst v63  }
0xda: {  	_ =	swait.ge [sflag:s20], $0x4000  }
0xdb: {  	[sflag:s20] =	ssyncset.done $0x0  }
0xdc: {  	[sflag:s20] =	ssyncadd.s32 $0xFFFFC000  }
0xdd: {  	[tilespmem:s19], [sflag:$0x1] =	stream.indirect.gather [hbm4b:s5+s22], $0x80, s25, s22, $0xb8;
	[tilespmem:$0x1C400] =	vst v63  }
0xde: {  	_ =	swait.ge [sflag:s26], $0x4000  }
0xdf: {  	[sflag:s26] =	ssyncset.done $0x0  }
0xe0: {  	[sflag:s26] =	ssyncadd.s32 $0xFFFFC000  }
0xe1: {  	[spmem:s3] =	stream.indirect.scatter.add.f32 [tilespmem:s23], [sflag:$0x3], $0x80, s28, s22, $0xb8;
	[tilespmem:$0x1C400] =	vst v63  }
0xe2: {  	_ =	swait.ge [sflag:s20], $0x4000  }
0xe3: {  	[sflag:s20] =	ssyncset.done $0x0  }
0xe4: {  	[sflag:s20] =	ssyncadd.s32 $0xFFFFC000  }
0xe5: {  	[tilespmem:s23], [sflag:$0x2] =	stream.indirect.gather [hbm4b:s5+s22], $0x80, s29, s22, $0xb8;
	[tilespmem:$0x1C400] =	vst v63  }
0xe6: {  	_ =	swait.ge [sflag:s24], $0x4000  }
0xe7: {  	[sflag:s24] =	ssyncset.done $0x0  }
0xe8: {  	[sflag:s24] =	ssyncadd.s32 $0xFFFFC000  }
0xe9: {  	[spmem:s3] =	stream.indirect.scatter.add.f32 [tilespmem:s19], [sflag:$0x3], $0x80, s30, s22, $0xb8;
	[tilespmem:$0x1C400] =	vst v63  }
0xea: {  	_ =	swait.ge [sflag:s20], $0x4000  }
0xeb: {  	[sflag:s20] =	ssyncset.done $0x0  }
0xec: {  	[sflag:s20] =	ssyncadd.s32 $0xFFFFC000  }
0xed: {  	[tilespmem:s19], [sflag:$0x1] =	stream.indirect.gather [hbm4b:s5+s22], $0x80, s31, s22, $0xb8;
	[tilespmem:$0x1C400] =	vst v63  }
0xee: {  	_ =	swait.ge [sflag:s26], $0x4000  }
0xef: {  	[sflag:s26] =	ssyncset.done $0x0  }
0xf0: {  	[sflag:s26] =	ssyncadd.s32 $0xFFFFC000  }
0xf1: {  	[spmem:s3] =	stream.indirect.scatter.add.f32 [tilespmem:s23], [sflag:$0x3], $0x80, s1, s22, $0xb8;
	[tilespmem:$0x1C400] =	vst v63  }
0xf2: {  	_ =	swait.ge [sflag:s20], $0x4000  }
0xf3: {  	[sflag:s20] =	ssyncset.done $0x0  }
0xf4: {  	[sflag:s20] =	ssyncadd.s32 $0xFFFFC000  }
0xf5: {  	[tilespmem:s23], [sflag:$0x2] =	stream.indirect.gather [hbm4b:s5+s22], $0x80, s0, s22, $0xb8;
	[tilespmem:$0x1C400] =	vst v63  }
0xf6: {  	_ =	swait.ge [sflag:s24], $0x4000  }
0xf7: {  	[sflag:s24] =	ssyncset.done $0x0  }
0xf8: {  	[sflag:s24] =	ssyncadd.s32 $0xFFFFC000  }
0xf9: {  	[spmem:s3] =	stream.indirect.scatter.add.f32 [tilespmem:s19], [sflag:$0x3], $0x80, s2, s22, $0xb8;
	[tilespmem:$0x1C400] =	vst v63  }
0xfa: {  	_ =	swait.ge [sflag:s20], $0x4000  }
0xfb: {  	[sflag:s20] =	ssyncset.done $0x0  }
0xfc: {  	[sflag:s20] =	ssyncadd.s32 $0xFFFFC000  }
0xfd: {  	[tilespmem:s19], [sflag:$0x1] =	stream.indirect.gather [hbm4b:s5+s22], $0x80, s11, s22, $0xb8;
	[tilespmem:$0x1C400] =	vst v63  }
0xfe: {  	_ =	swait.ge [sflag:s26], $0x4000  }
0xff: {  	[sflag:s26] =	ssyncset.done $0x0  }
0x100: {  	[sflag:s26] =	ssyncadd.s32 $0xFFFFC000  }
0x101: {  	[spmem:s3] =	stream.indirect.scatter.add.f32 [tilespmem:s23], [sflag:$0x3], $0x80, s12, s22, $0xb8;
	[tilespmem:$0x1C400] =	vst v63  }
0x102: {  	_ =	swait.ge [sflag:s20], $0x4000  }
0x103: {  	[sflag:s20] =	ssyncset.done $0x0  }
0x104: {  	[sflag:s20] =	ssyncadd.s32 $0xFFFFC000  }
0x105: {  	[tilespmem:s23], [sflag:$0x2] =	stream.indirect.gather [hbm4b:s5+s22], $0x80, s13, s22, $0xb8;
	[tilespmem:$0x1C400] =	vst v63  }
0x106: {  	_ =	swait.ge [sflag:s24], $0x4000  }
0x107: {  	[sflag:s24] =	ssyncset.done $0x0  }
0x108: {  	[sflag:s24] =	ssyncadd.s32 $0xFFFFC000  }
0x109: {  	[spmem:s3] =	stream.indirect.scatter.add.f32 [tilespmem:s19], [sflag:$0x3], $0x80, s14, s22, $0xb8;
	[tilespmem:$0x1C400] =	vst v63  }
0x10a: {  	_ =	swait.ge [sflag:s20], $0x4000  }
0x10b: {  	[sflag:s20] =	ssyncset.done $0x0  }
0x10c: {  	[sflag:s20] =	ssyncadd.s32 $0xFFFFC000  }
0x10d: {  	_ =	swait.ge [sflag:s26], $0x4000  }
0x10e: {  	[sflag:s26] =	ssyncset.done $0x0  }
0x10f: {  	[sflag:s26] =	ssyncadd.s32 $0xFFFFC000  }
0x110: {  	[spmem:s3] =	stream.indirect.scatter.add.f32 [tilespmem:s23], [sflag:$0x3], $0x80, s15, s22, $0xb8;
	[tilespmem:$0x1C400] =	vst v63  }
0x111: {  	_ =	swait.ge [sflag:s20], $0x4000  }
0x112: {  	[sflag:s20] =	ssyncset.done $0x0  }
0x113: {  	[sflag:s20] =	ssyncadd.s32 $0xFFFFC000  }
0x114: {  	[bflag:$0x0] =	sbarrier.arrive $0xFFFF  }
0x115: {  	s7 =	rddreg [dreg:$0x4]  }
0x116: {  	[tilespmem:s19], [sflag:$0x3] =	stream.linear.gather [spmem:s7], $0x4000, $0x38;
	[tilespmem:$0x1C400] =	vst v63  }
0x117: {  	_ =	swait.ge [sflag:s20], $0x4000  }
0x118: {  	[sflag:s20] =	ssyncset.done $0x0  }
0x119: {  	s8 =	rddreg [dreg:$0x9];
	[sflag:s20] =	ssyncadd.s32 $0xFFFFC000  }
0x11a: {  	[hbm4b:s8+s4] =	stream.linear.scatter [tilespmem:s19], [sflag:$0x3], $0x4000, $0x38;
	[tilespmem:$0x1C400] =	vst v63  }
0x11b: {  	_ =	swait.ge [sflag:s20], $0x4000  }
0x11c: {  	[sflag:s20] =	ssyncset.done $0x0  }
0x11d: {  	s7 =	rddreg [dreg:$0x5];
	[sflag:s20] =	ssyncadd.s32 $0xFFFFC000  }
0x11e: {  	[tilespmem:s19], [sflag:$0x3] =	stream.linear.gather [spmem:s7], $0x4000, $0x38;
	[tilespmem:$0x1C400] =	vst v63  }
0x11f: {  	_ =	swait.ge [sflag:s20], $0x4000  }
0x120: {  	[sflag:s20] =	ssyncset.done $0x0  }
0x121: {  	s9 =	rddreg [dreg:$0xa];
	[sflag:s20] =	ssyncadd.s32 $0xFFFFC000  }
0x122: {  	[hbm4b:s9+s4] =	stream.linear.scatter [tilespmem:s19], [sflag:$0x3], $0x4000, $0x38;
	[tilespmem:$0x1C400] =	vst v63  }
0x123: {  	_ =	swait.ge [sflag:s20], $0x4000  }
0x124: {  	[sflag:s20] =	ssyncset.done $0x0  }
0x125: {  	s8 =	rddreg [dreg:$0x6];
	[sflag:s20] =	ssyncadd.s32 $0xFFFFC000  }
0x126: {  	[tilespmem:s19], [sflag:$0x3] =	stream.linear.gather [spmem:s8], $0x4000, $0x38;
	[tilespmem:$0x1C400] =	vst v63  }
0x127: {  	_ =	swait.ge [sflag:s20], $0x4000  }
0x128: {  	[sflag:s20] =	ssyncset.done $0x0  }
0x129: {  	s10 =	rddreg [dreg:$0xb];
	[sflag:s20] =	ssyncadd.s32 $0xFFFFC000  }
0x12a: {  	[hbm4b:s10+s4] =	stream.linear.scatter [tilespmem:s19], [sflag:$0x3], $0x4000, $0x38;
	[tilespmem:$0x1C400] =	vst v63  }
0x12b: {  	_ =	swait.ge [sflag:s20], $0x4000  }
0x12c: {  	[sflag:s20] =	ssyncset.done $0x0  }
0x12d: {  	s10 =	rddreg [dreg:$0x7];
	[sflag:s20] =	ssyncadd.s32 $0xFFFFC000  }
0x12e: {  	[tilespmem:s19], [sflag:$0x3] =	stream.linear.gather [spmem:s10], $0x4000, $0x38;
	[tilespmem:$0x1C400] =	vst v63  }
0x12f: {  	_ =	swait.ge [sflag:s20], $0x4000  }
0x130: {  	[sflag:s20] =	ssyncset.done $0x0  }
0x131: {  	s16 =	rddreg [dreg:$0xc];
	[sflag:s20] =	ssyncadd.s32 $0xFFFFC000  }
0x132: {  	[hbm4b:s16+s4] =	stream.linear.scatter [tilespmem:s19], [sflag:$0x3], $0x4000, $0x38;
	[tilespmem:$0x1C400] =	vst v63  }
0x133: {  	_ =	swait.ge [sflag:s20], $0x4000  }
0x134: {  	[sflag:s20] =	ssyncset.done $0x0  }
0x135: {  	s16 =	rddreg [dreg:$0x8];
	[sflag:s20] =	ssyncadd.s32 $0xFFFFC000  }
0x136: {  	[tilespmem:s19], [sflag:$0x3] =	stream.linear.gather [spmem:s16], $0x3C00, $0x38;
	[tilespmem:$0x1C400] =	vst v63  }
0x137: {  	_ =	swait.ge [sflag:s20], $0x3C00  }
0x138: {  	[sflag:s20] =	ssyncset.done $0x0  }
0x139: {  	s9 =	rddreg [dreg:$0xd];
	[sflag:s20] =	ssyncadd.s32 $0xFFFFC400  }
0x13a: {  	[hbm4b:s9+s4] =	stream.linear.scatter [tilespmem:s19], [sflag:$0x3], $0x3C00, $0x38;
	[tilespmem:$0x1C400] =	vst v63  }
0x13b: {  	_ =	swait.ge [sflag:s20], $0x3C00  }
0x13c: {  	s9 =	rddreg [dreg:$0xf]  }
0x13d: {  	s6 =	rddreg [dreg:$0xe];
	s9 =	sadd.s32 $0x1, s9  }
0x13e: {  	p0 =	sne.s32 s9, s6  }
.Ltmp1:
0x13f: {  	_ = 	snop;
	(pc) =	sbr.rel @p0 .LBB2_1-.Ltmp1, $3  }
0x140: {  	_ =	sdelay $0x1  }
0x141: {  	[sflag:s20] =	ssyncset.done $0x0;
	[dreg:$0xf] =	wrdreg s9  }
0x142: {  	[sflag:s20] =	ssyncadd.s32 $0xFFFFC400;
	s9 =	rddreg [dreg:$0x4]  }
0x143: {  	_ =	sfence.sel $0x180000  }
0x144: {  	[bflag:$0x0] =	sbarrier.arrive $0xFFFF  }
0x145: {  	_ =	strace $0x9000004D  }
0x146: {  	s0 =	stileid.u32;
	[bflag:$0x2] =	sbarrier.arrive $0xFFFF  }
0x147: {  	p0 =	sne.s32 s0, $0x0;
	s0 =	rddreg [dreg:$0x3]  }
0x148: {  	s0 =	sadd.s32 @!p0 $0x100000, s0  }
0x149: {  	[sflag:s0] =	ssyncadd.tile.s32 @!p0 $0x1;
	_ =	shalt  }
.Lfunc_end2:
_tile_overlayer_lowered:
.L_overlay_start_2:
0x14a: {  	(tag) =	ssettag $0x2  }
0x14b: {  	s0 =	rddreg [dreg:$0x0];
	s2 =	stileid.u32  }
0x14c: {  	s1 =	rddreg [dreg:$0x1];
	p0 =	sne.s32 s2, $0x0  }
0x14d: {  	s3 =	rddreg [dreg:$0x2];
	[bflag:$0x3] =	sbarrier.arrive $0xFFFF;
	s2 =	simm.s32 @!p0 $0x1C03  }
0x14e: {  	[timem:s3], [sflag:s2] =	dma.local @!p0 [hbm:s0], s1  }
0x14f: {  	s0 =	simm.s32 @!p0 $0x3  }
0x150: {  	_ =	swait.ge @!p0 [sflag:s0], s1  }
0x151: {  	s1 =	ssub.s32 @!p0 $0x0, s1;
	[sflag:s0] =	ssyncset.done @!p0 $0x0  }
0x152: {  	[sflag:s0] =	ssyncadd.s32 @!p0 s1  }
0x153: {  	[bflag:$0x3] =	sbarrier.arrive $0xFFFF  }
0x154: {  	_ =	shalt  }

// kernel: kernel.7.cloned.1.call-start
scs
__scs_entry_jumppad:
0x0: {  	(pc) =	sbr.rel $0x88, $3  }
0x1: {  	(tag) =	ssettag $0x0;
	lr =	simm.s32 $0x1  }
0x2: {  	[smem:$0x3F97] =	sst lr;
	_ =	strace $0xD0000000  }
0x3: {  	_ = 	snop  }
0x4: {  	_ = 	snop  }
0x5: {  	_ = 	snop  }
0x6: {  	_ = 	snop  }
0x7: {  	_ = 	snop  }
__scs_overlays_trampoline_lowered:
0x8: {  	[smem:$0x3FA6] =	sst s0  }
0x9: {  	[smem:$0x3FA7] =	sst s1  }
0xa: {  	[smem:$0x3FA8] =	sst s2  }
0xb: {  	[smem:$0x3FA9] =	sst s3  }
0xc: {  	[smem:$0x3FAA] =	sst s4  }
0xd: {  	[smem:$0x3FAB] =	sst s5  }
0xe: {  	[smem:$0x3FAC] =	sst s6  }
0xf: {  	[smem:$0x3FAD] =	sst s7  }
0x10: {  	[smem:$0x3FAE] =	sst s8  }
0x11: {  	[smem:$0x3FAF] =	sst s9;
	s0 =	simm.s32 @!p0 $0x0  }
0x12: {  	s1 =	sld [smem:$0x3F95];
	s0 =	simm.s32 @p0 $0x1  }
0x13: {  	[smem:$0x3FB0] =	sst s0;
	s0 =	simm.s32 @!p1 $0x0  }
0x14: {  	s2 =	sld [smem:$0x3F94];
	s0 =	simm.s32 @p1 $0x1  }
0x15: {  	[smem:$0x3FB1] =	sst s0;
	s0 =	simm.s32 @!p2 $0x0  }
0x16: {  	s3 =	sld [smem:$0x3FDB];
	s0 =	simm.s32 @p2 $0x1  }
0x17: {  	s4 =	simm.s32 $0x1BF5;
	[smem:$0x3FB3] =	sst s0  }
0x18: {  	s0 =	sld [smem:$0x3F96];
	_ =	swait.ge [sflag:s4], $0x0  }
0x19: {  	s7 =	sld [smem:$0x3F97]  }
0x1a: {  	s8 =	sadd.s32 $0xFFFFE003, lr  }
0x1b: {  	s9 =	sadd.s32 $0xFFFFFEF7, lr;
	s5 =	simm.s32 $0xFFFFFFFF;
	p2 =	slt.u32 s8, $0xFFFFF086  }
0x1c: {  	p1 =	slt.u32 s9, $0xF7A;
	s5 =	simm.s32 @!p2 $0x0  }
0x1d: {  	s5 =	simm.s32 @p1 $0x1;
	p0 =	seq.s32 s7, s2  }
0x1e: {  	s7 =	smul.u32 @!p0 $0xF7A, s2;
	p2 =	seq.s32 @!p0 s5, $0x0  }
0x1f: {  	s9 =	smul.u32 $0xF7A, s1;
	s8 =	simm.s32 @!p0 $0x1BF5;
	p2 =	por !p2, p0  }
0x20: {  	[sflag:s8] =	ssyncset.s32 @!p0 $0xFFFFF086;
	s6 =	sadd.s32 @!p0 s3, s7;
	s7 =	simm.s32 @!p0 $0x108  }
0x21: {  	s3 =	sadd.s32 s3, s9;
	s6 =	sadd.s32 @!p0 $0x88, s6;
	s7 =	simm.s32 @p2 $0x1082  }
0x22: {  	[simem:s7], [sflag:s8] =	dma.local @!p0 [hbm:s6], $0xF7A  }
0x23: {  	s9 =	sor.u32 $0xD0000000, s2;
	s6 =	simm.s32 $0x108;
	_ =	swait.ge @!p0 [sflag:s8], $0x0  }
0x24: {  	s3 =	sadd.s32 $0x88, s3;
	s6 =	simm.s32 @!p1 $0x1082;
	[sflag:s4] =	ssyncset.s32 $0xFFFFF086  }
0x25: {  	[simem:s6], [sflag:s4] =	dma.local [hbm:s3], $0xF7A  }
0x26: {  	[smem:$0x3F97] =	sst s1;
	(tag) =	ssettag s2;
	_ =	strace s9  }
0x27: {  	s1 =	sld [smem:$0x3FA7]  }
0x28: {  	s2 =	sld [smem:$0x3FA8]  }
0x29: {  	s4 =	sld [smem:$0x3FAA]  }
0x2a: {  	p0 =	seq.s32 s5, $0x0;
	s5 =	sld [smem:$0x3FAB]  }
0x2b: {  	s6 =	sld [smem:$0x3FAC]  }
0x2c: {  	s7 =	sld [smem:$0x3FAD]  }
0x2d: {  	s3 =	simm.s32 $0x108;
	s8 =	sld [smem:$0x3FAE]  }
0x2e: {  	s3 =	simm.s32 @!p0 $0x1082;
	s9 =	sld [smem:$0x3FAF]  }
0x2f: {  	lr =	sadd.s32 s0, s3;
	s0 =	sld [smem:$0x3FA6]  }
0x30: {  	s3 =	sld [smem:$0x3FA9]  }
0x31: {  	[smem:$0x3FB2] =	sst s10  }
0x32: {  	s10 =	sld [smem:$0x3FB0];
	_ =	sdelay $0x3  }
0x33: {  	p0 =	seq.s32 s10, $0x1;
	s10 =	sld [smem:$0x3FB2];
	_ =	sdelay $0x3  }
0x34: {  	[smem:$0x3FB2] =	sst s10  }
0x35: {  	s10 =	sld [smem:$0x3FB1];
	_ =	sdelay $0x3  }
0x36: {  	p1 =	seq.s32 s10, $0x1;
	s10 =	sld [smem:$0x3FB2];
	_ =	sdelay $0x3  }
0x37: {  	[smem:$0x3FB2] =	sst s10  }
0x38: {  	s10 =	sld [smem:$0x3FB3]  }
0x39: {  	_ = 	snop;
	(pc) =	sbr.ind lr, $3  }
0x3a: {  	_ = 	snop  }
0x3b: {  	_ = 	snop  }
0x3c: {  	p2 =	seq.s32 s10, $0x1;
	s10 =	sld [smem:$0x3FB2]  }
0x3d: {  	_ =	shalt  }
0x3e: {  	_ =	shalt  }
0x3f: {  	_ =	shalt  }
0x40: {  	_ =	shalt  }
0x41: {  	_ =	shalt  }
0x42: {  	_ =	shalt  }
0x43: {  	_ =	shalt  }
0x44: {  	_ =	shalt  }
0x45: {  	_ =	shalt  }
0x46: {  	_ =	shalt  }
0x47: {  	_ =	shalt  }
0x48: {  	_ =	shalt  }
0x49: {  	_ =	shalt  }
0x4a: {  	_ =	shalt  }
0x4b: {  	_ =	shalt  }
0x4c: {  	_ =	shalt  }
0x4d: {  	_ =	shalt  }
0x4e: {  	_ =	shalt  }
0x4f: {  	_ =	shalt  }
0x50: {  	_ =	shalt  }
0x51: {  	_ =	shalt  }
0x52: {  	_ =	shalt  }
0x53: {  	_ =	shalt  }
0x54: {  	_ =	shalt  }
0x55: {  	_ =	shalt  }
0x56: {  	_ =	shalt  }
0x57: {  	_ =	shalt  }
0x58: {  	_ =	shalt  }
0x59: {  	_ =	shalt  }
0x5a: {  	_ =	shalt  }
0x5b: {  	_ =	shalt  }
0x5c: {  	_ =	shalt  }
0x5d: {  	_ =	shalt  }
0x5e: {  	_ =	shalt  }
0x5f: {  	_ =	shalt  }
0x60: {  	_ =	shalt  }
0x61: {  	_ =	shalt  }
0x62: {  	_ =	shalt  }
0x63: {  	_ =	shalt  }
0x64: {  	_ =	shalt  }
0x65: {  	_ =	shalt  }
0x66: {  	_ =	shalt  }
0x67: {  	_ =	shalt  }
0x68: {  	_ =	shalt  }
0x69: {  	_ =	shalt  }
0x6a: {  	_ =	shalt  }
0x6b: {  	_ =	shalt  }
0x6c: {  	_ =	shalt  }
0x6d: {  	_ =	shalt  }
0x6e: {  	_ =	shalt  }
0x6f: {  	_ =	shalt  }
0x70: {  	_ =	shalt  }
0x71: {  	_ =	shalt  }
0x72: {  	_ =	shalt  }
0x73: {  	_ =	shalt  }
0x74: {  	_ =	shalt  }
0x75: {  	_ =	shalt  }
0x76: {  	_ =	shalt  }
0x77: {  	_ =	shalt  }
0x78: {  	_ =	shalt  }
0x79: {  	_ =	shalt  }
0x7a: {  	_ =	shalt  }
0x7b: {  	_ =	shalt  }
0x7c: {  	_ =	shalt  }
0x7d: {  	_ =	shalt  }
0x7e: {  	_ =	shalt  }
0x7f: {  	_ =	shalt  }
0x80: {  	_ =	shalt  }
0x81: {  	_ =	shalt  }
0x82: {  	_ =	shalt  }
0x83: {  	_ =	shalt  }
0x84: {  	_ =	shalt  }
0x85: {  	_ =	shalt  }
0x86: {  	_ =	shalt  }
0x87: {  	_ =	shalt  }
.Lfunc_end0:
.L_simem_size_0:
called_computation_lowered:
.L_overlay_start_0:
0x88: {  	s2 =	sld [smem:$0x3FD9]  }
0x89: {  	s3 =	sld [smem:$0x3FFE];
	_ =	sdelay $0x1  }
0x8a: {  	s1 =	srdreg.scid  }
0x8b: {  	s0 =	sand.u32 $0x1, s1  }
0x8c: {  	s17 =	sshll.u32 s0, $0xA;
	s2 =	sadd.s32 s3, s2  }
0x8d: {  	s2 =	sadd.s32 s2, s17  }
0x8e: {  	[smem:$0x3FBE] =	sst s2  }
0x8f: {  	_ = 	snop  }
0x90: {  	s2 =	sld [smem:$0x3FC9]  }
0x91: {  	s18 =	sld [smem:$0x3FD0];
	(tm) =	ssettm $0x1  }
0x92: {  	s4 =	sld [smem:$0x3FFB];
	_ =	sdelay $0x3  }
0x93: {  	_ =	strace s4  }
0x94: {  	s4 =	sld [smem:$0x3FFC];
	_ =	sdelay $0x3  }
0x95: {  	_ =	strace s4  }
0x96: {  	s4 =	sld [smem:$0x3FFD];
	_ =	sdelay $0x3  }
0x97: {  	_ =	strace s4  }
0x98: {  	_ =	strace $0x8FFFFFFF  }
0x99: {  	s19 =	sld [smem:$0x3FDB];
	_ =	sdelay $0x1  }
0x9a: {  	s5 =	simm.s32 $_scs_section_size  }
0x9b: {  	s6 =	simm.s32 $_size__tile_overlayer_lowered;
	s7 =	simm.s32 $_tile_overlayer_lowered  }
0x9c: {  	s22 =	simm.s32 $0x1BFF;
	s21 =	sshll.u32 s7, $0x1;
	s4 =	sadd.s32 s5, s19  }
0x9d: {  	s8 =	simm.s32 $0x0;
	s20 =	sshll.u32 s6, $0x1;
	s6 =	sadd.s32 s21, s4  }
0x9e: {  	[timem:s8], [sflag:s22] =	dma.local [hbm:s6], s20  }
0x9f: {  	_ =	swait.ge [sflag:s22], s20  }
0xa0: {  	s5 =	ssub.s32 $0x0, s20;
	[sflag:s22] =	ssyncset.done $0x0  }
0xa1: {  	[sflag:s22] =	ssyncadd.s32 s5;
	_ =	sdelay $0x1  }
0xa2: {  	s23 =	simm.s32 $0x1B8B  }
0xa3: {  	_ =	swait.ge [sflag:s23], $0x1  }
0xa4: {  	[sflag:s23] =	ssyncset.done $0x0  }
0xa5: {  	s25 =	simm.s32 $0x1B8E;
	s24 =	sld [smem:$0x3FFE];
	[sflag:s23] =	ssyncadd.s32 $0xFFFFFFFF  }
0xa6: {  	s26 =	simm.s32 $execute0_lowered;
	[smem:$0x3FD2] =	sst s25  }
0xa7: {  	s6 =	sshll.u32 s26, $0x1;
	_ =	strace $0x80000046;
	[dreg:$0x1] =	wrdreg $0xFFFFFFFF  }
0xa8: {  	s28 =	simm.s32 $_size_execute0_lowered;
	s4 =	sadd.s32 s4, s6;
	[dreg:$0x0] =	wrdreg $0x0  }
0xa9: {  	s6 =	sshll.u32 s28, $0x1;
	[dreg:$0x2] =	wrdreg s4  }
0xaa: {  	[dreg:$0x3] =	wrdreg s6  }
0xab: {  	[dreg:$0x4] =	wrdreg $0xC0  }
0xac: {  	_ =	task [dreg:s8], $0x5FFFF  }
0xad: {  	[dreg:$0x1] =	wrdreg $0xFFFFFFFF  }
0xae: {  	[dreg:$0x0] =	wrdreg $0x60  }
0xaf: {  	[dreg:$0x2] =	wrdreg s2  }
0xb0: {  	[dreg:$0x3] =	wrdreg s24  }
0xb1: {  	[dreg:$0x4] =	wrdreg s18  }
0xb2: {  	[dreg:$0x5] =	wrdreg $0x88000  }
0xb3: {  	[dreg:$0x6] =	wrdreg $0x9  }
0xb4: {  	_ =	task.clear_ibuf [dreg:s8], $0x7FFFF;
	_ =	strace $0x90000046  }
0xb5: {  	s29 =	simm.s32 $0x9;
	_ =	strace $0x80000048  }
0xb6: {  	_ =	swait.ge [sflag:s29], $0x1  }
0xb7: {  	[sflag:s29] =	ssyncadd.s32 $0xFFFFFFFF  }
0xb8: {  	_ =	strace $0x90000048  }
0xb9: {  	_ =	sfence  }
0xba: {  	s30 =	sld [smem:$0x0];
	_ =	sdelay $0x2  }
0xbb: {  	s31 =	sshll.u32 s1, $0xD;
	s1 =	sshrl.u32 s1, $0x2  }
0xbc: {  	s3 =	sand.u32 $0x4000, s31;
	s1 =	sadd.s32 s1, s30  }
0xbd: {  	s0 =	sor.u32 s3, s0;
	s1 =	sshll.u32 s1, $0x11  }
0xbe: {  	s0 =	sor.u32 s1, s0  }
0xbf: {  	s0 =	sadd.s32 $0x8F2B, s0  }
0xc0: {  	[sflag:s0] =	ssyncadd.remote.s32 $0x1  }
0xc1: {  	_ =	sfence.sel $0xFFFF  }
0xc2: {  	[dreg:$0x0] =	wrdreg $0xFFFFFFFF;
	(pc) =	sbr.abs _section_cstart, $3  }
0xc3: {  	[dreg:$0x1] =	wrdreg $0xFFFFFFFF  }
0xc4: {  	_ =	task.clear_ibuf [dreg:s8], $0x2FFFF;
	_ =	strace $0x9FFFFFFF  }
0xc5: {  	(tm) =	ssettm $0x7FFFFFFF  }
tec
execute0_lowered:
.L_overlay_start_1:
0x0: {  	(tag) =	ssettag $0x1  }
0x1: {  	s1 =	rddreg [dreg:$0x0];
	s0 =	srdreg.scid  }
0x2: {  	s2 =	rddreg [dreg:$0x1];
	s9 =	stileid.u32  }
0x3: {  	s4 =	rddreg [dreg:$0x3];
	s5 =	simm.s32 $0x0;
	s19 =	simm.s32 $0x800  }
0x4: {  	s28 =	simm.s32 $0x480;
	s29 =	simm.s32 $0x180;
	s6 =	smul.u32 $0x2800, s9  }
0x5: {  	s30 =	simm.s32 $0x500;
	s31 =	simm.s32 $0x200;
	s20 =	smul.u32 $0x4F000, s9  }
0x6: {  	s0 =	sand.u32 $0x1, s0;
	[smem:$0x7FF] =	sst s5;
	s10 =	smul.u32 $0x13C00, s9  }
0x7: {  	s3 =	smul.u32 $0x28000, s0;
	_ =	strace $0x80000047;
	s7 =	ssub.s32 $0x2, s0  }
0x8: {  	s0 =	smul.u32 $0x13C000, s0;
	s8 =	sshrl.u32 s7, $0x1;
	s21 =	sadd.s32 $0x4000, s10  }
0x9: {  	s22 =	sadd.s32 $0x8000, s10;
	s11 =	sadd.s32 $0xC000, s10;
	s13 =	sadd.s32 $0x10000, s10  }
0xa: {  	s3 =	sadd.s32 s6, s3;
	s6 =	sshrl.u32 s20, $0x2;
	s7 =	ssub.s32 s7, s8  }
0xb: {  	s14 =	sadd.s32 s21, s4;
	s15 =	sadd.s32 s22, s4;
	s16 =	sadd.s32 s11, s4  }
0xc: {  	s12 =	sadd.s32 s10, s0;
	s23 =	sadd.s32 s0, s22;
	s24 =	sadd.s32 s0, s11  }
0xd: {  	s20 =	simm.s32 $0x3;
	s22 =	simm.s32 $0x80;
	s11 =	simm.s32 $0x300  }
0xe: {  	s3 =	sshrl.u32 s3, $0x3;
	s9 =	sadd.s32 s6, s4;
	s6 =	sadd.s32 s0, s21  }
0xf: {  	s10 =	smov.u32 s16;
	s12 =	sshrl.u32 s12, $0x3;
	s16 =	sadd.s32 s13, s4  }
0x10: {  	s0 =	sadd.s32 s0, s13;
	s8 =	sshrl.u32 s24, $0x3;
	s26 =	smax.u32 s7, $0x1  }
0x11: {  	s7 =	smov.u32 s14;
	s21 =	simm.s32 $0x400;
	[dreg:$0xf] =	wrdreg s26  }
0x12: {  	s24 =	simm.s32 $0x1;
	s13 =	simm.s32 $0x380;
	[dreg:$0x5] =	wrdreg s9  }
0x13: {  	s14 =	simm.s32 $0x700;
	s3 =	sadd.s32 s3, s2;
	[dreg:$0x6] =	wrdreg s7  }
0x14: {  	s2 =	sadd.s32 $0x16C00, s2;
	s6 =	sshrl.u32 s6, $0x3;
	[dreg:$0x8] =	wrdreg s10  }
0x15: {  	s0 =	sshrl.u32 s0, $0x3;
	s26 =	simm.s32 $0x2;
	[dreg:$0x9] =	wrdreg s16  }
0x16: {  	s12 =	sadd.s32 s2, s12;
	s6 =	sadd.s32 s2, s6;
	s25 =	sadd.s32 s2, s8  }
0x17: {  	s8 =	smov.u32 s15;
	s0 =	sadd.s32 s2, s0;
	[dreg:$0xa] =	wrdreg s12  }
0x18: {  	s17 =	sadd.s32 $0x2C00, s3;
	s18 =	sadd.s32 $0xCC00, s3;
	[dreg:$0xb] =	wrdreg s6  }
0x19: {  	s3 =	simm.s32 $0x600;
	s15 =	simm.s32 $0x780;
	[dreg:$0xd] =	wrdreg s25  }
0x1a: {  	s6 =	sshrl.u32 s23, $0x3;
	[dreg:$0xe] =	wrdreg s0;
	s23 =	simm.s32 $0x4800  }
0x1b: {  	s25 =	simm.s32 $0x100;
	[dreg:$0x7] =	wrdreg s8;
	s6 =	sadd.s32 s2, s6  }
0x1c: {  	s0 =	simm.s32 $0x280;
	[dreg:$0xc] =	wrdreg s6;
	s6 =	simm.s32 $0x0  }
0x1d: {  	s12 =	simm.s32 $0x680;
	s2 =	simm.s32 $0x580;
	[dreg:$0x10] =	wrdreg s6  }
.LBB2_1:
0x1e: {  	s6 =	rddreg [dreg:$0x2]  }
0x1f: {  	[tilespmem:s19], [sflag:$0x3] =	stream.linear.gather [hbm4b:s6+s5], $0x4000, $0x38;
	[tilespmem:$0x1C400] =	vst v63  }
0x20: {  	_ =	swait.ge [sflag:s20], $0x4000  }
0x21: {  	[sflag:s20] =	ssyncset.done $0x0  }
0x22: {  	[sflag:s20] =	ssyncadd.s32 $0xFFFFC000  }
0x23: {  	[spmem:s9] =	stream.linear.scatter [tilespmem:s19], [sflag:$0x3], $0x4000, $0x38;
	[tilespmem:$0x1C400] =	vst v63  }
0x24: {  	_ =	swait.ge [sflag:s20], $0x4000  }
0x25: {  	[sflag:s20] =	ssyncset.done $0x0  }
0x26: {  	[sflag:s20] =	ssyncadd.s32 $0xFFFFC000  }
0x27: {  	[spmem:s7] =	stream.linear.scatter [tilespmem:s19], [sflag:$0x3], $0x4000, $0x38;
	[tilespmem:$0x1C400] =	vst v63  }
0x28: {  	_ =	swait.ge [sflag:s20], $0x4000  }
0x29: {  	[sflag:s20] =	ssyncset.done $0x0  }
0x2a: {  	[sflag:s20] =	ssyncadd.s32 $0xFFFFC000  }
0x2b: {  	[spmem:s8] =	stream.linear.scatter [tilespmem:s19], [sflag:$0x3], $0x4000, $0x38;
	[tilespmem:$0x1C400] =	vst v63  }
0x2c: {  	_ =	swait.ge [sflag:s20], $0x4000  }
0x2d: {  	[sflag:s20] =	ssyncset.done $0x0  }
0x2e: {  	[sflag:s20] =	ssyncadd.s32 $0xFFFFC000  }
0x2f: {  	[spmem:s10] =	stream.linear.scatter [tilespmem:s19], [sflag:$0x3], $0x4000, $0x38;
	[tilespmem:$0x1C400] =	vst v63  }
0x30: {  	_ =	swait.ge [sflag:s20], $0x4000  }
0x31: {  	[sflag:s20] =	ssyncset.done $0x0  }
0x32: {  	[sflag:s20] =	ssyncadd.s32 $0xFFFFC000  }
0x33: {  	[spmem:s16] =	stream.linear.scatter [tilespmem:s19], [sflag:$0x3], $0x3C00, $0x38;
	[tilespmem:$0x1C400] =	vst v63  }
0x34: {  	_ =	swait.ge [sflag:s20], $0x3C00  }
0x35: {  	[sflag:s20] =	ssyncset.done $0x0  }
0x36: {  	[sflag:s20] =	ssyncadd.s32 $0xFFFFC400  }
0x37: {  	s10 =	sadd.s32 $0x0, s18;
	[bflag:$0x0] =	sbarrier.arrive $0xFFFF  }
0x38: {  	[tilespmem:s5], [sflag:$0x3] =	stream.linear.gather [hbm4b:s10+s5], $0x400, $0x38;
	[tilespmem:$0x1C400] =	vst v63  }
0x39: {  	_ =	swait.ge [sflag:s20], $0x400  }
0x3a: {  	[sflag:s20] =	ssyncset.done $0x0  }
0x3b: {  	s16 =	sadd.s32 $0x0, s17;
	[sflag:s20] =	ssyncadd.s32 $0xFFFFFC00  }
0x3c: {  	[tilespmem:s21], [sflag:$0x3] =	stream.linear.gather [hbm4b:s16+s5], $0x400, $0x38;
	[tilespmem:$0x1C400] =	vst v63  }
0x3d: {  	_ =	swait.ge [sflag:s20], $0x400  }
0x3e: {  	[sflag:s20] =	ssyncset.done $0x0  }
0x3f: {  	[sflag:s20] =	ssyncadd.s32 $0xFFFFFC00  }
0x40: {  	[tilespmem:s19], [sflag:$0x1] =	stream.indirect.gather [hbm4b:s1+s22], $0x80, s5, s22, $0xb8;
	[tilespmem:$0x1C400] =	vst v63  }
0x41: {  	_ = 	snop  }
0x42: {  	[tilespmem:s23], [sflag:$0x2] =	stream.indirect.gather [hbm4b:s1+s22], $0x80, s22, s22, $0xb8;
	[tilespmem:$0x1C400] =	vst v63  }
0x43: {  	_ =	swait.ge [sflag:s24], $0x4000  }
0x44: {  	[sflag:s24] =	ssyncset.done $0x0  }
0x45: {  	[sflag:s24] =	ssyncadd.s32 $0xFFFFC000  }
0x46: {  	[spmem:s4] =	stream.indirect.scatter.add.f32 [tilespmem:s19], [sflag:$0x3], $0x80, s21, s22, $0xb8;
	[tilespmem:$0x1C400] =	vst v63  }
0x47: {  	_ =	swait.ge [sflag:s20], $0x4000  }
0x48: {  	[sflag:s20] =	ssyncset.done $0x0  }
0x49: {  	[sflag:s20] =	ssyncadd.s32 $0xFFFFC000  }
0x4a: {  	[tilespmem:s19], [sflag:$0x1] =	stream.indirect.gather [hbm4b:s1+s22], $0x80, s25, s22, $0xb8;
	[tilespmem:$0x1C400] =	vst v63  }
0x4b: {  	_ =	swait.ge [sflag:s26], $0x4000  }
0x4c: {  	[sflag:s26] =	ssyncset.done $0x0  }
0x4d: {  	[sflag:s26] =	ssyncadd.s32 $0xFFFFC000  }
0x4e: {  	[spmem:s4] =	stream.indirect.scatter.add.f32 [tilespmem:s23], [sflag:$0x3], $0x80, s28, s22, $0xb8;
	[tilespmem:$0x1C400] =	vst v63  }
0x4f: {  	_ =	swait.ge [sflag:s20], $0x4000  }
0x50: {  	[sflag:s20] =	ssyncset.done $0x0  }
0x51: {  	[sflag:s20] =	ssyncadd.s32 $0xFFFFC000  }
0x52: {  	[tilespmem:s23], [sflag:$0x2] =	stream.indirect.gather [hbm4b:s1+s22], $0x80, s29, s22, $0xb8;
	[tilespmem:$0x1C400] =	vst v63  }
0x53: {  	_ =	swait.ge [sflag:s24], $0x4000  }
0x54: {  	[sflag:s24] =	ssyncset.done $0x0  }
0x55: {  	[sflag:s24] =	ssyncadd.s32 $0xFFFFC000  }
0x56: {  	[spmem:s4] =	stream.indirect.scatter.add.f32 [tilespmem:s19], [sflag:$0x3], $0x80, s30, s22, $0xb8;
	[tilespmem:$0x1C400] =	vst v63  }
0x57: {  	_ =	swait.ge [sflag:s20], $0x4000  }
0x58: {  	[sflag:s20] =	ssyncset.done $0x0  }
0x59: {  	[sflag:s20] =	ssyncadd.s32 $0xFFFFC000  }
0x5a: {  	[tilespmem:s19], [sflag:$0x1] =	stream.indirect.gather [hbm4b:s1+s22], $0x80, s31, s22, $0xb8;
	[tilespmem:$0x1C400] =	vst v63  }
0x5b: {  	_ =	swait.ge [sflag:s26], $0x4000  }
0x5c: {  	[sflag:s26] =	ssyncset.done $0x0  }
0x5d: {  	[sflag:s26] =	ssyncadd.s32 $0xFFFFC000  }
0x5e: {  	[spmem:s4] =	stream.indirect.scatter.add.f32 [tilespmem:s23], [sflag:$0x3], $0x80, s2, s22, $0xb8;
	[tilespmem:$0x1C400] =	vst v63  }
0x5f: {  	_ =	swait.ge [sflag:s20], $0x4000  }
0x60: {  	[sflag:s20] =	ssyncset.done $0x0  }
0x61: {  	[sflag:s20] =	ssyncadd.s32 $0xFFFFC000  }
0x62: {  	[tilespmem:s23], [sflag:$0x2] =	stream.indirect.gather [hbm4b:s1+s22], $0x80, s0, s22, $0xb8;
	[tilespmem:$0x1C400] =	vst v63  }
0x63: {  	_ =	swait.ge [sflag:s24], $0x4000  }
0x64: {  	[sflag:s24] =	ssyncset.done $0x0  }
0x65: {  	[sflag:s24] =	ssyncadd.s32 $0xFFFFC000  }
0x66: {  	[spmem:s4] =	stream.indirect.scatter.add.f32 [tilespmem:s19], [sflag:$0x3], $0x80, s3, s22, $0xb8;
	[tilespmem:$0x1C400] =	vst v63  }
0x67: {  	_ =	swait.ge [sflag:s20], $0x4000  }
0x68: {  	[sflag:s20] =	ssyncset.done $0x0  }
0x69: {  	[sflag:s20] =	ssyncadd.s32 $0xFFFFC000  }
0x6a: {  	[tilespmem:s19], [sflag:$0x1] =	stream.indirect.gather [hbm4b:s1+s22], $0x80, s11, s22, $0xb8;
	[tilespmem:$0x1C400] =	vst v63  }
0x6b: {  	_ =	swait.ge [sflag:s26], $0x4000  }
0x6c: {  	[sflag:s26] =	ssyncset.done $0x0  }
0x6d: {  	[sflag:s26] =	ssyncadd.s32 $0xFFFFC000  }
0x6e: {  	[spmem:s4] =	stream.indirect.scatter.add.f32 [tilespmem:s23], [sflag:$0x3], $0x80, s12, s22, $0xb8;
	[tilespmem:$0x1C400] =	vst v63  }
0x6f: {  	_ =	swait.ge [sflag:s20], $0x4000  }
0x70: {  	[sflag:s20] =	ssyncset.done $0x0  }
0x71: {  	[sflag:s20] =	ssyncadd.s32 $0xFFFFC000  }
0x72: {  	[tilespmem:s23], [sflag:$0x2] =	stream.indirect.gather [hbm4b:s1+s22], $0x80, s13, s22, $0xb8;
	[tilespmem:$0x1C400] =	vst v63  }
0x73: {  	_ =	swait.ge [sflag:s24], $0x4000  }
0x74: {  	[sflag:s24] =	ssyncset.done $0x0  }
0x75: {  	[sflag:s24] =	ssyncadd.s32 $0xFFFFC000  }
0x76: {  	[spmem:s4] =	stream.indirect.scatter.add.f32 [tilespmem:s19], [sflag:$0x3], $0x80, s14, s22, $0xb8;
	[tilespmem:$0x1C400] =	vst v63  }
0x77: {  	_ =	swait.ge [sflag:s20], $0x4000  }
0x78: {  	[sflag:s20] =	ssyncset.done $0x0  }
0x79: {  	[sflag:s20] =	ssyncadd.s32 $0xFFFFC000  }
0x7a: {  	_ =	swait.ge [sflag:s26], $0x4000  }
0x7b: {  	[sflag:s26] =	ssyncset.done $0x0  }
0x7c: {  	[sflag:s26] =	ssyncadd.s32 $0xFFFFC000  }
0x7d: {  	[spmem:s4] =	stream.indirect.scatter.add.f32 [tilespmem:s23], [sflag:$0x3], $0x80, s15, s22, $0xb8;
	[tilespmem:$0x1C400] =	vst v63  }
0x7e: {  	_ =	swait.ge [sflag:s20], $0x4000  }
0x7f: {  	s6 =	simm.s32 $0x80;
	s7 =	simm.s32 $0x100;
	[sflag:s20] =	ssyncset.done $0x0  }
.LBB2_2:
0x80: {  	s9 =	sadd.s32 s6, s18  }
0x81: {  	[sflag:s20] =	ssyncadd.s32 $0xFFFFC000;
	s10 =	smov.u32 s7;
	s8 =	sadd.s32 $0x80, s7  }
0x82: {  	[tilespmem:s5], [sflag:$0x3] =	stream.linear.gather [hbm4b:s9+s5], $0x400, $0x38;
	[tilespmem:$0x1C400] =	vst v63  }
0x83: {  	p0 =	sne.s32 s7, $0x480;
	_ =	swait.ge [sflag:s20], $0x400  }
0x84: {  	[sflag:s20] =	ssyncset.done $0x0  }
0x85: {  	s7 =	sadd.s32 s6, s17;
	s6 =	smov.u32 s10;
	[sflag:s20] =	ssyncadd.s32 $0xFFFFFC00  }
0x86: {  	[tilespmem:s21], [sflag:$0x3] =	stream.linear.gather [hbm4b:s7+s5], $0x400, $0x38;
	[tilespmem:$0x1C400] =	vst v63  }
0x87: {  	_ =	swait.ge [sflag:s20], $0x400  }
0x88: {  	[sflag:s20] =	ssyncset.done $0x0  }
0x89: {  	[sflag:s20] =	ssyncadd.s32 $0xFFFFFC00  }
0x8a: {  	[tilespmem:s19], [sflag:$0x1] =	stream.indirect.gather [hbm4b:s1+s22], $0x80, s5, s22, $0xb8;
	[tilespmem:$0x1C400] =	vst v63  }
0x8b: {  	_ = 	snop  }
0x8c: {  	[tilespmem:s23], [sflag:$0x2] =	stream.indirect.gather [hbm4b:s1+s22], $0x80, s22, s22, $0xb8;
	[tilespmem:$0x1C400] =	vst v63  }
0x8d: {  	_ =	swait.ge [sflag:s24], $0x4000  }
0x8e: {  	[sflag:s24] =	ssyncset.done $0x0  }
0x8f: {  	[sflag:s24] =	ssyncadd.s32 $0xFFFFC000  }
0x90: {  	[spmem:s4] =	stream.indirect.scatter.add.f32 [tilespmem:s19], [sflag:$0x3], $0x80, s21, s22, $0xb8;
	[tilespmem:$0x1C400] =	vst v63  }
0x91: {  	_ =	swait.ge [sflag:s20], $0x4000  }
0x92: {  	[sflag:s20] =	ssyncset.done $0x0  }
0x93: {  	[sflag:s20] =	ssyncadd.s32 $0xFFFFC000  }
0x94: {  	[tilespmem:s19], [sflag:$0x1] =	stream.indirect.gather [hbm4b:s1+s22], $0x80, s25, s22, $0xb8;
	[tilespmem:$0x1C400] =	vst v63  }
0x95: {  	_ =	swait.ge [sflag:s26], $0x4000  }
0x96: {  	[sflag:s26] =	ssyncset.done $0x0  }
0x97: {  	[sflag:s26] =	ssyncadd.s32 $0xFFFFC000  }
0x98: {  	[spmem:s4] =	stream.indirect.scatter.add.f32 [tilespmem:s23], [sflag:$0x3], $0x80, s28, s22, $0xb8;
	[tilespmem:$0x1C400] =	vst v63  }
0x99: {  	_ =	swait.ge [sflag:s20], $0x4000  }
0x9a: {  	[sflag:s20] =	ssyncset.done $0x0  }
0x9b: {  	[sflag:s20] =	ssyncadd.s32 $0xFFFFC000  }
0x9c: {  	[tilespmem:s23], [sflag:$0x2] =	stream.indirect.gather [hbm4b:s1+s22], $0x80, s29, s22, $0xb8;
	[tilespmem:$0x1C400] =	vst v63  }
0x9d: {  	_ =	swait.ge [sflag:s24], $0x4000  }
0x9e: {  	[sflag:s24] =	ssyncset.done $0x0  }
0x9f: {  	[sflag:s24] =	ssyncadd.s32 $0xFFFFC000  }
0xa0: {  	[spmem:s4] =	stream.indirect.scatter.add.f32 [tilespmem:s19], [sflag:$0x3], $0x80, s30, s22, $0xb8;
	[tilespmem:$0x1C400] =	vst v63  }
0xa1: {  	_ =	swait.ge [sflag:s20], $0x4000  }
0xa2: {  	[sflag:s20] =	ssyncset.done $0x0  }
0xa3: {  	[sflag:s20] =	ssyncadd.s32 $0xFFFFC000  }
0xa4: {  	[tilespmem:s19], [sflag:$0x1] =	stream.indirect.gather [hbm4b:s1+s22], $0x80, s31, s22, $0xb8;
	[tilespmem:$0x1C400] =	vst v63  }
0xa5: {  	_ =	swait.ge [sflag:s26], $0x4000  }
0xa6: {  	[sflag:s26] =	ssyncset.done $0x0  }
0xa7: {  	[sflag:s26] =	ssyncadd.s32 $0xFFFFC000  }
0xa8: {  	[spmem:s4] =	stream.indirect.scatter.add.f32 [tilespmem:s23], [sflag:$0x3], $0x80, s2, s22, $0xb8;
	[tilespmem:$0x1C400] =	vst v63  }
0xa9: {  	_ =	swait.ge [sflag:s20], $0x4000  }
0xaa: {  	[sflag:s20] =	ssyncset.done $0x0  }
0xab: {  	[sflag:s20] =	ssyncadd.s32 $0xFFFFC000  }
0xac: {  	[tilespmem:s23], [sflag:$0x2] =	stream.indirect.gather [hbm4b:s1+s22], $0x80, s0, s22, $0xb8;
	[tilespmem:$0x1C400] =	vst v63  }
0xad: {  	_ =	swait.ge [sflag:s24], $0x4000  }
0xae: {  	[sflag:s24] =	ssyncset.done $0x0  }
0xaf: {  	[sflag:s24] =	ssyncadd.s32 $0xFFFFC000  }
0xb0: {  	[spmem:s4] =	stream.indirect.scatter.add.f32 [tilespmem:s19], [sflag:$0x3], $0x80, s3, s22, $0xb8;
	[tilespmem:$0x1C400] =	vst v63  }
0xb1: {  	_ =	swait.ge [sflag:s20], $0x4000  }
0xb2: {  	[sflag:s20] =	ssyncset.done $0x0  }
0xb3: {  	[sflag:s20] =	ssyncadd.s32 $0xFFFFC000  }
0xb4: {  	[tilespmem:s19], [sflag:$0x1] =	stream.indirect.gather [hbm4b:s1+s22], $0x80, s11, s22, $0xb8;
	[tilespmem:$0x1C400] =	vst v63  }
0xb5: {  	_ =	swait.ge [sflag:s26], $0x4000  }
0xb6: {  	[sflag:s26] =	ssyncset.done $0x0  }
0xb7: {  	[sflag:s26] =	ssyncadd.s32 $0xFFFFC000  }
0xb8: {  	[spmem:s4] =	stream.indirect.scatter.add.f32 [tilespmem:s23], [sflag:$0x3], $0x80, s12, s22, $0xb8;
	[tilespmem:$0x1C400] =	vst v63  }
0xb9: {  	_ =	swait.ge [sflag:s20], $0x4000  }
0xba: {  	[sflag:s20] =	ssyncset.done $0x0  }
0xbb: {  	[sflag:s20] =	ssyncadd.s32 $0xFFFFC000  }
0xbc: {  	[tilespmem:s23], [sflag:$0x2] =	stream.indirect.gather [hbm4b:s1+s22], $0x80, s13, s22, $0xb8;
	[tilespmem:$0x1C400] =	vst v63  }
0xbd: {  	_ =	swait.ge [sflag:s24], $0x4000  }
0xbe: {  	[sflag:s24] =	ssyncset.done $0x0  }
0xbf: {  	[sflag:s24] =	ssyncadd.s32 $0xFFFFC000  }
0xc0: {  	[spmem:s4] =	stream.indirect.scatter.add.f32 [tilespmem:s19], [sflag:$0x3], $0x80, s14, s22, $0xb8;
	[tilespmem:$0x1C400] =	vst v63  }
0xc1: {  	_ =	swait.ge [sflag:s20], $0x4000  }
0xc2: {  	[sflag:s20] =	ssyncset.done $0x0  }
0xc3: {  	[sflag:s20] =	ssyncadd.s32 $0xFFFFC000  }
0xc4: {  	_ =	swait.ge [sflag:s26], $0x4000  }
.Ltmp0:
0xc5: {  	[sflag:s26] =	ssyncset.done $0x0;
	(pc) =	sbr.rel @p0 .LBB2_2-.Ltmp0, $4  }
0xc6: {  	[sflag:s26] =	ssyncadd.s32 $0xFFFFC000  }
0xc7: {  	[spmem:s4] =	stream.indirect.scatter.add.f32 [tilespmem:s23], [sflag:$0x3], $0x80, s15, s22, $0xb8;
	[tilespmem:$0x1C400] =	vst v63  }
0xc8: {  	_ =	swait.ge [sflag:s20], $0x4000  }
0xc9: {  	s7 =	smov.u32 s8;
	[sflag:s20] =	ssyncset.done $0x0  }
0xca: {  	s7 =	sadd.s32 s6, s18;
	[sflag:s20] =	ssyncadd.s32 $0xFFFFC000  }
0xcb: {  	[tilespmem:s5], [sflag:$0x3] =	stream.linear.gather [hbm4b:s7+s5], $0x400, $0x38;
	[tilespmem:$0x1C400] =	vst v63  }
0xcc: {  	_ =	swait.ge [sflag:s20], $0x400  }
0xcd: {  	[sflag:s20] =	ssyncset.done $0x0  }
0xce: {  	s16 =	sadd.s32 s6, s17;
	[sflag:s20] =	ssyncadd.s32 $0xFFFFFC00  }
0xcf: {  	[tilespmem:s21], [sflag:$0x3] =	stream.linear.gather [hbm4b:s16+s5], $0x400, $0x38;
	[tilespmem:$0x1C400] =	vst v63  }
0xd0: {  	_ =	swait.ge [sflag:s20], $0x400  }
0xd1: {  	[sflag:s20] =	ssyncset.done $0x0  }
0xd2: {  	[sflag:s20] =	ssyncadd.s32 $0xFFFFFC00  }
0xd3: {  	[tilespmem:s19], [sflag:$0x1] =	stream.indirect.gather [hbm4b:s1+s22], $0x80, s5, s22, $0xb8;
	[tilespmem:$0x1C400] =	vst v63  }
0xd4: {  	_ = 	snop  }
0xd5: {  	[tilespmem:s23], [sflag:$0x2] =	stream.indirect.gather [hbm4b:s1+s22], $0x80, s22, s22, $0xb8;
	[tilespmem:$0x1C400] =	vst v63  }
0xd6: {  	_ =	swait.ge [sflag:s24], $0x4000  }
0xd7: {  	[sflag:s24] =	ssyncset.done $0x0  }
0xd8: {  	[sflag:s24] =	ssyncadd.s32 $0xFFFFC000  }
0xd9: {  	[spmem:s4] =	stream.indirect.scatter.add.f32 [tilespmem:s19], [sflag:$0x3], $0x80, s21, s22, $0xb8;
	[tilespmem:$0x1C400] =	vst v63  }
0xda: {  	_ =	swait.ge [sflag:s20], $0x4000  }
0xdb: {  	[sflag:s20] =	ssyncset.done $0x0  }
0xdc: {  	[sflag:s20] =	ssyncadd.s32 $0xFFFFC000  }
0xdd: {  	[tilespmem:s19], [sflag:$0x1] =	stream.indirect.gather [hbm4b:s1+s22], $0x80, s25, s22, $0xb8;
	[tilespmem:$0x1C400] =	vst v63  }
0xde: {  	_ =	swait.ge [sflag:s26], $0x4000  }
0xdf: {  	[sflag:s26] =	ssyncset.done $0x0  }
0xe0: {  	[sflag:s26] =	ssyncadd.s32 $0xFFFFC000  }
0xe1: {  	[spmem:s4] =	stream.indirect.scatter.add.f32 [tilespmem:s23], [sflag:$0x3], $0x80, s28, s22, $0xb8;
	[tilespmem:$0x1C400] =	vst v63  }
0xe2: {  	_ =	swait.ge [sflag:s20], $0x4000  }
0xe3: {  	[sflag:s20] =	ssyncset.done $0x0  }
0xe4: {  	[sflag:s20] =	ssyncadd.s32 $0xFFFFC000  }
0xe5: {  	[tilespmem:s23], [sflag:$0x2] =	stream.indirect.gather [hbm4b:s1+s22], $0x80, s29, s22, $0xb8;
	[tilespmem:$0x1C400] =	vst v63  }
0xe6: {  	_ =	swait.ge [sflag:s24], $0x4000  }
0xe7: {  	[sflag:s24] =	ssyncset.done $0x0  }
0xe8: {  	[sflag:s24] =	ssyncadd.s32 $0xFFFFC000  }
0xe9: {  	[spmem:s4] =	stream.indirect.scatter.add.f32 [tilespmem:s19], [sflag:$0x3], $0x80, s30, s22, $0xb8;
	[tilespmem:$0x1C400] =	vst v63  }
0xea: {  	_ =	swait.ge [sflag:s20], $0x4000  }
0xeb: {  	[sflag:s20] =	ssyncset.done $0x0  }
0xec: {  	[sflag:s20] =	ssyncadd.s32 $0xFFFFC000  }
0xed: {  	[tilespmem:s19], [sflag:$0x1] =	stream.indirect.gather [hbm4b:s1+s22], $0x80, s31, s22, $0xb8;
	[tilespmem:$0x1C400] =	vst v63  }
0xee: {  	_ =	swait.ge [sflag:s26], $0x4000  }
0xef: {  	[sflag:s26] =	ssyncset.done $0x0  }
0xf0: {  	[sflag:s26] =	ssyncadd.s32 $0xFFFFC000  }
0xf1: {  	[spmem:s4] =	stream.indirect.scatter.add.f32 [tilespmem:s23], [sflag:$0x3], $0x80, s2, s22, $0xb8;
	[tilespmem:$0x1C400] =	vst v63  }
0xf2: {  	_ =	swait.ge [sflag:s20], $0x4000  }
0xf3: {  	[sflag:s20] =	ssyncset.done $0x0  }
0xf4: {  	[sflag:s20] =	ssyncadd.s32 $0xFFFFC000  }
0xf5: {  	[tilespmem:s23], [sflag:$0x2] =	stream.indirect.gather [hbm4b:s1+s22], $0x80, s0, s22, $0xb8;
	[tilespmem:$0x1C400] =	vst v63  }
0xf6: {  	_ =	swait.ge [sflag:s24], $0x4000  }
0xf7: {  	[sflag:s24] =	ssyncset.done $0x0  }
0xf8: {  	[sflag:s24] =	ssyncadd.s32 $0xFFFFC000  }
0xf9: {  	[spmem:s4] =	stream.indirect.scatter.add.f32 [tilespmem:s19], [sflag:$0x3], $0x80, s3, s22, $0xb8;
	[tilespmem:$0x1C400] =	vst v63  }
0xfa: {  	_ =	swait.ge [sflag:s20], $0x4000  }
0xfb: {  	[sflag:s20] =	ssyncset.done $0x0  }
0xfc: {  	[sflag:s20] =	ssyncadd.s32 $0xFFFFC000  }
0xfd: {  	[tilespmem:s19], [sflag:$0x1] =	stream.indirect.gather [hbm4b:s1+s22], $0x80, s11, s22, $0xb8;
	[tilespmem:$0x1C400] =	vst v63  }
0xfe: {  	_ =	swait.ge [sflag:s26], $0x4000  }
0xff: {  	[sflag:s26] =	ssyncset.done $0x0  }
0x100: {  	[sflag:s26] =	ssyncadd.s32 $0xFFFFC000  }
0x101: {  	[spmem:s4] =	stream.indirect.scatter.add.f32 [tilespmem:s23], [sflag:$0x3], $0x80, s12, s22, $0xb8;
	[tilespmem:$0x1C400] =	vst v63  }
0x102: {  	_ =	swait.ge [sflag:s20], $0x4000  }
0x103: {  	[sflag:s20] =	ssyncset.done $0x0  }
0x104: {  	[sflag:s20] =	ssyncadd.s32 $0xFFFFC000  }
0x105: {  	[tilespmem:s23], [sflag:$0x2] =	stream.indirect.gather [hbm4b:s1+s22], $0x80, s13, s22, $0xb8;
	[tilespmem:$0x1C400] =	vst v63  }
0x106: {  	_ =	swait.ge [sflag:s24], $0x4000  }
0x107: {  	[sflag:s24] =	ssyncset.done $0x0  }
0x108: {  	[sflag:s24] =	ssyncadd.s32 $0xFFFFC000  }
0x109: {  	[spmem:s4] =	stream.indirect.scatter.add.f32 [tilespmem:s19], [sflag:$0x3], $0x80, s14, s22, $0xb8;
	[tilespmem:$0x1C400] =	vst v63  }
0x10a: {  	_ =	swait.ge [sflag:s20], $0x4000  }
0x10b: {  	[sflag:s20] =	ssyncset.done $0x0  }
0x10c: {  	[sflag:s20] =	ssyncadd.s32 $0xFFFFC000  }
0x10d: {  	_ =	swait.ge [sflag:s26], $0x4000  }
0x10e: {  	[sflag:s26] =	ssyncset.done $0x0  }
0x10f: {  	[sflag:s26] =	ssyncadd.s32 $0xFFFFC000  }
0x110: {  	[spmem:s4] =	stream.indirect.scatter.add.f32 [tilespmem:s23], [sflag:$0x3], $0x80, s15, s22, $0xb8;
	[tilespmem:$0x1C400] =	vst v63  }
0x111: {  	_ =	swait.ge [sflag:s20], $0x4000  }
0x112: {  	[sflag:s20] =	ssyncset.done $0x0  }
0x113: {  	[sflag:s20] =	ssyncadd.s32 $0xFFFFC000  }
0x114: {  	[bflag:$0x0] =	sbarrier.arrive $0xFFFF  }
0x115: {  	s7 =	rddreg [dreg:$0x5]  }
0x116: {  	[tilespmem:s19], [sflag:$0x3] =	stream.linear.gather [spmem:s7], $0x4000, $0x38;
	[tilespmem:$0x1C400] =	vst v63  }
0x117: {  	_ =	swait.ge [sflag:s20], $0x4000  }
0x118: {  	[sflag:s20] =	ssyncset.done $0x0  }
0x119: {  	s8 =	rddreg [dreg:$0xa];
	[sflag:s20] =	ssyncadd.s32 $0xFFFFC000  }
0x11a: {  	[hbm4b:s8+s5] =	stream.linear.scatter [tilespmem:s19], [sflag:$0x3], $0x4000, $0x38;
	[tilespmem:$0x1C400] =	vst v63  }
0x11b: {  	_ =	swait.ge [sflag:s20], $0x4000  }
0x11c: {  	[sflag:s20] =	ssyncset.done $0x0  }
0x11d: {  	s7 =	rddreg [dreg:$0x6];
	[sflag:s20] =	ssyncadd.s32 $0xFFFFC000  }
0x11e: {  	[tilespmem:s19], [sflag:$0x3] =	stream.linear.gather [spmem:s7], $0x4000, $0x38;
	[tilespmem:$0x1C400] =	vst v63  }
0x11f: {  	_ =	swait.ge [sflag:s20], $0x4000  }
0x120: {  	[sflag:s20] =	ssyncset.done $0x0  }
0x121: {  	s9 =	rddreg [dreg:$0xb];
	[sflag:s20] =	ssyncadd.s32 $0xFFFFC000  }
0x122: {  	[hbm4b:s9+s5] =	stream.linear.scatter [tilespmem:s19], [sflag:$0x3], $0x4000, $0x38;
	[tilespmem:$0x1C400] =	vst v63  }
0x123: {  	_ =	swait.ge [sflag:s20], $0x4000  }
0x124: {  	[sflag:s20] =	ssyncset.done $0x0  }
0x125: {  	s8 =	rddreg [dreg:$0x7];
	[sflag:s20] =	ssyncadd.s32 $0xFFFFC000  }
0x126: {  	[tilespmem:s19], [sflag:$0x3] =	stream.linear.gather [spmem:s8], $0x4000, $0x38;
	[tilespmem:$0x1C400] =	vst v63  }
0x127: {  	_ =	swait.ge [sflag:s20], $0x4000  }
0x128: {  	[sflag:s20] =	ssyncset.done $0x0  }
0x129: {  	s10 =	rddreg [dreg:$0xc];
	[sflag:s20] =	ssyncadd.s32 $0xFFFFC000  }
0x12a: {  	[hbm4b:s10+s5] =	stream.linear.scatter [tilespmem:s19], [sflag:$0x3], $0x4000, $0x38;
	[tilespmem:$0x1C400] =	vst v63  }
0x12b: {  	_ =	swait.ge [sflag:s20], $0x4000  }
0x12c: {  	[sflag:s20] =	ssyncset.done $0x0  }
0x12d: {  	s10 =	rddreg [dreg:$0x8];
	[sflag:s20] =	ssyncadd.s32 $0xFFFFC000  }
0x12e: {  	[tilespmem:s19], [sflag:$0x3] =	stream.linear.gather [spmem:s10], $0x4000, $0x38;
	[tilespmem:$0x1C400] =	vst v63  }
0x12f: {  	_ =	swait.ge [sflag:s20], $0x4000  }
0x130: {  	[sflag:s20] =	ssyncset.done $0x0  }
0x131: {  	s16 =	rddreg [dreg:$0xd];
	[sflag:s20] =	ssyncadd.s32 $0xFFFFC000  }
0x132: {  	[hbm4b:s16+s5] =	stream.linear.scatter [tilespmem:s19], [sflag:$0x3], $0x4000, $0x38;
	[tilespmem:$0x1C400] =	vst v63  }
0x133: {  	_ =	swait.ge [sflag:s20], $0x4000  }
0x134: {  	[sflag:s20] =	ssyncset.done $0x0  }
0x135: {  	s16 =	rddreg [dreg:$0x9];
	[sflag:s20] =	ssyncadd.s32 $0xFFFFC000  }
0x136: {  	[tilespmem:s19], [sflag:$0x3] =	stream.linear.gather [spmem:s16], $0x3C00, $0x38;
	[tilespmem:$0x1C400] =	vst v63  }
0x137: {  	_ =	swait.ge [sflag:s20], $0x3C00  }
0x138: {  	[sflag:s20] =	ssyncset.done $0x0  }
0x139: {  	s9 =	rddreg [dreg:$0xe];
	[sflag:s20] =	ssyncadd.s32 $0xFFFFC400  }
0x13a: {  	[hbm4b:s9+s5] =	stream.linear.scatter [tilespmem:s19], [sflag:$0x3], $0x3C00, $0x38;
	[tilespmem:$0x1C400] =	vst v63  }
0x13b: {  	_ =	swait.ge [sflag:s20], $0x3C00  }
0x13c: {  	s9 =	rddreg [dreg:$0x10]  }
0x13d: {  	s6 =	rddreg [dreg:$0xf];
	s9 =	sadd.s32 $0x1, s9  }
0x13e: {  	p0 =	sne.s32 s9, s6  }
.Ltmp1:
0x13f: {  	_ = 	snop;
	(pc) =	sbr.rel @p0 .LBB2_1-.Ltmp1, $3  }
0x140: {  	_ =	sdelay $0x1  }
0x141: {  	[sflag:s20] =	ssyncset.done $0x0;
	[dreg:$0x10] =	wrdreg s9  }
0x142: {  	[sflag:s20] =	ssyncadd.s32 $0xFFFFC400;
	s9 =	rddreg [dreg:$0x5]  }
0x143: {  	_ =	sfence.sel $0x180000  }
0x144: {  	[bflag:$0x0] =	sbarrier.arrive $0xFFFF  }
0x145: {  	_ =	strace $0x90000047  }
0x146: {  	s0 =	stileid.u32;
	[bflag:$0x2] =	sbarrier.arrive $0xFFFF  }
0x147: {  	p0 =	sne.s32 s0, $0x0;
	s0 =	rddreg [dreg:$0x4]  }
0x148: {  	s0 =	sadd.s32 @!p0 $0x100000, s0  }
0x149: {  	[sflag:s0] =	ssyncadd.tile.s32 @!p0 $0x1;
	_ =	shalt  }
.Lfunc_end2:
_tile_overlayer_lowered:
.L_overlay_start_2:
0x14a: {  	(tag) =	ssettag $0x2  }
0x14b: {  	s0 =	rddreg [dreg:$0x0];
	s2 =	stileid.u32  }
0x14c: {  	s1 =	rddreg [dreg:$0x1];
	p0 =	sne.s32 s2, $0x0  }
0x14d: {  	s3 =	rddreg [dreg:$0x2];
	[bflag:$0x3] =	sbarrier.arrive $0xFFFF;
	s2 =	simm.s32 @!p0 $0x1C03  }
0x14e: {  	[timem:s3], [sflag:s2] =	dma.local @!p0 [hbm:s0], s1  }
0x14f: {  	s0 =	simm.s32 @!p0 $0x3  }
0x150: {  	_ =	swait.ge @!p0 [sflag:s0], s1  }
0x151: {  	s1 =	ssub.s32 @!p0 $0x0, s1;
	[sflag:s0] =	ssyncset.done @!p0 $0x0  }
0x152: {  	[sflag:s0] =	ssyncadd.s32 @!p0 s1  }
0x153: {  	[bflag:$0x3] =	sbarrier.arrive $0xFFFF  }
0x154: {  	_ =	shalt  }

</sc_bundles>
